<compile_context>
chip_gen: v7x
topology: tpu7x:2x2x1
jax: 0.10.2.dev20260603
libtpu: 0.0.44.dev20260713+nightly
codegen_flags: <defaults>
</compile_context>

<pallas_src>
import functools

import jax
import jax.numpy as jnp
from jax import lax
from jax.experimental import pallas as pl
from jax.experimental.pallas import tpu as pltpu
from jax.experimental.pallas import tpu_sc as plsc

_VOCAB = 1000000
_EMSIZE = 64
_PADE = 128
_B = 4096
_L = 50

_NC = 2
_NS = 16
_NW = _NC * _NS
_RPW = _B // _NW
_NBUF = 4
_NT = 2

_mesh = plsc.VectorSubcoreMesh(core_axis_name="c", subcore_axis_name="s")

_TBS = 4096
_TGRID = -(-_VOCAB // _TBS)


def _tpose_body(t_ref, o_ref):
    eye = jnp.eye(_EMSIZE, dtype=jnp.float32)
    t = jax.lax.dot_general(
        t_ref[...], eye, (((0,), (0,)), ((), ())),
        preferred_element_type=jnp.float32)
    o_ref[...] = jnp.concatenate(
        [t, jnp.zeros((_TBS, _PADE - _EMSIZE), jnp.float32)], axis=1)


_transpose_pad = pl.pallas_call(
    _tpose_body,
    grid=(_TGRID,),
    in_specs=[pl.BlockSpec((_EMSIZE, _TBS), lambda k: (0, k))],
    out_specs=pl.BlockSpec((_TBS, _PADE), lambda k: (k, 0)),
    out_shape=jax.ShapeDtypeStruct((_VOCAB, _PADE), jnp.float32),
)


@functools.partial(
    pl.kernel,
    mesh=_mesh,
    compiler_params=pltpu.CompilerParams(
        use_tc_tiling_on_sc=False, needs_layout_passes=False),
    out_type=jax.ShapeDtypeStruct((_L, _EMSIZE, _B), jnp.float32),
    scratch_types=(
        [pltpu.VMEM((_L, _RPW), jnp.int32)]
        + [pltpu.VMEM((_RPW, _PADE), jnp.float32)] * _NBUF
        + [pltpu.VMEM((_EMSIZE, _RPW + 1), jnp.float32)] * _NT
        + [pltpu.SemaphoreType.DMA] * (_NBUF + _NT)
    ),
)
def _embed_sc(idx_hbm, table_hbm, out_hbm, idx_v, *rest):
    bufs = rest[:_NBUF]
    bufTs = rest[_NBUF:_NBUF + _NT]
    gs = rest[_NBUF + _NT:2 * _NBUF + _NT]
    ws = rest[2 * _NBUF + _NT:]
    wid = lax.axis_index("s") * _NC + lax.axis_index("c")
    base = wid * _RPW
    pltpu.sync_copy(idx_hbm.at[:, pl.ds(base, _RPW)], idx_v)

    def start_gather(b, j):
        pltpu.async_copy(table_hbm.at[idx_v.at[j]], bufs[b], gs[b])

    def wait_gather(b, j):
        pltpu.make_async_copy(
            table_hbm.at[idx_v.at[j]], bufs[b], gs[b]).wait()

    def start_wb(t, j):
        pltpu.async_copy(
            bufTs[t].at[:, pl.ds(0, _RPW)],
            out_hbm.at[j, :, pl.ds(base, _RPW)], ws[t])

    def wait_wb(t, j):
        pltpu.make_async_copy(
            bufTs[t].at[:, pl.ds(0, _RPW)],
            out_hbm.at[j, :, pl.ds(base, _RPW)], ws[t]).wait()

    riotas = [lax.iota(jnp.int32, 16) + 16 * q for q in range(_EMSIZE // 16)]

    def transpose(b, t):
        def rbody(ri, carry):
            for rr in range(4):
                r = ri * 4 + rr
                col = jnp.full((16,), r, jnp.int32)
                vs = [bufs[b][r, pl.ds(16 * q, 16)]
                      for q in range(_EMSIZE // 16)]
                for q in range(_EMSIZE // 16):
                    plsc.store_scatter(bufTs[t], [riotas[q], col], vs[q])
            return carry
        lax.fori_loop(0, _RPW // 4, rbody, 0)

    def do_chunk(b, j, wait_prev):
        t = b % _NT
        wait_gather(b, j)
        if wait_prev:
            wait_wb(t, j - _NT)
        transpose(b, t)
        start_wb(t, j)

    for b in range(_NBUF):
        start_gather(b, b)
    for b in range(_NBUF):
        do_chunk(b, b, wait_prev=(b >= _NT))
        start_gather(b, b + _NBUF)

    def round_body(g, carry):
        for b in range(_NBUF):
            j = g * _NBUF + b
            do_chunk(b, j, True)
            start_gather(b, j + _NBUF)
        return carry

    lax.fori_loop(1, 11, round_body, 0)

    for b in range(_NBUF):
        do_chunk(b, 44 + b, True)
        if b < _L - 48:
            start_gather(b, 48 + b)
    for b in range(_L - 48):
        do_chunk(b, 48 + b, True)
    for b in range(_L - 48):
        wait_wb(b % _NT, 48 + b)


def kernel(input_variable, embedding_weight):
    idx = input_variable
    if idx.dtype != jnp.int32:
        idx = idx.astype(jnp.int32)
    table128 = _transpose_pad(embedding_weight.T)
    out3d = _embed_sc(idx.T, table128)
    return jnp.transpose(out3d, (2, 0, 1))

# --- scband reference (transcript-rebuilt; emitter-appended) ---
"""Pipeline reference for scband-embedding-layer-74603581931675 (READ-ONLY COPY).

The authoritative reference and input builder live on the scoring server;
editing this copy changes nothing except your own understanding.
"""

import jax, jax.numpy as jnp
import numpy as np

VOCAB = 1000000
EMSIZE = 64
B = 4096
L = 50

def setup_inputs(seed: int = 0) -> dict:
    key = jax.random.key(seed)
    k1, k2 = jax.random.split(key)
    input_variable = jax.random.randint(k1, (B, L), 0, VOCAB, dtype=jnp.int64)
    # nn.Embedding default init: N(0, 1)
    embedding_weight = jax.random.normal(k2, (VOCAB, EMSIZE), dtype=jnp.float32)
    return {"input_variable": input_variable, "embedding_weight": embedding_weight}

def reference(input_variable, embedding_weight):
    # embedded = self.embedding(input_variable)
    embedded = jnp.take(embedding_weight, input_variable, axis=0)
    # embedded = self.drop(embedded) -- dropout is identity at inference
    return embedded

if __name__ == "__main__":
    import jax
    _d = setup_inputs()
    print(jax.jit(kernel)(*tuple(_d.values())))

</pallas_src>

<mosaic_0001>
#map = affine_map<(d0, d1) -> (0, 0)>
#map1 = affine_map<(d0, d1) -> (0, 0, 0)>
module attributes {stable_mosaic.version = 14 : i64} {
  func.func @_embed_sc(%arg0: i32, %arg1: i32, %arg2: memref<50x4096xi32, #tpu.memory_space<hbm>>, %arg3: memref<1000000x128xf32, #tpu.memory_space<hbm>>, %arg4: memref<50x64x4096xf32, #tpu.memory_space<hbm>>, %arg5: memref<50x128xi32, #tpu.memory_space<vmem>>, %arg6: memref<128x128xf32, #tpu.memory_space<vmem>>, %arg7: memref<128x128xf32, #tpu.memory_space<vmem>>, %arg8: memref<128x128xf32, #tpu.memory_space<vmem>>, %arg9: memref<128x128xf32, #tpu.memory_space<vmem>>, %arg10: memref<64x129xf32, #tpu.memory_space<vmem>>, %arg11: memref<64x129xf32, #tpu.memory_space<vmem>>, %arg12: memref<!tpu.dma_semaphore, #tpu.memory_space<semaphore_mem>>, %arg13: memref<!tpu.dma_semaphore, #tpu.memory_space<semaphore_mem>>, %arg14: memref<!tpu.dma_semaphore, #tpu.memory_space<semaphore_mem>>, %arg15: memref<!tpu.dma_semaphore, #tpu.memory_space<semaphore_mem>>, %arg16: memref<!tpu.dma_semaphore, #tpu.memory_space<semaphore_mem>>, %arg17: memref<!tpu.dma_semaphore, #tpu.memory_space<semaphore_mem>>) attributes {dimension_semantics = [#tpu.dimension_semantics<core_parallel>, #tpu.dimension_semantics<subcore_parallel>], iteration_bounds = array<i64: 2, 16>, scalar_prefetch = 0 : i64, scratch_operands = 13 : i64, tpu.core_type = #tpu.core_type<sc_vector_subcore>, window_params = [{transform_indices = #map}, {transform_indices = #map}, {transform_indices = #map1}]} {
    %mul3A = arith.constant 2 : i32
    %mul3A_0 = arith.muli %arg1, %mul3A : i32
    %add3A = arith.addi %mul3A_0, %arg0 : i32
    %mul3A_1 = arith.constant 128 : i32
    %mul3A_2 = arith.muli %add3A, %mul3A_1 : i32
    "tpu.region"() ({
      %run_scoped3A = tpu.sem_alloc : memref<!tpu.dma_semaphore, #tpu.memory_space<semaphore_mem>>
      %dma_start3A_481 = arith.constant 0 : i32
      %dma_start3A_482 = tpu.memref_slice %arg2[%dma_start3A_481, %mul3A_2] : memref<50x4096xi32, #tpu.memory_space<hbm>> -> memref<50x128xi32, #tpu.memory_space<hbm>>
      %dma_start3A_483 = arith.constant 0 : i32
      %dma_start3A_484 = tpu.memref_slice %arg2[%dma_start3A_483, %mul3A_2] : memref<50x4096xi32, #tpu.memory_space<hbm>> -> memref<50x128xi32, #tpu.memory_space<hbm>>
      tpu.enqueue_dma source(%dma_start3A_484 : memref<50x128xi32, #tpu.memory_space<hbm>>) target(%arg5 : memref<50x128xi32, #tpu.memory_space<vmem>>) target_semaphore(%run_scoped3A : memref<!tpu.dma_semaphore, #tpu.memory_space<semaphore_mem>>)
      %dma_wait3A_485 = arith.constant 0 : i32
      %dma_wait3A_486 = tpu.memref_slice %arg2[%dma_wait3A_485, %mul3A_2] : memref<50x4096xi32, #tpu.memory_space<hbm>> -> memref<50x128xi32, #tpu.memory_space<hbm>>
      %dma_wait3A_487 = arith.constant 0 : i32
      %dma_wait3A_488 = tpu.memref_slice %arg2[%dma_wait3A_487, %mul3A_2] : memref<50x4096xi32, #tpu.memory_space<hbm>> -> memref<50x128xi32, #tpu.memory_space<hbm>>
      tpu.wait_dma2 semaphore(%run_scoped3A : memref<!tpu.dma_semaphore, #tpu.memory_space<semaphore_mem>>) src(%dma_wait3A_488 : memref<50x128xi32, #tpu.memory_space<hbm>>) dst(%arg5 : memref<50x128xi32, #tpu.memory_space<vmem>>)
      tpu.yield
    }) : () -> ()
    %iota3A = tpu.iota {dimensions = array<i32: 0>} : vector<16xi32>
    %add3A_3 = arith.constant 0 : i32
    %add3A_4 = vector.broadcast %add3A_3 : i32 to vector<16xi32>
    %add3A_5 = arith.addi %iota3A, %add3A_4 : vector<16xi32>
    %iota3A_6 = tpu.iota {dimensions = array<i32: 0>} : vector<16xi32>
    %add3A_7 = arith.constant 16 : i32
    %add3A_8 = vector.broadcast %add3A_7 : i32 to vector<16xi32>
    %add3A_9 = arith.addi %iota3A_6, %add3A_8 : vector<16xi32>
    %iota3A_10 = tpu.iota {dimensions = array<i32: 0>} : vector<16xi32>
    %add3A_11 = arith.constant 32 : i32
    %add3A_12 = vector.broadcast %add3A_11 : i32 to vector<16xi32>
    %add3A_13 = arith.addi %iota3A_10, %add3A_12 : vector<16xi32>
    %iota3A_14 = tpu.iota {dimensions = array<i32: 0>} : vector<16xi32>
    %add3A_15 = arith.constant 48 : i32
    %add3A_16 = vector.broadcast %add3A_15 : i32 to vector<16xi32>
    %add3A_17 = arith.addi %iota3A_14, %add3A_16 : vector<16xi32>
    %dma_start3A = arith.constant 0 : i32
    %dma_start3A_18 = arith.constant 0 : i32
    %dma_start3A_19 = tpu.memref_slice %arg5[%dma_start3A, %dma_start3A_18] : memref<50x128xi32, #tpu.memory_space<vmem>> -> memref<1x128xi32, #tpu.memory_space<vmem>>
    %dma_start3A_20 = tpu.memref_squeeze %dma_start3A_19 : memref<1x128xi32, #tpu.memory_space<vmem>> -> memref<128xi32, #tpu.memory_space<vmem>>
    %dma_start3A_21 = arith.constant 0 : i32
    %dma_start3A_22 = arith.constant 0 : i32
    %dma_start3A_23 = tpu.memref_slice %arg3[%dma_start3A_21, %dma_start3A_22] : memref<1000000x128xf32, #tpu.memory_space<hbm>> -> memref<1000000x128xf32, #tpu.memory_space<hbm>>
    tpu.enqueue_indirect_dma source(%dma_start3A_23 : memref<1000000x128xf32, #tpu.memory_space<hbm>>) target(%arg6 : memref<128x128xf32, #tpu.memory_space<vmem>>) offsets(%dma_start3A_20 : memref<128xi32, #tpu.memory_space<vmem>>) semaphore(%arg12 : memref<!tpu.dma_semaphore, #tpu.memory_space<semaphore_mem>>)
    %dma_start3A_24 = arith.constant 1 : i32
    %dma_start3A_25 = arith.constant 0 : i32
    %dma_start3A_26 = tpu.memref_slice %arg5[%dma_start3A_24, %dma_start3A_25] : memref<50x128xi32, #tpu.memory_space<vmem>> -> memref<1x128xi32, #tpu.memory_space<vmem>>
    %dma_start3A_27 = tpu.memref_squeeze %dma_start3A_26 : memref<1x128xi32, #tpu.memory_space<vmem>> -> memref<128xi32, #tpu.memory_space<vmem>>
    %dma_start3A_28 = arith.constant 0 : i32
    %dma_start3A_29 = arith.constant 0 : i32
    %dma_start3A_30 = tpu.memref_slice %arg3[%dma_start3A_28, %dma_start3A_29] : memref<1000000x128xf32, #tpu.memory_space<hbm>> -> memref<1000000x128xf32, #tpu.memory_space<hbm>>
    tpu.enqueue_indirect_dma source(%dma_start3A_30 : memref<1000000x128xf32, #tpu.memory_space<hbm>>) target(%arg7 : memref<128x128xf32, #tpu.memory_space<vmem>>) offsets(%dma_start3A_27 : memref<128xi32, #tpu.memory_space<vmem>>) semaphore(%arg13 : memref<!tpu.dma_semaphore, #tpu.memory_space<semaphore_mem>>)
    %dma_start3A_31 = arith.constant 2 : i32
    %dma_start3A_32 = arith.constant 0 : i32
    %dma_start3A_33 = tpu.memref_slice %arg5[%dma_start3A_31, %dma_start3A_32] : memref<50x128xi32, #tpu.memory_space<vmem>> -> memref<1x128xi32, #tpu.memory_space<vmem>>
    %dma_start3A_34 = tpu.memref_squeeze %dma_start3A_33 : memref<1x128xi32, #tpu.memory_space<vmem>> -> memref<128xi32, #tpu.memory_space<vmem>>
    %dma_start3A_35 = arith.constant 0 : i32
    %dma_start3A_36 = arith.constant 0 : i32
    %dma_start3A_37 = tpu.memref_slice %arg3[%dma_start3A_35, %dma_start3A_36] : memref<1000000x128xf32, #tpu.memory_space<hbm>> -> memref<1000000x128xf32, #tpu.memory_space<hbm>>
    tpu.enqueue_indirect_dma source(%dma_start3A_37 : memref<1000000x128xf32, #tpu.memory_space<hbm>>) target(%arg8 : memref<128x128xf32, #tpu.memory_space<vmem>>) offsets(%dma_start3A_34 : memref<128xi32, #tpu.memory_space<vmem>>) semaphore(%arg14 : memref<!tpu.dma_semaphore, #tpu.memory_space<semaphore_mem>>)
    %dma_start3A_38 = arith.constant 3 : i32
    %dma_start3A_39 = arith.constant 0 : i32
    %dma_start3A_40 = tpu.memref_slice %arg5[%dma_start3A_38, %dma_start3A_39] : memref<50x128xi32, #tpu.memory_space<vmem>> -> memref<1x128xi32, #tpu.memory_space<vmem>>
    %dma_start3A_41 = tpu.memref_squeeze %dma_start3A_40 : memref<1x128xi32, #tpu.memory_space<vmem>> -> memref<128xi32, #tpu.memory_space<vmem>>
    %dma_start3A_42 = arith.constant 0 : i32
    %dma_start3A_43 = arith.constant 0 : i32
    %dma_start3A_44 = tpu.memref_slice %arg3[%dma_start3A_42, %dma_start3A_43] : memref<1000000x128xf32, #tpu.memory_space<hbm>> -> memref<1000000x128xf32, #tpu.memory_space<hbm>>
    tpu.enqueue_indirect_dma source(%dma_start3A_44 : memref<1000000x128xf32, #tpu.memory_space<hbm>>) target(%arg9 : memref<128x128xf32, #tpu.memory_space<vmem>>) offsets(%dma_start3A_41 : memref<128xi32, #tpu.memory_space<vmem>>) semaphore(%arg15 : memref<!tpu.dma_semaphore, #tpu.memory_space<semaphore_mem>>)
    %dma_wait3A = arith.constant 0 : i32
    %dma_wait3A_45 = arith.constant 0 : i32
    %dma_wait3A_46 = tpu.memref_slice %arg5[%dma_wait3A, %dma_wait3A_45] : memref<50x128xi32, #tpu.memory_space<vmem>> -> memref<1x128xi32, #tpu.memory_space<vmem>>
    %dma_wait3A_47 = tpu.memref_squeeze %dma_wait3A_46 : memref<1x128xi32, #tpu.memory_space<vmem>> -> memref<128xi32, #tpu.memory_space<vmem>>
    %dma_wait3A_48 = arith.constant 0 : i32
    %dma_wait3A_49 = arith.constant 0 : i32
    %dma_wait3A_50 = tpu.memref_slice %arg3[%dma_wait3A_48, %dma_wait3A_49] : memref<1000000x128xf32, #tpu.memory_space<hbm>> -> memref<1000000x128xf32, #tpu.memory_space<hbm>>
    tpu.wait_indirect_dma semaphore(%arg12 : memref<!tpu.dma_semaphore, #tpu.memory_space<semaphore_mem>>) src(%dma_wait3A_50 : memref<1000000x128xf32, #tpu.memory_space<hbm>>) dst(%arg6 : memref<128x128xf32, #tpu.memory_space<vmem>>)
    %scan3A = arith.constant 0 : i32
    %scan3A_51 = arith.constant 0 : i32
    %scan3A_52 = arith.constant 32 : i32
    %scan3A_53 = arith.addi %scan3A_51, %scan3A_52 : i32
    %scan3A_54 = arith.constant 1 : i32
    scf.for %scan3A_481 = %scan3A_51 to %scan3A_53 step %scan3A_54  : i32 {
      %mul3A_482 = arith.constant 4 : i32
      %mul3A_483 = arith.muli %scan3A_481, %mul3A_482 : i32
      %add3A_484 = arith.constant 0 : i32
      %add3A_485 = arith.addi %mul3A_483, %add3A_484 : i32
      %broadcast_in_dim3A = vector.broadcast %add3A_485 : i32 to vector<16xi32>
      %get3A = arith.index_cast %add3A_485 : i32 to index
      %get3A_486 = arith.constant 0 : index
      %get3A_487 = tpu.vector_load %arg6[%get3A, %get3A_486] {strides = array<i32>} : memref<128x128xf32, #tpu.memory_space<vmem>>, vector<16xf32>,
      %get3A_488 = arith.index_cast %add3A_485 : i32 to index
      %get3A_489 = arith.constant 16 : index
      %get3A_490 = tpu.vector_load %arg6[%get3A_488, %get3A_489] {strides = array<i32>} : memref<128x128xf32, #tpu.memory_space<vmem>>, vector<16xf32>,
      %get3A_491 = arith.index_cast %add3A_485 : i32 to index
      %get3A_492 = arith.constant 32 : index
      %get3A_493 = tpu.vector_load %arg6[%get3A_491, %get3A_492] {strides = array<i32>} : memref<128x128xf32, #tpu.memory_space<vmem>>, vector<16xf32>,
      %get3A_494 = arith.index_cast %add3A_485 : i32 to index
      %get3A_495 = arith.constant 48 : index
      %get3A_496 = tpu.vector_load %arg6[%get3A_494, %get3A_495] {strides = array<i32>} : memref<128x128xf32, #tpu.memory_space<vmem>>, vector<16xf32>,
      tpu.vector_store_idx %arg10[%add3A_5, %broadcast_in_dim3A], %get3A_487 : memref<64x129xf32, #tpu.memory_space<vmem>>[vector<16xi32>, vector<16xi32>], vector<16xf32>,
      tpu.vector_store_idx %arg10[%add3A_9, %broadcast_in_dim3A], %get3A_490 : memref<64x129xf32, #tpu.memory_space<vmem>>[vector<16xi32>, vector<16xi32>], vector<16xf32>,
      tpu.vector_store_idx %arg10[%add3A_13, %broadcast_in_dim3A], %get3A_493 : memref<64x129xf32, #tpu.memory_space<vmem>>[vector<16xi32>, vector<16xi32>], vector<16xf32>,
      tpu.vector_store_idx %arg10[%add3A_17, %broadcast_in_dim3A], %get3A_496 : memref<64x129xf32, #tpu.memory_space<vmem>>[vector<16xi32>, vector<16xi32>], vector<16xf32>,
      %mul3A_497 = arith.constant 4 : i32
      %mul3A_498 = arith.muli %scan3A_481, %mul3A_497 : i32
      %add3A_499 = arith.constant 1 : i32
      %add3A_500 = arith.addi %mul3A_498, %add3A_499 : i32
      %broadcast_in_dim3A_501 = vector.broadcast %add3A_500 : i32 to vector<16xi32>
      %get3A_502 = arith.index_cast %add3A_500 : i32 to index
      %get3A_503 = arith.constant 0 : index
      %get3A_504 = tpu.vector_load %arg6[%get3A_502, %get3A_503] {strides = array<i32>} : memref<128x128xf32, #tpu.memory_space<vmem>>, vector<16xf32>,
      %get3A_505 = arith.index_cast %add3A_500 : i32 to index
      %get3A_506 = arith.constant 16 : index
      %get3A_507 = tpu.vector_load %arg6[%get3A_505, %get3A_506] {strides = array<i32>} : memref<128x128xf32, #tpu.memory_space<vmem>>, vector<16xf32>,
      %get3A_508 = arith.index_cast %add3A_500 : i32 to index
      %get3A_509 = arith.constant 32 : index
      %get3A_510 = tpu.vector_load %arg6[%get3A_508, %get3A_509] {strides = array<i32>} : memref<128x128xf32, #tpu.memory_space<vmem>>, vector<16xf32>,
      %get3A_511 = arith.index_cast %add3A_500 : i32 to index
      %get3A_512 = arith.constant 48 : index
      %get3A_513 = tpu.vector_load %arg6[%get3A_511, %get3A_512] {strides = array<i32>} : memref<128x128xf32, #tpu.memory_space<vmem>>, vector<16xf32>,
      tpu.vector_store_idx %arg10[%add3A_5, %broadcast_in_dim3A_501], %get3A_504 : memref<64x129xf32, #tpu.memory_space<vmem>>[vector<16xi32>, vector<16xi32>], vector<16xf32>,
      tpu.vector_store_idx %arg10[%add3A_9, %broadcast_in_dim3A_501], %get3A_507 : memref<64x129xf32, #tpu.memory_space<vmem>>[vector<16xi32>, vector<16xi32>], vector<16xf32>,
      tpu.vector_store_idx %arg10[%add3A_13, %broadcast_in_dim3A_501], %get3A_510 : memref<64x129xf32, #tpu.memory_space<vmem>>[vector<16xi32>, vector<16xi32>], vector<16xf32>,
      tpu.vector_store_idx %arg10[%add3A_17, %broadcast_in_dim3A_501], %get3A_513 : memref<64x129xf32, #tpu.memory_space<vmem>>[vector<16xi32>, vector<16xi32>], vector<16xf32>,
      %mul3A_514 = arith.constant 4 : i32
      %mul3A_515 = arith.muli %scan3A_481, %mul3A_514 : i32
      %add3A_516 = arith.constant 2 : i32
      %add3A_517 = arith.addi %mul3A_515, %add3A_516 : i32
      %broadcast_in_dim3A_518 = vector.broadcast %add3A_517 : i32 to vector<16xi32>
      %get3A_519 = arith.index_cast %add3A_517 : i32 to index
      %get3A_520 = arith.constant 0 : index
      %get3A_521 = tpu.vector_load %arg6[%get3A_519, %get3A_520] {strides = array<i32>} : memref<128x128xf32, #tpu.memory_space<vmem>>, vector<16xf32>,
      %get3A_522 = arith.index_cast %add3A_517 : i32 to index
      %get3A_523 = arith.constant 16 : index
      %get3A_524 = tpu.vector_load %arg6[%get3A_522, %get3A_523] {strides = array<i32>} : memref<128x128xf32, #tpu.memory_space<vmem>>, vector<16xf32>,
      %get3A_525 = arith.index_cast %add3A_517 : i32 to index
      %get3A_526 = arith.constant 32 : index
      %get3A_527 = tpu.vector_load %arg6[%get3A_525, %get3A_526] {strides = array<i32>} : memref<128x128xf32, #tpu.memory_space<vmem>>, vector<16xf32>,
      %get3A_528 = arith.index_cast %add3A_517 : i32 to index
      %get3A_529 = arith.constant 48 : index
      %get3A_530 = tpu.vector_load %arg6[%get3A_528, %get3A_529] {strides = array<i32>} : memref<128x128xf32, #tpu.memory_space<vmem>>, vector<16xf32>,
      tpu.vector_store_idx %arg10[%add3A_5, %broadcast_in_dim3A_518], %get3A_521 : memref<64x129xf32, #tpu.memory_space<vmem>>[vector<16xi32>, vector<16xi32>], vector<16xf32>,
      tpu.vector_store_idx %arg10[%add3A_9, %broadcast_in_dim3A_518], %get3A_524 : memref<64x129xf32, #tpu.memory_space<vmem>>[vector<16xi32>, vector<16xi32>], vector<16xf32>,
      tpu.vector_store_idx %arg10[%add3A_13, %broadcast_in_dim3A_518], %get3A_527 : memref<64x129xf32, #tpu.memory_space<vmem>>[vector<16xi32>, vector<16xi32>], vector<16xf32>,
      tpu.vector_store_idx %arg10[%add3A_17, %broadcast_in_dim3A_518], %get3A_530 : memref<64x129xf32, #tpu.memory_space<vmem>>[vector<16xi32>, vector<16xi32>], vector<16xf32>,
      %mul3A_531 = arith.constant 4 : i32
      %mul3A_532 = arith.muli %scan3A_481, %mul3A_531 : i32
      %add3A_533 = arith.constant 3 : i32
      %add3A_534 = arith.addi %mul3A_532, %add3A_533 : i32
      %broadcast_in_dim3A_535 = vector.broadcast %add3A_534 : i32 to vector<16xi32>
      %get3A_536 = arith.index_cast %add3A_534 : i32 to index
      %get3A_537 = arith.constant 0 : index
      %get3A_538 = tpu.vector_load %arg6[%get3A_536, %get3A_537] {strides = array<i32>} : memref<128x128xf32, #tpu.memory_space<vmem>>, vector<16xf32>,
      %get3A_539 = arith.index_cast %add3A_534 : i32 to index
      %get3A_540 = arith.constant 16 : index
      %get3A_541 = tpu.vector_load %arg6[%get3A_539, %get3A_540] {strides = array<i32>} : memref<128x128xf32, #tpu.memory_space<vmem>>, vector<16xf32>,
      %get3A_542 = arith.index_cast %add3A_534 : i32 to index
      %get3A_543 = arith.constant 32 : index
      %get3A_544 = tpu.vector_load %arg6[%get3A_542, %get3A_543] {strides = array<i32>} : memref<128x128xf32, #tpu.memory_space<vmem>>, vector<16xf32>,
      %get3A_545 = arith.index_cast %add3A_534 : i32 to index
      %get3A_546 = arith.constant 48 : index
      %get3A_547 = tpu.vector_load %arg6[%get3A_545, %get3A_546] {strides = array<i32>} : memref<128x128xf32, #tpu.memory_space<vmem>>, vector<16xf32>,
      tpu.vector_store_idx %arg10[%add3A_5, %broadcast_in_dim3A_535], %get3A_538 : memref<64x129xf32, #tpu.memory_space<vmem>>[vector<16xi32>, vector<16xi32>], vector<16xf32>,
      tpu.vector_store_idx %arg10[%add3A_9, %broadcast_in_dim3A_535], %get3A_541 : memref<64x129xf32, #tpu.memory_space<vmem>>[vector<16xi32>, vector<16xi32>], vector<16xf32>,
      tpu.vector_store_idx %arg10[%add3A_13, %broadcast_in_dim3A_535], %get3A_544 : memref<64x129xf32, #tpu.memory_space<vmem>>[vector<16xi32>, vector<16xi32>], vector<16xf32>,
      tpu.vector_store_idx %arg10[%add3A_17, %broadcast_in_dim3A_535], %get3A_547 : memref<64x129xf32, #tpu.memory_space<vmem>>[vector<16xi32>, vector<16xi32>], vector<16xf32>,
    }
    %scan3A_55 = arith.constant 32 : i32
    %dma_start3A_56 = arith.constant 0 : i32
    %dma_start3A_57 = arith.constant 0 : i32
    %dma_start3A_58 = arith.constant 0 : i32
    %dma_start3A_59 = tpu.memref_slice %arg10[%dma_start3A_57, %dma_start3A_58] : memref<64x129xf32, #tpu.memory_space<vmem>> -> memref<64x128xf32, #tpu.memory_space<vmem>>
    %dma_start3A_60 = arith.constant 0 : i32
    %dma_start3A_61 = tpu.memref_slice %arg4[%dma_start3A_56, %dma_start3A_60, %mul3A_2] : memref<50x64x4096xf32, #tpu.memory_space<hbm>> -> memref<1x64x128xf32, #tpu.memory_space<hbm>>
    %dma_start3A_62 = tpu.memref_squeeze %dma_start3A_61 : memref<1x64x128xf32, #tpu.memory_space<hbm>> -> memref<64x128xf32, #tpu.memory_space<hbm>>
    %dma_start3A_63 = arith.constant 0 : i32
    %dma_start3A_64 = tpu.memref_slice %arg4[%dma_start3A_56, %dma_start3A_63, %mul3A_2] : memref<50x64x4096xf32, #tpu.memory_space<hbm>> -> memref<1x64x128xf32, #tpu.memory_space<hbm>>
    %dma_start3A_65 = tpu.memref_squeeze %dma_start3A_64 : memref<1x64x128xf32, #tpu.memory_space<hbm>> -> memref<64x128xf32, #tpu.memory_space<hbm>>
    %dma_start3A_66 = arith.constant 0 : i32
    %dma_start3A_67 = arith.constant 0 : i32
    %dma_start3A_68 = tpu.memref_slice %arg10[%dma_start3A_66, %dma_start3A_67] : memref<64x129xf32, #tpu.memory_space<vmem>> -> memref<64x128xf32, #tpu.memory_space<vmem>>
    tpu.enqueue_dma source(%dma_start3A_68 : memref<64x128xf32, #tpu.memory_space<vmem>>) target(%dma_start3A_65 : memref<64x128xf32, #tpu.memory_space<hbm>>) target_semaphore(%arg16 : memref<!tpu.dma_semaphore, #tpu.memory_space<semaphore_mem>>)
    %dma_start3A_69 = arith.constant 4 : i32
    %dma_start3A_70 = arith.constant 0 : i32
    %dma_start3A_71 = tpu.memref_slice %arg5[%dma_start3A_69, %dma_start3A_70] : memref<50x128xi32, #tpu.memory_space<vmem>> -> memref<1x128xi32, #tpu.memory_space<vmem>>
    %dma_start3A_72 = tpu.memref_squeeze %dma_start3A_71 : memref<1x128xi32, #tpu.memory_space<vmem>> -> memref<128xi32, #tpu.memory_space<vmem>>
    %dma_start3A_73 = arith.constant 0 : i32
    %dma_start3A_74 = arith.constant 0 : i32
    %dma_start3A_75 = tpu.memref_slice %arg3[%dma_start3A_73, %dma_start3A_74] : memref<1000000x128xf32, #tpu.memory_space<hbm>> -> memref<1000000x128xf32, #tpu.memory_space<hbm>>
    tpu.enqueue_indirect_dma source(%dma_start3A_75 : memref<1000000x128xf32, #tpu.memory_space<hbm>>) target(%arg6 : memref<128x128xf32, #tpu.memory_space<vmem>>) offsets(%dma_start3A_72 : memref<128xi32, #tpu.memory_space<vmem>>) semaphore(%arg12 : memref<!tpu.dma_semaphore, #tpu.memory_space<semaphore_mem>>)
    %dma_wait3A_76 = arith.constant 1 : i32
    %dma_wait3A_77 = arith.constant 0 : i32
    %dma_wait3A_78 = tpu.memref_slice %arg5[%dma_wait3A_76, %dma_wait3A_77] : memref<50x128xi32, #tpu.memory_space<vmem>> -> memref<1x128xi32, #tpu.memory_space<vmem>>
    %dma_wait3A_79 = tpu.memref_squeeze %dma_wait3A_78 : memref<1x128xi32, #tpu.memory_space<vmem>> -> memref<128xi32, #tpu.memory_space<vmem>>
    %dma_wait3A_80 = arith.constant 0 : i32
    %dma_wait3A_81 = arith.constant 0 : i32
    %dma_wait3A_82 = tpu.memref_slice %arg3[%dma_wait3A_80, %dma_wait3A_81] : memref<1000000x128xf32, #tpu.memory_space<hbm>> -> memref<1000000x128xf32, #tpu.memory_space<hbm>>
    tpu.wait_indirect_dma semaphore(%arg13 : memref<!tpu.dma_semaphore, #tpu.memory_space<semaphore_mem>>) src(%dma_wait3A_82 : memref<1000000x128xf32, #tpu.memory_space<hbm>>) dst(%arg7 : memref<128x128xf32, #tpu.memory_space<vmem>>)
    %scan3A_83 = arith.constant 0 : i32
    %scan3A_84 = arith.constant 0 : i32
    %scan3A_85 = arith.constant 32 : i32
    %scan3A_86 = arith.addi %scan3A_84, %scan3A_85 : i32
    %scan3A_87 = arith.constant 1 : i32
    scf.for %scan3A_481 = %scan3A_84 to %scan3A_86 step %scan3A_87  : i32 {
      %mul3A_482 = arith.constant 4 : i32
      %mul3A_483 = arith.muli %scan3A_481, %mul3A_482 : i32
      %add3A_484 = arith.constant 0 : i32
      %add3A_485 = arith.addi %mul3A_483, %add3A_484 : i32
      %broadcast_in_dim3A = vector.broadcast %add3A_485 : i32 to vector<16xi32>
      %get3A = arith.index_cast %add3A_485 : i32 to index
      %get3A_486 = arith.constant 0 : index
      %get3A_487 = tpu.vector_load %arg7[%get3A, %get3A_486] {strides = array<i32>} : memref<128x128xf32, #tpu.memory_space<vmem>>, vector<16xf32>,
      %get3A_488 = arith.index_cast %add3A_485 : i32 to index
      %get3A_489 = arith.constant 16 : index
      %get3A_490 = tpu.vector_load %arg7[%get3A_488, %get3A_489] {strides = array<i32>} : memref<128x128xf32, #tpu.memory_space<vmem>>, vector<16xf32>,
      %get3A_491 = arith.index_cast %add3A_485 : i32 to index
      %get3A_492 = arith.constant 32 : index
      %get3A_493 = tpu.vector_load %arg7[%get3A_491, %get3A_492] {strides = array<i32>} : memref<128x128xf32, #tpu.memory_space<vmem>>, vector<16xf32>,
      %get3A_494 = arith.index_cast %add3A_485 : i32 to index
      %get3A_495 = arith.constant 48 : index
      %get3A_496 = tpu.vector_load %arg7[%get3A_494, %get3A_495] {strides = array<i32>} : memref<128x128xf32, #tpu.memory_space<vmem>>, vector<16xf32>,
      tpu.vector_store_idx %arg11[%add3A_5, %broadcast_in_dim3A], %get3A_487 : memref<64x129xf32, #tpu.memory_space<vmem>>[vector<16xi32>, vector<16xi32>], vector<16xf32>,
      tpu.vector_store_idx %arg11[%add3A_9, %broadcast_in_dim3A], %get3A_490 : memref<64x129xf32, #tpu.memory_space<vmem>>[vector<16xi32>, vector<16xi32>], vector<16xf32>,
      tpu.vector_store_idx %arg11[%add3A_13, %broadcast_in_dim3A], %get3A_493 : memref<64x129xf32, #tpu.memory_space<vmem>>[vector<16xi32>, vector<16xi32>], vector<16xf32>,
      tpu.vector_store_idx %arg11[%add3A_17, %broadcast_in_dim3A], %get3A_496 : memref<64x129xf32, #tpu.memory_space<vmem>>[vector<16xi32>, vector<16xi32>], vector<16xf32>,
      %mul3A_497 = arith.constant 4 : i32
      %mul3A_498 = arith.muli %scan3A_481, %mul3A_497 : i32
      %add3A_499 = arith.constant 1 : i32
      %add3A_500 = arith.addi %mul3A_498, %add3A_499 : i32
      %broadcast_in_dim3A_501 = vector.broadcast %add3A_500 : i32 to vector<16xi32>
      %get3A_502 = arith.index_cast %add3A_500 : i32 to index
      %get3A_503 = arith.constant 0 : index
      %get3A_504 = tpu.vector_load %arg7[%get3A_502, %get3A_503] {strides = array<i32>} : memref<128x128xf32, #tpu.memory_space<vmem>>, vector<16xf32>,
      %get3A_505 = arith.index_cast %add3A_500 : i32 to index
      %get3A_506 = arith.constant 16 : index
      %get3A_507 = tpu.vector_load %arg7[%get3A_505, %get3A_506] {strides = array<i32>} : memref<128x128xf32, #tpu.memory_space<vmem>>, vector<16xf32>,
      %get3A_508 = arith.index_cast %add3A_500 : i32 to index
      %get3A_509 = arith.constant 32 : index
      %get3A_510 = tpu.vector_load %arg7[%get3A_508, %get3A_509] {strides = array<i32>} : memref<128x128xf32, #tpu.memory_space<vmem>>, vector<16xf32>,
      %get3A_511 = arith.index_cast %add3A_500 : i32 to index
      %get3A_512 = arith.constant 48 : index
      %get3A_513 = tpu.vector_load %arg7[%get3A_511, %get3A_512] {strides = array<i32>} : memref<128x128xf32, #tpu.memory_space<vmem>>, vector<16xf32>,
      tpu.vector_store_idx %arg11[%add3A_5, %broadcast_in_dim3A_501], %get3A_504 : memref<64x129xf32, #tpu.memory_space<vmem>>[vector<16xi32>, vector<16xi32>], vector<16xf32>,
      tpu.vector_store_idx %arg11[%add3A_9, %broadcast_in_dim3A_501], %get3A_507 : memref<64x129xf32, #tpu.memory_space<vmem>>[vector<16xi32>, vector<16xi32>], vector<16xf32>,
      tpu.vector_store_idx %arg11[%add3A_13, %broadcast_in_dim3A_501], %get3A_510 : memref<64x129xf32, #tpu.memory_space<vmem>>[vector<16xi32>, vector<16xi32>], vector<16xf32>,
      tpu.vector_store_idx %arg11[%add3A_17, %broadcast_in_dim3A_501], %get3A_513 : memref<64x129xf32, #tpu.memory_space<vmem>>[vector<16xi32>, vector<16xi32>], vector<16xf32>,
      %mul3A_514 = arith.constant 4 : i32
      %mul3A_515 = arith.muli %scan3A_481, %mul3A_514 : i32
      %add3A_516 = arith.constant 2 : i32
      %add3A_517 = arith.addi %mul3A_515, %add3A_516 : i32
      %broadcast_in_dim3A_518 = vector.broadcast %add3A_517 : i32 to vector<16xi32>
      %get3A_519 = arith.index_cast %add3A_517 : i32 to index
      %get3A_520 = arith.constant 0 : index
      %get3A_521 = tpu.vector_load %arg7[%get3A_519, %get3A_520] {strides = array<i32>} : memref<128x128xf32, #tpu.memory_space<vmem>>, vector<16xf32>,
      %get3A_522 = arith.index_cast %add3A_517 : i32 to index
      %get3A_523 = arith.constant 16 : index
      %get3A_524 = tpu.vector_load %arg7[%get3A_522, %get3A_523] {strides = array<i32>} : memref<128x128xf32, #tpu.memory_space<vmem>>, vector<16xf32>,
      %get3A_525 = arith.index_cast %add3A_517 : i32 to index
      %get3A_526 = arith.constant 32 : index
      %get3A_527 = tpu.vector_load %arg7[%get3A_525, %get3A_526] {strides = array<i32>} : memref<128x128xf32, #tpu.memory_space<vmem>>, vector<16xf32>,
      %get3A_528 = arith.index_cast %add3A_517 : i32 to index
      %get3A_529 = arith.constant 48 : index
      %get3A_530 = tpu.vector_load %arg7[%get3A_528, %get3A_529] {strides = array<i32>} : memref<128x128xf32, #tpu.memory_space<vmem>>, vector<16xf32>,
      tpu.vector_store_idx %arg11[%add3A_5, %broadcast_in_dim3A_518], %get3A_521 : memref<64x129xf32, #tpu.memory_space<vmem>>[vector<16xi32>, vector<16xi32>], vector<16xf32>,
      tpu.vector_store_idx %arg11[%add3A_9, %broadcast_in_dim3A_518], %get3A_524 : memref<64x129xf32, #tpu.memory_space<vmem>>[vector<16xi32>, vector<16xi32>], vector<16xf32>,
      tpu.vector_store_idx %arg11[%add3A_13, %broadcast_in_dim3A_518], %get3A_527 : memref<64x129xf32, #tpu.memory_space<vmem>>[vector<16xi32>, vector<16xi32>], vector<16xf32>,
      tpu.vector_store_idx %arg11[%add3A_17, %broadcast_in_dim3A_518], %get3A_530 : memref<64x129xf32, #tpu.memory_space<vmem>>[vector<16xi32>, vector<16xi32>], vector<16xf32>,
      %mul3A_531 = arith.constant 4 : i32
      %mul3A_532 = arith.muli %scan3A_481, %mul3A_531 : i32
      %add3A_533 = arith.constant 3 : i32
      %add3A_534 = arith.addi %mul3A_532, %add3A_533 : i32
      %broadcast_in_dim3A_535 = vector.broadcast %add3A_534 : i32 to vector<16xi32>
      %get3A_536 = arith.index_cast %add3A_534 : i32 to index
      %get3A_537 = arith.constant 0 : index
      %get3A_538 = tpu.vector_load %arg7[%get3A_536, %get3A_537] {strides = array<i32>} : memref<128x128xf32, #tpu.memory_space<vmem>>, vector<16xf32>,
      %get3A_539 = arith.index_cast %add3A_534 : i32 to index
      %get3A_540 = arith.constant 16 : index
      %get3A_541 = tpu.vector_load %arg7[%get3A_539, %get3A_540] {strides = array<i32>} : memref<128x128xf32, #tpu.memory_space<vmem>>, vector<16xf32>,
      %get3A_542 = arith.index_cast %add3A_534 : i32 to index
      %get3A_543 = arith.constant 32 : index
      %get3A_544 = tpu.vector_load %arg7[%get3A_542, %get3A_543] {strides = array<i32>} : memref<128x128xf32, #tpu.memory_space<vmem>>, vector<16xf32>,
      %get3A_545 = arith.index_cast %add3A_534 : i32 to index
      %get3A_546 = arith.constant 48 : index
      %get3A_547 = tpu.vector_load %arg7[%get3A_545, %get3A_546] {strides = array<i32>} : memref<128x128xf32, #tpu.memory_space<vmem>>, vector<16xf32>,
      tpu.vector_store_idx %arg11[%add3A_5, %broadcast_in_dim3A_535], %get3A_538 : memref<64x129xf32, #tpu.memory_space<vmem>>[vector<16xi32>, vector<16xi32>], vector<16xf32>,
      tpu.vector_store_idx %arg11[%add3A_9, %broadcast_in_dim3A_535], %get3A_541 : memref<64x129xf32, #tpu.memory_space<vmem>>[vector<16xi32>, vector<16xi32>], vector<16xf32>,
      tpu.vector_store_idx %arg11[%add3A_13, %broadcast_in_dim3A_535], %get3A_544 : memref<64x129xf32, #tpu.memory_space<vmem>>[vector<16xi32>, vector<16xi32>], vector<16xf32>,
      tpu.vector_store_idx %arg11[%add3A_17, %broadcast_in_dim3A_535], %get3A_547 : memref<64x129xf32, #tpu.memory_space<vmem>>[vector<16xi32>, vector<16xi32>], vector<16xf32>,
    }
    %scan3A_88 = arith.constant 32 : i32
    %dma_start3A_89 = arith.constant 1 : i32
    %dma_start3A_90 = arith.constant 0 : i32
    %dma_start3A_91 = arith.constant 0 : i32
    %dma_start3A_92 = tpu.memref_slice %arg11[%dma_start3A_90, %dma_start3A_91] : memref<64x129xf32, #tpu.memory_space<vmem>> -> memref<64x128xf32, #tpu.memory_space<vmem>>
    %dma_start3A_93 = arith.constant 0 : i32
    %dma_start3A_94 = tpu.memref_slice %arg4[%dma_start3A_89, %dma_start3A_93, %mul3A_2] : memref<50x64x4096xf32, #tpu.memory_space<hbm>> -> memref<1x64x128xf32, #tpu.memory_space<hbm>>
    %dma_start3A_95 = tpu.memref_squeeze %dma_start3A_94 : memref<1x64x128xf32, #tpu.memory_space<hbm>> -> memref<64x128xf32, #tpu.memory_space<hbm>>
    %dma_start3A_96 = arith.constant 0 : i32
    %dma_start3A_97 = tpu.memref_slice %arg4[%dma_start3A_89, %dma_start3A_96, %mul3A_2] : memref<50x64x4096xf32, #tpu.memory_space<hbm>> -> memref<1x64x128xf32, #tpu.memory_space<hbm>>
    %dma_start3A_98 = tpu.memref_squeeze %dma_start3A_97 : memref<1x64x128xf32, #tpu.memory_space<hbm>> -> memref<64x128xf32, #tpu.memory_space<hbm>>
    %dma_start3A_99 = arith.constant 0 : i32
    %dma_start3A_100 = arith.constant 0 : i32
    %dma_start3A_101 = tpu.memref_slice %arg11[%dma_start3A_99, %dma_start3A_100] : memref<64x129xf32, #tpu.memory_space<vmem>> -> memref<64x128xf32, #tpu.memory_space<vmem>>
    tpu.enqueue_dma source(%dma_start3A_101 : memref<64x128xf32, #tpu.memory_space<vmem>>) target(%dma_start3A_98 : memref<64x128xf32, #tpu.memory_space<hbm>>) target_semaphore(%arg17 : memref<!tpu.dma_semaphore, #tpu.memory_space<semaphore_mem>>)
    %dma_start3A_102 = arith.constant 5 : i32
    %dma_start3A_103 = arith.constant 0 : i32
    %dma_start3A_104 = tpu.memref_slice %arg5[%dma_start3A_102, %dma_start3A_103] : memref<50x128xi32, #tpu.memory_space<vmem>> -> memref<1x128xi32, #tpu.memory_space<vmem>>
    %dma_start3A_105 = tpu.memref_squeeze %dma_start3A_104 : memref<1x128xi32, #tpu.memory_space<vmem>> -> memref<128xi32, #tpu.memory_space<vmem>>
    %dma_start3A_106 = arith.constant 0 : i32
    %dma_start3A_107 = arith.constant 0 : i32
    %dma_start3A_108 = tpu.memref_slice %arg3[%dma_start3A_106, %dma_start3A_107] : memref<1000000x128xf32, #tpu.memory_space<hbm>> -> memref<1000000x128xf32, #tpu.memory_space<hbm>>
    tpu.enqueue_indirect_dma source(%dma_start3A_108 : memref<1000000x128xf32, #tpu.memory_space<hbm>>) target(%arg7 : memref<128x128xf32, #tpu.memory_space<vmem>>) offsets(%dma_start3A_105 : memref<128xi32, #tpu.memory_space<vmem>>) semaphore(%arg13 : memref<!tpu.dma_semaphore, #tpu.memory_space<semaphore_mem>>)
    %dma_wait3A_109 = arith.constant 2 : i32
    %dma_wait3A_110 = arith.constant 0 : i32
    %dma_wait3A_111 = tpu.memref_slice %arg5[%dma_wait3A_109, %dma_wait3A_110] : memref<50x128xi32, #tpu.memory_space<vmem>> -> memref<1x128xi32, #tpu.memory_space<vmem>>
    %dma_wait3A_112 = tpu.memref_squeeze %dma_wait3A_111 : memref<1x128xi32, #tpu.memory_space<vmem>> -> memref<128xi32, #tpu.memory_space<vmem>>
    %dma_wait3A_113 = arith.constant 0 : i32
    %dma_wait3A_114 = arith.constant 0 : i32
    %dma_wait3A_115 = tpu.memref_slice %arg3[%dma_wait3A_113, %dma_wait3A_114] : memref<1000000x128xf32, #tpu.memory_space<hbm>> -> memref<1000000x128xf32, #tpu.memory_space<hbm>>
    tpu.wait_indirect_dma semaphore(%arg14 : memref<!tpu.dma_semaphore, #tpu.memory_space<semaphore_mem>>) src(%dma_wait3A_115 : memref<1000000x128xf32, #tpu.memory_space<hbm>>) dst(%arg8 : memref<128x128xf32, #tpu.memory_space<vmem>>)
    %dma_wait3A_116 = arith.constant 0 : i32
    %dma_wait3A_117 = arith.constant 0 : i32
    %dma_wait3A_118 = arith.constant 0 : i32
    %dma_wait3A_119 = tpu.memref_slice %arg10[%dma_wait3A_117, %dma_wait3A_118] : memref<64x129xf32, #tpu.memory_space<vmem>> -> memref<64x128xf32, #tpu.memory_space<vmem>>
    %dma_wait3A_120 = arith.constant 0 : i32
    %dma_wait3A_121 = tpu.memref_slice %arg4[%dma_wait3A_116, %dma_wait3A_120, %mul3A_2] : memref<50x64x4096xf32, #tpu.memory_space<hbm>> -> memref<1x64x128xf32, #tpu.memory_space<hbm>>
    %dma_wait3A_122 = tpu.memref_squeeze %dma_wait3A_121 : memref<1x64x128xf32, #tpu.memory_space<hbm>> -> memref<64x128xf32, #tpu.memory_space<hbm>>
    %dma_wait3A_123 = arith.constant 0 : i32
    %dma_wait3A_124 = tpu.memref_slice %arg4[%dma_wait3A_116, %dma_wait3A_123, %mul3A_2] : memref<50x64x4096xf32, #tpu.memory_space<hbm>> -> memref<1x64x128xf32, #tpu.memory_space<hbm>>
    %dma_wait3A_125 = tpu.memref_squeeze %dma_wait3A_124 : memref<1x64x128xf32, #tpu.memory_space<hbm>> -> memref<64x128xf32, #tpu.memory_space<hbm>>
    %dma_wait3A_126 = arith.constant 0 : i32
    %dma_wait3A_127 = arith.constant 0 : i32
    %dma_wait3A_128 = tpu.memref_slice %arg10[%dma_wait3A_126, %dma_wait3A_127] : memref<64x129xf32, #tpu.memory_space<vmem>> -> memref<64x128xf32, #tpu.memory_space<vmem>>
    tpu.wait_dma2 semaphore(%arg16 : memref<!tpu.dma_semaphore, #tpu.memory_space<semaphore_mem>>) src(%dma_wait3A_128 : memref<64x128xf32, #tpu.memory_space<vmem>>) dst(%dma_wait3A_125 : memref<64x128xf32, #tpu.memory_space<hbm>>)
    %scan3A_129 = arith.constant 0 : i32
    %scan3A_130 = arith.constant 0 : i32
    %scan3A_131 = arith.constant 32 : i32
    %scan3A_132 = arith.addi %scan3A_130, %scan3A_131 : i32
    %scan3A_133 = arith.constant 1 : i32
    scf.for %scan3A_481 = %scan3A_130 to %scan3A_132 step %scan3A_133  : i32 {
      %mul3A_482 = arith.constant 4 : i32
      %mul3A_483 = arith.muli %scan3A_481, %mul3A_482 : i32
      %add3A_484 = arith.constant 0 : i32
      %add3A_485 = arith.addi %mul3A_483, %add3A_484 : i32
      %broadcast_in_dim3A = vector.broadcast %add3A_485 : i32 to vector<16xi32>
      %get3A = arith.index_cast %add3A_485 : i32 to index
      %get3A_486 = arith.constant 0 : index
      %get3A_487 = tpu.vector_load %arg8[%get3A, %get3A_486] {strides = array<i32>} : memref<128x128xf32, #tpu.memory_space<vmem>>, vector<16xf32>,
      %get3A_488 = arith.index_cast %add3A_485 : i32 to index
      %get3A_489 = arith.constant 16 : index
      %get3A_490 = tpu.vector_load %arg8[%get3A_488, %get3A_489] {strides = array<i32>} : memref<128x128xf32, #tpu.memory_space<vmem>>, vector<16xf32>,
      %get3A_491 = arith.index_cast %add3A_485 : i32 to index
      %get3A_492 = arith.constant 32 : index
      %get3A_493 = tpu.vector_load %arg8[%get3A_491, %get3A_492] {strides = array<i32>} : memref<128x128xf32, #tpu.memory_space<vmem>>, vector<16xf32>,
      %get3A_494 = arith.index_cast %add3A_485 : i32 to index
      %get3A_495 = arith.constant 48 : index
      %get3A_496 = tpu.vector_load %arg8[%get3A_494, %get3A_495] {strides = array<i32>} : memref<128x128xf32, #tpu.memory_space<vmem>>, vector<16xf32>,
      tpu.vector_store_idx %arg10[%add3A_5, %broadcast_in_dim3A], %get3A_487 : memref<64x129xf32, #tpu.memory_space<vmem>>[vector<16xi32>, vector<16xi32>], vector<16xf32>,
      tpu.vector_store_idx %arg10[%add3A_9, %broadcast_in_dim3A], %get3A_490 : memref<64x129xf32, #tpu.memory_space<vmem>>[vector<16xi32>, vector<16xi32>], vector<16xf32>,
      tpu.vector_store_idx %arg10[%add3A_13, %broadcast_in_dim3A], %get3A_493 : memref<64x129xf32, #tpu.memory_space<vmem>>[vector<16xi32>, vector<16xi32>], vector<16xf32>,
      tpu.vector_store_idx %arg10[%add3A_17, %broadcast_in_dim3A], %get3A_496 : memref<64x129xf32, #tpu.memory_space<vmem>>[vector<16xi32>, vector<16xi32>], vector<16xf32>,
      %mul3A_497 = arith.constant 4 : i32
      %mul3A_498 = arith.muli %scan3A_481, %mul3A_497 : i32
      %add3A_499 = arith.constant 1 : i32
      %add3A_500 = arith.addi %mul3A_498, %add3A_499 : i32
      %broadcast_in_dim3A_501 = vector.broadcast %add3A_500 : i32 to vector<16xi32>
      %get3A_502 = arith.index_cast %add3A_500 : i32 to index
      %get3A_503 = arith.constant 0 : index
      %get3A_504 = tpu.vector_load %arg8[%get3A_502, %get3A_503] {strides = array<i32>} : memref<128x128xf32, #tpu.memory_space<vmem>>, vector<16xf32>,
      %get3A_505 = arith.index_cast %add3A_500 : i32 to index
      %get3A_506 = arith.constant 16 : index
      %get3A_507 = tpu.vector_load %arg8[%get3A_505, %get3A_506] {strides = array<i32>} : memref<128x128xf32, #tpu.memory_space<vmem>>, vector<16xf32>,
      %get3A_508 = arith.index_cast %add3A_500 : i32 to index
      %get3A_509 = arith.constant 32 : index
      %get3A_510 = tpu.vector_load %arg8[%get3A_508, %get3A_509] {strides = array<i32>} : memref<128x128xf32, #tpu.memory_space<vmem>>, vector<16xf32>,
      %get3A_511 = arith.index_cast %add3A_500 : i32 to index
      %get3A_512 = arith.constant 48 : index
      %get3A_513 = tpu.vector_load %arg8[%get3A_511, %get3A_512] {strides = array<i32>} : memref<128x128xf32, #tpu.memory_space<vmem>>, vector<16xf32>,
      tpu.vector_store_idx %arg10[%add3A_5, %broadcast_in_dim3A_501], %get3A_504 : memref<64x129xf32, #tpu.memory_space<vmem>>[vector<16xi32>, vector<16xi32>], vector<16xf32>,
      tpu.vector_store_idx %arg10[%add3A_9, %broadcast_in_dim3A_501], %get3A_507 : memref<64x129xf32, #tpu.memory_space<vmem>>[vector<16xi32>, vector<16xi32>], vector<16xf32>,
      tpu.vector_store_idx %arg10[%add3A_13, %broadcast_in_dim3A_501], %get3A_510 : memref<64x129xf32, #tpu.memory_space<vmem>>[vector<16xi32>, vector<16xi32>], vector<16xf32>,
      tpu.vector_store_idx %arg10[%add3A_17, %broadcast_in_dim3A_501], %get3A_513 : memref<64x129xf32, #tpu.memory_space<vmem>>[vector<16xi32>, vector<16xi32>], vector<16xf32>,
      %mul3A_514 = arith.constant 4 : i32
      %mul3A_515 = arith.muli %scan3A_481, %mul3A_514 : i32
      %add3A_516 = arith.constant 2 : i32
      %add3A_517 = arith.addi %mul3A_515, %add3A_516 : i32
      %broadcast_in_dim3A_518 = vector.broadcast %add3A_517 : i32 to vector<16xi32>
      %get3A_519 = arith.index_cast %add3A_517 : i32 to index
      %get3A_520 = arith.constant 0 : index
      %get3A_521 = tpu.vector_load %arg8[%get3A_519, %get3A_520] {strides = array<i32>} : memref<128x128xf32, #tpu.memory_space<vmem>>, vector<16xf32>,
      %get3A_522 = arith.index_cast %add3A_517 : i32 to index
      %get3A_523 = arith.constant 16 : index
      %get3A_524 = tpu.vector_load %arg8[%get3A_522, %get3A_523] {strides = array<i32>} : memref<128x128xf32, #tpu.memory_space<vmem>>, vector<16xf32>,
      %get3A_525 = arith.index_cast %add3A_517 : i32 to index
      %get3A_526 = arith.constant 32 : index
      %get3A_527 = tpu.vector_load %arg8[%get3A_525, %get3A_526] {strides = array<i32>} : memref<128x128xf32, #tpu.memory_space<vmem>>, vector<16xf32>,
      %get3A_528 = arith.index_cast %add3A_517 : i32 to index
      %get3A_529 = arith.constant 48 : index
      %get3A_530 = tpu.vector_load %arg8[%get3A_528, %get3A_529] {strides = array<i32>} : memref<128x128xf32, #tpu.memory_space<vmem>>, vector<16xf32>,
      tpu.vector_store_idx %arg10[%add3A_5, %broadcast_in_dim3A_518], %get3A_521 : memref<64x129xf32, #tpu.memory_space<vmem>>[vector<16xi32>, vector<16xi32>], vector<16xf32>,
      tpu.vector_store_idx %arg10[%add3A_9, %broadcast_in_dim3A_518], %get3A_524 : memref<64x129xf32, #tpu.memory_space<vmem>>[vector<16xi32>, vector<16xi32>], vector<16xf32>,
      tpu.vector_store_idx %arg10[%add3A_13, %broadcast_in_dim3A_518], %get3A_527 : memref<64x129xf32, #tpu.memory_space<vmem>>[vector<16xi32>, vector<16xi32>], vector<16xf32>,
      tpu.vector_store_idx %arg10[%add3A_17, %broadcast_in_dim3A_518], %get3A_530 : memref<64x129xf32, #tpu.memory_space<vmem>>[vector<16xi32>, vector<16xi32>], vector<16xf32>,
      %mul3A_531 = arith.constant 4 : i32
      %mul3A_532 = arith.muli %scan3A_481, %mul3A_531 : i32
      %add3A_533 = arith.constant 3 : i32
      %add3A_534 = arith.addi %mul3A_532, %add3A_533 : i32
      %broadcast_in_dim3A_535 = vector.broadcast %add3A_534 : i32 to vector<16xi32>
      %get3A_536 = arith.index_cast %add3A_534 : i32 to index
      %get3A_537 = arith.constant 0 : index
      %get3A_538 = tpu.vector_load %arg8[%get3A_536, %get3A_537] {strides = array<i32>} : memref<128x128xf32, #tpu.memory_space<vmem>>, vector<16xf32>,
      %get3A_539 = arith.index_cast %add3A_534 : i32 to index
      %get3A_540 = arith.constant 16 : index
      %get3A_541 = tpu.vector_load %arg8[%get3A_539, %get3A_540] {strides = array<i32>} : memref<128x128xf32, #tpu.memory_space<vmem>>, vector<16xf32>,
      %get3A_542 = arith.index_cast %add3A_534 : i32 to index
      %get3A_543 = arith.constant 32 : index
      %get3A_544 = tpu.vector_load %arg8[%get3A_542, %get3A_543] {strides = array<i32>} : memref<128x128xf32, #tpu.memory_space<vmem>>, vector<16xf32>,
      %get3A_545 = arith.index_cast %add3A_534 : i32 to index
      %get3A_546 = arith.constant 48 : index
      %get3A_547 = tpu.vector_load %arg8[%get3A_545, %get3A_546] {strides = array<i32>} : memref<128x128xf32, #tpu.memory_space<vmem>>, vector<16xf32>,
      tpu.vector_store_idx %arg10[%add3A_5, %broadcast_in_dim3A_535], %get3A_538 : memref<64x129xf32, #tpu.memory_space<vmem>>[vector<16xi32>, vector<16xi32>], vector<16xf32>,
      tpu.vector_store_idx %arg10[%add3A_9, %broadcast_in_dim3A_535], %get3A_541 : memref<64x129xf32, #tpu.memory_space<vmem>>[vector<16xi32>, vector<16xi32>], vector<16xf32>,
      tpu.vector_store_idx %arg10[%add3A_13, %broadcast_in_dim3A_535], %get3A_544 : memref<64x129xf32, #tpu.memory_space<vmem>>[vector<16xi32>, vector<16xi32>], vector<16xf32>,
      tpu.vector_store_idx %arg10[%add3A_17, %broadcast_in_dim3A_535], %get3A_547 : memref<64x129xf32, #tpu.memory_space<vmem>>[vector<16xi32>, vector<16xi32>], vector<16xf32>,
    }
    %scan3A_134 = arith.constant 32 : i32
    %dma_start3A_135 = arith.constant 2 : i32
    %dma_start3A_136 = arith.constant 0 : i32
    %dma_start3A_137 = arith.constant 0 : i32
    %dma_start3A_138 = tpu.memref_slice %arg10[%dma_start3A_136, %dma_start3A_137] : memref<64x129xf32, #tpu.memory_space<vmem>> -> memref<64x128xf32, #tpu.memory_space<vmem>>
    %dma_start3A_139 = arith.constant 0 : i32
    %dma_start3A_140 = tpu.memref_slice %arg4[%dma_start3A_135, %dma_start3A_139, %mul3A_2] : memref<50x64x4096xf32, #tpu.memory_space<hbm>> -> memref<1x64x128xf32, #tpu.memory_space<hbm>>
    %dma_start3A_141 = tpu.memref_squeeze %dma_start3A_140 : memref<1x64x128xf32, #tpu.memory_space<hbm>> -> memref<64x128xf32, #tpu.memory_space<hbm>>
    %dma_start3A_142 = arith.constant 0 : i32
    %dma_start3A_143 = tpu.memref_slice %arg4[%dma_start3A_135, %dma_start3A_142, %mul3A_2] : memref<50x64x4096xf32, #tpu.memory_space<hbm>> -> memref<1x64x128xf32, #tpu.memory_space<hbm>>
    %dma_start3A_144 = tpu.memref_squeeze %dma_start3A_143 : memref<1x64x128xf32, #tpu.memory_space<hbm>> -> memref<64x128xf32, #tpu.memory_space<hbm>>
    %dma_start3A_145 = arith.constant 0 : i32
    %dma_start3A_146 = arith.constant 0 : i32
    %dma_start3A_147 = tpu.memref_slice %arg10[%dma_start3A_145, %dma_start3A_146] : memref<64x129xf32, #tpu.memory_space<vmem>> -> memref<64x128xf32, #tpu.memory_space<vmem>>
    tpu.enqueue_dma source(%dma_start3A_147 : memref<64x128xf32, #tpu.memory_space<vmem>>) target(%dma_start3A_144 : memref<64x128xf32, #tpu.memory_space<hbm>>) target_semaphore(%arg16 : memref<!tpu.dma_semaphore, #tpu.memory_space<semaphore_mem>>)
    %dma_start3A_148 = arith.constant 6 : i32
    %dma_start3A_149 = arith.constant 0 : i32
    %dma_start3A_150 = tpu.memref_slice %arg5[%dma_start3A_148, %dma_start3A_149] : memref<50x128xi32, #tpu.memory_space<vmem>> -> memref<1x128xi32, #tpu.memory_space<vmem>>
    %dma_start3A_151 = tpu.memref_squeeze %dma_start3A_150 : memref<1x128xi32, #tpu.memory_space<vmem>> -> memref<128xi32, #tpu.memory_space<vmem>>
    %dma_start3A_152 = arith.constant 0 : i32
    %dma_start3A_153 = arith.constant 0 : i32
    %dma_start3A_154 = tpu.memref_slice %arg3[%dma_start3A_152, %dma_start3A_153] : memref<1000000x128xf32, #tpu.memory_space<hbm>> -> memref<1000000x128xf32, #tpu.memory_space<hbm>>
    tpu.enqueue_indirect_dma source(%dma_start3A_154 : memref<1000000x128xf32, #tpu.memory_space<hbm>>) target(%arg8 : memref<128x128xf32, #tpu.memory_space<vmem>>) offsets(%dma_start3A_151 : memref<128xi32, #tpu.memory_space<vmem>>) semaphore(%arg14 : memref<!tpu.dma_semaphore, #tpu.memory_space<semaphore_mem>>)
    %dma_wait3A_155 = arith.constant 3 : i32
    %dma_wait3A_156 = arith.constant 0 : i32
    %dma_wait3A_157 = tpu.memref_slice %arg5[%dma_wait3A_155, %dma_wait3A_156] : memref<50x128xi32, #tpu.memory_space<vmem>> -> memref<1x128xi32, #tpu.memory_space<vmem>>
    %dma_wait3A_158 = tpu.memref_squeeze %dma_wait3A_157 : memref<1x128xi32, #tpu.memory_space<vmem>> -> memref<128xi32, #tpu.memory_space<vmem>>
    %dma_wait3A_159 = arith.constant 0 : i32
    %dma_wait3A_160 = arith.constant 0 : i32
    %dma_wait3A_161 = tpu.memref_slice %arg3[%dma_wait3A_159, %dma_wait3A_160] : memref<1000000x128xf32, #tpu.memory_space<hbm>> -> memref<1000000x128xf32, #tpu.memory_space<hbm>>
    tpu.wait_indirect_dma semaphore(%arg15 : memref<!tpu.dma_semaphore, #tpu.memory_space<semaphore_mem>>) src(%dma_wait3A_161 : memref<1000000x128xf32, #tpu.memory_space<hbm>>) dst(%arg9 : memref<128x128xf32, #tpu.memory_space<vmem>>)
    %dma_wait3A_162 = arith.constant 1 : i32
    %dma_wait3A_163 = arith.constant 0 : i32
    %dma_wait3A_164 = arith.constant 0 : i32
    %dma_wait3A_165 = tpu.memref_slice %arg11[%dma_wait3A_163, %dma_wait3A_164] : memref<64x129xf32, #tpu.memory_space<vmem>> -> memref<64x128xf32, #tpu.memory_space<vmem>>
    %dma_wait3A_166 = arith.constant 0 : i32
    %dma_wait3A_167 = tpu.memref_slice %arg4[%dma_wait3A_162, %dma_wait3A_166, %mul3A_2] : memref<50x64x4096xf32, #tpu.memory_space<hbm>> -> memref<1x64x128xf32, #tpu.memory_space<hbm>>
    %dma_wait3A_168 = tpu.memref_squeeze %dma_wait3A_167 : memref<1x64x128xf32, #tpu.memory_space<hbm>> -> memref<64x128xf32, #tpu.memory_space<hbm>>
    %dma_wait3A_169 = arith.constant 0 : i32
    %dma_wait3A_170 = tpu.memref_slice %arg4[%dma_wait3A_162, %dma_wait3A_169, %mul3A_2] : memref<50x64x4096xf32, #tpu.memory_space<hbm>> -> memref<1x64x128xf32, #tpu.memory_space<hbm>>
    %dma_wait3A_171 = tpu.memref_squeeze %dma_wait3A_170 : memref<1x64x128xf32, #tpu.memory_space<hbm>> -> memref<64x128xf32, #tpu.memory_space<hbm>>
    %dma_wait3A_172 = arith.constant 0 : i32
    %dma_wait3A_173 = arith.constant 0 : i32
    %dma_wait3A_174 = tpu.memref_slice %arg11[%dma_wait3A_172, %dma_wait3A_173] : memref<64x129xf32, #tpu.memory_space<vmem>> -> memref<64x128xf32, #tpu.memory_space<vmem>>
    tpu.wait_dma2 semaphore(%arg17 : memref<!tpu.dma_semaphore, #tpu.memory_space<semaphore_mem>>) src(%dma_wait3A_174 : memref<64x128xf32, #tpu.memory_space<vmem>>) dst(%dma_wait3A_171 : memref<64x128xf32, #tpu.memory_space<hbm>>)
    %scan3A_175 = arith.constant 0 : i32
    %scan3A_176 = arith.constant 0 : i32
    %scan3A_177 = arith.constant 32 : i32
    %scan3A_178 = arith.addi %scan3A_176, %scan3A_177 : i32
    %scan3A_179 = arith.constant 1 : i32
    scf.for %scan3A_481 = %scan3A_176 to %scan3A_178 step %scan3A_179  : i32 {
      %mul3A_482 = arith.constant 4 : i32
      %mul3A_483 = arith.muli %scan3A_481, %mul3A_482 : i32
      %add3A_484 = arith.constant 0 : i32
      %add3A_485 = arith.addi %mul3A_483, %add3A_484 : i32
      %broadcast_in_dim3A = vector.broadcast %add3A_485 : i32 to vector<16xi32>
      %get3A = arith.index_cast %add3A_485 : i32 to index
      %get3A_486 = arith.constant 0 : index
      %get3A_487 = tpu.vector_load %arg9[%get3A, %get3A_486] {strides = array<i32>} : memref<128x128xf32, #tpu.memory_space<vmem>>, vector<16xf32>,
      %get3A_488 = arith.index_cast %add3A_485 : i32 to index
      %get3A_489 = arith.constant 16 : index
      %get3A_490 = tpu.vector_load %arg9[%get3A_488, %get3A_489] {strides = array<i32>} : memref<128x128xf32, #tpu.memory_space<vmem>>, vector<16xf32>,
      %get3A_491 = arith.index_cast %add3A_485 : i32 to index
      %get3A_492 = arith.constant 32 : index
      %get3A_493 = tpu.vector_load %arg9[%get3A_491, %get3A_492] {strides = array<i32>} : memref<128x128xf32, #tpu.memory_space<vmem>>, vector<16xf32>,
      %get3A_494 = arith.index_cast %add3A_485 : i32 to index
      %get3A_495 = arith.constant 48 : index
      %get3A_496 = tpu.vector_load %arg9[%get3A_494, %get3A_495] {strides = array<i32>} : memref<128x128xf32, #tpu.memory_space<vmem>>, vector<16xf32>,
      tpu.vector_store_idx %arg11[%add3A_5, %broadcast_in_dim3A], %get3A_487 : memref<64x129xf32, #tpu.memory_space<vmem>>[vector<16xi32>, vector<16xi32>], vector<16xf32>,
      tpu.vector_store_idx %arg11[%add3A_9, %broadcast_in_dim3A], %get3A_490 : memref<64x129xf32, #tpu.memory_space<vmem>>[vector<16xi32>, vector<16xi32>], vector<16xf32>,
      tpu.vector_store_idx %arg11[%add3A_13, %broadcast_in_dim3A], %get3A_493 : memref<64x129xf32, #tpu.memory_space<vmem>>[vector<16xi32>, vector<16xi32>], vector<16xf32>,
      tpu.vector_store_idx %arg11[%add3A_17, %broadcast_in_dim3A], %get3A_496 : memref<64x129xf32, #tpu.memory_space<vmem>>[vector<16xi32>, vector<16xi32>], vector<16xf32>,
      %mul3A_497 = arith.constant 4 : i32
      %mul3A_498 = arith.muli %scan3A_481, %mul3A_497 : i32
      %add3A_499 = arith.constant 1 : i32
      %add3A_500 = arith.addi %mul3A_498, %add3A_499 : i32
      %broadcast_in_dim3A_501 = vector.broadcast %add3A_500 : i32 to vector<16xi32>
      %get3A_502 = arith.index_cast %add3A_500 : i32 to index
      %get3A_503 = arith.constant 0 : index
      %get3A_504 = tpu.vector_load %arg9[%get3A_502, %get3A_503] {strides = array<i32>} : memref<128x128xf32, #tpu.memory_space<vmem>>, vector<16xf32>,
      %get3A_505 = arith.index_cast %add3A_500 : i32 to index
      %get3A_506 = arith.constant 16 : index
      %get3A_507 = tpu.vector_load %arg9[%get3A_505, %get3A_506] {strides = array<i32>} : memref<128x128xf32, #tpu.memory_space<vmem>>, vector<16xf32>,
      %get3A_508 = arith.index_cast %add3A_500 : i32 to index
      %get3A_509 = arith.constant 32 : index
      %get3A_510 = tpu.vector_load %arg9[%get3A_508, %get3A_509] {strides = array<i32>} : memref<128x128xf32, #tpu.memory_space<vmem>>, vector<16xf32>,
      %get3A_511 = arith.index_cast %add3A_500 : i32 to index
      %get3A_512 = arith.constant 48 : index
      %get3A_513 = tpu.vector_load %arg9[%get3A_511, %get3A_512] {strides = array<i32>} : memref<128x128xf32, #tpu.memory_space<vmem>>, vector<16xf32>,
      tpu.vector_store_idx %arg11[%add3A_5, %broadcast_in_dim3A_501], %get3A_504 : memref<64x129xf32, #tpu.memory_space<vmem>>[vector<16xi32>, vector<16xi32>], vector<16xf32>,
      tpu.vector_store_idx %arg11[%add3A_9, %broadcast_in_dim3A_501], %get3A_507 : memref<64x129xf32, #tpu.memory_space<vmem>>[vector<16xi32>, vector<16xi32>], vector<16xf32>,
      tpu.vector_store_idx %arg11[%add3A_13, %broadcast_in_dim3A_501], %get3A_510 : memref<64x129xf32, #tpu.memory_space<vmem>>[vector<16xi32>, vector<16xi32>], vector<16xf32>,
      tpu.vector_store_idx %arg11[%add3A_17, %broadcast_in_dim3A_501], %get3A_513 : memref<64x129xf32, #tpu.memory_space<vmem>>[vector<16xi32>, vector<16xi32>], vector<16xf32>,
      %mul3A_514 = arith.constant 4 : i32
      %mul3A_515 = arith.muli %scan3A_481, %mul3A_514 : i32
      %add3A_516 = arith.constant 2 : i32
      %add3A_517 = arith.addi %mul3A_515, %add3A_516 : i32
      %broadcast_in_dim3A_518 = vector.broadcast %add3A_517 : i32 to vector<16xi32>
      %get3A_519 = arith.index_cast %add3A_517 : i32 to index
      %get3A_520 = arith.constant 0 : index
      %get3A_521 = tpu.vector_load %arg9[%get3A_519, %get3A_520] {strides = array<i32>} : memref<128x128xf32, #tpu.memory_space<vmem>>, vector<16xf32>,
      %get3A_522 = arith.index_cast %add3A_517 : i32 to index
      %get3A_523 = arith.constant 16 : index
      %get3A_524 = tpu.vector_load %arg9[%get3A_522, %get3A_523] {strides = array<i32>} : memref<128x128xf32, #tpu.memory_space<vmem>>, vector<16xf32>,
      %get3A_525 = arith.index_cast %add3A_517 : i32 to index
      %get3A_526 = arith.constant 32 : index
      %get3A_527 = tpu.vector_load %arg9[%get3A_525, %get3A_526] {strides = array<i32>} : memref<128x128xf32, #tpu.memory_space<vmem>>, vector<16xf32>,
      %get3A_528 = arith.index_cast %add3A_517 : i32 to index
      %get3A_529 = arith.constant 48 : index
      %get3A_530 = tpu.vector_load %arg9[%get3A_528, %get3A_529] {strides = array<i32>} : memref<128x128xf32, #tpu.memory_space<vmem>>, vector<16xf32>,
      tpu.vector_store_idx %arg11[%add3A_5, %broadcast_in_dim3A_518], %get3A_521 : memref<64x129xf32, #tpu.memory_space<vmem>>[vector<16xi32>, vector<16xi32>], vector<16xf32>,
      tpu.vector_store_idx %arg11[%add3A_9, %broadcast_in_dim3A_518], %get3A_524 : memref<64x129xf32, #tpu.memory_space<vmem>>[vector<16xi32>, vector<16xi32>], vector<16xf32>,
      tpu.vector_store_idx %arg11[%add3A_13, %broadcast_in_dim3A_518], %get3A_527 : memref<64x129xf32, #tpu.memory_space<vmem>>[vector<16xi32>, vector<16xi32>], vector<16xf32>,
      tpu.vector_store_idx %arg11[%add3A_17, %broadcast_in_dim3A_518], %get3A_530 : memref<64x129xf32, #tpu.memory_space<vmem>>[vector<16xi32>, vector<16xi32>], vector<16xf32>,
      %mul3A_531 = arith.constant 4 : i32
      %mul3A_532 = arith.muli %scan3A_481, %mul3A_531 : i32
      %add3A_533 = arith.constant 3 : i32
      %add3A_534 = arith.addi %mul3A_532, %add3A_533 : i32
      %broadcast_in_dim3A_535 = vector.broadcast %add3A_534 : i32 to vector<16xi32>
      %get3A_536 = arith.index_cast %add3A_534 : i32 to index
      %get3A_537 = arith.constant 0 : index
      %get3A_538 = tpu.vector_load %arg9[%get3A_536, %get3A_537] {strides = array<i32>} : memref<128x128xf32, #tpu.memory_space<vmem>>, vector<16xf32>,
      %get3A_539 = arith.index_cast %add3A_534 : i32 to index
      %get3A_540 = arith.constant 16 : index
      %get3A_541 = tpu.vector_load %arg9[%get3A_539, %get3A_540] {strides = array<i32>} : memref<128x128xf32, #tpu.memory_space<vmem>>, vector<16xf32>,
      %get3A_542 = arith.index_cast %add3A_534 : i32 to index
      %get3A_543 = arith.constant 32 : index
      %get3A_544 = tpu.vector_load %arg9[%get3A_542, %get3A_543] {strides = array<i32>} : memref<128x128xf32, #tpu.memory_space<vmem>>, vector<16xf32>,
      %get3A_545 = arith.index_cast %add3A_534 : i32 to index
      %get3A_546 = arith.constant 48 : index
      %get3A_547 = tpu.vector_load %arg9[%get3A_545, %get3A_546] {strides = array<i32>} : memref<128x128xf32, #tpu.memory_space<vmem>>, vector<16xf32>,
      tpu.vector_store_idx %arg11[%add3A_5, %broadcast_in_dim3A_535], %get3A_538 : memref<64x129xf32, #tpu.memory_space<vmem>>[vector<16xi32>, vector<16xi32>], vector<16xf32>,
      tpu.vector_store_idx %arg11[%add3A_9, %broadcast_in_dim3A_535], %get3A_541 : memref<64x129xf32, #tpu.memory_space<vmem>>[vector<16xi32>, vector<16xi32>], vector<16xf32>,
      tpu.vector_store_idx %arg11[%add3A_13, %broadcast_in_dim3A_535], %get3A_544 : memref<64x129xf32, #tpu.memory_space<vmem>>[vector<16xi32>, vector<16xi32>], vector<16xf32>,
      tpu.vector_store_idx %arg11[%add3A_17, %broadcast_in_dim3A_535], %get3A_547 : memref<64x129xf32, #tpu.memory_space<vmem>>[vector<16xi32>, vector<16xi32>], vector<16xf32>,
    }
    %scan3A_180 = arith.constant 32 : i32
    %dma_start3A_181 = arith.constant 3 : i32
    %dma_start3A_182 = arith.constant 0 : i32
    %dma_start3A_183 = arith.constant 0 : i32
    %dma_start3A_184 = tpu.memref_slice %arg11[%dma_start3A_182, %dma_start3A_183] : memref<64x129xf32, #tpu.memory_space<vmem>> -> memref<64x128xf32, #tpu.memory_space<vmem>>
    %dma_start3A_185 = arith.constant 0 : i32
    %dma_start3A_186 = tpu.memref_slice %arg4[%dma_start3A_181, %dma_start3A_185, %mul3A_2] : memref<50x64x4096xf32, #tpu.memory_space<hbm>> -> memref<1x64x128xf32, #tpu.memory_space<hbm>>
    %dma_start3A_187 = tpu.memref_squeeze %dma_start3A_186 : memref<1x64x128xf32, #tpu.memory_space<hbm>> -> memref<64x128xf32, #tpu.memory_space<hbm>>
    %dma_start3A_188 = arith.constant 0 : i32
    %dma_start3A_189 = tpu.memref_slice %arg4[%dma_start3A_181, %dma_start3A_188, %mul3A_2] : memref<50x64x4096xf32, #tpu.memory_space<hbm>> -> memref<1x64x128xf32, #tpu.memory_space<hbm>>
    %dma_start3A_190 = tpu.memref_squeeze %dma_start3A_189 : memref<1x64x128xf32, #tpu.memory_space<hbm>> -> memref<64x128xf32, #tpu.memory_space<hbm>>
    %dma_start3A_191 = arith.constant 0 : i32
    %dma_start3A_192 = arith.constant 0 : i32
    %dma_start3A_193 = tpu.memref_slice %arg11[%dma_start3A_191, %dma_start3A_192] : memref<64x129xf32, #tpu.memory_space<vmem>> -> memref<64x128xf32, #tpu.memory_space<vmem>>
    tpu.enqueue_dma source(%dma_start3A_193 : memref<64x128xf32, #tpu.memory_space<vmem>>) target(%dma_start3A_190 : memref<64x128xf32, #tpu.memory_space<hbm>>) target_semaphore(%arg17 : memref<!tpu.dma_semaphore, #tpu.memory_space<semaphore_mem>>)
    %dma_start3A_194 = arith.constant 7 : i32
    %dma_start3A_195 = arith.constant 0 : i32
    %dma_start3A_196 = tpu.memref_slice %arg5[%dma_start3A_194, %dma_start3A_195] : memref<50x128xi32, #tpu.memory_space<vmem>> -> memref<1x128xi32, #tpu.memory_space<vmem>>
    %dma_start3A_197 = tpu.memref_squeeze %dma_start3A_196 : memref<1x128xi32, #tpu.memory_space<vmem>> -> memref<128xi32, #tpu.memory_space<vmem>>
    %dma_start3A_198 = arith.constant 0 : i32
    %dma_start3A_199 = arith.constant 0 : i32
    %dma_start3A_200 = tpu.memref_slice %arg3[%dma_start3A_198, %dma_start3A_199] : memref<1000000x128xf32, #tpu.memory_space<hbm>> -> memref<1000000x128xf32, #tpu.memory_space<hbm>>
    tpu.enqueue_indirect_dma source(%dma_start3A_200 : memref<1000000x128xf32, #tpu.memory_space<hbm>>) target(%arg9 : memref<128x128xf32, #tpu.memory_space<vmem>>) offsets(%dma_start3A_197 : memref<128xi32, #tpu.memory_space<vmem>>) semaphore(%arg15 : memref<!tpu.dma_semaphore, #tpu.memory_space<semaphore_mem>>)
    %scan3A_201 = arith.constant 0 : i32
    %scan3A_202 = arith.constant 1 : i32
    %scan3A_203 = arith.constant 10 : i32
    %scan3A_204 = arith.addi %scan3A_202, %scan3A_203 : i32
    %scan3A_205 = arith.constant 1 : i32
    scf.for %scan3A_481 = %scan3A_202 to %scan3A_204 step %scan3A_205  : i32 {
      %mul3A_482 = arith.constant 4 : i32
      %mul3A_483 = arith.muli %scan3A_481, %mul3A_482 : i32
      %add3A_484 = arith.constant 0 : i32
      %add3A_485 = arith.addi %mul3A_483, %add3A_484 : i32
      %dma_wait3A_486 = arith.constant 0 : i32
      %dma_wait3A_487 = tpu.memref_slice %arg5[%add3A_485, %dma_wait3A_486] : memref<50x128xi32, #tpu.memory_space<vmem>> -> memref<1x128xi32, #tpu.memory_space<vmem>>
      %dma_wait3A_488 = tpu.memref_squeeze %dma_wait3A_487 : memref<1x128xi32, #tpu.memory_space<vmem>> -> memref<128xi32, #tpu.memory_space<vmem>>
      %dma_wait3A_489 = arith.constant 0 : i32
      %dma_wait3A_490 = arith.constant 0 : i32
      %dma_wait3A_491 = tpu.memref_slice %arg3[%dma_wait3A_489, %dma_wait3A_490] : memref<1000000x128xf32, #tpu.memory_space<hbm>> -> memref<1000000x128xf32, #tpu.memory_space<hbm>>
      tpu.wait_indirect_dma semaphore(%arg12 : memref<!tpu.dma_semaphore, #tpu.memory_space<semaphore_mem>>) src(%dma_wait3A_491 : memref<1000000x128xf32, #tpu.memory_space<hbm>>) dst(%arg6 : memref<128x128xf32, #tpu.memory_space<vmem>>)
      %sub3A = arith.constant 2 : i32
      %sub3A_492 = arith.subi %add3A_485, %sub3A : i32
      %dma_wait3A_493 = arith.constant 0 : i32
      %dma_wait3A_494 = arith.constant 0 : i32
      %dma_wait3A_495 = tpu.memref_slice %arg10[%dma_wait3A_493, %dma_wait3A_494] : memref<64x129xf32, #tpu.memory_space<vmem>> -> memref<64x128xf32, #tpu.memory_space<vmem>>
      %dma_wait3A_496 = arith.constant 0 : i32
      %dma_wait3A_497 = tpu.memref_slice %arg4[%sub3A_492, %dma_wait3A_496, %mul3A_2] : memref<50x64x4096xf32, #tpu.memory_space<hbm>> -> memref<1x64x128xf32, #tpu.memory_space<hbm>>
      %dma_wait3A_498 = tpu.memref_squeeze %dma_wait3A_497 : memref<1x64x128xf32, #tpu.memory_space<hbm>> -> memref<64x128xf32, #tpu.memory_space<hbm>>
      %dma_wait3A_499 = arith.constant 0 : i32
      %dma_wait3A_500 = tpu.memref_slice %arg4[%sub3A_492, %dma_wait3A_499, %mul3A_2] : memref<50x64x4096xf32, #tpu.memory_space<hbm>> -> memref<1x64x128xf32, #tpu.memory_space<hbm>>
      %dma_wait3A_501 = tpu.memref_squeeze %dma_wait3A_500 : memref<1x64x128xf32, #tpu.memory_space<hbm>> -> memref<64x128xf32, #tpu.memory_space<hbm>>
      %dma_wait3A_502 = arith.constant 0 : i32
      %dma_wait3A_503 = arith.constant 0 : i32
      %dma_wait3A_504 = tpu.memref_slice %arg10[%dma_wait3A_502, %dma_wait3A_503] : memref<64x129xf32, #tpu.memory_space<vmem>> -> memref<64x128xf32, #tpu.memory_space<vmem>>
      tpu.wait_dma2 semaphore(%arg16 : memref<!tpu.dma_semaphore, #tpu.memory_space<semaphore_mem>>) src(%dma_wait3A_504 : memref<64x128xf32, #tpu.memory_space<vmem>>) dst(%dma_wait3A_501 : memref<64x128xf32, #tpu.memory_space<hbm>>)
      %scan3A_505 = arith.constant 0 : i32
      %scan3A_506 = arith.constant 0 : i32
      %scan3A_507 = arith.constant 32 : i32
      %scan3A_508 = arith.addi %scan3A_506, %scan3A_507 : i32
      %scan3A_509 = arith.constant 1 : i32
      scf.for %scan3A_681 = %scan3A_506 to %scan3A_508 step %scan3A_509  : i32 {
        %mul3A_682 = arith.constant 4 : i32
        %mul3A_683 = arith.muli %scan3A_681, %mul3A_682 : i32
        %add3A_684 = arith.constant 0 : i32
        %add3A_685 = arith.addi %mul3A_683, %add3A_684 : i32
        %broadcast_in_dim3A = vector.broadcast %add3A_685 : i32 to vector<16xi32>
        %get3A = arith.index_cast %add3A_685 : i32 to index
        %get3A_686 = arith.constant 0 : index
        %get3A_687 = tpu.vector_load %arg6[%get3A, %get3A_686] {strides = array<i32>} : memref<128x128xf32, #tpu.memory_space<vmem>>, vector<16xf32>,
        %get3A_688 = arith.index_cast %add3A_685 : i32 to index
        %get3A_689 = arith.constant 16 : index
        %get3A_690 = tpu.vector_load %arg6[%get3A_688, %get3A_689] {strides = array<i32>} : memref<128x128xf32, #tpu.memory_space<vmem>>, vector<16xf32>,
        %get3A_691 = arith.index_cast %add3A_685 : i32 to index
        %get3A_692 = arith.constant 32 : index
        %get3A_693 = tpu.vector_load %arg6[%get3A_691, %get3A_692] {strides = array<i32>} : memref<128x128xf32, #tpu.memory_space<vmem>>, vector<16xf32>,
        %get3A_694 = arith.index_cast %add3A_685 : i32 to index
        %get3A_695 = arith.constant 48 : index
        %get3A_696 = tpu.vector_load %arg6[%get3A_694, %get3A_695] {strides = array<i32>} : memref<128x128xf32, #tpu.memory_space<vmem>>, vector<16xf32>,
        tpu.vector_store_idx %arg10[%add3A_5, %broadcast_in_dim3A], %get3A_687 : memref<64x129xf32, #tpu.memory_space<vmem>>[vector<16xi32>, vector<16xi32>], vector<16xf32>,
        tpu.vector_store_idx %arg10[%add3A_9, %broadcast_in_dim3A], %get3A_690 : memref<64x129xf32, #tpu.memory_space<vmem>>[vector<16xi32>, vector<16xi32>], vector<16xf32>,
        tpu.vector_store_idx %arg10[%add3A_13, %broadcast_in_dim3A], %get3A_693 : memref<64x129xf32, #tpu.memory_space<vmem>>[vector<16xi32>, vector<16xi32>], vector<16xf32>,
        tpu.vector_store_idx %arg10[%add3A_17, %broadcast_in_dim3A], %get3A_696 : memref<64x129xf32, #tpu.memory_space<vmem>>[vector<16xi32>, vector<16xi32>], vector<16xf32>,
        %mul3A_697 = arith.constant 4 : i32
        %mul3A_698 = arith.muli %scan3A_681, %mul3A_697 : i32
        %add3A_699 = arith.constant 1 : i32
        %add3A_700 = arith.addi %mul3A_698, %add3A_699 : i32
        %broadcast_in_dim3A_701 = vector.broadcast %add3A_700 : i32 to vector<16xi32>
        %get3A_702 = arith.index_cast %add3A_700 : i32 to index
        %get3A_703 = arith.constant 0 : index
        %get3A_704 = tpu.vector_load %arg6[%get3A_702, %get3A_703] {strides = array<i32>} : memref<128x128xf32, #tpu.memory_space<vmem>>, vector<16xf32>,
        %get3A_705 = arith.index_cast %add3A_700 : i32 to index
        %get3A_706 = arith.constant 16 : index
        %get3A_707 = tpu.vector_load %arg6[%get3A_705, %get3A_706] {strides = array<i32>} : memref<128x128xf32, #tpu.memory_space<vmem>>, vector<16xf32>,
        %get3A_708 = arith.index_cast %add3A_700 : i32 to index
        %get3A_709 = arith.constant 32 : index
        %get3A_710 = tpu.vector_load %arg6[%get3A_708, %get3A_709] {strides = array<i32>} : memref<128x128xf32, #tpu.memory_space<vmem>>, vector<16xf32>,
        %get3A_711 = arith.index_cast %add3A_700 : i32 to index
        %get3A_712 = arith.constant 48 : index
        %get3A_713 = tpu.vector_load %arg6[%get3A_711, %get3A_712] {strides = array<i32>} : memref<128x128xf32, #tpu.memory_space<vmem>>, vector<16xf32>,
        tpu.vector_store_idx %arg10[%add3A_5, %broadcast_in_dim3A_701], %get3A_704 : memref<64x129xf32, #tpu.memory_space<vmem>>[vector<16xi32>, vector<16xi32>], vector<16xf32>,
        tpu.vector_store_idx %arg10[%add3A_9, %broadcast_in_dim3A_701], %get3A_707 : memref<64x129xf32, #tpu.memory_space<vmem>>[vector<16xi32>, vector<16xi32>], vector<16xf32>,
        tpu.vector_store_idx %arg10[%add3A_13, %broadcast_in_dim3A_701], %get3A_710 : memref<64x129xf32, #tpu.memory_space<vmem>>[vector<16xi32>, vector<16xi32>], vector<16xf32>,
        tpu.vector_store_idx %arg10[%add3A_17, %broadcast_in_dim3A_701], %get3A_713 : memref<64x129xf32, #tpu.memory_space<vmem>>[vector<16xi32>, vector<16xi32>], vector<16xf32>,
        %mul3A_714 = arith.constant 4 : i32
        %mul3A_715 = arith.muli %scan3A_681, %mul3A_714 : i32
        %add3A_716 = arith.constant 2 : i32
        %add3A_717 = arith.addi %mul3A_715, %add3A_716 : i32
        %broadcast_in_dim3A_718 = vector.broadcast %add3A_717 : i32 to vector<16xi32>
        %get3A_719 = arith.index_cast %add3A_717 : i32 to index
        %get3A_720 = arith.constant 0 : index
        %get3A_721 = tpu.vector_load %arg6[%get3A_719, %get3A_720] {strides = array<i32>} : memref<128x128xf32, #tpu.memory_space<vmem>>, vector<16xf32>,
        %get3A_722 = arith.index_cast %add3A_717 : i32 to index
        %get3A_723 = arith.constant 16 : index
        %get3A_724 = tpu.vector_load %arg6[%get3A_722, %get3A_723] {strides = array<i32>} : memref<128x128xf32, #tpu.memory_space<vmem>>, vector<16xf32>,
        %get3A_725 = arith.index_cast %add3A_717 : i32 to index
        %get3A_726 = arith.constant 32 : index
        %get3A_727 = tpu.vector_load %arg6[%get3A_725, %get3A_726] {strides = array<i32>} : memref<128x128xf32, #tpu.memory_space<vmem>>, vector<16xf32>,
        %get3A_728 = arith.index_cast %add3A_717 : i32 to index
        %get3A_729 = arith.constant 48 : index
        %get3A_730 = tpu.vector_load %arg6[%get3A_728, %get3A_729] {strides = array<i32>} : memref<128x128xf32, #tpu.memory_space<vmem>>, vector<16xf32>,
        tpu.vector_store_idx %arg10[%add3A_5, %broadcast_in_dim3A_718], %get3A_721 : memref<64x129xf32, #tpu.memory_space<vmem>>[vector<16xi32>, vector<16xi32>], vector<16xf32>,
        tpu.vector_store_idx %arg10[%add3A_9, %broadcast_in_dim3A_718], %get3A_724 : memref<64x129xf32, #tpu.memory_space<vmem>>[vector<16xi32>, vector<16xi32>], vector<16xf32>,
        tpu.vector_store_idx %arg10[%add3A_13, %broadcast_in_dim3A_718], %get3A_727 : memref<64x129xf32, #tpu.memory_space<vmem>>[vector<16xi32>, vector<16xi32>], vector<16xf32>,
        tpu.vector_store_idx %arg10[%add3A_17, %broadcast_in_dim3A_718], %get3A_730 : memref<64x129xf32, #tpu.memory_space<vmem>>[vector<16xi32>, vector<16xi32>], vector<16xf32>,
        %mul3A_731 = arith.constant 4 : i32
        %mul3A_732 = arith.muli %scan3A_681, %mul3A_731 : i32
        %add3A_733 = arith.constant 3 : i32
        %add3A_734 = arith.addi %mul3A_732, %add3A_733 : i32
        %broadcast_in_dim3A_735 = vector.broadcast %add3A_734 : i32 to vector<16xi32>
        %get3A_736 = arith.index_cast %add3A_734 : i32 to index
        %get3A_737 = arith.constant 0 : index
        %get3A_738 = tpu.vector_load %arg6[%get3A_736, %get3A_737] {strides = array<i32>} : memref<128x128xf32, #tpu.memory_space<vmem>>, vector<16xf32>,
        %get3A_739 = arith.index_cast %add3A_734 : i32 to index
        %get3A_740 = arith.constant 16 : index
        %get3A_741 = tpu.vector_load %arg6[%get3A_739, %get3A_740] {strides = array<i32>} : memref<128x128xf32, #tpu.memory_space<vmem>>, vector<16xf32>,
        %get3A_742 = arith.index_cast %add3A_734 : i32 to index
        %get3A_743 = arith.constant 32 : index
        %get3A_744 = tpu.vector_load %arg6[%get3A_742, %get3A_743] {strides = array<i32>} : memref<128x128xf32, #tpu.memory_space<vmem>>, vector<16xf32>,
        %get3A_745 = arith.index_cast %add3A_734 : i32 to index
        %get3A_746 = arith.constant 48 : index
        %get3A_747 = tpu.vector_load %arg6[%get3A_745, %get3A_746] {strides = array<i32>} : memref<128x128xf32, #tpu.memory_space<vmem>>, vector<16xf32>,
        tpu.vector_store_idx %arg10[%add3A_5, %broadcast_in_dim3A_735], %get3A_738 : memref<64x129xf32, #tpu.memory_space<vmem>>[vector<16xi32>, vector<16xi32>], vector<16xf32>,
        tpu.vector_store_idx %arg10[%add3A_9, %broadcast_in_dim3A_735], %get3A_741 : memref<64x129xf32, #tpu.memory_space<vmem>>[vector<16xi32>, vector<16xi32>], vector<16xf32>,
        tpu.vector_store_idx %arg10[%add3A_13, %broadcast_in_dim3A_735], %get3A_744 : memref<64x129xf32, #tpu.memory_space<vmem>>[vector<16xi32>, vector<16xi32>], vector<16xf32>,
        tpu.vector_store_idx %arg10[%add3A_17, %broadcast_in_dim3A_735], %get3A_747 : memref<64x129xf32, #tpu.memory_space<vmem>>[vector<16xi32>, vector<16xi32>], vector<16xf32>,
      }
      %scan3A_510 = arith.constant 32 : i32
      %dma_start3A_511 = arith.constant 0 : i32
      %dma_start3A_512 = arith.constant 0 : i32
      %dma_start3A_513 = tpu.memref_slice %arg10[%dma_start3A_511, %dma_start3A_512] : memref<64x129xf32, #tpu.memory_space<vmem>> -> memref<64x128xf32, #tpu.memory_space<vmem>>
      %dma_start3A_514 = arith.constant 0 : i32
      %dma_start3A_515 = tpu.memref_slice %arg4[%add3A_485, %dma_start3A_514, %mul3A_2] : memref<50x64x4096xf32, #tpu.memory_space<hbm>> -> memref<1x64x128xf32, #tpu.memory_space<hbm>>
      %dma_start3A_516 = tpu.memref_squeeze %dma_start3A_515 : memref<1x64x128xf32, #tpu.memory_space<hbm>> -> memref<64x128xf32, #tpu.memory_space<hbm>>
      %dma_start3A_517 = arith.constant 0 : i32
      %dma_start3A_518 = tpu.memref_slice %arg4[%add3A_485, %dma_start3A_517, %mul3A_2] : memref<50x64x4096xf32, #tpu.memory_space<hbm>> -> memref<1x64x128xf32, #tpu.memory_space<hbm>>
      %dma_start3A_519 = tpu.memref_squeeze %dma_start3A_518 : memref<1x64x128xf32, #tpu.memory_space<hbm>> -> memref<64x128xf32, #tpu.memory_space<hbm>>
      %dma_start3A_520 = arith.constant 0 : i32
      %dma_start3A_521 = arith.constant 0 : i32
      %dma_start3A_522 = tpu.memref_slice %arg10[%dma_start3A_520, %dma_start3A_521] : memref<64x129xf32, #tpu.memory_space<vmem>> -> memref<64x128xf32, #tpu.memory_space<vmem>>
      tpu.enqueue_dma source(%dma_start3A_522 : memref<64x128xf32, #tpu.memory_space<vmem>>) target(%dma_start3A_519 : memref<64x128xf32, #tpu.memory_space<hbm>>) target_semaphore(%arg16 : memref<!tpu.dma_semaphore, #tpu.memory_space<semaphore_mem>>)
      %add3A_523 = arith.constant 4 : i32
      %add3A_524 = arith.addi %add3A_485, %add3A_523 : i32
      %dma_start3A_525 = arith.constant 0 : i32
      %dma_start3A_526 = tpu.memref_slice %arg5[%add3A_524, %dma_start3A_525] : memref<50x128xi32, #tpu.memory_space<vmem>> -> memref<1x128xi32, #tpu.memory_space<vmem>>
      %dma_start3A_527 = tpu.memref_squeeze %dma_start3A_526 : memref<1x128xi32, #tpu.memory_space<vmem>> -> memref<128xi32, #tpu.memory_space<vmem>>
      %dma_start3A_528 = arith.constant 0 : i32
      %dma_start3A_529 = arith.constant 0 : i32
      %dma_start3A_530 = tpu.memref_slice %arg3[%dma_start3A_528, %dma_start3A_529] : memref<1000000x128xf32, #tpu.memory_space<hbm>> -> memref<1000000x128xf32, #tpu.memory_space<hbm>>
      tpu.enqueue_indirect_dma source(%dma_start3A_530 : memref<1000000x128xf32, #tpu.memory_space<hbm>>) target(%arg6 : memref<128x128xf32, #tpu.memory_space<vmem>>) offsets(%dma_start3A_527 : memref<128xi32, #tpu.memory_space<vmem>>) semaphore(%arg12 : memref<!tpu.dma_semaphore, #tpu.memory_space<semaphore_mem>>)
      %mul3A_531 = arith.constant 4 : i32
      %mul3A_532 = arith.muli %scan3A_481, %mul3A_531 : i32
      %add3A_533 = arith.constant 1 : i32
      %add3A_534 = arith.addi %mul3A_532, %add3A_533 : i32
      %dma_wait3A_535 = arith.constant 0 : i32
      %dma_wait3A_536 = tpu.memref_slice %arg5[%add3A_534, %dma_wait3A_535] : memref<50x128xi32, #tpu.memory_space<vmem>> -> memref<1x128xi32, #tpu.memory_space<vmem>>
      %dma_wait3A_537 = tpu.memref_squeeze %dma_wait3A_536 : memref<1x128xi32, #tpu.memory_space<vmem>> -> memref<128xi32, #tpu.memory_space<vmem>>
      %dma_wait3A_538 = arith.constant 0 : i32
      %dma_wait3A_539 = arith.constant 0 : i32
      %dma_wait3A_540 = tpu.memref_slice %arg3[%dma_wait3A_538, %dma_wait3A_539] : memref<1000000x128xf32, #tpu.memory_space<hbm>> -> memref<1000000x128xf32, #tpu.memory_space<hbm>>
      tpu.wait_indirect_dma semaphore(%arg13 : memref<!tpu.dma_semaphore, #tpu.memory_space<semaphore_mem>>) src(%dma_wait3A_540 : memref<1000000x128xf32, #tpu.memory_space<hbm>>) dst(%arg7 : memref<128x128xf32, #tpu.memory_space<vmem>>)
      %sub3A_541 = arith.constant 2 : i32
      %sub3A_542 = arith.subi %add3A_534, %sub3A_541 : i32
      %dma_wait3A_543 = arith.constant 0 : i32
      %dma_wait3A_544 = arith.constant 0 : i32
      %dma_wait3A_545 = tpu.memref_slice %arg11[%dma_wait3A_543, %dma_wait3A_544] : memref<64x129xf32, #tpu.memory_space<vmem>> -> memref<64x128xf32, #tpu.memory_space<vmem>>
      %dma_wait3A_546 = arith.constant 0 : i32
      %dma_wait3A_547 = tpu.memref_slice %arg4[%sub3A_542, %dma_wait3A_546, %mul3A_2] : memref<50x64x4096xf32, #tpu.memory_space<hbm>> -> memref<1x64x128xf32, #tpu.memory_space<hbm>>
      %dma_wait3A_548 = tpu.memref_squeeze %dma_wait3A_547 : memref<1x64x128xf32, #tpu.memory_space<hbm>> -> memref<64x128xf32, #tpu.memory_space<hbm>>
      %dma_wait3A_549 = arith.constant 0 : i32
      %dma_wait3A_550 = tpu.memref_slice %arg4[%sub3A_542, %dma_wait3A_549, %mul3A_2] : memref<50x64x4096xf32, #tpu.memory_space<hbm>> -> memref<1x64x128xf32, #tpu.memory_space<hbm>>
      %dma_wait3A_551 = tpu.memref_squeeze %dma_wait3A_550 : memref<1x64x128xf32, #tpu.memory_space<hbm>> -> memref<64x128xf32, #tpu.memory_space<hbm>>
      %dma_wait3A_552 = arith.constant 0 : i32
      %dma_wait3A_553 = arith.constant 0 : i32
      %dma_wait3A_554 = tpu.memref_slice %arg11[%dma_wait3A_552, %dma_wait3A_553] : memref<64x129xf32, #tpu.memory_space<vmem>> -> memref<64x128xf32, #tpu.memory_space<vmem>>
      tpu.wait_dma2 semaphore(%arg17 : memref<!tpu.dma_semaphore, #tpu.memory_space<semaphore_mem>>) src(%dma_wait3A_554 : memref<64x128xf32, #tpu.memory_space<vmem>>) dst(%dma_wait3A_551 : memref<64x128xf32, #tpu.memory_space<hbm>>)
      %scan3A_555 = arith.constant 0 : i32
      %scan3A_556 = arith.constant 0 : i32
      %scan3A_557 = arith.constant 32 : i32
      %scan3A_558 = arith.addi %scan3A_556, %scan3A_557 : i32
      %scan3A_559 = arith.constant 1 : i32
      scf.for %scan3A_681 = %scan3A_556 to %scan3A_558 step %scan3A_559  : i32 {
        %mul3A_682 = arith.constant 4 : i32
        %mul3A_683 = arith.muli %scan3A_681, %mul3A_682 : i32
        %add3A_684 = arith.constant 0 : i32
        %add3A_685 = arith.addi %mul3A_683, %add3A_684 : i32
        %broadcast_in_dim3A = vector.broadcast %add3A_685 : i32 to vector<16xi32>
        %get3A = arith.index_cast %add3A_685 : i32 to index
        %get3A_686 = arith.constant 0 : index
        %get3A_687 = tpu.vector_load %arg7[%get3A, %get3A_686] {strides = array<i32>} : memref<128x128xf32, #tpu.memory_space<vmem>>, vector<16xf32>,
        %get3A_688 = arith.index_cast %add3A_685 : i32 to index
        %get3A_689 = arith.constant 16 : index
        %get3A_690 = tpu.vector_load %arg7[%get3A_688, %get3A_689] {strides = array<i32>} : memref<128x128xf32, #tpu.memory_space<vmem>>, vector<16xf32>,
        %get3A_691 = arith.index_cast %add3A_685 : i32 to index
        %get3A_692 = arith.constant 32 : index
        %get3A_693 = tpu.vector_load %arg7[%get3A_691, %get3A_692] {strides = array<i32>} : memref<128x128xf32, #tpu.memory_space<vmem>>, vector<16xf32>,
        %get3A_694 = arith.index_cast %add3A_685 : i32 to index
        %get3A_695 = arith.constant 48 : index
        %get3A_696 = tpu.vector_load %arg7[%get3A_694, %get3A_695] {strides = array<i32>} : memref<128x128xf32, #tpu.memory_space<vmem>>, vector<16xf32>,
        tpu.vector_store_idx %arg11[%add3A_5, %broadcast_in_dim3A], %get3A_687 : memref<64x129xf32, #tpu.memory_space<vmem>>[vector<16xi32>, vector<16xi32>], vector<16xf32>,
        tpu.vector_store_idx %arg11[%add3A_9, %broadcast_in_dim3A], %get3A_690 : memref<64x129xf32, #tpu.memory_space<vmem>>[vector<16xi32>, vector<16xi32>], vector<16xf32>,
        tpu.vector_store_idx %arg11[%add3A_13, %broadcast_in_dim3A], %get3A_693 : memref<64x129xf32, #tpu.memory_space<vmem>>[vector<16xi32>, vector<16xi32>], vector<16xf32>,
        tpu.vector_store_idx %arg11[%add3A_17, %broadcast_in_dim3A], %get3A_696 : memref<64x129xf32, #tpu.memory_space<vmem>>[vector<16xi32>, vector<16xi32>], vector<16xf32>,
        %mul3A_697 = arith.constant 4 : i32
        %mul3A_698 = arith.muli %scan3A_681, %mul3A_697 : i32
        %add3A_699 = arith.constant 1 : i32
        %add3A_700 = arith.addi %mul3A_698, %add3A_699 : i32
        %broadcast_in_dim3A_701 = vector.broadcast %add3A_700 : i32 to vector<16xi32>
        %get3A_702 = arith.index_cast %add3A_700 : i32 to index
        %get3A_703 = arith.constant 0 : index
        %get3A_704 = tpu.vector_load %arg7[%get3A_702, %get3A_703] {strides = array<i32>} : memref<128x128xf32, #tpu.memory_space<vmem>>, vector<16xf32>,
        %get3A_705 = arith.index_cast %add3A_700 : i32 to index
        %get3A_706 = arith.constant 16 : index
        %get3A_707 = tpu.vector_load %arg7[%get3A_705, %get3A_706] {strides = array<i32>} : memref<128x128xf32, #tpu.memory_space<vmem>>, vector<16xf32>,
        %get3A_708 = arith.index_cast %add3A_700 : i32 to index
        %get3A_709 = arith.constant 32 : index
        %get3A_710 = tpu.vector_load %arg7[%get3A_708, %get3A_709] {strides = array<i32>} : memref<128x128xf32, #tpu.memory_space<vmem>>, vector<16xf32>,
        %get3A_711 = arith.index_cast %add3A_700 : i32 to index
        %get3A_712 = arith.constant 48 : index
        %get3A_713 = tpu.vector_load %arg7[%get3A_711, %get3A_712] {strides = array<i32>} : memref<128x128xf32, #tpu.memory_space<vmem>>, vector<16xf32>,
        tpu.vector_store_idx %arg11[%add3A_5, %broadcast_in_dim3A_701], %get3A_704 : memref<64x129xf32, #tpu.memory_space<vmem>>[vector<16xi32>, vector<16xi32>], vector<16xf32>,
        tpu.vector_store_idx %arg11[%add3A_9, %broadcast_in_dim3A_701], %get3A_707 : memref<64x129xf32, #tpu.memory_space<vmem>>[vector<16xi32>, vector<16xi32>], vector<16xf32>,
        tpu.vector_store_idx %arg11[%add3A_13, %broadcast_in_dim3A_701], %get3A_710 : memref<64x129xf32, #tpu.memory_space<vmem>>[vector<16xi32>, vector<16xi32>], vector<16xf32>,
        tpu.vector_store_idx %arg11[%add3A_17, %broadcast_in_dim3A_701], %get3A_713 : memref<64x129xf32, #tpu.memory_space<vmem>>[vector<16xi32>, vector<16xi32>], vector<16xf32>,
        %mul3A_714 = arith.constant 4 : i32
        %mul3A_715 = arith.muli %scan3A_681, %mul3A_714 : i32
        %add3A_716 = arith.constant 2 : i32
        %add3A_717 = arith.addi %mul3A_715, %add3A_716 : i32
        %broadcast_in_dim3A_718 = vector.broadcast %add3A_717 : i32 to vector<16xi32>
        %get3A_719 = arith.index_cast %add3A_717 : i32 to index
        %get3A_720 = arith.constant 0 : index
        %get3A_721 = tpu.vector_load %arg7[%get3A_719, %get3A_720] {strides = array<i32>} : memref<128x128xf32, #tpu.memory_space<vmem>>, vector<16xf32>,
        %get3A_722 = arith.index_cast %add3A_717 : i32 to index
        %get3A_723 = arith.constant 16 : index
        %get3A_724 = tpu.vector_load %arg7[%get3A_722, %get3A_723] {strides = array<i32>} : memref<128x128xf32, #tpu.memory_space<vmem>>, vector<16xf32>,
        %get3A_725 = arith.index_cast %add3A_717 : i32 to index
        %get3A_726 = arith.constant 32 : index
        %get3A_727 = tpu.vector_load %arg7[%get3A_725, %get3A_726] {strides = array<i32>} : memref<128x128xf32, #tpu.memory_space<vmem>>, vector<16xf32>,
        %get3A_728 = arith.index_cast %add3A_717 : i32 to index
        %get3A_729 = arith.constant 48 : index
        %get3A_730 = tpu.vector_load %arg7[%get3A_728, %get3A_729] {strides = array<i32>} : memref<128x128xf32, #tpu.memory_space<vmem>>, vector<16xf32>,
        tpu.vector_store_idx %arg11[%add3A_5, %broadcast_in_dim3A_718], %get3A_721 : memref<64x129xf32, #tpu.memory_space<vmem>>[vector<16xi32>, vector<16xi32>], vector<16xf32>,
        tpu.vector_store_idx %arg11[%add3A_9, %broadcast_in_dim3A_718], %get3A_724 : memref<64x129xf32, #tpu.memory_space<vmem>>[vector<16xi32>, vector<16xi32>], vector<16xf32>,
        tpu.vector_store_idx %arg11[%add3A_13, %broadcast_in_dim3A_718], %get3A_727 : memref<64x129xf32, #tpu.memory_space<vmem>>[vector<16xi32>, vector<16xi32>], vector<16xf32>,
        tpu.vector_store_idx %arg11[%add3A_17, %broadcast_in_dim3A_718], %get3A_730 : memref<64x129xf32, #tpu.memory_space<vmem>>[vector<16xi32>, vector<16xi32>], vector<16xf32>,
        %mul3A_731 = arith.constant 4 : i32
        %mul3A_732 = arith.muli %scan3A_681, %mul3A_731 : i32
        %add3A_733 = arith.constant 3 : i32
        %add3A_734 = arith.addi %mul3A_732, %add3A_733 : i32
        %broadcast_in_dim3A_735 = vector.broadcast %add3A_734 : i32 to vector<16xi32>
        %get3A_736 = arith.index_cast %add3A_734 : i32 to index
        %get3A_737 = arith.constant 0 : index
        %get3A_738 = tpu.vector_load %arg7[%get3A_736, %get3A_737] {strides = array<i32>} : memref<128x128xf32, #tpu.memory_space<vmem>>, vector<16xf32>,
        %get3A_739 = arith.index_cast %add3A_734 : i32 to index
        %get3A_740 = arith.constant 16 : index
        %get3A_741 = tpu.vector_load %arg7[%get3A_739, %get3A_740] {strides = array<i32>} : memref<128x128xf32, #tpu.memory_space<vmem>>, vector<16xf32>,
        %get3A_742 = arith.index_cast %add3A_734 : i32 to index
        %get3A_743 = arith.constant 32 : index
        %get3A_744 = tpu.vector_load %arg7[%get3A_742, %get3A_743] {strides = array<i32>} : memref<128x128xf32, #tpu.memory_space<vmem>>, vector<16xf32>,
        %get3A_745 = arith.index_cast %add3A_734 : i32 to index
        %get3A_746 = arith.constant 48 : index
        %get3A_747 = tpu.vector_load %arg7[%get3A_745, %get3A_746] {strides = array<i32>} : memref<128x128xf32, #tpu.memory_space<vmem>>, vector<16xf32>,
        tpu.vector_store_idx %arg11[%add3A_5, %broadcast_in_dim3A_735], %get3A_738 : memref<64x129xf32, #tpu.memory_space<vmem>>[vector<16xi32>, vector<16xi32>], vector<16xf32>,
        tpu.vector_store_idx %arg11[%add3A_9, %broadcast_in_dim3A_735], %get3A_741 : memref<64x129xf32, #tpu.memory_space<vmem>>[vector<16xi32>, vector<16xi32>], vector<16xf32>,
        tpu.vector_store_idx %arg11[%add3A_13, %broadcast_in_dim3A_735], %get3A_744 : memref<64x129xf32, #tpu.memory_space<vmem>>[vector<16xi32>, vector<16xi32>], vector<16xf32>,
        tpu.vector_store_idx %arg11[%add3A_17, %broadcast_in_dim3A_735], %get3A_747 : memref<64x129xf32, #tpu.memory_space<vmem>>[vector<16xi32>, vector<16xi32>], vector<16xf32>,
      }
      %scan3A_560 = arith.constant 32 : i32
      %dma_start3A_561 = arith.constant 0 : i32
      %dma_start3A_562 = arith.constant 0 : i32
      %dma_start3A_563 = tpu.memref_slice %arg11[%dma_start3A_561, %dma_start3A_562] : memref<64x129xf32, #tpu.memory_space<vmem>> -> memref<64x128xf32, #tpu.memory_space<vmem>>
      %dma_start3A_564 = arith.constant 0 : i32
      %dma_start3A_565 = tpu.memref_slice %arg4[%add3A_534, %dma_start3A_564, %mul3A_2] : memref<50x64x4096xf32, #tpu.memory_space<hbm>> -> memref<1x64x128xf32, #tpu.memory_space<hbm>>
      %dma_start3A_566 = tpu.memref_squeeze %dma_start3A_565 : memref<1x64x128xf32, #tpu.memory_space<hbm>> -> memref<64x128xf32, #tpu.memory_space<hbm>>
      %dma_start3A_567 = arith.constant 0 : i32
      %dma_start3A_568 = tpu.memref_slice %arg4[%add3A_534, %dma_start3A_567, %mul3A_2] : memref<50x64x4096xf32, #tpu.memory_space<hbm>> -> memref<1x64x128xf32, #tpu.memory_space<hbm>>
      %dma_start3A_569 = tpu.memref_squeeze %dma_start3A_568 : memref<1x64x128xf32, #tpu.memory_space<hbm>> -> memref<64x128xf32, #tpu.memory_space<hbm>>
      %dma_start3A_570 = arith.constant 0 : i32
      %dma_start3A_571 = arith.constant 0 : i32
      %dma_start3A_572 = tpu.memref_slice %arg11[%dma_start3A_570, %dma_start3A_571] : memref<64x129xf32, #tpu.memory_space<vmem>> -> memref<64x128xf32, #tpu.memory_space<vmem>>
      tpu.enqueue_dma source(%dma_start3A_572 : memref<64x128xf32, #tpu.memory_space<vmem>>) target(%dma_start3A_569 : memref<64x128xf32, #tpu.memory_space<hbm>>) target_semaphore(%arg17 : memref<!tpu.dma_semaphore, #tpu.memory_space<semaphore_mem>>)
      %add3A_573 = arith.constant 4 : i32
      %add3A_574 = arith.addi %add3A_534, %add3A_573 : i32
      %dma_start3A_575 = arith.constant 0 : i32
      %dma_start3A_576 = tpu.memref_slice %arg5[%add3A_574, %dma_start3A_575] : memref<50x128xi32, #tpu.memory_space<vmem>> -> memref<1x128xi32, #tpu.memory_space<vmem>>
      %dma_start3A_577 = tpu.memref_squeeze %dma_start3A_576 : memref<1x128xi32, #tpu.memory_space<vmem>> -> memref<128xi32, #tpu.memory_space<vmem>>
      %dma_start3A_578 = arith.constant 0 : i32
      %dma_start3A_579 = arith.constant 0 : i32
      %dma_start3A_580 = tpu.memref_slice %arg3[%dma_start3A_578, %dma_start3A_579] : memref<1000000x128xf32, #tpu.memory_space<hbm>> -> memref<1000000x128xf32, #tpu.memory_space<hbm>>
      tpu.enqueue_indirect_dma source(%dma_start3A_580 : memref<1000000x128xf32, #tpu.memory_space<hbm>>) target(%arg7 : memref<128x128xf32, #tpu.memory_space<vmem>>) offsets(%dma_start3A_577 : memref<128xi32, #tpu.memory_space<vmem>>) semaphore(%arg13 : memref<!tpu.dma_semaphore, #tpu.memory_space<semaphore_mem>>)
      %mul3A_581 = arith.constant 4 : i32
      %mul3A_582 = arith.muli %scan3A_481, %mul3A_581 : i32
      %add3A_583 = arith.constant 2 : i32
      %add3A_584 = arith.addi %mul3A_582, %add3A_583 : i32
      %dma_wait3A_585 = arith.constant 0 : i32
      %dma_wait3A_586 = tpu.memref_slice %arg5[%add3A_584, %dma_wait3A_585] : memref<50x128xi32, #tpu.memory_space<vmem>> -> memref<1x128xi32, #tpu.memory_space<vmem>>
      %dma_wait3A_587 = tpu.memref_squeeze %dma_wait3A_586 : memref<1x128xi32, #tpu.memory_space<vmem>> -> memref<128xi32, #tpu.memory_space<vmem>>
      %dma_wait3A_588 = arith.constant 0 : i32
      %dma_wait3A_589 = arith.constant 0 : i32
      %dma_wait3A_590 = tpu.memref_slice %arg3[%dma_wait3A_588, %dma_wait3A_589] : memref<1000000x128xf32, #tpu.memory_space<hbm>> -> memref<1000000x128xf32, #tpu.memory_space<hbm>>
      tpu.wait_indirect_dma semaphore(%arg14 : memref<!tpu.dma_semaphore, #tpu.memory_space<semaphore_mem>>) src(%dma_wait3A_590 : memref<1000000x128xf32, #tpu.memory_space<hbm>>) dst(%arg8 : memref<128x128xf32, #tpu.memory_space<vmem>>)
      %sub3A_591 = arith.constant 2 : i32
      %sub3A_592 = arith.subi %add3A_584, %sub3A_591 : i32
      %dma_wait3A_593 = arith.constant 0 : i32
      %dma_wait3A_594 = arith.constant 0 : i32
      %dma_wait3A_595 = tpu.memref_slice %arg10[%dma_wait3A_593, %dma_wait3A_594] : memref<64x129xf32, #tpu.memory_space<vmem>> -> memref<64x128xf32, #tpu.memory_space<vmem>>
      %dma_wait3A_596 = arith.constant 0 : i32
      %dma_wait3A_597 = tpu.memref_slice %arg4[%sub3A_592, %dma_wait3A_596, %mul3A_2] : memref<50x64x4096xf32, #tpu.memory_space<hbm>> -> memref<1x64x128xf32, #tpu.memory_space<hbm>>
      %dma_wait3A_598 = tpu.memref_squeeze %dma_wait3A_597 : memref<1x64x128xf32, #tpu.memory_space<hbm>> -> memref<64x128xf32, #tpu.memory_space<hbm>>
      %dma_wait3A_599 = arith.constant 0 : i32
      %dma_wait3A_600 = tpu.memref_slice %arg4[%sub3A_592, %dma_wait3A_599, %mul3A_2] : memref<50x64x4096xf32, #tpu.memory_space<hbm>> -> memref<1x64x128xf32, #tpu.memory_space<hbm>>
      %dma_wait3A_601 = tpu.memref_squeeze %dma_wait3A_600 : memref<1x64x128xf32, #tpu.memory_space<hbm>> -> memref<64x128xf32, #tpu.memory_space<hbm>>
      %dma_wait3A_602 = arith.constant 0 : i32
      %dma_wait3A_603 = arith.constant 0 : i32
      %dma_wait3A_604 = tpu.memref_slice %arg10[%dma_wait3A_602, %dma_wait3A_603] : memref<64x129xf32, #tpu.memory_space<vmem>> -> memref<64x128xf32, #tpu.memory_space<vmem>>
      tpu.wait_dma2 semaphore(%arg16 : memref<!tpu.dma_semaphore, #tpu.memory_space<semaphore_mem>>) src(%dma_wait3A_604 : memref<64x128xf32, #tpu.memory_space<vmem>>) dst(%dma_wait3A_601 : memref<64x128xf32, #tpu.memory_space<hbm>>)
      %scan3A_605 = arith.constant 0 : i32
      %scan3A_606 = arith.constant 0 : i32
      %scan3A_607 = arith.constant 32 : i32
      %scan3A_608 = arith.addi %scan3A_606, %scan3A_607 : i32
      %scan3A_609 = arith.constant 1 : i32
      scf.for %scan3A_681 = %scan3A_606 to %scan3A_608 step %scan3A_609  : i32 {
        %mul3A_682 = arith.constant 4 : i32
        %mul3A_683 = arith.muli %scan3A_681, %mul3A_682 : i32
        %add3A_684 = arith.constant 0 : i32
        %add3A_685 = arith.addi %mul3A_683, %add3A_684 : i32
        %broadcast_in_dim3A = vector.broadcast %add3A_685 : i32 to vector<16xi32>
        %get3A = arith.index_cast %add3A_685 : i32 to index
        %get3A_686 = arith.constant 0 : index
        %get3A_687 = tpu.vector_load %arg8[%get3A, %get3A_686] {strides = array<i32>} : memref<128x128xf32, #tpu.memory_space<vmem>>, vector<16xf32>,
        %get3A_688 = arith.index_cast %add3A_685 : i32 to index
        %get3A_689 = arith.constant 16 : index
        %get3A_690 = tpu.vector_load %arg8[%get3A_688, %get3A_689] {strides = array<i32>} : memref<128x128xf32, #tpu.memory_space<vmem>>, vector<16xf32>,
        %get3A_691 = arith.index_cast %add3A_685 : i32 to index
        %get3A_692 = arith.constant 32 : index
        %get3A_693 = tpu.vector_load %arg8[%get3A_691, %get3A_692] {strides = array<i32>} : memref<128x128xf32, #tpu.memory_space<vmem>>, vector<16xf32>,
        %get3A_694 = arith.index_cast %add3A_685 : i32 to index
        %get3A_695 = arith.constant 48 : index
        %get3A_696 = tpu.vector_load %arg8[%get3A_694, %get3A_695] {strides = array<i32>} : memref<128x128xf32, #tpu.memory_space<vmem>>, vector<16xf32>,
        tpu.vector_store_idx %arg10[%add3A_5, %broadcast_in_dim3A], %get3A_687 : memref<64x129xf32, #tpu.memory_space<vmem>>[vector<16xi32>, vector<16xi32>], vector<16xf32>,
        tpu.vector_store_idx %arg10[%add3A_9, %broadcast_in_dim3A], %get3A_690 : memref<64x129xf32, #tpu.memory_space<vmem>>[vector<16xi32>, vector<16xi32>], vector<16xf32>,
        tpu.vector_store_idx %arg10[%add3A_13, %broadcast_in_dim3A], %get3A_693 : memref<64x129xf32, #tpu.memory_space<vmem>>[vector<16xi32>, vector<16xi32>], vector<16xf32>,
        tpu.vector_store_idx %arg10[%add3A_17, %broadcast_in_dim3A], %get3A_696 : memref<64x129xf32, #tpu.memory_space<vmem>>[vector<16xi32>, vector<16xi32>], vector<16xf32>,
        %mul3A_697 = arith.constant 4 : i32
        %mul3A_698 = arith.muli %scan3A_681, %mul3A_697 : i32
        %add3A_699 = arith.constant 1 : i32
        %add3A_700 = arith.addi %mul3A_698, %add3A_699 : i32
        %broadcast_in_dim3A_701 = vector.broadcast %add3A_700 : i32 to vector<16xi32>
        %get3A_702 = arith.index_cast %add3A_700 : i32 to index
        %get3A_703 = arith.constant 0 : index
        %get3A_704 = tpu.vector_load %arg8[%get3A_702, %get3A_703] {strides = array<i32>} : memref<128x128xf32, #tpu.memory_space<vmem>>, vector<16xf32>,
        %get3A_705 = arith.index_cast %add3A_700 : i32 to index
        %get3A_706 = arith.constant 16 : index
        %get3A_707 = tpu.vector_load %arg8[%get3A_705, %get3A_706] {strides = array<i32>} : memref<128x128xf32, #tpu.memory_space<vmem>>, vector<16xf32>,
        %get3A_708 = arith.index_cast %add3A_700 : i32 to index
        %get3A_709 = arith.constant 32 : index
        %get3A_710 = tpu.vector_load %arg8[%get3A_708, %get3A_709] {strides = array<i32>} : memref<128x128xf32, #tpu.memory_space<vmem>>, vector<16xf32>,
        %get3A_711 = arith.index_cast %add3A_700 : i32 to index
        %get3A_712 = arith.constant 48 : index
        %get3A_713 = tpu.vector_load %arg8[%get3A_711, %get3A_712] {strides = array<i32>} : memref<128x128xf32, #tpu.memory_space<vmem>>, vector<16xf32>,
        tpu.vector_store_idx %arg10[%add3A_5, %broadcast_in_dim3A_701], %get3A_704 : memref<64x129xf32, #tpu.memory_space<vmem>>[vector<16xi32>, vector<16xi32>], vector<16xf32>,
        tpu.vector_store_idx %arg10[%add3A_9, %broadcast_in_dim3A_701], %get3A_707 : memref<64x129xf32, #tpu.memory_space<vmem>>[vector<16xi32>, vector<16xi32>], vector<16xf32>,
        tpu.vector_store_idx %arg10[%add3A_13, %broadcast_in_dim3A_701], %get3A_710 : memref<64x129xf32, #tpu.memory_space<vmem>>[vector<16xi32>, vector<16xi32>], vector<16xf32>,
        tpu.vector_store_idx %arg10[%add3A_17, %broadcast_in_dim3A_701], %get3A_713 : memref<64x129xf32, #tpu.memory_space<vmem>>[vector<16xi32>, vector<16xi32>], vector<16xf32>,
        %mul3A_714 = arith.constant 4 : i32
        %mul3A_715 = arith.muli %scan3A_681, %mul3A_714 : i32
        %add3A_716 = arith.constant 2 : i32
        %add3A_717 = arith.addi %mul3A_715, %add3A_716 : i32
        %broadcast_in_dim3A_718 = vector.broadcast %add3A_717 : i32 to vector<16xi32>
        %get3A_719 = arith.index_cast %add3A_717 : i32 to index
        %get3A_720 = arith.constant 0 : index
        %get3A_721 = tpu.vector_load %arg8[%get3A_719, %get3A_720] {strides = array<i32>} : memref<128x128xf32, #tpu.memory_space<vmem>>, vector<16xf32>,
        %get3A_722 = arith.index_cast %add3A_717 : i32 to index
        %get3A_723 = arith.constant 16 : index
        %get3A_724 = tpu.vector_load %arg8[%get3A_722, %get3A_723] {strides = array<i32>} : memref<128x128xf32, #tpu.memory_space<vmem>>, vector<16xf32>,
        %get3A_725 = arith.index_cast %add3A_717 : i32 to index
        %get3A_726 = arith.constant 32 : index
        %get3A_727 = tpu.vector_load %arg8[%get3A_725, %get3A_726] {strides = array<i32>} : memref<128x128xf32, #tpu.memory_space<vmem>>, vector<16xf32>,
        %get3A_728 = arith.index_cast %add3A_717 : i32 to index
        %get3A_729 = arith.constant 48 : index
        %get3A_730 = tpu.vector_load %arg8[%get3A_728, %get3A_729] {strides = array<i32>} : memref<128x128xf32, #tpu.memory_space<vmem>>, vector<16xf32>,
        tpu.vector_store_idx %arg10[%add3A_5, %broadcast_in_dim3A_718], %get3A_721 : memref<64x129xf32, #tpu.memory_space<vmem>>[vector<16xi32>, vector<16xi32>], vector<16xf32>,
        tpu.vector_store_idx %arg10[%add3A_9, %broadcast_in_dim3A_718], %get3A_724 : memref<64x129xf32, #tpu.memory_space<vmem>>[vector<16xi32>, vector<16xi32>], vector<16xf32>,
        tpu.vector_store_idx %arg10[%add3A_13, %broadcast_in_dim3A_718], %get3A_727 : memref<64x129xf32, #tpu.memory_space<vmem>>[vector<16xi32>, vector<16xi32>], vector<16xf32>,
        tpu.vector_store_idx %arg10[%add3A_17, %broadcast_in_dim3A_718], %get3A_730 : memref<64x129xf32, #tpu.memory_space<vmem>>[vector<16xi32>, vector<16xi32>], vector<16xf32>,
        %mul3A_731 = arith.constant 4 : i32
        %mul3A_732 = arith.muli %scan3A_681, %mul3A_731 : i32
        %add3A_733 = arith.constant 3 : i32
        %add3A_734 = arith.addi %mul3A_732, %add3A_733 : i32
        %broadcast_in_dim3A_735 = vector.broadcast %add3A_734 : i32 to vector<16xi32>
        %get3A_736 = arith.index_cast %add3A_734 : i32 to index
        %get3A_737 = arith.constant 0 : index
        %get3A_738 = tpu.vector_load %arg8[%get3A_736, %get3A_737] {strides = array<i32>} : memref<128x128xf32, #tpu.memory_space<vmem>>, vector<16xf32>,
        %get3A_739 = arith.index_cast %add3A_734 : i32 to index
        %get3A_740 = arith.constant 16 : index
        %get3A_741 = tpu.vector_load %arg8[%get3A_739, %get3A_740] {strides = array<i32>} : memref<128x128xf32, #tpu.memory_space<vmem>>, vector<16xf32>,
        %get3A_742 = arith.index_cast %add3A_734 : i32 to index
        %get3A_743 = arith.constant 32 : index
        %get3A_744 = tpu.vector_load %arg8[%get3A_742, %get3A_743] {strides = array<i32>} : memref<128x128xf32, #tpu.memory_space<vmem>>, vector<16xf32>,
        %get3A_745 = arith.index_cast %add3A_734 : i32 to index
        %get3A_746 = arith.constant 48 : index
        %get3A_747 = tpu.vector_load %arg8[%get3A_745, %get3A_746] {strides = array<i32>} : memref<128x128xf32, #tpu.memory_space<vmem>>, vector<16xf32>,
        tpu.vector_store_idx %arg10[%add3A_5, %broadcast_in_dim3A_735], %get3A_738 : memref<64x129xf32, #tpu.memory_space<vmem>>[vector<16xi32>, vector<16xi32>], vector<16xf32>,
        tpu.vector_store_idx %arg10[%add3A_9, %broadcast_in_dim3A_735], %get3A_741 : memref<64x129xf32, #tpu.memory_space<vmem>>[vector<16xi32>, vector<16xi32>], vector<16xf32>,
        tpu.vector_store_idx %arg10[%add3A_13, %broadcast_in_dim3A_735], %get3A_744 : memref<64x129xf32, #tpu.memory_space<vmem>>[vector<16xi32>, vector<16xi32>], vector<16xf32>,
        tpu.vector_store_idx %arg10[%add3A_17, %broadcast_in_dim3A_735], %get3A_747 : memref<64x129xf32, #tpu.memory_space<vmem>>[vector<16xi32>, vector<16xi32>], vector<16xf32>,
      }
      %scan3A_610 = arith.constant 32 : i32
      %dma_start3A_611 = arith.constant 0 : i32
      %dma_start3A_612 = arith.constant 0 : i32
      %dma_start3A_613 = tpu.memref_slice %arg10[%dma_start3A_611, %dma_start3A_612] : memref<64x129xf32, #tpu.memory_space<vmem>> -> memref<64x128xf32, #tpu.memory_space<vmem>>
      %dma_start3A_614 = arith.constant 0 : i32
      %dma_start3A_615 = tpu.memref_slice %arg4[%add3A_584, %dma_start3A_614, %mul3A_2] : memref<50x64x4096xf32, #tpu.memory_space<hbm>> -> memref<1x64x128xf32, #tpu.memory_space<hbm>>
      %dma_start3A_616 = tpu.memref_squeeze %dma_start3A_615 : memref<1x64x128xf32, #tpu.memory_space<hbm>> -> memref<64x128xf32, #tpu.memory_space<hbm>>
      %dma_start3A_617 = arith.constant 0 : i32
      %dma_start3A_618 = tpu.memref_slice %arg4[%add3A_584, %dma_start3A_617, %mul3A_2] : memref<50x64x4096xf32, #tpu.memory_space<hbm>> -> memref<1x64x128xf32, #tpu.memory_space<hbm>>
      %dma_start3A_619 = tpu.memref_squeeze %dma_start3A_618 : memref<1x64x128xf32, #tpu.memory_space<hbm>> -> memref<64x128xf32, #tpu.memory_space<hbm>>
      %dma_start3A_620 = arith.constant 0 : i32
      %dma_start3A_621 = arith.constant 0 : i32
      %dma_start3A_622 = tpu.memref_slice %arg10[%dma_start3A_620, %dma_start3A_621] : memref<64x129xf32, #tpu.memory_space<vmem>> -> memref<64x128xf32, #tpu.memory_space<vmem>>
      tpu.enqueue_dma source(%dma_start3A_622 : memref<64x128xf32, #tpu.memory_space<vmem>>) target(%dma_start3A_619 : memref<64x128xf32, #tpu.memory_space<hbm>>) target_semaphore(%arg16 : memref<!tpu.dma_semaphore, #tpu.memory_space<semaphore_mem>>)
      %add3A_623 = arith.constant 4 : i32
      %add3A_624 = arith.addi %add3A_584, %add3A_623 : i32
      %dma_start3A_625 = arith.constant 0 : i32
      %dma_start3A_626 = tpu.memref_slice %arg5[%add3A_624, %dma_start3A_625] : memref<50x128xi32, #tpu.memory_space<vmem>> -> memref<1x128xi32, #tpu.memory_space<vmem>>
      %dma_start3A_627 = tpu.memref_squeeze %dma_start3A_626 : memref<1x128xi32, #tpu.memory_space<vmem>> -> memref<128xi32, #tpu.memory_space<vmem>>
      %dma_start3A_628 = arith.constant 0 : i32
      %dma_start3A_629 = arith.constant 0 : i32
      %dma_start3A_630 = tpu.memref_slice %arg3[%dma_start3A_628, %dma_start3A_629] : memref<1000000x128xf32, #tpu.memory_space<hbm>> -> memref<1000000x128xf32, #tpu.memory_space<hbm>>
      tpu.enqueue_indirect_dma source(%dma_start3A_630 : memref<1000000x128xf32, #tpu.memory_space<hbm>>) target(%arg8 : memref<128x128xf32, #tpu.memory_space<vmem>>) offsets(%dma_start3A_627 : memref<128xi32, #tpu.memory_space<vmem>>) semaphore(%arg14 : memref<!tpu.dma_semaphore, #tpu.memory_space<semaphore_mem>>)
      %mul3A_631 = arith.constant 4 : i32
      %mul3A_632 = arith.muli %scan3A_481, %mul3A_631 : i32
      %add3A_633 = arith.constant 3 : i32
      %add3A_634 = arith.addi %mul3A_632, %add3A_633 : i32
      %dma_wait3A_635 = arith.constant 0 : i32
      %dma_wait3A_636 = tpu.memref_slice %arg5[%add3A_634, %dma_wait3A_635] : memref<50x128xi32, #tpu.memory_space<vmem>> -> memref<1x128xi32, #tpu.memory_space<vmem>>
      %dma_wait3A_637 = tpu.memref_squeeze %dma_wait3A_636 : memref<1x128xi32, #tpu.memory_space<vmem>> -> memref<128xi32, #tpu.memory_space<vmem>>
      %dma_wait3A_638 = arith.constant 0 : i32
      %dma_wait3A_639 = arith.constant 0 : i32
      %dma_wait3A_640 = tpu.memref_slice %arg3[%dma_wait3A_638, %dma_wait3A_639] : memref<1000000x128xf32, #tpu.memory_space<hbm>> -> memref<1000000x128xf32, #tpu.memory_space<hbm>>
      tpu.wait_indirect_dma semaphore(%arg15 : memref<!tpu.dma_semaphore, #tpu.memory_space<semaphore_mem>>) src(%dma_wait3A_640 : memref<1000000x128xf32, #tpu.memory_space<hbm>>) dst(%arg9 : memref<128x128xf32, #tpu.memory_space<vmem>>)
      %sub3A_641 = arith.constant 2 : i32
      %sub3A_642 = arith.subi %add3A_634, %sub3A_641 : i32
      %dma_wait3A_643 = arith.constant 0 : i32
      %dma_wait3A_644 = arith.constant 0 : i32
      %dma_wait3A_645 = tpu.memref_slice %arg11[%dma_wait3A_643, %dma_wait3A_644] : memref<64x129xf32, #tpu.memory_space<vmem>> -> memref<64x128xf32, #tpu.memory_space<vmem>>
      %dma_wait3A_646 = arith.constant 0 : i32
      %dma_wait3A_647 = tpu.memref_slice %arg4[%sub3A_642, %dma_wait3A_646, %mul3A_2] : memref<50x64x4096xf32, #tpu.memory_space<hbm>> -> memref<1x64x128xf32, #tpu.memory_space<hbm>>
      %dma_wait3A_648 = tpu.memref_squeeze %dma_wait3A_647 : memref<1x64x128xf32, #tpu.memory_space<hbm>> -> memref<64x128xf32, #tpu.memory_space<hbm>>
      %dma_wait3A_649 = arith.constant 0 : i32
      %dma_wait3A_650 = tpu.memref_slice %arg4[%sub3A_642, %dma_wait3A_649, %mul3A_2] : memref<50x64x4096xf32, #tpu.memory_space<hbm>> -> memref<1x64x128xf32, #tpu.memory_space<hbm>>
      %dma_wait3A_651 = tpu.memref_squeeze %dma_wait3A_650 : memref<1x64x128xf32, #tpu.memory_space<hbm>> -> memref<64x128xf32, #tpu.memory_space<hbm>>
      %dma_wait3A_652 = arith.constant 0 : i32
      %dma_wait3A_653 = arith.constant 0 : i32
      %dma_wait3A_654 = tpu.memref_slice %arg11[%dma_wait3A_652, %dma_wait3A_653] : memref<64x129xf32, #tpu.memory_space<vmem>> -> memref<64x128xf32, #tpu.memory_space<vmem>>
      tpu.wait_dma2 semaphore(%arg17 : memref<!tpu.dma_semaphore, #tpu.memory_space<semaphore_mem>>) src(%dma_wait3A_654 : memref<64x128xf32, #tpu.memory_space<vmem>>) dst(%dma_wait3A_651 : memref<64x128xf32, #tpu.memory_space<hbm>>)
      %scan3A_655 = arith.constant 0 : i32
      %scan3A_656 = arith.constant 0 : i32
      %scan3A_657 = arith.constant 32 : i32
      %scan3A_658 = arith.addi %scan3A_656, %scan3A_657 : i32
      %scan3A_659 = arith.constant 1 : i32
      scf.for %scan3A_681 = %scan3A_656 to %scan3A_658 step %scan3A_659  : i32 {
        %mul3A_682 = arith.constant 4 : i32
        %mul3A_683 = arith.muli %scan3A_681, %mul3A_682 : i32
        %add3A_684 = arith.constant 0 : i32
        %add3A_685 = arith.addi %mul3A_683, %add3A_684 : i32
        %broadcast_in_dim3A = vector.broadcast %add3A_685 : i32 to vector<16xi32>
        %get3A = arith.index_cast %add3A_685 : i32 to index
        %get3A_686 = arith.constant 0 : index
        %get3A_687 = tpu.vector_load %arg9[%get3A, %get3A_686] {strides = array<i32>} : memref<128x128xf32, #tpu.memory_space<vmem>>, vector<16xf32>,
        %get3A_688 = arith.index_cast %add3A_685 : i32 to index
        %get3A_689 = arith.constant 16 : index
        %get3A_690 = tpu.vector_load %arg9[%get3A_688, %get3A_689] {strides = array<i32>} : memref<128x128xf32, #tpu.memory_space<vmem>>, vector<16xf32>,
        %get3A_691 = arith.index_cast %add3A_685 : i32 to index
        %get3A_692 = arith.constant 32 : index
        %get3A_693 = tpu.vector_load %arg9[%get3A_691, %get3A_692] {strides = array<i32>} : memref<128x128xf32, #tpu.memory_space<vmem>>, vector<16xf32>,
        %get3A_694 = arith.index_cast %add3A_685 : i32 to index
        %get3A_695 = arith.constant 48 : index
        %get3A_696 = tpu.vector_load %arg9[%get3A_694, %get3A_695] {strides = array<i32>} : memref<128x128xf32, #tpu.memory_space<vmem>>, vector<16xf32>,
        tpu.vector_store_idx %arg11[%add3A_5, %broadcast_in_dim3A], %get3A_687 : memref<64x129xf32, #tpu.memory_space<vmem>>[vector<16xi32>, vector<16xi32>], vector<16xf32>,
        tpu.vector_store_idx %arg11[%add3A_9, %broadcast_in_dim3A], %get3A_690 : memref<64x129xf32, #tpu.memory_space<vmem>>[vector<16xi32>, vector<16xi32>], vector<16xf32>,
        tpu.vector_store_idx %arg11[%add3A_13, %broadcast_in_dim3A], %get3A_693 : memref<64x129xf32, #tpu.memory_space<vmem>>[vector<16xi32>, vector<16xi32>], vector<16xf32>,
        tpu.vector_store_idx %arg11[%add3A_17, %broadcast_in_dim3A], %get3A_696 : memref<64x129xf32, #tpu.memory_space<vmem>>[vector<16xi32>, vector<16xi32>], vector<16xf32>,
        %mul3A_697 = arith.constant 4 : i32
        %mul3A_698 = arith.muli %scan3A_681, %mul3A_697 : i32
        %add3A_699 = arith.constant 1 : i32
        %add3A_700 = arith.addi %mul3A_698, %add3A_699 : i32
        %broadcast_in_dim3A_701 = vector.broadcast %add3A_700 : i32 to vector<16xi32>
        %get3A_702 = arith.index_cast %add3A_700 : i32 to index
        %get3A_703 = arith.constant 0 : index
        %get3A_704 = tpu.vector_load %arg9[%get3A_702, %get3A_703] {strides = array<i32>} : memref<128x128xf32, #tpu.memory_space<vmem>>, vector<16xf32>,
        %get3A_705 = arith.index_cast %add3A_700 : i32 to index
        %get3A_706 = arith.constant 16 : index
        %get3A_707 = tpu.vector_load %arg9[%get3A_705, %get3A_706] {strides = array<i32>} : memref<128x128xf32, #tpu.memory_space<vmem>>, vector<16xf32>,
        %get3A_708 = arith.index_cast %add3A_700 : i32 to index
        %get3A_709 = arith.constant 32 : index
        %get3A_710 = tpu.vector_load %arg9[%get3A_708, %get3A_709] {strides = array<i32>} : memref<128x128xf32, #tpu.memory_space<vmem>>, vector<16xf32>,
        %get3A_711 = arith.index_cast %add3A_700 : i32 to index
        %get3A_712 = arith.constant 48 : index
        %get3A_713 = tpu.vector_load %arg9[%get3A_711, %get3A_712] {strides = array<i32>} : memref<128x128xf32, #tpu.memory_space<vmem>>, vector<16xf32>,
        tpu.vector_store_idx %arg11[%add3A_5, %broadcast_in_dim3A_701], %get3A_704 : memref<64x129xf32, #tpu.memory_space<vmem>>[vector<16xi32>, vector<16xi32>], vector<16xf32>,
        tpu.vector_store_idx %arg11[%add3A_9, %broadcast_in_dim3A_701], %get3A_707 : memref<64x129xf32, #tpu.memory_space<vmem>>[vector<16xi32>, vector<16xi32>], vector<16xf32>,
        tpu.vector_store_idx %arg11[%add3A_13, %broadcast_in_dim3A_701], %get3A_710 : memref<64x129xf32, #tpu.memory_space<vmem>>[vector<16xi32>, vector<16xi32>], vector<16xf32>,
        tpu.vector_store_idx %arg11[%add3A_17, %broadcast_in_dim3A_701], %get3A_713 : memref<64x129xf32, #tpu.memory_space<vmem>>[vector<16xi32>, vector<16xi32>], vector<16xf32>,
        %mul3A_714 = arith.constant 4 : i32
        %mul3A_715 = arith.muli %scan3A_681, %mul3A_714 : i32
        %add3A_716 = arith.constant 2 : i32
        %add3A_717 = arith.addi %mul3A_715, %add3A_716 : i32
        %broadcast_in_dim3A_718 = vector.broadcast %add3A_717 : i32 to vector<16xi32>
        %get3A_719 = arith.index_cast %add3A_717 : i32 to index
        %get3A_720 = arith.constant 0 : index
        %get3A_721 = tpu.vector_load %arg9[%get3A_719, %get3A_720] {strides = array<i32>} : memref<128x128xf32, #tpu.memory_space<vmem>>, vector<16xf32>,
        %get3A_722 = arith.index_cast %add3A_717 : i32 to index
        %get3A_723 = arith.constant 16 : index
        %get3A_724 = tpu.vector_load %arg9[%get3A_722, %get3A_723] {strides = array<i32>} : memref<128x128xf32, #tpu.memory_space<vmem>>, vector<16xf32>,
        %get3A_725 = arith.index_cast %add3A_717 : i32 to index
        %get3A_726 = arith.constant 32 : index
        %get3A_727 = tpu.vector_load %arg9[%get3A_725, %get3A_726] {strides = array<i32>} : memref<128x128xf32, #tpu.memory_space<vmem>>, vector<16xf32>,
        %get3A_728 = arith.index_cast %add3A_717 : i32 to index
        %get3A_729 = arith.constant 48 : index
        %get3A_730 = tpu.vector_load %arg9[%get3A_728, %get3A_729] {strides = array<i32>} : memref<128x128xf32, #tpu.memory_space<vmem>>, vector<16xf32>,
        tpu.vector_store_idx %arg11[%add3A_5, %broadcast_in_dim3A_718], %get3A_721 : memref<64x129xf32, #tpu.memory_space<vmem>>[vector<16xi32>, vector<16xi32>], vector<16xf32>,
        tpu.vector_store_idx %arg11[%add3A_9, %broadcast_in_dim3A_718], %get3A_724 : memref<64x129xf32, #tpu.memory_space<vmem>>[vector<16xi32>, vector<16xi32>], vector<16xf32>,
        tpu.vector_store_idx %arg11[%add3A_13, %broadcast_in_dim3A_718], %get3A_727 : memref<64x129xf32, #tpu.memory_space<vmem>>[vector<16xi32>, vector<16xi32>], vector<16xf32>,
        tpu.vector_store_idx %arg11[%add3A_17, %broadcast_in_dim3A_718], %get3A_730 : memref<64x129xf32, #tpu.memory_space<vmem>>[vector<16xi32>, vector<16xi32>], vector<16xf32>,
        %mul3A_731 = arith.constant 4 : i32
        %mul3A_732 = arith.muli %scan3A_681, %mul3A_731 : i32
        %add3A_733 = arith.constant 3 : i32
        %add3A_734 = arith.addi %mul3A_732, %add3A_733 : i32
        %broadcast_in_dim3A_735 = vector.broadcast %add3A_734 : i32 to vector<16xi32>
        %get3A_736 = arith.index_cast %add3A_734 : i32 to index
        %get3A_737 = arith.constant 0 : index
        %get3A_738 = tpu.vector_load %arg9[%get3A_736, %get3A_737] {strides = array<i32>} : memref<128x128xf32, #tpu.memory_space<vmem>>, vector<16xf32>,
        %get3A_739 = arith.index_cast %add3A_734 : i32 to index
        %get3A_740 = arith.constant 16 : index
        %get3A_741 = tpu.vector_load %arg9[%get3A_739, %get3A_740] {strides = array<i32>} : memref<128x128xf32, #tpu.memory_space<vmem>>, vector<16xf32>,
        %get3A_742 = arith.index_cast %add3A_734 : i32 to index
        %get3A_743 = arith.constant 32 : index
        %get3A_744 = tpu.vector_load %arg9[%get3A_742, %get3A_743] {strides = array<i32>} : memref<128x128xf32, #tpu.memory_space<vmem>>, vector<16xf32>,
        %get3A_745 = arith.index_cast %add3A_734 : i32 to index
        %get3A_746 = arith.constant 48 : index
        %get3A_747 = tpu.vector_load %arg9[%get3A_745, %get3A_746] {strides = array<i32>} : memref<128x128xf32, #tpu.memory_space<vmem>>, vector<16xf32>,
        tpu.vector_store_idx %arg11[%add3A_5, %broadcast_in_dim3A_735], %get3A_738 : memref<64x129xf32, #tpu.memory_space<vmem>>[vector<16xi32>, vector<16xi32>], vector<16xf32>,
        tpu.vector_store_idx %arg11[%add3A_9, %broadcast_in_dim3A_735], %get3A_741 : memref<64x129xf32, #tpu.memory_space<vmem>>[vector<16xi32>, vector<16xi32>], vector<16xf32>,
        tpu.vector_store_idx %arg11[%add3A_13, %broadcast_in_dim3A_735], %get3A_744 : memref<64x129xf32, #tpu.memory_space<vmem>>[vector<16xi32>, vector<16xi32>], vector<16xf32>,
        tpu.vector_store_idx %arg11[%add3A_17, %broadcast_in_dim3A_735], %get3A_747 : memref<64x129xf32, #tpu.memory_space<vmem>>[vector<16xi32>, vector<16xi32>], vector<16xf32>,
      }
      %scan3A_660 = arith.constant 32 : i32
      %dma_start3A_661 = arith.constant 0 : i32
      %dma_start3A_662 = arith.constant 0 : i32
      %dma_start3A_663 = tpu.memref_slice %arg11[%dma_start3A_661, %dma_start3A_662] : memref<64x129xf32, #tpu.memory_space<vmem>> -> memref<64x128xf32, #tpu.memory_space<vmem>>
      %dma_start3A_664 = arith.constant 0 : i32
      %dma_start3A_665 = tpu.memref_slice %arg4[%add3A_634, %dma_start3A_664, %mul3A_2] : memref<50x64x4096xf32, #tpu.memory_space<hbm>> -> memref<1x64x128xf32, #tpu.memory_space<hbm>>
      %dma_start3A_666 = tpu.memref_squeeze %dma_start3A_665 : memref<1x64x128xf32, #tpu.memory_space<hbm>> -> memref<64x128xf32, #tpu.memory_space<hbm>>
      %dma_start3A_667 = arith.constant 0 : i32
      %dma_start3A_668 = tpu.memref_slice %arg4[%add3A_634, %dma_start3A_667, %mul3A_2] : memref<50x64x4096xf32, #tpu.memory_space<hbm>> -> memref<1x64x128xf32, #tpu.memory_space<hbm>>
      %dma_start3A_669 = tpu.memref_squeeze %dma_start3A_668 : memref<1x64x128xf32, #tpu.memory_space<hbm>> -> memref<64x128xf32, #tpu.memory_space<hbm>>
      %dma_start3A_670 = arith.constant 0 : i32
      %dma_start3A_671 = arith.constant 0 : i32
      %dma_start3A_672 = tpu.memref_slice %arg11[%dma_start3A_670, %dma_start3A_671] : memref<64x129xf32, #tpu.memory_space<vmem>> -> memref<64x128xf32, #tpu.memory_space<vmem>>
      tpu.enqueue_dma source(%dma_start3A_672 : memref<64x128xf32, #tpu.memory_space<vmem>>) target(%dma_start3A_669 : memref<64x128xf32, #tpu.memory_space<hbm>>) target_semaphore(%arg17 : memref<!tpu.dma_semaphore, #tpu.memory_space<semaphore_mem>>)
      %add3A_673 = arith.constant 4 : i32
      %add3A_674 = arith.addi %add3A_634, %add3A_673 : i32
      %dma_start3A_675 = arith.constant 0 : i32
      %dma_start3A_676 = tpu.memref_slice %arg5[%add3A_674, %dma_start3A_675] : memref<50x128xi32, #tpu.memory_space<vmem>> -> memref<1x128xi32, #tpu.memory_space<vmem>>
      %dma_start3A_677 = tpu.memref_squeeze %dma_start3A_676 : memref<1x128xi32, #tpu.memory_space<vmem>> -> memref<128xi32, #tpu.memory_space<vmem>>
      %dma_start3A_678 = arith.constant 0 : i32
      %dma_start3A_679 = arith.constant 0 : i32
      %dma_start3A_680 = tpu.memref_slice %arg3[%dma_start3A_678, %dma_start3A_679] : memref<1000000x128xf32, #tpu.memory_space<hbm>> -> memref<1000000x128xf32, #tpu.memory_space<hbm>>
      tpu.enqueue_indirect_dma source(%dma_start3A_680 : memref<1000000x128xf32, #tpu.memory_space<hbm>>) target(%arg9 : memref<128x128xf32, #tpu.memory_space<vmem>>) offsets(%dma_start3A_677 : memref<128xi32, #tpu.memory_space<vmem>>) semaphore(%arg15 : memref<!tpu.dma_semaphore, #tpu.memory_space<semaphore_mem>>)
    }
    %scan3A_206 = arith.constant 10 : i32
    %dma_wait3A_207 = arith.constant 44 : i32
    %dma_wait3A_208 = arith.constant 0 : i32
    %dma_wait3A_209 = tpu.memref_slice %arg5[%dma_wait3A_207, %dma_wait3A_208] : memref<50x128xi32, #tpu.memory_space<vmem>> -> memref<1x128xi32, #tpu.memory_space<vmem>>
    %dma_wait3A_210 = tpu.memref_squeeze %dma_wait3A_209 : memref<1x128xi32, #tpu.memory_space<vmem>> -> memref<128xi32, #tpu.memory_space<vmem>>
    %dma_wait3A_211 = arith.constant 0 : i32
    %dma_wait3A_212 = arith.constant 0 : i32
    %dma_wait3A_213 = tpu.memref_slice %arg3[%dma_wait3A_211, %dma_wait3A_212] : memref<1000000x128xf32, #tpu.memory_space<hbm>> -> memref<1000000x128xf32, #tpu.memory_space<hbm>>
    tpu.wait_indirect_dma semaphore(%arg12 : memref<!tpu.dma_semaphore, #tpu.memory_space<semaphore_mem>>) src(%dma_wait3A_213 : memref<1000000x128xf32, #tpu.memory_space<hbm>>) dst(%arg6 : memref<128x128xf32, #tpu.memory_space<vmem>>)
    %dma_wait3A_214 = arith.constant 42 : i32
    %dma_wait3A_215 = arith.constant 0 : i32
    %dma_wait3A_216 = arith.constant 0 : i32
    %dma_wait3A_217 = tpu.memref_slice %arg10[%dma_wait3A_215, %dma_wait3A_216] : memref<64x129xf32, #tpu.memory_space<vmem>> -> memref<64x128xf32, #tpu.memory_space<vmem>>
    %dma_wait3A_218 = arith.constant 0 : i32
    %dma_wait3A_219 = tpu.memref_slice %arg4[%dma_wait3A_214, %dma_wait3A_218, %mul3A_2] : memref<50x64x4096xf32, #tpu.memory_space<hbm>> -> memref<1x64x128xf32, #tpu.memory_space<hbm>>
    %dma_wait3A_220 = tpu.memref_squeeze %dma_wait3A_219 : memref<1x64x128xf32, #tpu.memory_space<hbm>> -> memref<64x128xf32, #tpu.memory_space<hbm>>
    %dma_wait3A_221 = arith.constant 0 : i32
    %dma_wait3A_222 = tpu.memref_slice %arg4[%dma_wait3A_214, %dma_wait3A_221, %mul3A_2] : memref<50x64x4096xf32, #tpu.memory_space<hbm>> -> memref<1x64x128xf32, #tpu.memory_space<hbm>>
    %dma_wait3A_223 = tpu.memref_squeeze %dma_wait3A_222 : memref<1x64x128xf32, #tpu.memory_space<hbm>> -> memref<64x128xf32, #tpu.memory_space<hbm>>
    %dma_wait3A_224 = arith.constant 0 : i32
    %dma_wait3A_225 = arith.constant 0 : i32
    %dma_wait3A_226 = tpu.memref_slice %arg10[%dma_wait3A_224, %dma_wait3A_225] : memref<64x129xf32, #tpu.memory_space<vmem>> -> memref<64x128xf32, #tpu.memory_space<vmem>>
    tpu.wait_dma2 semaphore(%arg16 : memref<!tpu.dma_semaphore, #tpu.memory_space<semaphore_mem>>) src(%dma_wait3A_226 : memref<64x128xf32, #tpu.memory_space<vmem>>) dst(%dma_wait3A_223 : memref<64x128xf32, #tpu.memory_space<hbm>>)
    %scan3A_227 = arith.constant 0 : i32
    %scan3A_228 = arith.constant 0 : i32
    %scan3A_229 = arith.constant 32 : i32
    %scan3A_230 = arith.addi %scan3A_228, %scan3A_229 : i32
    %scan3A_231 = arith.constant 1 : i32
    scf.for %scan3A_481 = %scan3A_228 to %scan3A_230 step %scan3A_231  : i32 {
      %mul3A_482 = arith.constant 4 : i32
      %mul3A_483 = arith.muli %scan3A_481, %mul3A_482 : i32
      %add3A_484 = arith.constant 0 : i32
      %add3A_485 = arith.addi %mul3A_483, %add3A_484 : i32
      %broadcast_in_dim3A = vector.broadcast %add3A_485 : i32 to vector<16xi32>
      %get3A = arith.index_cast %add3A_485 : i32 to index
      %get3A_486 = arith.constant 0 : index
      %get3A_487 = tpu.vector_load %arg6[%get3A, %get3A_486] {strides = array<i32>} : memref<128x128xf32, #tpu.memory_space<vmem>>, vector<16xf32>,
      %get3A_488 = arith.index_cast %add3A_485 : i32 to index
      %get3A_489 = arith.constant 16 : index
      %get3A_490 = tpu.vector_load %arg6[%get3A_488, %get3A_489] {strides = array<i32>} : memref<128x128xf32, #tpu.memory_space<vmem>>, vector<16xf32>,
      %get3A_491 = arith.index_cast %add3A_485 : i32 to index
      %get3A_492 = arith.constant 32 : index
      %get3A_493 = tpu.vector_load %arg6[%get3A_491, %get3A_492] {strides = array<i32>} : memref<128x128xf32, #tpu.memory_space<vmem>>, vector<16xf32>,
      %get3A_494 = arith.index_cast %add3A_485 : i32 to index
      %get3A_495 = arith.constant 48 : index
      %get3A_496 = tpu.vector_load %arg6[%get3A_494, %get3A_495] {strides = array<i32>} : memref<128x128xf32, #tpu.memory_space<vmem>>, vector<16xf32>,
      tpu.vector_store_idx %arg10[%add3A_5, %broadcast_in_dim3A], %get3A_487 : memref<64x129xf32, #tpu.memory_space<vmem>>[vector<16xi32>, vector<16xi32>], vector<16xf32>,
      tpu.vector_store_idx %arg10[%add3A_9, %broadcast_in_dim3A], %get3A_490 : memref<64x129xf32, #tpu.memory_space<vmem>>[vector<16xi32>, vector<16xi32>], vector<16xf32>,
      tpu.vector_store_idx %arg10[%add3A_13, %broadcast_in_dim3A], %get3A_493 : memref<64x129xf32, #tpu.memory_space<vmem>>[vector<16xi32>, vector<16xi32>], vector<16xf32>,
      tpu.vector_store_idx %arg10[%add3A_17, %broadcast_in_dim3A], %get3A_496 : memref<64x129xf32, #tpu.memory_space<vmem>>[vector<16xi32>, vector<16xi32>], vector<16xf32>,
      %mul3A_497 = arith.constant 4 : i32
      %mul3A_498 = arith.muli %scan3A_481, %mul3A_497 : i32
      %add3A_499 = arith.constant 1 : i32
      %add3A_500 = arith.addi %mul3A_498, %add3A_499 : i32
      %broadcast_in_dim3A_501 = vector.broadcast %add3A_500 : i32 to vector<16xi32>
      %get3A_502 = arith.index_cast %add3A_500 : i32 to index
      %get3A_503 = arith.constant 0 : index
      %get3A_504 = tpu.vector_load %arg6[%get3A_502, %get3A_503] {strides = array<i32>} : memref<128x128xf32, #tpu.memory_space<vmem>>, vector<16xf32>,
      %get3A_505 = arith.index_cast %add3A_500 : i32 to index
      %get3A_506 = arith.constant 16 : index
      %get3A_507 = tpu.vector_load %arg6[%get3A_505, %get3A_506] {strides = array<i32>} : memref<128x128xf32, #tpu.memory_space<vmem>>, vector<16xf32>,
      %get3A_508 = arith.index_cast %add3A_500 : i32 to index
      %get3A_509 = arith.constant 32 : index
      %get3A_510 = tpu.vector_load %arg6[%get3A_508, %get3A_509] {strides = array<i32>} : memref<128x128xf32, #tpu.memory_space<vmem>>, vector<16xf32>,
      %get3A_511 = arith.index_cast %add3A_500 : i32 to index
      %get3A_512 = arith.constant 48 : index
      %get3A_513 = tpu.vector_load %arg6[%get3A_511, %get3A_512] {strides = array<i32>} : memref<128x128xf32, #tpu.memory_space<vmem>>, vector<16xf32>,
      tpu.vector_store_idx %arg10[%add3A_5, %broadcast_in_dim3A_501], %get3A_504 : memref<64x129xf32, #tpu.memory_space<vmem>>[vector<16xi32>, vector<16xi32>], vector<16xf32>,
      tpu.vector_store_idx %arg10[%add3A_9, %broadcast_in_dim3A_501], %get3A_507 : memref<64x129xf32, #tpu.memory_space<vmem>>[vector<16xi32>, vector<16xi32>], vector<16xf32>,
      tpu.vector_store_idx %arg10[%add3A_13, %broadcast_in_dim3A_501], %get3A_510 : memref<64x129xf32, #tpu.memory_space<vmem>>[vector<16xi32>, vector<16xi32>], vector<16xf32>,
      tpu.vector_store_idx %arg10[%add3A_17, %broadcast_in_dim3A_501], %get3A_513 : memref<64x129xf32, #tpu.memory_space<vmem>>[vector<16xi32>, vector<16xi32>], vector<16xf32>,
      %mul3A_514 = arith.constant 4 : i32
      %mul3A_515 = arith.muli %scan3A_481, %mul3A_514 : i32
      %add3A_516 = arith.constant 2 : i32
      %add3A_517 = arith.addi %mul3A_515, %add3A_516 : i32
      %broadcast_in_dim3A_518 = vector.broadcast %add3A_517 : i32 to vector<16xi32>
      %get3A_519 = arith.index_cast %add3A_517 : i32 to index
      %get3A_520 = arith.constant 0 : index
      %get3A_521 = tpu.vector_load %arg6[%get3A_519, %get3A_520] {strides = array<i32>} : memref<128x128xf32, #tpu.memory_space<vmem>>, vector<16xf32>,
      %get3A_522 = arith.index_cast %add3A_517 : i32 to index
      %get3A_523 = arith.constant 16 : index
      %get3A_524 = tpu.vector_load %arg6[%get3A_522, %get3A_523] {strides = array<i32>} : memref<128x128xf32, #tpu.memory_space<vmem>>, vector<16xf32>,
      %get3A_525 = arith.index_cast %add3A_517 : i32 to index
      %get3A_526 = arith.constant 32 : index
      %get3A_527 = tpu.vector_load %arg6[%get3A_525, %get3A_526] {strides = array<i32>} : memref<128x128xf32, #tpu.memory_space<vmem>>, vector<16xf32>,
      %get3A_528 = arith.index_cast %add3A_517 : i32 to index
      %get3A_529 = arith.constant 48 : index
      %get3A_530 = tpu.vector_load %arg6[%get3A_528, %get3A_529] {strides = array<i32>} : memref<128x128xf32, #tpu.memory_space<vmem>>, vector<16xf32>,
      tpu.vector_store_idx %arg10[%add3A_5, %broadcast_in_dim3A_518], %get3A_521 : memref<64x129xf32, #tpu.memory_space<vmem>>[vector<16xi32>, vector<16xi32>], vector<16xf32>,
      tpu.vector_store_idx %arg10[%add3A_9, %broadcast_in_dim3A_518], %get3A_524 : memref<64x129xf32, #tpu.memory_space<vmem>>[vector<16xi32>, vector<16xi32>], vector<16xf32>,
      tpu.vector_store_idx %arg10[%add3A_13, %broadcast_in_dim3A_518], %get3A_527 : memref<64x129xf32, #tpu.memory_space<vmem>>[vector<16xi32>, vector<16xi32>], vector<16xf32>,
      tpu.vector_store_idx %arg10[%add3A_17, %broadcast_in_dim3A_518], %get3A_530 : memref<64x129xf32, #tpu.memory_space<vmem>>[vector<16xi32>, vector<16xi32>], vector<16xf32>,
      %mul3A_531 = arith.constant 4 : i32
      %mul3A_532 = arith.muli %scan3A_481, %mul3A_531 : i32
      %add3A_533 = arith.constant 3 : i32
      %add3A_534 = arith.addi %mul3A_532, %add3A_533 : i32
      %broadcast_in_dim3A_535 = vector.broadcast %add3A_534 : i32 to vector<16xi32>
      %get3A_536 = arith.index_cast %add3A_534 : i32 to index
      %get3A_537 = arith.constant 0 : index
      %get3A_538 = tpu.vector_load %arg6[%get3A_536, %get3A_537] {strides = array<i32>} : memref<128x128xf32, #tpu.memory_space<vmem>>, vector<16xf32>,
      %get3A_539 = arith.index_cast %add3A_534 : i32 to index
      %get3A_540 = arith.constant 16 : index
      %get3A_541 = tpu.vector_load %arg6[%get3A_539, %get3A_540] {strides = array<i32>} : memref<128x128xf32, #tpu.memory_space<vmem>>, vector<16xf32>,
      %get3A_542 = arith.index_cast %add3A_534 : i32 to index
      %get3A_543 = arith.constant 32 : index
      %get3A_544 = tpu.vector_load %arg6[%get3A_542, %get3A_543] {strides = array<i32>} : memref<128x128xf32, #tpu.memory_space<vmem>>, vector<16xf32>,
      %get3A_545 = arith.index_cast %add3A_534 : i32 to index
      %get3A_546 = arith.constant 48 : index
      %get3A_547 = tpu.vector_load %arg6[%get3A_545, %get3A_546] {strides = array<i32>} : memref<128x128xf32, #tpu.memory_space<vmem>>, vector<16xf32>,
      tpu.vector_store_idx %arg10[%add3A_5, %broadcast_in_dim3A_535], %get3A_538 : memref<64x129xf32, #tpu.memory_space<vmem>>[vector<16xi32>, vector<16xi32>], vector<16xf32>,
      tpu.vector_store_idx %arg10[%add3A_9, %broadcast_in_dim3A_535], %get3A_541 : memref<64x129xf32, #tpu.memory_space<vmem>>[vector<16xi32>, vector<16xi32>], vector<16xf32>,
      tpu.vector_store_idx %arg10[%add3A_13, %broadcast_in_dim3A_535], %get3A_544 : memref<64x129xf32, #tpu.memory_space<vmem>>[vector<16xi32>, vector<16xi32>], vector<16xf32>,
      tpu.vector_store_idx %arg10[%add3A_17, %broadcast_in_dim3A_535], %get3A_547 : memref<64x129xf32, #tpu.memory_space<vmem>>[vector<16xi32>, vector<16xi32>], vector<16xf32>,
    }
    %scan3A_232 = arith.constant 32 : i32
    %dma_start3A_233 = arith.constant 44 : i32
    %dma_start3A_234 = arith.constant 0 : i32
    %dma_start3A_235 = arith.constant 0 : i32
    %dma_start3A_236 = tpu.memref_slice %arg10[%dma_start3A_234, %dma_start3A_235] : memref<64x129xf32, #tpu.memory_space<vmem>> -> memref<64x128xf32, #tpu.memory_space<vmem>>
    %dma_start3A_237 = arith.constant 0 : i32
    %dma_start3A_238 = tpu.memref_slice %arg4[%dma_start3A_233, %dma_start3A_237, %mul3A_2] : memref<50x64x4096xf32, #tpu.memory_space<hbm>> -> memref<1x64x128xf32, #tpu.memory_space<hbm>>
    %dma_start3A_239 = tpu.memref_squeeze %dma_start3A_238 : memref<1x64x128xf32, #tpu.memory_space<hbm>> -> memref<64x128xf32, #tpu.memory_space<hbm>>
    %dma_start3A_240 = arith.constant 0 : i32
    %dma_start3A_241 = tpu.memref_slice %arg4[%dma_start3A_233, %dma_start3A_240, %mul3A_2] : memref<50x64x4096xf32, #tpu.memory_space<hbm>> -> memref<1x64x128xf32, #tpu.memory_space<hbm>>
    %dma_start3A_242 = tpu.memref_squeeze %dma_start3A_241 : memref<1x64x128xf32, #tpu.memory_space<hbm>> -> memref<64x128xf32, #tpu.memory_space<hbm>>
    %dma_start3A_243 = arith.constant 0 : i32
    %dma_start3A_244 = arith.constant 0 : i32
    %dma_start3A_245 = tpu.memref_slice %arg10[%dma_start3A_243, %dma_start3A_244] : memref<64x129xf32, #tpu.memory_space<vmem>> -> memref<64x128xf32, #tpu.memory_space<vmem>>
    tpu.enqueue_dma source(%dma_start3A_245 : memref<64x128xf32, #tpu.memory_space<vmem>>) target(%dma_start3A_242 : memref<64x128xf32, #tpu.memory_space<hbm>>) target_semaphore(%arg16 : memref<!tpu.dma_semaphore, #tpu.memory_space<semaphore_mem>>)
    %dma_start3A_246 = arith.constant 48 : i32
    %dma_start3A_247 = arith.constant 0 : i32
    %dma_start3A_248 = tpu.memref_slice %arg5[%dma_start3A_246, %dma_start3A_247] : memref<50x128xi32, #tpu.memory_space<vmem>> -> memref<1x128xi32, #tpu.memory_space<vmem>>
    %dma_start3A_249 = tpu.memref_squeeze %dma_start3A_248 : memref<1x128xi32, #tpu.memory_space<vmem>> -> memref<128xi32, #tpu.memory_space<vmem>>
    %dma_start3A_250 = arith.constant 0 : i32
    %dma_start3A_251 = arith.constant 0 : i32
    %dma_start3A_252 = tpu.memref_slice %arg3[%dma_start3A_250, %dma_start3A_251] : memref<1000000x128xf32, #tpu.memory_space<hbm>> -> memref<1000000x128xf32, #tpu.memory_space<hbm>>
    tpu.enqueue_indirect_dma source(%dma_start3A_252 : memref<1000000x128xf32, #tpu.memory_space<hbm>>) target(%arg6 : memref<128x128xf32, #tpu.memory_space<vmem>>) offsets(%dma_start3A_249 : memref<128xi32, #tpu.memory_space<vmem>>) semaphore(%arg12 : memref<!tpu.dma_semaphore, #tpu.memory_space<semaphore_mem>>)
    %dma_wait3A_253 = arith.constant 45 : i32
    %dma_wait3A_254 = arith.constant 0 : i32
    %dma_wait3A_255 = tpu.memref_slice %arg5[%dma_wait3A_253, %dma_wait3A_254] : memref<50x128xi32, #tpu.memory_space<vmem>> -> memref<1x128xi32, #tpu.memory_space<vmem>>
    %dma_wait3A_256 = tpu.memref_squeeze %dma_wait3A_255 : memref<1x128xi32, #tpu.memory_space<vmem>> -> memref<128xi32, #tpu.memory_space<vmem>>
    %dma_wait3A_257 = arith.constant 0 : i32
    %dma_wait3A_258 = arith.constant 0 : i32
    %dma_wait3A_259 = tpu.memref_slice %arg3[%dma_wait3A_257, %dma_wait3A_258] : memref<1000000x128xf32, #tpu.memory_space<hbm>> -> memref<1000000x128xf32, #tpu.memory_space<hbm>>
    tpu.wait_indirect_dma semaphore(%arg13 : memref<!tpu.dma_semaphore, #tpu.memory_space<semaphore_mem>>) src(%dma_wait3A_259 : memref<1000000x128xf32, #tpu.memory_space<hbm>>) dst(%arg7 : memref<128x128xf32, #tpu.memory_space<vmem>>)
    %dma_wait3A_260 = arith.constant 43 : i32
    %dma_wait3A_261 = arith.constant 0 : i32
    %dma_wait3A_262 = arith.constant 0 : i32
    %dma_wait3A_263 = tpu.memref_slice %arg11[%dma_wait3A_261, %dma_wait3A_262] : memref<64x129xf32, #tpu.memory_space<vmem>> -> memref<64x128xf32, #tpu.memory_space<vmem>>
    %dma_wait3A_264 = arith.constant 0 : i32
    %dma_wait3A_265 = tpu.memref_slice %arg4[%dma_wait3A_260, %dma_wait3A_264, %mul3A_2] : memref<50x64x4096xf32, #tpu.memory_space<hbm>> -> memref<1x64x128xf32, #tpu.memory_space<hbm>>
    %dma_wait3A_266 = tpu.memref_squeeze %dma_wait3A_265 : memref<1x64x128xf32, #tpu.memory_space<hbm>> -> memref<64x128xf32, #tpu.memory_space<hbm>>
    %dma_wait3A_267 = arith.constant 0 : i32
    %dma_wait3A_268 = tpu.memref_slice %arg4[%dma_wait3A_260, %dma_wait3A_267, %mul3A_2] : memref<50x64x4096xf32, #tpu.memory_space<hbm>> -> memref<1x64x128xf32, #tpu.memory_space<hbm>>
    %dma_wait3A_269 = tpu.memref_squeeze %dma_wait3A_268 : memref<1x64x128xf32, #tpu.memory_space<hbm>> -> memref<64x128xf32, #tpu.memory_space<hbm>>
    %dma_wait3A_270 = arith.constant 0 : i32
    %dma_wait3A_271 = arith.constant 0 : i32
    %dma_wait3A_272 = tpu.memref_slice %arg11[%dma_wait3A_270, %dma_wait3A_271] : memref<64x129xf32, #tpu.memory_space<vmem>> -> memref<64x128xf32, #tpu.memory_space<vmem>>
    tpu.wait_dma2 semaphore(%arg17 : memref<!tpu.dma_semaphore, #tpu.memory_space<semaphore_mem>>) src(%dma_wait3A_272 : memref<64x128xf32, #tpu.memory_space<vmem>>) dst(%dma_wait3A_269 : memref<64x128xf32, #tpu.memory_space<hbm>>)
    %scan3A_273 = arith.constant 0 : i32
    %scan3A_274 = arith.constant 0 : i32
    %scan3A_275 = arith.constant 32 : i32
    %scan3A_276 = arith.addi %scan3A_274, %scan3A_275 : i32
    %scan3A_277 = arith.constant 1 : i32
    scf.for %scan3A_481 = %scan3A_274 to %scan3A_276 step %scan3A_277  : i32 {
      %mul3A_482 = arith.constant 4 : i32
      %mul3A_483 = arith.muli %scan3A_481, %mul3A_482 : i32
      %add3A_484 = arith.constant 0 : i32
      %add3A_485 = arith.addi %mul3A_483, %add3A_484 : i32
      %broadcast_in_dim3A = vector.broadcast %add3A_485 : i32 to vector<16xi32>
      %get3A = arith.index_cast %add3A_485 : i32 to index
      %get3A_486 = arith.constant 0 : index
      %get3A_487 = tpu.vector_load %arg7[%get3A, %get3A_486] {strides = array<i32>} : memref<128x128xf32, #tpu.memory_space<vmem>>, vector<16xf32>,
      %get3A_488 = arith.index_cast %add3A_485 : i32 to index
      %get3A_489 = arith.constant 16 : index
      %get3A_490 = tpu.vector_load %arg7[%get3A_488, %get3A_489] {strides = array<i32>} : memref<128x128xf32, #tpu.memory_space<vmem>>, vector<16xf32>,
      %get3A_491 = arith.index_cast %add3A_485 : i32 to index
      %get3A_492 = arith.constant 32 : index
      %get3A_493 = tpu.vector_load %arg7[%get3A_491, %get3A_492] {strides = array<i32>} : memref<128x128xf32, #tpu.memory_space<vmem>>, vector<16xf32>,
      %get3A_494 = arith.index_cast %add3A_485 : i32 to index
      %get3A_495 = arith.constant 48 : index
      %get3A_496 = tpu.vector_load %arg7[%get3A_494, %get3A_495] {strides = array<i32>} : memref<128x128xf32, #tpu.memory_space<vmem>>, vector<16xf32>,
      tpu.vector_store_idx %arg11[%add3A_5, %broadcast_in_dim3A], %get3A_487 : memref<64x129xf32, #tpu.memory_space<vmem>>[vector<16xi32>, vector<16xi32>], vector<16xf32>,
      tpu.vector_store_idx %arg11[%add3A_9, %broadcast_in_dim3A], %get3A_490 : memref<64x129xf32, #tpu.memory_space<vmem>>[vector<16xi32>, vector<16xi32>], vector<16xf32>,
      tpu.vector_store_idx %arg11[%add3A_13, %broadcast_in_dim3A], %get3A_493 : memref<64x129xf32, #tpu.memory_space<vmem>>[vector<16xi32>, vector<16xi32>], vector<16xf32>,
      tpu.vector_store_idx %arg11[%add3A_17, %broadcast_in_dim3A], %get3A_496 : memref<64x129xf32, #tpu.memory_space<vmem>>[vector<16xi32>, vector<16xi32>], vector<16xf32>,
      %mul3A_497 = arith.constant 4 : i32
      %mul3A_498 = arith.muli %scan3A_481, %mul3A_497 : i32
      %add3A_499 = arith.constant 1 : i32
      %add3A_500 = arith.addi %mul3A_498, %add3A_499 : i32
      %broadcast_in_dim3A_501 = vector.broadcast %add3A_500 : i32 to vector<16xi32>
      %get3A_502 = arith.index_cast %add3A_500 : i32 to index
      %get3A_503 = arith.constant 0 : index
      %get3A_504 = tpu.vector_load %arg7[%get3A_502, %get3A_503] {strides = array<i32>} : memref<128x128xf32, #tpu.memory_space<vmem>>, vector<16xf32>,
      %get3A_505 = arith.index_cast %add3A_500 : i32 to index
      %get3A_506 = arith.constant 16 : index
      %get3A_507 = tpu.vector_load %arg7[%get3A_505, %get3A_506] {strides = array<i32>} : memref<128x128xf32, #tpu.memory_space<vmem>>, vector<16xf32>,
      %get3A_508 = arith.index_cast %add3A_500 : i32 to index
      %get3A_509 = arith.constant 32 : index
      %get3A_510 = tpu.vector_load %arg7[%get3A_508, %get3A_509] {strides = array<i32>} : memref<128x128xf32, #tpu.memory_space<vmem>>, vector<16xf32>,
      %get3A_511 = arith.index_cast %add3A_500 : i32 to index
      %get3A_512 = arith.constant 48 : index
      %get3A_513 = tpu.vector_load %arg7[%get3A_511, %get3A_512] {strides = array<i32>} : memref<128x128xf32, #tpu.memory_space<vmem>>, vector<16xf32>,
      tpu.vector_store_idx %arg11[%add3A_5, %broadcast_in_dim3A_501], %get3A_504 : memref<64x129xf32, #tpu.memory_space<vmem>>[vector<16xi32>, vector<16xi32>], vector<16xf32>,
      tpu.vector_store_idx %arg11[%add3A_9, %broadcast_in_dim3A_501], %get3A_507 : memref<64x129xf32, #tpu.memory_space<vmem>>[vector<16xi32>, vector<16xi32>], vector<16xf32>,
      tpu.vector_store_idx %arg11[%add3A_13, %broadcast_in_dim3A_501], %get3A_510 : memref<64x129xf32, #tpu.memory_space<vmem>>[vector<16xi32>, vector<16xi32>], vector<16xf32>,
      tpu.vector_store_idx %arg11[%add3A_17, %broadcast_in_dim3A_501], %get3A_513 : memref<64x129xf32, #tpu.memory_space<vmem>>[vector<16xi32>, vector<16xi32>], vector<16xf32>,
      %mul3A_514 = arith.constant 4 : i32
      %mul3A_515 = arith.muli %scan3A_481, %mul3A_514 : i32
      %add3A_516 = arith.constant 2 : i32
      %add3A_517 = arith.addi %mul3A_515, %add3A_516 : i32
      %broadcast_in_dim3A_518 = vector.broadcast %add3A_517 : i32 to vector<16xi32>
      %get3A_519 = arith.index_cast %add3A_517 : i32 to index
      %get3A_520 = arith.constant 0 : index
      %get3A_521 = tpu.vector_load %arg7[%get3A_519, %get3A_520] {strides = array<i32>} : memref<128x128xf32, #tpu.memory_space<vmem>>, vector<16xf32>,
      %get3A_522 = arith.index_cast %add3A_517 : i32 to index
      %get3A_523 = arith.constant 16 : index
      %get3A_524 = tpu.vector_load %arg7[%get3A_522, %get3A_523] {strides = array<i32>} : memref<128x128xf32, #tpu.memory_space<vmem>>, vector<16xf32>,
      %get3A_525 = arith.index_cast %add3A_517 : i32 to index
      %get3A_526 = arith.constant 32 : index
      %get3A_527 = tpu.vector_load %arg7[%get3A_525, %get3A_526] {strides = array<i32>} : memref<128x128xf32, #tpu.memory_space<vmem>>, vector<16xf32>,
      %get3A_528 = arith.index_cast %add3A_517 : i32 to index
      %get3A_529 = arith.constant 48 : index
      %get3A_530 = tpu.vector_load %arg7[%get3A_528, %get3A_529] {strides = array<i32>} : memref<128x128xf32, #tpu.memory_space<vmem>>, vector<16xf32>,
      tpu.vector_store_idx %arg11[%add3A_5, %broadcast_in_dim3A_518], %get3A_521 : memref<64x129xf32, #tpu.memory_space<vmem>>[vector<16xi32>, vector<16xi32>], vector<16xf32>,
      tpu.vector_store_idx %arg11[%add3A_9, %broadcast_in_dim3A_518], %get3A_524 : memref<64x129xf32, #tpu.memory_space<vmem>>[vector<16xi32>, vector<16xi32>], vector<16xf32>,
      tpu.vector_store_idx %arg11[%add3A_13, %broadcast_in_dim3A_518], %get3A_527 : memref<64x129xf32, #tpu.memory_space<vmem>>[vector<16xi32>, vector<16xi32>], vector<16xf32>,
      tpu.vector_store_idx %arg11[%add3A_17, %broadcast_in_dim3A_518], %get3A_530 : memref<64x129xf32, #tpu.memory_space<vmem>>[vector<16xi32>, vector<16xi32>], vector<16xf32>,
      %mul3A_531 = arith.constant 4 : i32
      %mul3A_532 = arith.muli %scan3A_481, %mul3A_531 : i32
      %add3A_533 = arith.constant 3 : i32
      %add3A_534 = arith.addi %mul3A_532, %add3A_533 : i32
      %broadcast_in_dim3A_535 = vector.broadcast %add3A_534 : i32 to vector<16xi32>
      %get3A_536 = arith.index_cast %add3A_534 : i32 to index
      %get3A_537 = arith.constant 0 : index
      %get3A_538 = tpu.vector_load %arg7[%get3A_536, %get3A_537] {strides = array<i32>} : memref<128x128xf32, #tpu.memory_space<vmem>>, vector<16xf32>,
      %get3A_539 = arith.index_cast %add3A_534 : i32 to index
      %get3A_540 = arith.constant 16 : index
      %get3A_541 = tpu.vector_load %arg7[%get3A_539, %get3A_540] {strides = array<i32>} : memref<128x128xf32, #tpu.memory_space<vmem>>, vector<16xf32>,
      %get3A_542 = arith.index_cast %add3A_534 : i32 to index
      %get3A_543 = arith.constant 32 : index
      %get3A_544 = tpu.vector_load %arg7[%get3A_542, %get3A_543] {strides = array<i32>} : memref<128x128xf32, #tpu.memory_space<vmem>>, vector<16xf32>,
      %get3A_545 = arith.index_cast %add3A_534 : i32 to index
      %get3A_546 = arith.constant 48 : index
      %get3A_547 = tpu.vector_load %arg7[%get3A_545, %get3A_546] {strides = array<i32>} : memref<128x128xf32, #tpu.memory_space<vmem>>, vector<16xf32>,
      tpu.vector_store_idx %arg11[%add3A_5, %broadcast_in_dim3A_535], %get3A_538 : memref<64x129xf32, #tpu.memory_space<vmem>>[vector<16xi32>, vector<16xi32>], vector<16xf32>,
      tpu.vector_store_idx %arg11[%add3A_9, %broadcast_in_dim3A_535], %get3A_541 : memref<64x129xf32, #tpu.memory_space<vmem>>[vector<16xi32>, vector<16xi32>], vector<16xf32>,
      tpu.vector_store_idx %arg11[%add3A_13, %broadcast_in_dim3A_535], %get3A_544 : memref<64x129xf32, #tpu.memory_space<vmem>>[vector<16xi32>, vector<16xi32>], vector<16xf32>,
      tpu.vector_store_idx %arg11[%add3A_17, %broadcast_in_dim3A_535], %get3A_547 : memref<64x129xf32, #tpu.memory_space<vmem>>[vector<16xi32>, vector<16xi32>], vector<16xf32>,
    }
    %scan3A_278 = arith.constant 32 : i32
    %dma_start3A_279 = arith.constant 45 : i32
    %dma_start3A_280 = arith.constant 0 : i32
    %dma_start3A_281 = arith.constant 0 : i32
    %dma_start3A_282 = tpu.memref_slice %arg11[%dma_start3A_280, %dma_start3A_281] : memref<64x129xf32, #tpu.memory_space<vmem>> -> memref<64x128xf32, #tpu.memory_space<vmem>>
    %dma_start3A_283 = arith.constant 0 : i32
    %dma_start3A_284 = tpu.memref_slice %arg4[%dma_start3A_279, %dma_start3A_283, %mul3A_2] : memref<50x64x4096xf32, #tpu.memory_space<hbm>> -> memref<1x64x128xf32, #tpu.memory_space<hbm>>
    %dma_start3A_285 = tpu.memref_squeeze %dma_start3A_284 : memref<1x64x128xf32, #tpu.memory_space<hbm>> -> memref<64x128xf32, #tpu.memory_space<hbm>>
    %dma_start3A_286 = arith.constant 0 : i32
    %dma_start3A_287 = tpu.memref_slice %arg4[%dma_start3A_279, %dma_start3A_286, %mul3A_2] : memref<50x64x4096xf32, #tpu.memory_space<hbm>> -> memref<1x64x128xf32, #tpu.memory_space<hbm>>
    %dma_start3A_288 = tpu.memref_squeeze %dma_start3A_287 : memref<1x64x128xf32, #tpu.memory_space<hbm>> -> memref<64x128xf32, #tpu.memory_space<hbm>>
    %dma_start3A_289 = arith.constant 0 : i32
    %dma_start3A_290 = arith.constant 0 : i32
    %dma_start3A_291 = tpu.memref_slice %arg11[%dma_start3A_289, %dma_start3A_290] : memref<64x129xf32, #tpu.memory_space<vmem>> -> memref<64x128xf32, #tpu.memory_space<vmem>>
    tpu.enqueue_dma source(%dma_start3A_291 : memref<64x128xf32, #tpu.memory_space<vmem>>) target(%dma_start3A_288 : memref<64x128xf32, #tpu.memory_space<hbm>>) target_semaphore(%arg17 : memref<!tpu.dma_semaphore, #tpu.memory_space<semaphore_mem>>)
    %dma_start3A_292 = arith.constant 49 : i32
    %dma_start3A_293 = arith.constant 0 : i32
    %dma_start3A_294 = tpu.memref_slice %arg5[%dma_start3A_292, %dma_start3A_293] : memref<50x128xi32, #tpu.memory_space<vmem>> -> memref<1x128xi32, #tpu.memory_space<vmem>>
    %dma_start3A_295 = tpu.memref_squeeze %dma_start3A_294 : memref<1x128xi32, #tpu.memory_space<vmem>> -> memref<128xi32, #tpu.memory_space<vmem>>
    %dma_start3A_296 = arith.constant 0 : i32
    %dma_start3A_297 = arith.constant 0 : i32
    %dma_start3A_298 = tpu.memref_slice %arg3[%dma_start3A_296, %dma_start3A_297] : memref<1000000x128xf32, #tpu.memory_space<hbm>> -> memref<1000000x128xf32, #tpu.memory_space<hbm>>
    tpu.enqueue_indirect_dma source(%dma_start3A_298 : memref<1000000x128xf32, #tpu.memory_space<hbm>>) target(%arg7 : memref<128x128xf32, #tpu.memory_space<vmem>>) offsets(%dma_start3A_295 : memref<128xi32, #tpu.memory_space<vmem>>) semaphore(%arg13 : memref<!tpu.dma_semaphore, #tpu.memory_space<semaphore_mem>>)
    %dma_wait3A_299 = arith.constant 46 : i32
    %dma_wait3A_300 = arith.constant 0 : i32
    %dma_wait3A_301 = tpu.memref_slice %arg5[%dma_wait3A_299, %dma_wait3A_300] : memref<50x128xi32, #tpu.memory_space<vmem>> -> memref<1x128xi32, #tpu.memory_space<vmem>>
    %dma_wait3A_302 = tpu.memref_squeeze %dma_wait3A_301 : memref<1x128xi32, #tpu.memory_space<vmem>> -> memref<128xi32, #tpu.memory_space<vmem>>
    %dma_wait3A_303 = arith.constant 0 : i32
    %dma_wait3A_304 = arith.constant 0 : i32
    %dma_wait3A_305 = tpu.memref_slice %arg3[%dma_wait3A_303, %dma_wait3A_304] : memref<1000000x128xf32, #tpu.memory_space<hbm>> -> memref<1000000x128xf32, #tpu.memory_space<hbm>>
    tpu.wait_indirect_dma semaphore(%arg14 : memref<!tpu.dma_semaphore, #tpu.memory_space<semaphore_mem>>) src(%dma_wait3A_305 : memref<1000000x128xf32, #tpu.memory_space<hbm>>) dst(%arg8 : memref<128x128xf32, #tpu.memory_space<vmem>>)
    %dma_wait3A_306 = arith.constant 44 : i32
    %dma_wait3A_307 = arith.constant 0 : i32
    %dma_wait3A_308 = arith.constant 0 : i32
    %dma_wait3A_309 = tpu.memref_slice %arg10[%dma_wait3A_307, %dma_wait3A_308] : memref<64x129xf32, #tpu.memory_space<vmem>> -> memref<64x128xf32, #tpu.memory_space<vmem>>
    %dma_wait3A_310 = arith.constant 0 : i32
    %dma_wait3A_311 = tpu.memref_slice %arg4[%dma_wait3A_306, %dma_wait3A_310, %mul3A_2] : memref<50x64x4096xf32, #tpu.memory_space<hbm>> -> memref<1x64x128xf32, #tpu.memory_space<hbm>>
    %dma_wait3A_312 = tpu.memref_squeeze %dma_wait3A_311 : memref<1x64x128xf32, #tpu.memory_space<hbm>> -> memref<64x128xf32, #tpu.memory_space<hbm>>
    %dma_wait3A_313 = arith.constant 0 : i32
    %dma_wait3A_314 = tpu.memref_slice %arg4[%dma_wait3A_306, %dma_wait3A_313, %mul3A_2] : memref<50x64x4096xf32, #tpu.memory_space<hbm>> -> memref<1x64x128xf32, #tpu.memory_space<hbm>>
    %dma_wait3A_315 = tpu.memref_squeeze %dma_wait3A_314 : memref<1x64x128xf32, #tpu.memory_space<hbm>> -> memref<64x128xf32, #tpu.memory_space<hbm>>
    %dma_wait3A_316 = arith.constant 0 : i32
    %dma_wait3A_317 = arith.constant 0 : i32
    %dma_wait3A_318 = tpu.memref_slice %arg10[%dma_wait3A_316, %dma_wait3A_317] : memref<64x129xf32, #tpu.memory_space<vmem>> -> memref<64x128xf32, #tpu.memory_space<vmem>>
    tpu.wait_dma2 semaphore(%arg16 : memref<!tpu.dma_semaphore, #tpu.memory_space<semaphore_mem>>) src(%dma_wait3A_318 : memref<64x128xf32, #tpu.memory_space<vmem>>) dst(%dma_wait3A_315 : memref<64x128xf32, #tpu.memory_space<hbm>>)
    %scan3A_319 = arith.constant 0 : i32
    %scan3A_320 = arith.constant 0 : i32
    %scan3A_321 = arith.constant 32 : i32
    %scan3A_322 = arith.addi %scan3A_320, %scan3A_321 : i32
    %scan3A_323 = arith.constant 1 : i32
    scf.for %scan3A_481 = %scan3A_320 to %scan3A_322 step %scan3A_323  : i32 {
      %mul3A_482 = arith.constant 4 : i32
      %mul3A_483 = arith.muli %scan3A_481, %mul3A_482 : i32
      %add3A_484 = arith.constant 0 : i32
      %add3A_485 = arith.addi %mul3A_483, %add3A_484 : i32
      %broadcast_in_dim3A = vector.broadcast %add3A_485 : i32 to vector<16xi32>
      %get3A = arith.index_cast %add3A_485 : i32 to index
      %get3A_486 = arith.constant 0 : index
      %get3A_487 = tpu.vector_load %arg8[%get3A, %get3A_486] {strides = array<i32>} : memref<128x128xf32, #tpu.memory_space<vmem>>, vector<16xf32>,
      %get3A_488 = arith.index_cast %add3A_485 : i32 to index
      %get3A_489 = arith.constant 16 : index
      %get3A_490 = tpu.vector_load %arg8[%get3A_488, %get3A_489] {strides = array<i32>} : memref<128x128xf32, #tpu.memory_space<vmem>>, vector<16xf32>,
      %get3A_491 = arith.index_cast %add3A_485 : i32 to index
      %get3A_492 = arith.constant 32 : index
      %get3A_493 = tpu.vector_load %arg8[%get3A_491, %get3A_492] {strides = array<i32>} : memref<128x128xf32, #tpu.memory_space<vmem>>, vector<16xf32>,
      %get3A_494 = arith.index_cast %add3A_485 : i32 to index
      %get3A_495 = arith.constant 48 : index
      %get3A_496 = tpu.vector_load %arg8[%get3A_494, %get3A_495] {strides = array<i32>} : memref<128x128xf32, #tpu.memory_space<vmem>>, vector<16xf32>,
      tpu.vector_store_idx %arg10[%add3A_5, %broadcast_in_dim3A], %get3A_487 : memref<64x129xf32, #tpu.memory_space<vmem>>[vector<16xi32>, vector<16xi32>], vector<16xf32>,
      tpu.vector_store_idx %arg10[%add3A_9, %broadcast_in_dim3A], %get3A_490 : memref<64x129xf32, #tpu.memory_space<vmem>>[vector<16xi32>, vector<16xi32>], vector<16xf32>,
      tpu.vector_store_idx %arg10[%add3A_13, %broadcast_in_dim3A], %get3A_493 : memref<64x129xf32, #tpu.memory_space<vmem>>[vector<16xi32>, vector<16xi32>], vector<16xf32>,
      tpu.vector_store_idx %arg10[%add3A_17, %broadcast_in_dim3A], %get3A_496 : memref<64x129xf32, #tpu.memory_space<vmem>>[vector<16xi32>, vector<16xi32>], vector<16xf32>,
      %mul3A_497 = arith.constant 4 : i32
      %mul3A_498 = arith.muli %scan3A_481, %mul3A_497 : i32
      %add3A_499 = arith.constant 1 : i32
      %add3A_500 = arith.addi %mul3A_498, %add3A_499 : i32
      %broadcast_in_dim3A_501 = vector.broadcast %add3A_500 : i32 to vector<16xi32>
      %get3A_502 = arith.index_cast %add3A_500 : i32 to index
      %get3A_503 = arith.constant 0 : index
      %get3A_504 = tpu.vector_load %arg8[%get3A_502, %get3A_503] {strides = array<i32>} : memref<128x128xf32, #tpu.memory_space<vmem>>, vector<16xf32>,
      %get3A_505 = arith.index_cast %add3A_500 : i32 to index
      %get3A_506 = arith.constant 16 : index
      %get3A_507 = tpu.vector_load %arg8[%get3A_505, %get3A_506] {strides = array<i32>} : memref<128x128xf32, #tpu.memory_space<vmem>>, vector<16xf32>,
      %get3A_508 = arith.index_cast %add3A_500 : i32 to index
      %get3A_509 = arith.constant 32 : index
      %get3A_510 = tpu.vector_load %arg8[%get3A_508, %get3A_509] {strides = array<i32>} : memref<128x128xf32, #tpu.memory_space<vmem>>, vector<16xf32>,
      %get3A_511 = arith.index_cast %add3A_500 : i32 to index
      %get3A_512 = arith.constant 48 : index
      %get3A_513 = tpu.vector_load %arg8[%get3A_511, %get3A_512] {strides = array<i32>} : memref<128x128xf32, #tpu.memory_space<vmem>>, vector<16xf32>,
      tpu.vector_store_idx %arg10[%add3A_5, %broadcast_in_dim3A_501], %get3A_504 : memref<64x129xf32, #tpu.memory_space<vmem>>[vector<16xi32>, vector<16xi32>], vector<16xf32>,
      tpu.vector_store_idx %arg10[%add3A_9, %broadcast_in_dim3A_501], %get3A_507 : memref<64x129xf32, #tpu.memory_space<vmem>>[vector<16xi32>, vector<16xi32>], vector<16xf32>,
      tpu.vector_store_idx %arg10[%add3A_13, %broadcast_in_dim3A_501], %get3A_510 : memref<64x129xf32, #tpu.memory_space<vmem>>[vector<16xi32>, vector<16xi32>], vector<16xf32>,
      tpu.vector_store_idx %arg10[%add3A_17, %broadcast_in_dim3A_501], %get3A_513 : memref<64x129xf32, #tpu.memory_space<vmem>>[vector<16xi32>, vector<16xi32>], vector<16xf32>,
      %mul3A_514 = arith.constant 4 : i32
      %mul3A_515 = arith.muli %scan3A_481, %mul3A_514 : i32
      %add3A_516 = arith.constant 2 : i32
      %add3A_517 = arith.addi %mul3A_515, %add3A_516 : i32
      %broadcast_in_dim3A_518 = vector.broadcast %add3A_517 : i32 to vector<16xi32>
      %get3A_519 = arith.index_cast %add3A_517 : i32 to index
      %get3A_520 = arith.constant 0 : index
      %get3A_521 = tpu.vector_load %arg8[%get3A_519, %get3A_520] {strides = array<i32>} : memref<128x128xf32, #tpu.memory_space<vmem>>, vector<16xf32>,
      %get3A_522 = arith.index_cast %add3A_517 : i32 to index
      %get3A_523 = arith.constant 16 : index
      %get3A_524 = tpu.vector_load %arg8[%get3A_522, %get3A_523] {strides = array<i32>} : memref<128x128xf32, #tpu.memory_space<vmem>>, vector<16xf32>,
      %get3A_525 = arith.index_cast %add3A_517 : i32 to index
      %get3A_526 = arith.constant 32 : index
      %get3A_527 = tpu.vector_load %arg8[%get3A_525, %get3A_526] {strides = array<i32>} : memref<128x128xf32, #tpu.memory_space<vmem>>, vector<16xf32>,
      %get3A_528 = arith.index_cast %add3A_517 : i32 to index
      %get3A_529 = arith.constant 48 : index
      %get3A_530 = tpu.vector_load %arg8[%get3A_528, %get3A_529] {strides = array<i32>} : memref<128x128xf32, #tpu.memory_space<vmem>>, vector<16xf32>,
      tpu.vector_store_idx %arg10[%add3A_5, %broadcast_in_dim3A_518], %get3A_521 : memref<64x129xf32, #tpu.memory_space<vmem>>[vector<16xi32>, vector<16xi32>], vector<16xf32>,
      tpu.vector_store_idx %arg10[%add3A_9, %broadcast_in_dim3A_518], %get3A_524 : memref<64x129xf32, #tpu.memory_space<vmem>>[vector<16xi32>, vector<16xi32>], vector<16xf32>,
      tpu.vector_store_idx %arg10[%add3A_13, %broadcast_in_dim3A_518], %get3A_527 : memref<64x129xf32, #tpu.memory_space<vmem>>[vector<16xi32>, vector<16xi32>], vector<16xf32>,
      tpu.vector_store_idx %arg10[%add3A_17, %broadcast_in_dim3A_518], %get3A_530 : memref<64x129xf32, #tpu.memory_space<vmem>>[vector<16xi32>, vector<16xi32>], vector<16xf32>,
      %mul3A_531 = arith.constant 4 : i32
      %mul3A_532 = arith.muli %scan3A_481, %mul3A_531 : i32
      %add3A_533 = arith.constant 3 : i32
      %add3A_534 = arith.addi %mul3A_532, %add3A_533 : i32
      %broadcast_in_dim3A_535 = vector.broadcast %add3A_534 : i32 to vector<16xi32>
      %get3A_536 = arith.index_cast %add3A_534 : i32 to index
      %get3A_537 = arith.constant 0 : index
      %get3A_538 = tpu.vector_load %arg8[%get3A_536, %get3A_537] {strides = array<i32>} : memref<128x128xf32, #tpu.memory_space<vmem>>, vector<16xf32>,
      %get3A_539 = arith.index_cast %add3A_534 : i32 to index
      %get3A_540 = arith.constant 16 : index
      %get3A_541 = tpu.vector_load %arg8[%get3A_539, %get3A_540] {strides = array<i32>} : memref<128x128xf32, #tpu.memory_space<vmem>>, vector<16xf32>,
      %get3A_542 = arith.index_cast %add3A_534 : i32 to index
      %get3A_543 = arith.constant 32 : index
      %get3A_544 = tpu.vector_load %arg8[%get3A_542, %get3A_543] {strides = array<i32>} : memref<128x128xf32, #tpu.memory_space<vmem>>, vector<16xf32>,
      %get3A_545 = arith.index_cast %add3A_534 : i32 to index
      %get3A_546 = arith.constant 48 : index
      %get3A_547 = tpu.vector_load %arg8[%get3A_545, %get3A_546] {strides = array<i32>} : memref<128x128xf32, #tpu.memory_space<vmem>>, vector<16xf32>,
      tpu.vector_store_idx %arg10[%add3A_5, %broadcast_in_dim3A_535], %get3A_538 : memref<64x129xf32, #tpu.memory_space<vmem>>[vector<16xi32>, vector<16xi32>], vector<16xf32>,
      tpu.vector_store_idx %arg10[%add3A_9, %broadcast_in_dim3A_535], %get3A_541 : memref<64x129xf32, #tpu.memory_space<vmem>>[vector<16xi32>, vector<16xi32>], vector<16xf32>,
      tpu.vector_store_idx %arg10[%add3A_13, %broadcast_in_dim3A_535], %get3A_544 : memref<64x129xf32, #tpu.memory_space<vmem>>[vector<16xi32>, vector<16xi32>], vector<16xf32>,
      tpu.vector_store_idx %arg10[%add3A_17, %broadcast_in_dim3A_535], %get3A_547 : memref<64x129xf32, #tpu.memory_space<vmem>>[vector<16xi32>, vector<16xi32>], vector<16xf32>,
    }
    %scan3A_324 = arith.constant 32 : i32
    %dma_start3A_325 = arith.constant 46 : i32
    %dma_start3A_326 = arith.constant 0 : i32
    %dma_start3A_327 = arith.constant 0 : i32
    %dma_start3A_328 = tpu.memref_slice %arg10[%dma_start3A_326, %dma_start3A_327] : memref<64x129xf32, #tpu.memory_space<vmem>> -> memref<64x128xf32, #tpu.memory_space<vmem>>
    %dma_start3A_329 = arith.constant 0 : i32
    %dma_start3A_330 = tpu.memref_slice %arg4[%dma_start3A_325, %dma_start3A_329, %mul3A_2] : memref<50x64x4096xf32, #tpu.memory_space<hbm>> -> memref<1x64x128xf32, #tpu.memory_space<hbm>>
    %dma_start3A_331 = tpu.memref_squeeze %dma_start3A_330 : memref<1x64x128xf32, #tpu.memory_space<hbm>> -> memref<64x128xf32, #tpu.memory_space<hbm>>
    %dma_start3A_332 = arith.constant 0 : i32
    %dma_start3A_333 = tpu.memref_slice %arg4[%dma_start3A_325, %dma_start3A_332, %mul3A_2] : memref<50x64x4096xf32, #tpu.memory_space<hbm>> -> memref<1x64x128xf32, #tpu.memory_space<hbm>>
    %dma_start3A_334 = tpu.memref_squeeze %dma_start3A_333 : memref<1x64x128xf32, #tpu.memory_space<hbm>> -> memref<64x128xf32, #tpu.memory_space<hbm>>
    %dma_start3A_335 = arith.constant 0 : i32
    %dma_start3A_336 = arith.constant 0 : i32
    %dma_start3A_337 = tpu.memref_slice %arg10[%dma_start3A_335, %dma_start3A_336] : memref<64x129xf32, #tpu.memory_space<vmem>> -> memref<64x128xf32, #tpu.memory_space<vmem>>
    tpu.enqueue_dma source(%dma_start3A_337 : memref<64x128xf32, #tpu.memory_space<vmem>>) target(%dma_start3A_334 : memref<64x128xf32, #tpu.memory_space<hbm>>) target_semaphore(%arg16 : memref<!tpu.dma_semaphore, #tpu.memory_space<semaphore_mem>>)
    %dma_wait3A_338 = arith.constant 47 : i32
    %dma_wait3A_339 = arith.constant 0 : i32
    %dma_wait3A_340 = tpu.memref_slice %arg5[%dma_wait3A_338, %dma_wait3A_339] : memref<50x128xi32, #tpu.memory_space<vmem>> -> memref<1x128xi32, #tpu.memory_space<vmem>>
    %dma_wait3A_341 = tpu.memref_squeeze %dma_wait3A_340 : memref<1x128xi32, #tpu.memory_space<vmem>> -> memref<128xi32, #tpu.memory_space<vmem>>
    %dma_wait3A_342 = arith.constant 0 : i32
    %dma_wait3A_343 = arith.constant 0 : i32
    %dma_wait3A_344 = tpu.memref_slice %arg3[%dma_wait3A_342, %dma_wait3A_343] : memref<1000000x128xf32, #tpu.memory_space<hbm>> -> memref<1000000x128xf32, #tpu.memory_space<hbm>>
    tpu.wait_indirect_dma semaphore(%arg15 : memref<!tpu.dma_semaphore, #tpu.memory_space<semaphore_mem>>) src(%dma_wait3A_344 : memref<1000000x128xf32, #tpu.memory_space<hbm>>) dst(%arg9 : memref<128x128xf32, #tpu.memory_space<vmem>>)
    %dma_wait3A_345 = arith.constant 45 : i32
    %dma_wait3A_346 = arith.constant 0 : i32
    %dma_wait3A_347 = arith.constant 0 : i32
    %dma_wait3A_348 = tpu.memref_slice %arg11[%dma_wait3A_346, %dma_wait3A_347] : memref<64x129xf32, #tpu.memory_space<vmem>> -> memref<64x128xf32, #tpu.memory_space<vmem>>
    %dma_wait3A_349 = arith.constant 0 : i32
    %dma_wait3A_350 = tpu.memref_slice %arg4[%dma_wait3A_345, %dma_wait3A_349, %mul3A_2] : memref<50x64x4096xf32, #tpu.memory_space<hbm>> -> memref<1x64x128xf32, #tpu.memory_space<hbm>>
    %dma_wait3A_351 = tpu.memref_squeeze %dma_wait3A_350 : memref<1x64x128xf32, #tpu.memory_space<hbm>> -> memref<64x128xf32, #tpu.memory_space<hbm>>
    %dma_wait3A_352 = arith.constant 0 : i32
    %dma_wait3A_353 = tpu.memref_slice %arg4[%dma_wait3A_345, %dma_wait3A_352, %mul3A_2] : memref<50x64x4096xf32, #tpu.memory_space<hbm>> -> memref<1x64x128xf32, #tpu.memory_space<hbm>>
    %dma_wait3A_354 = tpu.memref_squeeze %dma_wait3A_353 : memref<1x64x128xf32, #tpu.memory_space<hbm>> -> memref<64x128xf32, #tpu.memory_space<hbm>>
    %dma_wait3A_355 = arith.constant 0 : i32
    %dma_wait3A_356 = arith.constant 0 : i32
    %dma_wait3A_357 = tpu.memref_slice %arg11[%dma_wait3A_355, %dma_wait3A_356] : memref<64x129xf32, #tpu.memory_space<vmem>> -> memref<64x128xf32, #tpu.memory_space<vmem>>
    tpu.wait_dma2 semaphore(%arg17 : memref<!tpu.dma_semaphore, #tpu.memory_space<semaphore_mem>>) src(%dma_wait3A_357 : memref<64x128xf32, #tpu.memory_space<vmem>>) dst(%dma_wait3A_354 : memref<64x128xf32, #tpu.memory_space<hbm>>)
    %scan3A_358 = arith.constant 0 : i32
    %scan3A_359 = arith.constant 0 : i32
    %scan3A_360 = arith.constant 32 : i32
    %scan3A_361 = arith.addi %scan3A_359, %scan3A_360 : i32
    %scan3A_362 = arith.constant 1 : i32
    scf.for %scan3A_481 = %scan3A_359 to %scan3A_361 step %scan3A_362  : i32 {
      %mul3A_482 = arith.constant 4 : i32
      %mul3A_483 = arith.muli %scan3A_481, %mul3A_482 : i32
      %add3A_484 = arith.constant 0 : i32
      %add3A_485 = arith.addi %mul3A_483, %add3A_484 : i32
      %broadcast_in_dim3A = vector.broadcast %add3A_485 : i32 to vector<16xi32>
      %get3A = arith.index_cast %add3A_485 : i32 to index
      %get3A_486 = arith.constant 0 : index
      %get3A_487 = tpu.vector_load %arg9[%get3A, %get3A_486] {strides = array<i32>} : memref<128x128xf32, #tpu.memory_space<vmem>>, vector<16xf32>,
      %get3A_488 = arith.index_cast %add3A_485 : i32 to index
      %get3A_489 = arith.constant 16 : index
      %get3A_490 = tpu.vector_load %arg9[%get3A_488, %get3A_489] {strides = array<i32>} : memref<128x128xf32, #tpu.memory_space<vmem>>, vector<16xf32>,
      %get3A_491 = arith.index_cast %add3A_485 : i32 to index
      %get3A_492 = arith.constant 32 : index
      %get3A_493 = tpu.vector_load %arg9[%get3A_491, %get3A_492] {strides = array<i32>} : memref<128x128xf32, #tpu.memory_space<vmem>>, vector<16xf32>,
      %get3A_494 = arith.index_cast %add3A_485 : i32 to index
      %get3A_495 = arith.constant 48 : index
      %get3A_496 = tpu.vector_load %arg9[%get3A_494, %get3A_495] {strides = array<i32>} : memref<128x128xf32, #tpu.memory_space<vmem>>, vector<16xf32>,
      tpu.vector_store_idx %arg11[%add3A_5, %broadcast_in_dim3A], %get3A_487 : memref<64x129xf32, #tpu.memory_space<vmem>>[vector<16xi32>, vector<16xi32>], vector<16xf32>,
      tpu.vector_store_idx %arg11[%add3A_9, %broadcast_in_dim3A], %get3A_490 : memref<64x129xf32, #tpu.memory_space<vmem>>[vector<16xi32>, vector<16xi32>], vector<16xf32>,
      tpu.vector_store_idx %arg11[%add3A_13, %broadcast_in_dim3A], %get3A_493 : memref<64x129xf32, #tpu.memory_space<vmem>>[vector<16xi32>, vector<16xi32>], vector<16xf32>,
      tpu.vector_store_idx %arg11[%add3A_17, %broadcast_in_dim3A], %get3A_496 : memref<64x129xf32, #tpu.memory_space<vmem>>[vector<16xi32>, vector<16xi32>], vector<16xf32>,
      %mul3A_497 = arith.constant 4 : i32
      %mul3A_498 = arith.muli %scan3A_481, %mul3A_497 : i32
      %add3A_499 = arith.constant 1 : i32
      %add3A_500 = arith.addi %mul3A_498, %add3A_499 : i32
      %broadcast_in_dim3A_501 = vector.broadcast %add3A_500 : i32 to vector<16xi32>
      %get3A_502 = arith.index_cast %add3A_500 : i32 to index
      %get3A_503 = arith.constant 0 : index
      %get3A_504 = tpu.vector_load %arg9[%get3A_502, %get3A_503] {strides = array<i32>} : memref<128x128xf32, #tpu.memory_space<vmem>>, vector<16xf32>,
      %get3A_505 = arith.index_cast %add3A_500 : i32 to index
      %get3A_506 = arith.constant 16 : index
      %get3A_507 = tpu.vector_load %arg9[%get3A_505, %get3A_506] {strides = array<i32>} : memref<128x128xf32, #tpu.memory_space<vmem>>, vector<16xf32>,
      %get3A_508 = arith.index_cast %add3A_500 : i32 to index
      %get3A_509 = arith.constant 32 : index
      %get3A_510 = tpu.vector_load %arg9[%get3A_508, %get3A_509] {strides = array<i32>} : memref<128x128xf32, #tpu.memory_space<vmem>>, vector<16xf32>,
      %get3A_511 = arith.index_cast %add3A_500 : i32 to index
      %get3A_512 = arith.constant 48 : index
      %get3A_513 = tpu.vector_load %arg9[%get3A_511, %get3A_512] {strides = array<i32>} : memref<128x128xf32, #tpu.memory_space<vmem>>, vector<16xf32>,
      tpu.vector_store_idx %arg11[%add3A_5, %broadcast_in_dim3A_501], %get3A_504 : memref<64x129xf32, #tpu.memory_space<vmem>>[vector<16xi32>, vector<16xi32>], vector<16xf32>,
      tpu.vector_store_idx %arg11[%add3A_9, %broadcast_in_dim3A_501], %get3A_507 : memref<64x129xf32, #tpu.memory_space<vmem>>[vector<16xi32>, vector<16xi32>], vector<16xf32>,
      tpu.vector_store_idx %arg11[%add3A_13, %broadcast_in_dim3A_501], %get3A_510 : memref<64x129xf32, #tpu.memory_space<vmem>>[vector<16xi32>, vector<16xi32>], vector<16xf32>,
      tpu.vector_store_idx %arg11[%add3A_17, %broadcast_in_dim3A_501], %get3A_513 : memref<64x129xf32, #tpu.memory_space<vmem>>[vector<16xi32>, vector<16xi32>], vector<16xf32>,
      %mul3A_514 = arith.constant 4 : i32
      %mul3A_515 = arith.muli %scan3A_481, %mul3A_514 : i32
      %add3A_516 = arith.constant 2 : i32
      %add3A_517 = arith.addi %mul3A_515, %add3A_516 : i32
      %broadcast_in_dim3A_518 = vector.broadcast %add3A_517 : i32 to vector<16xi32>
      %get3A_519 = arith.index_cast %add3A_517 : i32 to index
      %get3A_520 = arith.constant 0 : index
      %get3A_521 = tpu.vector_load %arg9[%get3A_519, %get3A_520] {strides = array<i32>} : memref<128x128xf32, #tpu.memory_space<vmem>>, vector<16xf32>,
      %get3A_522 = arith.index_cast %add3A_517 : i32 to index
      %get3A_523 = arith.constant 16 : index
      %get3A_524 = tpu.vector_load %arg9[%get3A_522, %get3A_523] {strides = array<i32>} : memref<128x128xf32, #tpu.memory_space<vmem>>, vector<16xf32>,
      %get3A_525 = arith.index_cast %add3A_517 : i32 to index
      %get3A_526 = arith.constant 32 : index
      %get3A_527 = tpu.vector_load %arg9[%get3A_525, %get3A_526] {strides = array<i32>} : memref<128x128xf32, #tpu.memory_space<vmem>>, vector<16xf32>,
      %get3A_528 = arith.index_cast %add3A_517 : i32 to index
      %get3A_529 = arith.constant 48 : index
      %get3A_530 = tpu.vector_load %arg9[%get3A_528, %get3A_529] {strides = array<i32>} : memref<128x128xf32, #tpu.memory_space<vmem>>, vector<16xf32>,
      tpu.vector_store_idx %arg11[%add3A_5, %broadcast_in_dim3A_518], %get3A_521 : memref<64x129xf32, #tpu.memory_space<vmem>>[vector<16xi32>, vector<16xi32>], vector<16xf32>,
      tpu.vector_store_idx %arg11[%add3A_9, %broadcast_in_dim3A_518], %get3A_524 : memref<64x129xf32, #tpu.memory_space<vmem>>[vector<16xi32>, vector<16xi32>], vector<16xf32>,
      tpu.vector_store_idx %arg11[%add3A_13, %broadcast_in_dim3A_518], %get3A_527 : memref<64x129xf32, #tpu.memory_space<vmem>>[vector<16xi32>, vector<16xi32>], vector<16xf32>,
      tpu.vector_store_idx %arg11[%add3A_17, %broadcast_in_dim3A_518], %get3A_530 : memref<64x129xf32, #tpu.memory_space<vmem>>[vector<16xi32>, vector<16xi32>], vector<16xf32>,
      %mul3A_531 = arith.constant 4 : i32
      %mul3A_532 = arith.muli %scan3A_481, %mul3A_531 : i32
      %add3A_533 = arith.constant 3 : i32
      %add3A_534 = arith.addi %mul3A_532, %add3A_533 : i32
      %broadcast_in_dim3A_535 = vector.broadcast %add3A_534 : i32 to vector<16xi32>
      %get3A_536 = arith.index_cast %add3A_534 : i32 to index
      %get3A_537 = arith.constant 0 : index
      %get3A_538 = tpu.vector_load %arg9[%get3A_536, %get3A_537] {strides = array<i32>} : memref<128x128xf32, #tpu.memory_space<vmem>>, vector<16xf32>,
      %get3A_539 = arith.index_cast %add3A_534 : i32 to index
      %get3A_540 = arith.constant 16 : index
      %get3A_541 = tpu.vector_load %arg9[%get3A_539, %get3A_540] {strides = array<i32>} : memref<128x128xf32, #tpu.memory_space<vmem>>, vector<16xf32>,
      %get3A_542 = arith.index_cast %add3A_534 : i32 to index
      %get3A_543 = arith.constant 32 : index
      %get3A_544 = tpu.vector_load %arg9[%get3A_542, %get3A_543] {strides = array<i32>} : memref<128x128xf32, #tpu.memory_space<vmem>>, vector<16xf32>,
      %get3A_545 = arith.index_cast %add3A_534 : i32 to index
      %get3A_546 = arith.constant 48 : index
      %get3A_547 = tpu.vector_load %arg9[%get3A_545, %get3A_546] {strides = array<i32>} : memref<128x128xf32, #tpu.memory_space<vmem>>, vector<16xf32>,
      tpu.vector_store_idx %arg11[%add3A_5, %broadcast_in_dim3A_535], %get3A_538 : memref<64x129xf32, #tpu.memory_space<vmem>>[vector<16xi32>, vector<16xi32>], vector<16xf32>,
      tpu.vector_store_idx %arg11[%add3A_9, %broadcast_in_dim3A_535], %get3A_541 : memref<64x129xf32, #tpu.memory_space<vmem>>[vector<16xi32>, vector<16xi32>], vector<16xf32>,
      tpu.vector_store_idx %arg11[%add3A_13, %broadcast_in_dim3A_535], %get3A_544 : memref<64x129xf32, #tpu.memory_space<vmem>>[vector<16xi32>, vector<16xi32>], vector<16xf32>,
      tpu.vector_store_idx %arg11[%add3A_17, %broadcast_in_dim3A_535], %get3A_547 : memref<64x129xf32, #tpu.memory_space<vmem>>[vector<16xi32>, vector<16xi32>], vector<16xf32>,
    }
    %scan3A_363 = arith.constant 32 : i32
    %dma_start3A_364 = arith.constant 47 : i32
    %dma_start3A_365 = arith.constant 0 : i32
    %dma_start3A_366 = arith.constant 0 : i32
    %dma_start3A_367 = tpu.memref_slice %arg11[%dma_start3A_365, %dma_start3A_366] : memref<64x129xf32, #tpu.memory_space<vmem>> -> memref<64x128xf32, #tpu.memory_space<vmem>>
    %dma_start3A_368 = arith.constant 0 : i32
    %dma_start3A_369 = tpu.memref_slice %arg4[%dma_start3A_364, %dma_start3A_368, %mul3A_2] : memref<50x64x4096xf32, #tpu.memory_space<hbm>> -> memref<1x64x128xf32, #tpu.memory_space<hbm>>
    %dma_start3A_370 = tpu.memref_squeeze %dma_start3A_369 : memref<1x64x128xf32, #tpu.memory_space<hbm>> -> memref<64x128xf32, #tpu.memory_space<hbm>>
    %dma_start3A_371 = arith.constant 0 : i32
    %dma_start3A_372 = tpu.memref_slice %arg4[%dma_start3A_364, %dma_start3A_371, %mul3A_2] : memref<50x64x4096xf32, #tpu.memory_space<hbm>> -> memref<1x64x128xf32, #tpu.memory_space<hbm>>
    %dma_start3A_373 = tpu.memref_squeeze %dma_start3A_372 : memref<1x64x128xf32, #tpu.memory_space<hbm>> -> memref<64x128xf32, #tpu.memory_space<hbm>>
    %dma_start3A_374 = arith.constant 0 : i32
    %dma_start3A_375 = arith.constant 0 : i32
    %dma_start3A_376 = tpu.memref_slice %arg11[%dma_start3A_374, %dma_start3A_375] : memref<64x129xf32, #tpu.memory_space<vmem>> -> memref<64x128xf32, #tpu.memory_space<vmem>>
    tpu.enqueue_dma source(%dma_start3A_376 : memref<64x128xf32, #tpu.memory_space<vmem>>) target(%dma_start3A_373 : memref<64x128xf32, #tpu.memory_space<hbm>>) target_semaphore(%arg17 : memref<!tpu.dma_semaphore, #tpu.memory_space<semaphore_mem>>)
    %dma_wait3A_377 = arith.constant 48 : i32
    %dma_wait3A_378 = arith.constant 0 : i32
    %dma_wait3A_379 = tpu.memref_slice %arg5[%dma_wait3A_377, %dma_wait3A_378] : memref<50x128xi32, #tpu.memory_space<vmem>> -> memref<1x128xi32, #tpu.memory_space<vmem>>
    %dma_wait3A_380 = tpu.memref_squeeze %dma_wait3A_379 : memref<1x128xi32, #tpu.memory_space<vmem>> -> memref<128xi32, #tpu.memory_space<vmem>>
    %dma_wait3A_381 = arith.constant 0 : i32
    %dma_wait3A_382 = arith.constant 0 : i32
    %dma_wait3A_383 = tpu.memref_slice %arg3[%dma_wait3A_381, %dma_wait3A_382] : memref<1000000x128xf32, #tpu.memory_space<hbm>> -> memref<1000000x128xf32, #tpu.memory_space<hbm>>
    tpu.wait_indirect_dma semaphore(%arg12 : memref<!tpu.dma_semaphore, #tpu.memory_space<semaphore_mem>>) src(%dma_wait3A_383 : memref<1000000x128xf32, #tpu.memory_space<hbm>>) dst(%arg6 : memref<128x128xf32, #tpu.memory_space<vmem>>)
    %dma_wait3A_384 = arith.constant 46 : i32
    %dma_wait3A_385 = arith.constant 0 : i32
    %dma_wait3A_386 = arith.constant 0 : i32
    %dma_wait3A_387 = tpu.memref_slice %arg10[%dma_wait3A_385, %dma_wait3A_386] : memref<64x129xf32, #tpu.memory_space<vmem>> -> memref<64x128xf32, #tpu.memory_space<vmem>>
    %dma_wait3A_388 = arith.constant 0 : i32
    %dma_wait3A_389 = tpu.memref_slice %arg4[%dma_wait3A_384, %dma_wait3A_388, %mul3A_2] : memref<50x64x4096xf32, #tpu.memory_space<hbm>> -> memref<1x64x128xf32, #tpu.memory_space<hbm>>
    %dma_wait3A_390 = tpu.memref_squeeze %dma_wait3A_389 : memref<1x64x128xf32, #tpu.memory_space<hbm>> -> memref<64x128xf32, #tpu.memory_space<hbm>>
    %dma_wait3A_391 = arith.constant 0 : i32
    %dma_wait3A_392 = tpu.memref_slice %arg4[%dma_wait3A_384, %dma_wait3A_391, %mul3A_2] : memref<50x64x4096xf32, #tpu.memory_space<hbm>> -> memref<1x64x128xf32, #tpu.memory_space<hbm>>
    %dma_wait3A_393 = tpu.memref_squeeze %dma_wait3A_392 : memref<1x64x128xf32, #tpu.memory_space<hbm>> -> memref<64x128xf32, #tpu.memory_space<hbm>>
    %dma_wait3A_394 = arith.constant 0 : i32
    %dma_wait3A_395 = arith.constant 0 : i32
    %dma_wait3A_396 = tpu.memref_slice %arg10[%dma_wait3A_394, %dma_wait3A_395] : memref<64x129xf32, #tpu.memory_space<vmem>> -> memref<64x128xf32, #tpu.memory_space<vmem>>
    tpu.wait_dma2 semaphore(%arg16 : memref<!tpu.dma_semaphore, #tpu.memory_space<semaphore_mem>>) src(%dma_wait3A_396 : memref<64x128xf32, #tpu.memory_space<vmem>>) dst(%dma_wait3A_393 : memref<64x128xf32, #tpu.memory_space<hbm>>)
    %scan3A_397 = arith.constant 0 : i32
    %scan3A_398 = arith.constant 0 : i32
    %scan3A_399 = arith.constant 32 : i32
    %scan3A_400 = arith.addi %scan3A_398, %scan3A_399 : i32
    %scan3A_401 = arith.constant 1 : i32
    scf.for %scan3A_481 = %scan3A_398 to %scan3A_400 step %scan3A_401  : i32 {
      %mul3A_482 = arith.constant 4 : i32
      %mul3A_483 = arith.muli %scan3A_481, %mul3A_482 : i32
      %add3A_484 = arith.constant 0 : i32
      %add3A_485 = arith.addi %mul3A_483, %add3A_484 : i32
      %broadcast_in_dim3A = vector.broadcast %add3A_485 : i32 to vector<16xi32>
      %get3A = arith.index_cast %add3A_485 : i32 to index
      %get3A_486 = arith.constant 0 : index
      %get3A_487 = tpu.vector_load %arg6[%get3A, %get3A_486] {strides = array<i32>} : memref<128x128xf32, #tpu.memory_space<vmem>>, vector<16xf32>,
      %get3A_488 = arith.index_cast %add3A_485 : i32 to index
      %get3A_489 = arith.constant 16 : index
      %get3A_490 = tpu.vector_load %arg6[%get3A_488, %get3A_489] {strides = array<i32>} : memref<128x128xf32, #tpu.memory_space<vmem>>, vector<16xf32>,
      %get3A_491 = arith.index_cast %add3A_485 : i32 to index
      %get3A_492 = arith.constant 32 : index
      %get3A_493 = tpu.vector_load %arg6[%get3A_491, %get3A_492] {strides = array<i32>} : memref<128x128xf32, #tpu.memory_space<vmem>>, vector<16xf32>,
      %get3A_494 = arith.index_cast %add3A_485 : i32 to index
      %get3A_495 = arith.constant 48 : index
      %get3A_496 = tpu.vector_load %arg6[%get3A_494, %get3A_495] {strides = array<i32>} : memref<128x128xf32, #tpu.memory_space<vmem>>, vector<16xf32>,
      tpu.vector_store_idx %arg10[%add3A_5, %broadcast_in_dim3A], %get3A_487 : memref<64x129xf32, #tpu.memory_space<vmem>>[vector<16xi32>, vector<16xi32>], vector<16xf32>,
      tpu.vector_store_idx %arg10[%add3A_9, %broadcast_in_dim3A], %get3A_490 : memref<64x129xf32, #tpu.memory_space<vmem>>[vector<16xi32>, vector<16xi32>], vector<16xf32>,
      tpu.vector_store_idx %arg10[%add3A_13, %broadcast_in_dim3A], %get3A_493 : memref<64x129xf32, #tpu.memory_space<vmem>>[vector<16xi32>, vector<16xi32>], vector<16xf32>,
      tpu.vector_store_idx %arg10[%add3A_17, %broadcast_in_dim3A], %get3A_496 : memref<64x129xf32, #tpu.memory_space<vmem>>[vector<16xi32>, vector<16xi32>], vector<16xf32>,
      %mul3A_497 = arith.constant 4 : i32
      %mul3A_498 = arith.muli %scan3A_481, %mul3A_497 : i32
      %add3A_499 = arith.constant 1 : i32
      %add3A_500 = arith.addi %mul3A_498, %add3A_499 : i32
      %broadcast_in_dim3A_501 = vector.broadcast %add3A_500 : i32 to vector<16xi32>
      %get3A_502 = arith.index_cast %add3A_500 : i32 to index
      %get3A_503 = arith.constant 0 : index
      %get3A_504 = tpu.vector_load %arg6[%get3A_502, %get3A_503] {strides = array<i32>} : memref<128x128xf32, #tpu.memory_space<vmem>>, vector<16xf32>,
      %get3A_505 = arith.index_cast %add3A_500 : i32 to index
      %get3A_506 = arith.constant 16 : index
      %get3A_507 = tpu.vector_load %arg6[%get3A_505, %get3A_506] {strides = array<i32>} : memref<128x128xf32, #tpu.memory_space<vmem>>, vector<16xf32>,
      %get3A_508 = arith.index_cast %add3A_500 : i32 to index
      %get3A_509 = arith.constant 32 : index
      %get3A_510 = tpu.vector_load %arg6[%get3A_508, %get3A_509] {strides = array<i32>} : memref<128x128xf32, #tpu.memory_space<vmem>>, vector<16xf32>,
      %get3A_511 = arith.index_cast %add3A_500 : i32 to index
      %get3A_512 = arith.constant 48 : index
      %get3A_513 = tpu.vector_load %arg6[%get3A_511, %get3A_512] {strides = array<i32>} : memref<128x128xf32, #tpu.memory_space<vmem>>, vector<16xf32>,
      tpu.vector_store_idx %arg10[%add3A_5, %broadcast_in_dim3A_501], %get3A_504 : memref<64x129xf32, #tpu.memory_space<vmem>>[vector<16xi32>, vector<16xi32>], vector<16xf32>,
      tpu.vector_store_idx %arg10[%add3A_9, %broadcast_in_dim3A_501], %get3A_507 : memref<64x129xf32, #tpu.memory_space<vmem>>[vector<16xi32>, vector<16xi32>], vector<16xf32>,
      tpu.vector_store_idx %arg10[%add3A_13, %broadcast_in_dim3A_501], %get3A_510 : memref<64x129xf32, #tpu.memory_space<vmem>>[vector<16xi32>, vector<16xi32>], vector<16xf32>,
      tpu.vector_store_idx %arg10[%add3A_17, %broadcast_in_dim3A_501], %get3A_513 : memref<64x129xf32, #tpu.memory_space<vmem>>[vector<16xi32>, vector<16xi32>], vector<16xf32>,
      %mul3A_514 = arith.constant 4 : i32
      %mul3A_515 = arith.muli %scan3A_481, %mul3A_514 : i32
      %add3A_516 = arith.constant 2 : i32
      %add3A_517 = arith.addi %mul3A_515, %add3A_516 : i32
      %broadcast_in_dim3A_518 = vector.broadcast %add3A_517 : i32 to vector<16xi32>
      %get3A_519 = arith.index_cast %add3A_517 : i32 to index
      %get3A_520 = arith.constant 0 : index
      %get3A_521 = tpu.vector_load %arg6[%get3A_519, %get3A_520] {strides = array<i32>} : memref<128x128xf32, #tpu.memory_space<vmem>>, vector<16xf32>,
      %get3A_522 = arith.index_cast %add3A_517 : i32 to index
      %get3A_523 = arith.constant 16 : index
      %get3A_524 = tpu.vector_load %arg6[%get3A_522, %get3A_523] {strides = array<i32>} : memref<128x128xf32, #tpu.memory_space<vmem>>, vector<16xf32>,
      %get3A_525 = arith.index_cast %add3A_517 : i32 to index
      %get3A_526 = arith.constant 32 : index
      %get3A_527 = tpu.vector_load %arg6[%get3A_525, %get3A_526] {strides = array<i32>} : memref<128x128xf32, #tpu.memory_space<vmem>>, vector<16xf32>,
      %get3A_528 = arith.index_cast %add3A_517 : i32 to index
      %get3A_529 = arith.constant 48 : index
      %get3A_530 = tpu.vector_load %arg6[%get3A_528, %get3A_529] {strides = array<i32>} : memref<128x128xf32, #tpu.memory_space<vmem>>, vector<16xf32>,
      tpu.vector_store_idx %arg10[%add3A_5, %broadcast_in_dim3A_518], %get3A_521 : memref<64x129xf32, #tpu.memory_space<vmem>>[vector<16xi32>, vector<16xi32>], vector<16xf32>,
      tpu.vector_store_idx %arg10[%add3A_9, %broadcast_in_dim3A_518], %get3A_524 : memref<64x129xf32, #tpu.memory_space<vmem>>[vector<16xi32>, vector<16xi32>], vector<16xf32>,
      tpu.vector_store_idx %arg10[%add3A_13, %broadcast_in_dim3A_518], %get3A_527 : memref<64x129xf32, #tpu.memory_space<vmem>>[vector<16xi32>, vector<16xi32>], vector<16xf32>,
      tpu.vector_store_idx %arg10[%add3A_17, %broadcast_in_dim3A_518], %get3A_530 : memref<64x129xf32, #tpu.memory_space<vmem>>[vector<16xi32>, vector<16xi32>], vector<16xf32>,
      %mul3A_531 = arith.constant 4 : i32
      %mul3A_532 = arith.muli %scan3A_481, %mul3A_531 : i32
      %add3A_533 = arith.constant 3 : i32
      %add3A_534 = arith.addi %mul3A_532, %add3A_533 : i32
      %broadcast_in_dim3A_535 = vector.broadcast %add3A_534 : i32 to vector<16xi32>
      %get3A_536 = arith.index_cast %add3A_534 : i32 to index
      %get3A_537 = arith.constant 0 : index
      %get3A_538 = tpu.vector_load %arg6[%get3A_536, %get3A_537] {strides = array<i32>} : memref<128x128xf32, #tpu.memory_space<vmem>>, vector<16xf32>,
      %get3A_539 = arith.index_cast %add3A_534 : i32 to index
      %get3A_540 = arith.constant 16 : index
      %get3A_541 = tpu.vector_load %arg6[%get3A_539, %get3A_540] {strides = array<i32>} : memref<128x128xf32, #tpu.memory_space<vmem>>, vector<16xf32>,
      %get3A_542 = arith.index_cast %add3A_534 : i32 to index
      %get3A_543 = arith.constant 32 : index
      %get3A_544 = tpu.vector_load %arg6[%get3A_542, %get3A_543] {strides = array<i32>} : memref<128x128xf32, #tpu.memory_space<vmem>>, vector<16xf32>,
      %get3A_545 = arith.index_cast %add3A_534 : i32 to index
      %get3A_546 = arith.constant 48 : index
      %get3A_547 = tpu.vector_load %arg6[%get3A_545, %get3A_546] {strides = array<i32>} : memref<128x128xf32, #tpu.memory_space<vmem>>, vector<16xf32>,
      tpu.vector_store_idx %arg10[%add3A_5, %broadcast_in_dim3A_535], %get3A_538 : memref<64x129xf32, #tpu.memory_space<vmem>>[vector<16xi32>, vector<16xi32>], vector<16xf32>,
      tpu.vector_store_idx %arg10[%add3A_9, %broadcast_in_dim3A_535], %get3A_541 : memref<64x129xf32, #tpu.memory_space<vmem>>[vector<16xi32>, vector<16xi32>], vector<16xf32>,
      tpu.vector_store_idx %arg10[%add3A_13, %broadcast_in_dim3A_535], %get3A_544 : memref<64x129xf32, #tpu.memory_space<vmem>>[vector<16xi32>, vector<16xi32>], vector<16xf32>,
      tpu.vector_store_idx %arg10[%add3A_17, %broadcast_in_dim3A_535], %get3A_547 : memref<64x129xf32, #tpu.memory_space<vmem>>[vector<16xi32>, vector<16xi32>], vector<16xf32>,
    }
    %scan3A_402 = arith.constant 32 : i32
    %dma_start3A_403 = arith.constant 48 : i32
    %dma_start3A_404 = arith.constant 0 : i32
    %dma_start3A_405 = arith.constant 0 : i32
    %dma_start3A_406 = tpu.memref_slice %arg10[%dma_start3A_404, %dma_start3A_405] : memref<64x129xf32, #tpu.memory_space<vmem>> -> memref<64x128xf32, #tpu.memory_space<vmem>>
    %dma_start3A_407 = arith.constant 0 : i32
    %dma_start3A_408 = tpu.memref_slice %arg4[%dma_start3A_403, %dma_start3A_407, %mul3A_2] : memref<50x64x4096xf32, #tpu.memory_space<hbm>> -> memref<1x64x128xf32, #tpu.memory_space<hbm>>
    %dma_start3A_409 = tpu.memref_squeeze %dma_start3A_408 : memref<1x64x128xf32, #tpu.memory_space<hbm>> -> memref<64x128xf32, #tpu.memory_space<hbm>>
    %dma_start3A_410 = arith.constant 0 : i32
    %dma_start3A_411 = tpu.memref_slice %arg4[%dma_start3A_403, %dma_start3A_410, %mul3A_2] : memref<50x64x4096xf32, #tpu.memory_space<hbm>> -> memref<1x64x128xf32, #tpu.memory_space<hbm>>
    %dma_start3A_412 = tpu.memref_squeeze %dma_start3A_411 : memref<1x64x128xf32, #tpu.memory_space<hbm>> -> memref<64x128xf32, #tpu.memory_space<hbm>>
    %dma_start3A_413 = arith.constant 0 : i32
    %dma_start3A_414 = arith.constant 0 : i32
    %dma_start3A_415 = tpu.memref_slice %arg10[%dma_start3A_413, %dma_start3A_414] : memref<64x129xf32, #tpu.memory_space<vmem>> -> memref<64x128xf32, #tpu.memory_space<vmem>>
    tpu.enqueue_dma source(%dma_start3A_415 : memref<64x128xf32, #tpu.memory_space<vmem>>) target(%dma_start3A_412 : memref<64x128xf32, #tpu.memory_space<hbm>>) target_semaphore(%arg16 : memref<!tpu.dma_semaphore, #tpu.memory_space<semaphore_mem>>)
    %dma_wait3A_416 = arith.constant 49 : i32
    %dma_wait3A_417 = arith.constant 0 : i32
    %dma_wait3A_418 = tpu.memref_slice %arg5[%dma_wait3A_416, %dma_wait3A_417] : memref<50x128xi32, #tpu.memory_space<vmem>> -> memref<1x128xi32, #tpu.memory_space<vmem>>
    %dma_wait3A_419 = tpu.memref_squeeze %dma_wait3A_418 : memref<1x128xi32, #tpu.memory_space<vmem>> -> memref<128xi32, #tpu.memory_space<vmem>>
    %dma_wait3A_420 = arith.constant 0 : i32
    %dma_wait3A_421 = arith.constant 0 : i32
    %dma_wait3A_422 = tpu.memref_slice %arg3[%dma_wait3A_420, %dma_wait3A_421] : memref<1000000x128xf32, #tpu.memory_space<hbm>> -> memref<1000000x128xf32, #tpu.memory_space<hbm>>
    tpu.wait_indirect_dma semaphore(%arg13 : memref<!tpu.dma_semaphore, #tpu.memory_space<semaphore_mem>>) src(%dma_wait3A_422 : memref<1000000x128xf32, #tpu.memory_space<hbm>>) dst(%arg7 : memref<128x128xf32, #tpu.memory_space<vmem>>)
    %dma_wait3A_423 = arith.constant 47 : i32
    %dma_wait3A_424 = arith.constant 0 : i32
    %dma_wait3A_425 = arith.constant 0 : i32
    %dma_wait3A_426 = tpu.memref_slice %arg11[%dma_wait3A_424, %dma_wait3A_425] : memref<64x129xf32, #tpu.memory_space<vmem>> -> memref<64x128xf32, #tpu.memory_space<vmem>>
    %dma_wait3A_427 = arith.constant 0 : i32
    %dma_wait3A_428 = tpu.memref_slice %arg4[%dma_wait3A_423, %dma_wait3A_427, %mul3A_2] : memref<50x64x4096xf32, #tpu.memory_space<hbm>> -> memref<1x64x128xf32, #tpu.memory_space<hbm>>
    %dma_wait3A_429 = tpu.memref_squeeze %dma_wait3A_428 : memref<1x64x128xf32, #tpu.memory_space<hbm>> -> memref<64x128xf32, #tpu.memory_space<hbm>>
    %dma_wait3A_430 = arith.constant 0 : i32
    %dma_wait3A_431 = tpu.memref_slice %arg4[%dma_wait3A_423, %dma_wait3A_430, %mul3A_2] : memref<50x64x4096xf32, #tpu.memory_space<hbm>> -> memref<1x64x128xf32, #tpu.memory_space<hbm>>
    %dma_wait3A_432 = tpu.memref_squeeze %dma_wait3A_431 : memref<1x64x128xf32, #tpu.memory_space<hbm>> -> memref<64x128xf32, #tpu.memory_space<hbm>>
    %dma_wait3A_433 = arith.constant 0 : i32
    %dma_wait3A_434 = arith.constant 0 : i32
    %dma_wait3A_435 = tpu.memref_slice %arg11[%dma_wait3A_433, %dma_wait3A_434] : memref<64x129xf32, #tpu.memory_space<vmem>> -> memref<64x128xf32, #tpu.memory_space<vmem>>
    tpu.wait_dma2 semaphore(%arg17 : memref<!tpu.dma_semaphore, #tpu.memory_space<semaphore_mem>>) src(%dma_wait3A_435 : memref<64x128xf32, #tpu.memory_space<vmem>>) dst(%dma_wait3A_432 : memref<64x128xf32, #tpu.memory_space<hbm>>)
    %scan3A_436 = arith.constant 0 : i32
    %scan3A_437 = arith.constant 0 : i32
    %scan3A_438 = arith.constant 32 : i32
    %scan3A_439 = arith.addi %scan3A_437, %scan3A_438 : i32
    %scan3A_440 = arith.constant 1 : i32
    scf.for %scan3A_481 = %scan3A_437 to %scan3A_439 step %scan3A_440  : i32 {
      %mul3A_482 = arith.constant 4 : i32
      %mul3A_483 = arith.muli %scan3A_481, %mul3A_482 : i32
      %add3A_484 = arith.constant 0 : i32
      %add3A_485 = arith.addi %mul3A_483, %add3A_484 : i32
      %broadcast_in_dim3A = vector.broadcast %add3A_485 : i32 to vector<16xi32>
      %get3A = arith.index_cast %add3A_485 : i32 to index
      %get3A_486 = arith.constant 0 : index
      %get3A_487 = tpu.vector_load %arg7[%get3A, %get3A_486] {strides = array<i32>} : memref<128x128xf32, #tpu.memory_space<vmem>>, vector<16xf32>,
      %get3A_488 = arith.index_cast %add3A_485 : i32 to index
      %get3A_489 = arith.constant 16 : index
      %get3A_490 = tpu.vector_load %arg7[%get3A_488, %get3A_489] {strides = array<i32>} : memref<128x128xf32, #tpu.memory_space<vmem>>, vector<16xf32>,
      %get3A_491 = arith.index_cast %add3A_485 : i32 to index
      %get3A_492 = arith.constant 32 : index
      %get3A_493 = tpu.vector_load %arg7[%get3A_491, %get3A_492] {strides = array<i32>} : memref<128x128xf32, #tpu.memory_space<vmem>>, vector<16xf32>,
      %get3A_494 = arith.index_cast %add3A_485 : i32 to index
      %get3A_495 = arith.constant 48 : index
      %get3A_496 = tpu.vector_load %arg7[%get3A_494, %get3A_495] {strides = array<i32>} : memref<128x128xf32, #tpu.memory_space<vmem>>, vector<16xf32>,
      tpu.vector_store_idx %arg11[%add3A_5, %broadcast_in_dim3A], %get3A_487 : memref<64x129xf32, #tpu.memory_space<vmem>>[vector<16xi32>, vector<16xi32>], vector<16xf32>,
      tpu.vector_store_idx %arg11[%add3A_9, %broadcast_in_dim3A], %get3A_490 : memref<64x129xf32, #tpu.memory_space<vmem>>[vector<16xi32>, vector<16xi32>], vector<16xf32>,
      tpu.vector_store_idx %arg11[%add3A_13, %broadcast_in_dim3A], %get3A_493 : memref<64x129xf32, #tpu.memory_space<vmem>>[vector<16xi32>, vector<16xi32>], vector<16xf32>,
      tpu.vector_store_idx %arg11[%add3A_17, %broadcast_in_dim3A], %get3A_496 : memref<64x129xf32, #tpu.memory_space<vmem>>[vector<16xi32>, vector<16xi32>], vector<16xf32>,
      %mul3A_497 = arith.constant 4 : i32
      %mul3A_498 = arith.muli %scan3A_481, %mul3A_497 : i32
      %add3A_499 = arith.constant 1 : i32
      %add3A_500 = arith.addi %mul3A_498, %add3A_499 : i32
      %broadcast_in_dim3A_501 = vector.broadcast %add3A_500 : i32 to vector<16xi32>
      %get3A_502 = arith.index_cast %add3A_500 : i32 to index
      %get3A_503 = arith.constant 0 : index
      %get3A_504 = tpu.vector_load %arg7[%get3A_502, %get3A_503] {strides = array<i32>} : memref<128x128xf32, #tpu.memory_space<vmem>>, vector<16xf32>,
      %get3A_505 = arith.index_cast %add3A_500 : i32 to index
      %get3A_506 = arith.constant 16 : index
      %get3A_507 = tpu.vector_load %arg7[%get3A_505, %get3A_506] {strides = array<i32>} : memref<128x128xf32, #tpu.memory_space<vmem>>, vector<16xf32>,
      %get3A_508 = arith.index_cast %add3A_500 : i32 to index
      %get3A_509 = arith.constant 32 : index
      %get3A_510 = tpu.vector_load %arg7[%get3A_508, %get3A_509] {strides = array<i32>} : memref<128x128xf32, #tpu.memory_space<vmem>>, vector<16xf32>,
      %get3A_511 = arith.index_cast %add3A_500 : i32 to index
      %get3A_512 = arith.constant 48 : index
      %get3A_513 = tpu.vector_load %arg7[%get3A_511, %get3A_512] {strides = array<i32>} : memref<128x128xf32, #tpu.memory_space<vmem>>, vector<16xf32>,
      tpu.vector_store_idx %arg11[%add3A_5, %broadcast_in_dim3A_501], %get3A_504 : memref<64x129xf32, #tpu.memory_space<vmem>>[vector<16xi32>, vector<16xi32>], vector<16xf32>,
      tpu.vector_store_idx %arg11[%add3A_9, %broadcast_in_dim3A_501], %get3A_507 : memref<64x129xf32, #tpu.memory_space<vmem>>[vector<16xi32>, vector<16xi32>], vector<16xf32>,
      tpu.vector_store_idx %arg11[%add3A_13, %broadcast_in_dim3A_501], %get3A_510 : memref<64x129xf32, #tpu.memory_space<vmem>>[vector<16xi32>, vector<16xi32>], vector<16xf32>,
      tpu.vector_store_idx %arg11[%add3A_17, %broadcast_in_dim3A_501], %get3A_513 : memref<64x129xf32, #tpu.memory_space<vmem>>[vector<16xi32>, vector<16xi32>], vector<16xf32>,
      %mul3A_514 = arith.constant 4 : i32
      %mul3A_515 = arith.muli %scan3A_481, %mul3A_514 : i32
      %add3A_516 = arith.constant 2 : i32
      %add3A_517 = arith.addi %mul3A_515, %add3A_516 : i32
      %broadcast_in_dim3A_518 = vector.broadcast %add3A_517 : i32 to vector<16xi32>
      %get3A_519 = arith.index_cast %add3A_517 : i32 to index
      %get3A_520 = arith.constant 0 : index
      %get3A_521 = tpu.vector_load %arg7[%get3A_519, %get3A_520] {strides = array<i32>} : memref<128x128xf32, #tpu.memory_space<vmem>>, vector<16xf32>,
      %get3A_522 = arith.index_cast %add3A_517 : i32 to index
      %get3A_523 = arith.constant 16 : index
      %get3A_524 = tpu.vector_load %arg7[%get3A_522, %get3A_523] {strides = array<i32>} : memref<128x128xf32, #tpu.memory_space<vmem>>, vector<16xf32>,
      %get3A_525 = arith.index_cast %add3A_517 : i32 to index
      %get3A_526 = arith.constant 32 : index
      %get3A_527 = tpu.vector_load %arg7[%get3A_525, %get3A_526] {strides = array<i32>} : memref<128x128xf32, #tpu.memory_space<vmem>>, vector<16xf32>,
      %get3A_528 = arith.index_cast %add3A_517 : i32 to index
      %get3A_529 = arith.constant 48 : index
      %get3A_530 = tpu.vector_load %arg7[%get3A_528, %get3A_529] {strides = array<i32>} : memref<128x128xf32, #tpu.memory_space<vmem>>, vector<16xf32>,
      tpu.vector_store_idx %arg11[%add3A_5, %broadcast_in_dim3A_518], %get3A_521 : memref<64x129xf32, #tpu.memory_space<vmem>>[vector<16xi32>, vector<16xi32>], vector<16xf32>,
      tpu.vector_store_idx %arg11[%add3A_9, %broadcast_in_dim3A_518], %get3A_524 : memref<64x129xf32, #tpu.memory_space<vmem>>[vector<16xi32>, vector<16xi32>], vector<16xf32>,
      tpu.vector_store_idx %arg11[%add3A_13, %broadcast_in_dim3A_518], %get3A_527 : memref<64x129xf32, #tpu.memory_space<vmem>>[vector<16xi32>, vector<16xi32>], vector<16xf32>,
      tpu.vector_store_idx %arg11[%add3A_17, %broadcast_in_dim3A_518], %get3A_530 : memref<64x129xf32, #tpu.memory_space<vmem>>[vector<16xi32>, vector<16xi32>], vector<16xf32>,
      %mul3A_531 = arith.constant 4 : i32
      %mul3A_532 = arith.muli %scan3A_481, %mul3A_531 : i32
      %add3A_533 = arith.constant 3 : i32
      %add3A_534 = arith.addi %mul3A_532, %add3A_533 : i32
      %broadcast_in_dim3A_535 = vector.broadcast %add3A_534 : i32 to vector<16xi32>
      %get3A_536 = arith.index_cast %add3A_534 : i32 to index
      %get3A_537 = arith.constant 0 : index
      %get3A_538 = tpu.vector_load %arg7[%get3A_536, %get3A_537] {strides = array<i32>} : memref<128x128xf32, #tpu.memory_space<vmem>>, vector<16xf32>,
      %get3A_539 = arith.index_cast %add3A_534 : i32 to index
      %get3A_540 = arith.constant 16 : index
      %get3A_541 = tpu.vector_load %arg7[%get3A_539, %get3A_540] {strides = array<i32>} : memref<128x128xf32, #tpu.memory_space<vmem>>, vector<16xf32>,
      %get3A_542 = arith.index_cast %add3A_534 : i32 to index
      %get3A_543 = arith.constant 32 : index
      %get3A_544 = tpu.vector_load %arg7[%get3A_542, %get3A_543] {strides = array<i32>} : memref<128x128xf32, #tpu.memory_space<vmem>>, vector<16xf32>,
      %get3A_545 = arith.index_cast %add3A_534 : i32 to index
      %get3A_546 = arith.constant 48 : index
      %get3A_547 = tpu.vector_load %arg7[%get3A_545, %get3A_546] {strides = array<i32>} : memref<128x128xf32, #tpu.memory_space<vmem>>, vector<16xf32>,
      tpu.vector_store_idx %arg11[%add3A_5, %broadcast_in_dim3A_535], %get3A_538 : memref<64x129xf32, #tpu.memory_space<vmem>>[vector<16xi32>, vector<16xi32>], vector<16xf32>,
      tpu.vector_store_idx %arg11[%add3A_9, %broadcast_in_dim3A_535], %get3A_541 : memref<64x129xf32, #tpu.memory_space<vmem>>[vector<16xi32>, vector<16xi32>], vector<16xf32>,
      tpu.vector_store_idx %arg11[%add3A_13, %broadcast_in_dim3A_535], %get3A_544 : memref<64x129xf32, #tpu.memory_space<vmem>>[vector<16xi32>, vector<16xi32>], vector<16xf32>,
      tpu.vector_store_idx %arg11[%add3A_17, %broadcast_in_dim3A_535], %get3A_547 : memref<64x129xf32, #tpu.memory_space<vmem>>[vector<16xi32>, vector<16xi32>], vector<16xf32>,
    }
    %scan3A_441 = arith.constant 32 : i32
    %dma_start3A_442 = arith.constant 49 : i32
    %dma_start3A_443 = arith.constant 0 : i32
    %dma_start3A_444 = arith.constant 0 : i32
    %dma_start3A_445 = tpu.memref_slice %arg11[%dma_start3A_443, %dma_start3A_444] : memref<64x129xf32, #tpu.memory_space<vmem>> -> memref<64x128xf32, #tpu.memory_space<vmem>>
    %dma_start3A_446 = arith.constant 0 : i32
    %dma_start3A_447 = tpu.memref_slice %arg4[%dma_start3A_442, %dma_start3A_446, %mul3A_2] : memref<50x64x4096xf32, #tpu.memory_space<hbm>> -> memref<1x64x128xf32, #tpu.memory_space<hbm>>
    %dma_start3A_448 = tpu.memref_squeeze %dma_start3A_447 : memref<1x64x128xf32, #tpu.memory_space<hbm>> -> memref<64x128xf32, #tpu.memory_space<hbm>>
    %dma_start3A_449 = arith.constant 0 : i32
    %dma_start3A_450 = tpu.memref_slice %arg4[%dma_start3A_442, %dma_start3A_449, %mul3A_2] : memref<50x64x4096xf32, #tpu.memory_space<hbm>> -> memref<1x64x128xf32, #tpu.memory_space<hbm>>
    %dma_start3A_451 = tpu.memref_squeeze %dma_start3A_450 : memref<1x64x128xf32, #tpu.memory_space<hbm>> -> memref<64x128xf32, #tpu.memory_space<hbm>>
    %dma_start3A_452 = arith.constant 0 : i32
    %dma_start3A_453 = arith.constant 0 : i32
    %dma_start3A_454 = tpu.memref_slice %arg11[%dma_start3A_452, %dma_start3A_453] : memref<64x129xf32, #tpu.memory_space<vmem>> -> memref<64x128xf32, #tpu.memory_space<vmem>>
    tpu.enqueue_dma source(%dma_start3A_454 : memref<64x128xf32, #tpu.memory_space<vmem>>) target(%dma_start3A_451 : memref<64x128xf32, #tpu.memory_space<hbm>>) target_semaphore(%arg17 : memref<!tpu.dma_semaphore, #tpu.memory_space<semaphore_mem>>)
    %dma_wait3A_455 = arith.constant 48 : i32
    %dma_wait3A_456 = arith.constant 0 : i32
    %dma_wait3A_457 = arith.constant 0 : i32
    %dma_wait3A_458 = tpu.memref_slice %arg10[%dma_wait3A_456, %dma_wait3A_457] : memref<64x129xf32, #tpu.memory_space<vmem>> -> memref<64x128xf32, #tpu.memory_space<vmem>>
    %dma_wait3A_459 = arith.constant 0 : i32
    %dma_wait3A_460 = tpu.memref_slice %arg4[%dma_wait3A_455, %dma_wait3A_459, %mul3A_2] : memref<50x64x4096xf32, #tpu.memory_space<hbm>> -> memref<1x64x128xf32, #tpu.memory_space<hbm>>
    %dma_wait3A_461 = tpu.memref_squeeze %dma_wait3A_460 : memref<1x64x128xf32, #tpu.memory_space<hbm>> -> memref<64x128xf32, #tpu.memory_space<hbm>>
    %dma_wait3A_462 = arith.constant 0 : i32
    %dma_wait3A_463 = tpu.memref_slice %arg4[%dma_wait3A_455, %dma_wait3A_462, %mul3A_2] : memref<50x64x4096xf32, #tpu.memory_space<hbm>> -> memref<1x64x128xf32, #tpu.memory_space<hbm>>
    %dma_wait3A_464 = tpu.memref_squeeze %dma_wait3A_463 : memref<1x64x128xf32, #tpu.memory_space<hbm>> -> memref<64x128xf32, #tpu.memory_space<hbm>>
    %dma_wait3A_465 = arith.constant 0 : i32
    %dma_wait3A_466 = arith.constant 0 : i32
    %dma_wait3A_467 = tpu.memref_slice %arg10[%dma_wait3A_465, %dma_wait3A_466] : memref<64x129xf32, #tpu.memory_space<vmem>> -> memref<64x128xf32, #tpu.memory_space<vmem>>
    tpu.wait_dma2 semaphore(%arg16 : memref<!tpu.dma_semaphore, #tpu.memory_space<semaphore_mem>>) src(%dma_wait3A_467 : memref<64x128xf32, #tpu.memory_space<vmem>>) dst(%dma_wait3A_464 : memref<64x128xf32, #tpu.memory_space<hbm>>)
    %dma_wait3A_468 = arith.constant 49 : i32
    %dma_wait3A_469 = arith.constant 0 : i32
    %dma_wait3A_470 = arith.constant 0 : i32
    %dma_wait3A_471 = tpu.memref_slice %arg11[%dma_wait3A_469, %dma_wait3A_470] : memref<64x129xf32, #tpu.memory_space<vmem>> -> memref<64x128xf32, #tpu.memory_space<vmem>>
    %dma_wait3A_472 = arith.constant 0 : i32
    %dma_wait3A_473 = tpu.memref_slice %arg4[%dma_wait3A_468, %dma_wait3A_472, %mul3A_2] : memref<50x64x4096xf32, #tpu.memory_space<hbm>> -> memref<1x64x128xf32, #tpu.memory_space<hbm>>
    %dma_wait3A_474 = tpu.memref_squeeze %dma_wait3A_473 : memref<1x64x128xf32, #tpu.memory_space<hbm>> -> memref<64x128xf32, #tpu.memory_space<hbm>>
    %dma_wait3A_475 = arith.constant 0 : i32
    %dma_wait3A_476 = tpu.memref_slice %arg4[%dma_wait3A_468, %dma_wait3A_475, %mul3A_2] : memref<50x64x4096xf32, #tpu.memory_space<hbm>> -> memref<1x64x128xf32, #tpu.memory_space<hbm>>
    %dma_wait3A_477 = tpu.memref_squeeze %dma_wait3A_476 : memref<1x64x128xf32, #tpu.memory_space<hbm>> -> memref<64x128xf32, #tpu.memory_space<hbm>>
    %dma_wait3A_478 = arith.constant 0 : i32
    %dma_wait3A_479 = arith.constant 0 : i32
    %dma_wait3A_480 = tpu.memref_slice %arg11[%dma_wait3A_478, %dma_wait3A_479] : memref<64x129xf32, #tpu.memory_space<vmem>> -> memref<64x128xf32, #tpu.memory_space<vmem>>
    tpu.wait_dma2 semaphore(%arg17 : memref<!tpu.dma_semaphore, #tpu.memory_space<semaphore_mem>>) src(%dma_wait3A_480 : memref<64x128xf32, #tpu.memory_space<vmem>>) dst(%dma_wait3A_477 : memref<64x128xf32, #tpu.memory_space<hbm>>)
    return
  }
}

module attributes {stable_mosaic.version = 14 : i64} {
  func.func @_tpose_body(%arg0: i32, %arg1: memref<64x4096xf32, #tpu.memory_space<vmem>>, %arg2: memref<4096x128xf32, #tpu.memory_space<vmem>>) attributes {dimension_semantics = [#tpu.dimension_semantics<arbitrary>], iteration_bounds = array<i64: 245>, scalar_prefetch = 0 : i64, scratch_operands = 0 : i64, tpu.core_type = #tpu.core_type<tc>, window_params = [{transform_indices = @transform_0, window_bounds = array<i64: 64, 4096>}, {transform_indices = @transform_1, window_bounds = array<i64: 4096, 128>}]} {
    %iota3A = tpu.iota {dimensions = array<i32: 0>} : vector<64x64xi32>
    %iota3A_0 = tpu.iota {dimensions = array<i32: 1>} : vector<64x64xi32>
    %add3A = arith.constant 0 : i32
    %add3A_1 = vector.broadcast %add3A : i32 to vector<64x64xi32>
    %add3A_2 = arith.addi %iota3A, %add3A_1 : vector<64x64xi32>
    %eq3A = arith.cmpi eq, %add3A_2, %iota3A_0 : vector<64x64xi32>
    %convert_element_type3A = arith.extui %eq3A : vector<64x64xi1> to vector<64x64xi32>
    %convert_element_type3A_3 = arith.sitofp %convert_element_type3A : vector<64x64xi32> to vector<64x64xf32>
    %get3A = arith.constant 0 : index
    %get3A_4 = arith.constant 0 : index
    %get3A_5 = vector.load %arg1[%get3A, %get3A_4] : memref<64x4096xf32, #tpu.memory_space<vmem>>, vector<64x4096xf32>
    %dot_general3A = arith.constant dense<0.000000e+00> : vector<4096x64xf32>
    %dot_general3A_6 = tpu.matmul %get3A_5, %convert_element_type3A_3, %dot_general3A {dimension_numbers = #tpu.dot_dimension_numbers<[0], [0], [1], [1], [0, 1, 1, 1], [], []>, transpose_lhs_hint = false} : vector<64x4096xf32>, vector<64x64xf32>, vector<4096x64xf32> -> vector<4096x64xf32>
    %broadcast_in_dim3A = arith.constant 0.000000e+00 : f32
    %broadcast_in_dim3A_7 = vector.broadcast %broadcast_in_dim3A : f32 to vector<4096x64xf32>
    %concatenate3A = tpu.concatenate %dot_general3A_6, %broadcast_in_dim3A_7 in 1 : vector<4096x64xf32>, vector<4096x64xf32> -> vector<4096x128xf32>
    %swap3A = arith.constant 0 : index
    %swap3A_8 = arith.constant 0 : index
    %swap3A_9 = vector.load %arg2[%swap3A, %swap3A_8] : memref<4096x128xf32, #tpu.memory_space<vmem>>, vector<4096x128xf32>
    tpu.vector_store %arg2[%swap3A, %swap3A_8], %concatenate3A {strides = array<i32>} : memref<4096x128xf32, #tpu.memory_space<vmem>>, vector<4096x128xf32>,
    return
  }
  func.func @transform_0(%arg0: i32) -> (i32, i32) {
    %c0_i32 = arith.constant 0 : i32
    %c0_i32_0 = arith.constant 0 : i32
    return %c0_i32, %arg0 : i32, i32
  }
  func.func @transform_1(%arg0: i32) -> (i32, i32) {
    %c0_i32 = arith.constant 0 : i32
    %c0_i32_0 = arith.constant 0 : i32
    return %arg0, %c0_i32 : i32, i32
  }
}

</mosaic_0001>

<sc_bundles>
// kernel: kernel.4.cloned.1.call-start
scs
__scs_entry_jumppad:
0x0: {  	(pc) =	sbr.rel $0x88, $3  }
0x1: {  	(tag) =	ssettag $0x0;
	lr =	simm.s32 $0x1  }
0x2: {  	[smem:$0x3F9F] =	sst lr;
	_ =	strace $0xD0000000  }
0x3: {  	_ = 	snop  }
0x4: {  	_ = 	snop  }
0x5: {  	_ = 	snop  }
0x6: {  	_ = 	snop  }
0x7: {  	_ = 	snop  }
__scs_overlays_trampoline_lowered:
0x8: {  	[smem:$0x3FAE] =	sst s0  }
0x9: {  	[smem:$0x3FAF] =	sst s1  }
0xa: {  	[smem:$0x3FB0] =	sst s2  }
0xb: {  	[smem:$0x3FB1] =	sst s3  }
0xc: {  	[smem:$0x3FB2] =	sst s4  }
0xd: {  	[smem:$0x3FB3] =	sst s5  }
0xe: {  	[smem:$0x3FB4] =	sst s6  }
0xf: {  	[smem:$0x3FB5] =	sst s7  }
0x10: {  	[smem:$0x3FB6] =	sst s8  }
0x11: {  	[smem:$0x3FB7] =	sst s9;
	s0 =	simm.s32 @!p0 $0x0  }
0x12: {  	s1 =	sld [smem:$0x3F9D];
	s0 =	simm.s32 @p0 $0x1  }
0x13: {  	[smem:$0x3FB8] =	sst s0;
	s0 =	simm.s32 @!p1 $0x0  }
0x14: {  	s2 =	sld [smem:$0x3F9C];
	s0 =	simm.s32 @p1 $0x1  }
0x15: {  	[smem:$0x3FB9] =	sst s0;
	s0 =	simm.s32 @!p2 $0x0  }
0x16: {  	s3 =	sld [smem:$0x3FDB];
	s0 =	simm.s32 @p2 $0x1  }
0x17: {  	s4 =	simm.s32 $0x1BF5;
	[smem:$0x3FBB] =	sst s0  }
0x18: {  	s0 =	sld [smem:$0x3F9E];
	_ =	swait.ge [sflag:s4], $0x0  }
0x19: {  	s7 =	sld [smem:$0x3F9F]  }
0x1a: {  	s8 =	sadd.s32 $0xFFFFE003, lr  }
0x1b: {  	s9 =	sadd.s32 $0xFFFFFEF7, lr;
	s5 =	simm.s32 $0xFFFFFFFF;
	p2 =	slt.u32 s8, $0xFFFFF086  }
0x1c: {  	p1 =	slt.u32 s9, $0xF7A;
	s5 =	simm.s32 @!p2 $0x0  }
0x1d: {  	s5 =	simm.s32 @p1 $0x1;
	p0 =	seq.s32 s7, s2  }
0x1e: {  	s7 =	smul.u32 @!p0 $0xF7A, s2;
	p2 =	seq.s32 @!p0 s5, $0x0  }
0x1f: {  	s9 =	smul.u32 $0xF7A, s1;
	s8 =	simm.s32 @!p0 $0x1BF5;
	p2 =	por !p2, p0  }
0x20: {  	[sflag:s8] =	ssyncset.s32 @!p0 $0xFFFFF086;
	s6 =	sadd.s32 @!p0 s3, s7;
	s7 =	simm.s32 @!p0 $0x108  }
0x21: {  	s3 =	sadd.s32 s3, s9;
	s6 =	sadd.s32 @!p0 $0x88, s6;
	s7 =	simm.s32 @p2 $0x1082  }
0x22: {  	[simem:s7], [sflag:s8] =	dma.local @!p0 [hbm:s6], $0xF7A  }
0x23: {  	s9 =	sor.u32 $0xD0000000, s2;
	s6 =	simm.s32 $0x108;
	_ =	swait.ge @!p0 [sflag:s8], $0x0  }
0x24: {  	s3 =	sadd.s32 $0x88, s3;
	s6 =	simm.s32 @!p1 $0x1082;
	[sflag:s4] =	ssyncset.s32 $0xFFFFF086  }
0x25: {  	[simem:s6], [sflag:s4] =	dma.local [hbm:s3], $0xF7A  }
0x26: {  	[smem:$0x3F9F] =	sst s1;
	(tag) =	ssettag s2;
	_ =	strace s9  }
0x27: {  	s1 =	sld [smem:$0x3FAF]  }
0x28: {  	s2 =	sld [smem:$0x3FB0]  }
0x29: {  	s4 =	sld [smem:$0x3FB2]  }
0x2a: {  	p0 =	seq.s32 s5, $0x0;
	s5 =	sld [smem:$0x3FB3]  }
0x2b: {  	s6 =	sld [smem:$0x3FB4]  }
0x2c: {  	s7 =	sld [smem:$0x3FB5]  }
0x2d: {  	s3 =	simm.s32 $0x108;
	s8 =	sld [smem:$0x3FB6]  }
0x2e: {  	s3 =	simm.s32 @!p0 $0x1082;
	s9 =	sld [smem:$0x3FB7]  }
0x2f: {  	lr =	sadd.s32 s0, s3;
	s0 =	sld [smem:$0x3FAE]  }
0x30: {  	s3 =	sld [smem:$0x3FB1]  }
0x31: {  	[smem:$0x3FBA] =	sst s10  }
0x32: {  	s10 =	sld [smem:$0x3FB8];
	_ =	sdelay $0x3  }
0x33: {  	p0 =	seq.s32 s10, $0x1;
	s10 =	sld [smem:$0x3FBA];
	_ =	sdelay $0x3  }
0x34: {  	[smem:$0x3FBA] =	sst s10  }
0x35: {  	s10 =	sld [smem:$0x3FB9];
	_ =	sdelay $0x3  }
0x36: {  	p1 =	seq.s32 s10, $0x1;
	s10 =	sld [smem:$0x3FBA];
	_ =	sdelay $0x3  }
0x37: {  	[smem:$0x3FBA] =	sst s10  }
0x38: {  	s10 =	sld [smem:$0x3FBB]  }
0x39: {  	_ = 	snop;
	(pc) =	sbr.ind lr, $3  }
0x3a: {  	_ = 	snop  }
0x3b: {  	_ = 	snop  }
0x3c: {  	p2 =	seq.s32 s10, $0x1;
	s10 =	sld [smem:$0x3FBA]  }
0x3d: {  	_ =	shalt  }
0x3e: {  	_ =	shalt  }
0x3f: {  	_ =	shalt  }
0x40: {  	_ =	shalt  }
0x41: {  	_ =	shalt  }
0x42: {  	_ =	shalt  }
0x43: {  	_ =	shalt  }
0x44: {  	_ =	shalt  }
0x45: {  	_ =	shalt  }
0x46: {  	_ =	shalt  }
0x47: {  	_ =	shalt  }
0x48: {  	_ =	shalt  }
0x49: {  	_ =	shalt  }
0x4a: {  	_ =	shalt  }
0x4b: {  	_ =	shalt  }
0x4c: {  	_ =	shalt  }
0x4d: {  	_ =	shalt  }
0x4e: {  	_ =	shalt  }
0x4f: {  	_ =	shalt  }
0x50: {  	_ =	shalt  }
0x51: {  	_ =	shalt  }
0x52: {  	_ =	shalt  }
0x53: {  	_ =	shalt  }
0x54: {  	_ =	shalt  }
0x55: {  	_ =	shalt  }
0x56: {  	_ =	shalt  }
0x57: {  	_ =	shalt  }
0x58: {  	_ =	shalt  }
0x59: {  	_ =	shalt  }
0x5a: {  	_ =	shalt  }
0x5b: {  	_ =	shalt  }
0x5c: {  	_ =	shalt  }
0x5d: {  	_ =	shalt  }
0x5e: {  	_ =	shalt  }
0x5f: {  	_ =	shalt  }
0x60: {  	_ =	shalt  }
0x61: {  	_ =	shalt  }
0x62: {  	_ =	shalt  }
0x63: {  	_ =	shalt  }
0x64: {  	_ =	shalt  }
0x65: {  	_ =	shalt  }
0x66: {  	_ =	shalt  }
0x67: {  	_ =	shalt  }
0x68: {  	_ =	shalt  }
0x69: {  	_ =	shalt  }
0x6a: {  	_ =	shalt  }
0x6b: {  	_ =	shalt  }
0x6c: {  	_ =	shalt  }
0x6d: {  	_ =	shalt  }
0x6e: {  	_ =	shalt  }
0x6f: {  	_ =	shalt  }
0x70: {  	_ =	shalt  }
0x71: {  	_ =	shalt  }
0x72: {  	_ =	shalt  }
0x73: {  	_ =	shalt  }
0x74: {  	_ =	shalt  }
0x75: {  	_ =	shalt  }
0x76: {  	_ =	shalt  }
0x77: {  	_ =	shalt  }
0x78: {  	_ =	shalt  }
0x79: {  	_ =	shalt  }
0x7a: {  	_ =	shalt  }
0x7b: {  	_ =	shalt  }
0x7c: {  	_ =	shalt  }
0x7d: {  	_ =	shalt  }
0x7e: {  	_ =	shalt  }
0x7f: {  	_ =	shalt  }
0x80: {  	_ =	shalt  }
0x81: {  	_ =	shalt  }
0x82: {  	_ =	shalt  }
0x83: {  	_ =	shalt  }
0x84: {  	_ =	shalt  }
0x85: {  	_ =	shalt  }
0x86: {  	_ =	shalt  }
0x87: {  	_ =	shalt  }
.Lfunc_end0:
.L_simem_size_0:
called_computation_lowered:
.L_overlay_start_0:
0x88: {  	s2 =	sld [smem:$0x3FD9]  }
0x89: {  	s3 =	sld [smem:$0x3FFE];
	_ =	sdelay $0x1  }
0x8a: {  	s1 =	srdreg.scid  }
0x8b: {  	s0 =	sand.u32 $0x1, s1  }
0x8c: {  	s17 =	sshll.u32 s0, $0xA;
	s2 =	sadd.s32 s3, s2  }
0x8d: {  	s2 =	sadd.s32 s2, s17  }
0x8e: {  	[smem:$0x3FC6] =	sst s2  }
0x8f: {  	_ = 	snop  }
0x90: {  	s2 =	sld [smem:$0x3FD0];
	(tm) =	ssettm $0x1  }
0x91: {  	s18 =	sld [smem:$0x3FFB];
	_ =	sdelay $0x3  }
0x92: {  	_ =	strace s18  }
0x93: {  	s3 =	sld [smem:$0x3FFC];
	_ =	sdelay $0x3  }
0x94: {  	_ =	strace s3  }
0x95: {  	s3 =	sld [smem:$0x3FFD];
	_ =	sdelay $0x3  }
0x96: {  	_ =	strace s3  }
0x97: {  	_ =	strace $0x8FFFFFFF  }
0x98: {  	s19 =	sld [smem:$0x3FDB];
	_ =	sdelay $0x1  }
0x99: {  	s4 =	simm.s32 $_scs_section_size  }
0x9a: {  	s5 =	simm.s32 $_size__tile_overlayer_lowered;
	s6 =	simm.s32 $_tile_overlayer_lowered  }
0x9b: {  	s22 =	simm.s32 $0x1BFF;
	s21 =	sshll.u32 s6, $0x1;
	s3 =	sadd.s32 s4, s19  }
0x9c: {  	s7 =	simm.s32 $0x0;
	s20 =	sshll.u32 s5, $0x1;
	s5 =	sadd.s32 s21, s3  }
0x9d: {  	[timem:s7], [sflag:s22] =	dma.local [hbm:s5], s20  }
0x9e: {  	_ =	swait.ge [sflag:s22], s20  }
0x9f: {  	s4 =	ssub.s32 $0x0, s20;
	[sflag:s22] =	ssyncset.done $0x0  }
0xa0: {  	[sflag:s22] =	ssyncadd.s32 s4;
	_ =	sdelay $0x1  }
0xa1: {  	s23 =	simm.s32 $0x1B8B  }
0xa2: {  	_ =	swait.ge [sflag:s23], $0x1  }
0xa3: {  	[sflag:s23] =	ssyncset.done $0x0  }
0xa4: {  	s25 =	simm.s32 $0x1B8E;
	s24 =	sld [smem:$0x3FFE];
	[sflag:s23] =	ssyncadd.s32 $0xFFFFFFFF  }
0xa5: {  	s26 =	simm.s32 $execute0_lowered;
	[smem:$0x3FD2] =	sst s25  }
0xa6: {  	s5 =	sshll.u32 s26, $0x1;
	_ =	strace $0x80000046;
	[dreg:$0x1] =	wrdreg $0xFFFFFFFF  }
0xa7: {  	s28 =	simm.s32 $_size_execute0_lowered;
	s3 =	sadd.s32 s3, s5;
	[dreg:$0x0] =	wrdreg $0x0  }
0xa8: {  	s5 =	sshll.u32 s28, $0x1;
	[dreg:$0x2] =	wrdreg s3  }
0xa9: {  	[dreg:$0x3] =	wrdreg s5  }
0xaa: {  	[dreg:$0x4] =	wrdreg $0xC0  }
0xab: {  	_ =	task [dreg:s7], $0x5FFFF  }
0xac: {  	[dreg:$0x1] =	wrdreg $0xFFFFFFFF  }
0xad: {  	[dreg:$0x0] =	wrdreg $0x60  }
0xae: {  	[dreg:$0x2] =	wrdreg s2  }
0xaf: {  	[dreg:$0x3] =	wrdreg s24  }
0xb0: {  	[dreg:$0x4] =	wrdreg $0x9  }
0xb1: {  	_ =	task.clear_ibuf [dreg:s7], $0x5FFFF;
	_ =	strace $0x90000046  }
0xb2: {  	s29 =	simm.s32 $0x9;
	_ =	strace $0x80000048  }
0xb3: {  	_ =	swait.ge [sflag:s29], $0x1  }
0xb4: {  	[sflag:s29] =	ssyncadd.s32 $0xFFFFFFFF  }
0xb5: {  	_ =	strace $0x90000048  }
0xb6: {  	_ =	sfence  }
0xb7: {  	s30 =	sld [smem:$0x0];
	_ =	sdelay $0x2  }
0xb8: {  	s31 =	sshll.u32 s1, $0xD;
	s1 =	sshrl.u32 s1, $0x2  }
0xb9: {  	s3 =	sand.u32 $0x4000, s31;
	s1 =	sadd.s32 s1, s30  }
0xba: {  	s0 =	sor.u32 s3, s0;
	s1 =	sshll.u32 s1, $0x11  }
0xbb: {  	s0 =	sor.u32 s1, s0  }
0xbc: {  	s0 =	sadd.s32 $0x8F2B, s0  }
0xbd: {  	[sflag:s0] =	ssyncadd.remote.s32 $0x1  }
0xbe: {  	_ =	sfence.sel $0xFFFF  }
0xbf: {  	[dreg:$0x0] =	wrdreg $0xFFFFFFFF;
	(pc) =	sbr.abs _section_cstart, $3  }
0xc0: {  	[dreg:$0x1] =	wrdreg $0xFFFFFFFF  }
0xc1: {  	_ =	task.clear_ibuf [dreg:s7], $0x2FFFF;
	_ =	strace $0x9FFFFFFF  }
0xc2: {  	(tm) =	ssettm $0x7FFFFFFF  }
0xc3: {  	_ =	shalt  }
tec
execute0_lowered:
.L_overlay_start_1:
0x0: {  	(tag) =	ssettag $0x1  }
0x1: {  	s0 =	rddreg [dreg:$0x0]  }
0x2: {  	s1 =	rddreg [dreg:$0x1];
	s2 =	simm.s32 $0x0;
	s3 =	srdreg.scid  }
0x3: {  	s5 =	stileid.u32;
	s21 =	simm.s32 $0x80;
	s31 =	simm.s32 $0x1  }
0x4: {  	s22 =	simm.s32 $0x2;
	s29 =	simm.s32 $0x5;
	s20 =	simm.s32 $0x6  }
0x5: {  	[smem:$0x7FF] =	sst s2;
	s3 =	sand.u32 $0x1, s3;
	s25 =	sadd.s32 $0xF42800, s1  }
0x6: {  	s5 =	sshll.u32 s5, $0x8;
	s26 =	sadd.s32 $0xF4A800, s1;
	s28 =	sadd.s32 $0xF52800, s1  }
0x7: {  	_ =	strace $0x80000047;
	s4 =	ssub.s32 $0x2, s3;
	[dreg:$0x5] =	wrdreg s25  }
0x8: {  	s6 =	sshll.u32 s3, $0x7;
	s3 =	sadd.s32 $0x400, s1;
	[dreg:$0x6] =	wrdreg s26  }
0x9: {  	s1 =	sadd.s32 $0xF5A800, s1;
	s11 =	smov.u32 s28;
	s7 =	sshrl.u32 s4, $0x1  }
0xa: {  	s5 =	sor.u32 s6, s5;
	s10 =	smov.u32 s1;
	s6 =	simm.s32 $0x4  }
0xb: {  	s4 =	ssub.s32 s4, s7;
	[dreg:$0x4] =	wrdreg s5;
	s5 =	sshrl.u32 s5, $0x3  }
0xc: {  	s0 =	sadd.s32 s0, s5;
	s7 =	sadd.s32 s25, s5;
	s9 =	sadd.s32 s5, s26  }
0xd: {  	s12 =	sadd.s32 s5, s28;
	s13 =	sadd.s32 s5, s1;
	s30 =	smax.u32 s4, $0x1  }
0xe: {  	v0 =	vlaneseq.u32;
	s26 =	simm.s32 $0x13B00;
	s1 =	simm.s32 $0x3;
	s5 =	simm.s32 $0x0  }
0xf: {  	v0 =	vmul.u32 $0x88, v0;
	[dreg:$0x3] =	wrdreg s0;
	s14 =	sadd.s32 $0x160000, s7;
	s15 =	sadd.s32 $0x168000, s7  }
0x10: {  	s16 =	sadd.s32 $0x170000, s7;
	s17 =	sadd.s32 $0x178000, s7;
	s18 =	sadd.s32 $0x180000, s7  }
0x11: {  	v1 =	vadd.s32 $0x880, v0;
	v2 =	vadd.s32 $0x1100, v0;
	v3 =	vadd.s32 $0x1980, v0;
	s19 =	sadd.s32 $0x188000, s7;
	[dreg:$0x7] =	wrdreg s30;
	s0 =	simm.s32 $0x11900  }
.LBB2_1:
0x12: {  	[dreg:$0x8] =	wrdreg s5  }
0x13: {  	s4 =	rddreg [dreg:$0x3];
	s24 =	simm.s32 $0x1000;
	s25 =	simm.s32 $0x7  }
0x14: {  	[tilespmem:s2], [sflag:$0x7] =	stream.strided.gather [hbm4b:s4+s21], $0x1900, s24, s21, $0x38;
	[tilespmem:$0x15D00] =	vst v63  }
0x15: {  	_ =	swait.ge [sflag:s25], $0x1900  }
0x16: {  	[sflag:s25] =	ssyncset.done $0x0  }
0x17: {  	s28 =	simm.s32 $0x1900;
	[sflag:s25] =	ssyncadd.s32 $0xFFFFE700  }
0x18: {  	[tilespmem:s28], [sflag:$0x1] =	stream.indirect.gather [hbm4b:s3+s21], $0x80, s2, s21, $0xb8;
	[tilespmem:$0x15D00] =	vst v63  }
0x19: {  	s30 =	simm.s32 $0x5900  }
0x1a: {  	[tilespmem:s30], [sflag:$0x2] =	stream.indirect.gather [hbm4b:s3+s21], $0x80, s21, s21, $0xb8;
	[tilespmem:$0x15D00] =	vst v63  }
0x1b: {  	s5 =	simm.s32 $0x100;
	s8 =	simm.s32 $0x9900  }
0x1c: {  	[tilespmem:s8], [sflag:$0x3] =	stream.indirect.gather [hbm4b:s3+s21], $0x80, s5, s21, $0xb8;
	[tilespmem:$0x15D00] =	vst v63  }
0x1d: {  	s23 =	simm.s32 $0x180;
	s24 =	simm.s32 $0xD900  }
0x1e: {  	[tilespmem:s24], [sflag:$0x4] =	stream.indirect.gather [hbm4b:s3+s21], $0x80, s23, s21, $0xb8;
	[tilespmem:$0x15D00] =	vst v63  }
0x1f: {  	_ =	swait.ge [sflag:s31], $0x4000  }
0x20: {  	v4 =	vmov s2;
	[sflag:s31] =	ssyncset.done $0x0  }
0x21: {  	v4 =	vand.u32 $0x7C, v4;
	s23 =	simm.s32 $0x1A00;
	[sflag:s31] =	ssyncadd.s32 $0xFFFFC000  }
0x22: {  	v6 =	vadd.s32 v0, v4;
	v5 =	vld [tilespmem:s23+$0xFFFFFF00]  }
0x23: {  	v8 =	vadd.s32 v1, v4;
	v7 =	vld [tilespmem:s23+$0xFFFFFF10]  }
0x24: {  	v10 =	vadd.s32 v2, v4;
	v9 =	vld [tilespmem:s23+$0xFFFFFF20]  }
0x25: {  	v4 =	vadd.s32 v3, v4;
	v11 =	vld [tilespmem:s23+$0xFFFFFF30];
	_ =	sdelay $0x1  }
0x26: {  	[tilespmem:v6+s0+$0x0] =	vst.idx.msk $0xffff, v5  }
0x27: {  	s25 =	simm.s32 $0x1;
	[tilespmem:v8+s0+$0x0] =	vst.idx.msk $0xffff, v7  }
0x28: {  	v5 =	vmov s25;
	[tilespmem:v10+s0+$0x0] =	vst.idx.msk $0xffff, v9  }
0x29: {  	[tilespmem:v4+s0+$0x0] =	vst.idx.msk $0xffff, v11;
	v4 =	vand.u32 $0x7D, v5  }
0x2a: {  	v5 =	vld [tilespmem:s23+$0xFFFFFF80];
	v6 =	vadd.s32 v0, v4  }
0x2b: {  	v7 =	vld [tilespmem:s23+$0xFFFFFF90];
	v8 =	vadd.s32 v1, v4  }
0x2c: {  	v9 =	vld [tilespmem:s23+$0xFFFFFFA0];
	v60 =	vadd.s32 v2, v4  }
0x2d: {  	v11 =	vld [tilespmem:s23+$0xFFFFFFB0];
	v4 =	vadd.s32 v3, v4;
	_ =	sdelay $0x1  }
0x2e: {  	[tilespmem:v6+s0+$0x0] =	vst.idx.msk $0xffff, v5  }
0x2f: {  	s28 =	simm.s32 $0x2;
	[tilespmem:v8+s0+$0x0] =	vst.idx.msk $0xffff, v7  }
0x30: {  	v5 =	vmov s28;
	[tilespmem:v60+s0+$0x0] =	vst.idx.msk $0xffff, v9  }
0x31: {  	[tilespmem:v4+s0+$0x0] =	vst.idx.msk $0xffff, v11;
	v4 =	vand.u32 $0x7E, v5  }
0x32: {  	v5 =	vld [tilespmem:s23+$0x0];
	v6 =	vadd.s32 v0, v4  }
0x33: {  	v7 =	vld [tilespmem:s23+$0x10];
	v8 =	vadd.s32 v1, v4  }
0x34: {  	v9 =	vld [tilespmem:s23+$0x20];
	v61 =	vadd.s32 v2, v4  }
0x35: {  	v11 =	vld [tilespmem:s23+$0x30];
	v4 =	vadd.s32 v3, v4;
	_ =	sdelay $0x1  }
0x36: {  	[tilespmem:v6+s0+$0x0] =	vst.idx.msk $0xffff, v5  }
0x37: {  	s30 =	simm.s32 $0x3;
	[tilespmem:v8+s0+$0x0] =	vst.idx.msk $0xffff, v7  }
0x38: {  	v5 =	vmov s30;
	[tilespmem:v61+s0+$0x0] =	vst.idx.msk $0xffff, v9  }
0x39: {  	v5 =	vand.u32 $0x7F, v5;
	[tilespmem:v4+s0+$0x0] =	vst.idx.msk $0xffff, v11  }
0x3a: {  	v7 =	vadd.s32 v0, v5;
	v6 =	vld [tilespmem:s23+$0x80]  }
0x3b: {  	v62 =	vadd.s32 v1, v5;
	v8 =	vld [tilespmem:s23+$0x90]  }
0x3c: {  	v63 =	vadd.s32 v2, v5;
	v10 =	vld [tilespmem:s23+$0xA0];
	_ =	sdelay $0x1  }
0x3d: {  	v5 =	vadd.s32 v3, v5;
	v4 =	vld [tilespmem:s23+$0xB0]  }
0x3e: {  	[tilespmem:v7+s0+$0x0] =	vst.idx.msk $0xffff, v6  }
0x3f: {  	s24 =	simm.s32 $0x4;
	[tilespmem:v62+s0+$0x0] =	vst.idx.msk $0xffff, v8  }
0x40: {  	s25 =	simm.s32 $0x8;
	v6 =	vmov s24;
	[tilespmem:v63+s0+$0x0] =	vst.idx.msk $0xffff, v10  }
.LBB2_2:
0x41: {  	p0 =	sne.s32 s25, $0x7C  }
0x42: {  	v6 =	vand.u32 $0x7C, v6;
	[tilespmem:v5+s0+$0x0] =	vst.idx.msk $0xffff, v4;
	s23 =	sadd.s32 $0x200, s23;
	s4 =	smov.u32 s25;
	s25 =	sadd.s32 $0x4, s25  }
0x43: {  	v4 =	vld [tilespmem:s23+$0xFFFFFF00];
	v5 =	vadd.s32 v0, v6  }
0x44: {  	v8 =	vadd.s32 v1, v6;
	v7 =	vld [tilespmem:s23+$0xFFFFFF10]  }
0x45: {  	v10 =	vadd.s32 v2, v6;
	v9 =	vld [tilespmem:s23+$0xFFFFFF20]  }
0x46: {  	v6 =	vadd.s32 v3, v6;
	v11 =	vld [tilespmem:s23+$0xFFFFFF30];
	_ =	sdelay $0x1  }
0x47: {  	[tilespmem:v5+s0+$0x0] =	vst.idx.msk $0xffff, v4  }
0x48: {  	s5 =	sadd.s32 $0x1, s24;
	[tilespmem:v8+s0+$0x0] =	vst.idx.msk $0xffff, v7  }
0x49: {  	v4 =	vmov s5;
	[tilespmem:v10+s0+$0x0] =	vst.idx.msk $0xffff, v9  }
0x4a: {  	v4 =	vand.u32 $0x7D, v4;
	[tilespmem:v6+s0+$0x0] =	vst.idx.msk $0xffff, v11  }
0x4b: {  	v6 =	vadd.s32 v0, v4;
	v5 =	vld [tilespmem:s23+$0xFFFFFF80]  }
0x4c: {  	v8 =	vadd.s32 v1, v4;
	v7 =	vld [tilespmem:s23+$0xFFFFFF90]  }
0x4d: {  	v10 =	vadd.s32 v2, v4;
	v9 =	vld [tilespmem:s23+$0xFFFFFFA0]  }
0x4e: {  	v4 =	vadd.s32 v3, v4;
	v11 =	vld [tilespmem:s23+$0xFFFFFFB0];
	_ =	sdelay $0x1  }
0x4f: {  	[tilespmem:v6+s0+$0x0] =	vst.idx.msk $0xffff, v5  }
0x50: {  	s5 =	sadd.s32 $0x2, s24;
	[tilespmem:v8+s0+$0x0] =	vst.idx.msk $0xffff, v7  }
0x51: {  	v5 =	vmov s5;
	[tilespmem:v10+s0+$0x0] =	vst.idx.msk $0xffff, v9  }
0x52: {  	[tilespmem:v4+s0+$0x0] =	vst.idx.msk $0xffff, v11;
	v4 =	vand.u32 $0x7E, v5  }
0x53: {  	v5 =	vld [tilespmem:s23+$0x0];
	v6 =	vadd.s32 v0, v4  }
0x54: {  	v8 =	vadd.s32 v1, v4;
	v7 =	vld [tilespmem:s23+$0x10]  }
0x55: {  	v10 =	vadd.s32 v2, v4;
	v9 =	vld [tilespmem:s23+$0x20]  }
0x56: {  	v4 =	vadd.s32 v3, v4;
	v11 =	vld [tilespmem:s23+$0x30];
	_ =	sdelay $0x1  }
0x57: {  	[tilespmem:v6+s0+$0x0] =	vst.idx.msk $0xffff, v5  }
0x58: {  	s5 =	sadd.s32 $0x3, s24;
	s24 =	smov.u32 s4;
	[tilespmem:v8+s0+$0x0] =	vst.idx.msk $0xffff, v7  }
0x59: {  	v5 =	vmov s5;
	[tilespmem:v10+s0+$0x0] =	vst.idx.msk $0xffff, v9  }
0x5a: {  	v5 =	vand.u32 $0x7F, v5;
	[tilespmem:v4+s0+$0x0] =	vst.idx.msk $0xffff, v11  }
0x5b: {  	v7 =	vadd.s32 v0, v5;
	v6 =	vld [tilespmem:s23+$0x80]  }
0x5c: {  	v9 =	vadd.s32 v1, v5;
	v8 =	vld [tilespmem:s23+$0x90]  }
0x5d: {  	v11 =	vadd.s32 v2, v5;
	v10 =	vld [tilespmem:s23+$0xA0]  }
.Ltmp0:
0x5e: {  	v5 =	vadd.s32 v3, v5;
	v4 =	vld [tilespmem:s23+$0xB0];
	(pc) =	sbr.rel @p0 .LBB2_2-.Ltmp0, $4  }
0x5f: {  	_ = 	snop  }
0x60: {  	[tilespmem:v7+s0+$0x0] =	vst.idx.msk $0xffff, v6  }
0x61: {  	[tilespmem:v9+s0+$0x0] =	vst.idx.msk $0xffff, v8  }
0x62: {  	v6 =	vmov s24;
	[tilespmem:v11+s0+$0x0] =	vst.idx.msk $0xffff, v10  }
0x63: {  	_ =	sdelay $0x3  }
0x64: {  	v6 =	vand.u32 $0x7C, v6;
	[tilespmem:v5+s0+$0x0] =	vst.idx.msk $0xffff, v4;
	s4 =	sadd.s32 $0x200, s23  }
0x65: {  	v4 =	vld [tilespmem:s4+$0xFFFFFF00];
	v5 =	vadd.s32 v0, v6  }
0x66: {  	v7 =	vld [tilespmem:s4+$0xFFFFFF10];
	v8 =	vadd.s32 v1, v6  }
0x67: {  	v9 =	vld [tilespmem:s4+$0xFFFFFF20];
	v10 =	vadd.s32 v2, v6  }
0x68: {  	v11 =	vld [tilespmem:s4+$0xFFFFFF30];
	v6 =	vadd.s32 v3, v6;
	_ =	sdelay $0x1  }
0x69: {  	[tilespmem:v5+s0+$0x0] =	vst.idx.msk $0xffff, v4  }
0x6a: {  	s5 =	sadd.s32 $0x1, s24;
	[tilespmem:v8+s0+$0x0] =	vst.idx.msk $0xffff, v7  }
0x6b: {  	v4 =	vmov s5;
	[tilespmem:v10+s0+$0x0] =	vst.idx.msk $0xffff, v9  }
0x6c: {  	v4 =	vand.u32 $0x7D, v4;
	[tilespmem:v6+s0+$0x0] =	vst.idx.msk $0xffff, v11  }
0x6d: {  	v55 =	vadd.s32 v0, v4;
	v5 =	vld [tilespmem:s4+$0xFFFFFF80]  }
0x6e: {  	v56 =	vadd.s32 v1, v4;
	v7 =	vld [tilespmem:s4+$0xFFFFFF90]  }
0x6f: {  	v57 =	vadd.s32 v2, v4;
	v9 =	vld [tilespmem:s4+$0xFFFFFFA0]  }
0x70: {  	v4 =	vadd.s32 v3, v4;
	v11 =	vld [tilespmem:s4+$0xFFFFFFB0];
	_ =	sdelay $0x1  }
0x71: {  	[tilespmem:v55+s0+$0x0] =	vst.idx.msk $0xffff, v5  }
0x72: {  	s28 =	sadd.s32 $0x2, s24;
	[tilespmem:v56+s0+$0x0] =	vst.idx.msk $0xffff, v7  }
0x73: {  	v5 =	vmov s28;
	[tilespmem:v57+s0+$0x0] =	vst.idx.msk $0xffff, v9  }
0x74: {  	[tilespmem:v4+s0+$0x0] =	vst.idx.msk $0xffff, v11;
	v4 =	vand.u32 $0x7E, v5  }
0x75: {  	v5 =	vld [tilespmem:s4+$0x0];
	v58 =	vadd.s32 v0, v4  }
0x76: {  	v7 =	vld [tilespmem:s4+$0x10];
	v59 =	vadd.s32 v1, v4  }
0x77: {  	v9 =	vld [tilespmem:s4+$0x20];
	v60 =	vadd.s32 v2, v4  }
0x78: {  	v11 =	vld [tilespmem:s4+$0x30];
	v4 =	vadd.s32 v3, v4;
	_ =	sdelay $0x1  }
0x79: {  	[tilespmem:v58+s0+$0x0] =	vst.idx.msk $0xffff, v5  }
0x7a: {  	s30 =	sadd.s32 $0x3, s24;
	[tilespmem:v59+s0+$0x0] =	vst.idx.msk $0xffff, v7  }
0x7b: {  	v5 =	vmov s30;
	[tilespmem:v60+s0+$0x0] =	vst.idx.msk $0xffff, v9  }
0x7c: {  	[tilespmem:v4+s0+$0x0] =	vst.idx.msk $0xffff, v11;
	v4 =	vand.u32 $0x7F, v5  }
0x7d: {  	v5 =	vld [tilespmem:s4+$0x80];
	v61 =	vadd.s32 v0, v4  }
0x7e: {  	v7 =	vld [tilespmem:s4+$0x90];
	v62 =	vadd.s32 v1, v4  }
0x7f: {  	v9 =	vld [tilespmem:s4+$0xA0];
	v63 =	vadd.s32 v2, v4  }
0x80: {  	v11 =	vld [tilespmem:s4+$0xB0];
	v4 =	vadd.s32 v3, v4;
	_ =	sdelay $0x1  }
0x81: {  	[tilespmem:v61+s0+$0x0] =	vst.idx.msk $0xffff, v5  }
0x82: {  	[tilespmem:v62+s0+$0x0] =	vst.idx.msk $0xffff, v7  }
0x83: {  	s24 =	sadd.s32 $0x0, s7;
	[tilespmem:v63+s0+$0x0] =	vst.idx.msk $0xffff, v9  }
0x84: {  	s23 =	simm.s32 $0x11988;
	s5 =	simm.s32 $0x200;
	s4 =	simm.s32 $0x11900;
	[tilespmem:v4+s0+$0x0] =	vst.idx.msk $0xffff, v11  }
.LBB2_4:
0x85: {  	[hbm4b:s24+s2] =	stream.linear.scatter [tilespmem:s4], [sflag:$0x5], $0x80, $0x38;
	[tilespmem:$0x15D00] =	vst v63  }
0x86: {  	s8 =	smov.u32 s5;
	s4 =	smov.u32 s23;
	p0 =	sne.s32 s5, $0x7E00  }
.Ltmp1:
0x87: {  	s5 =	sadd.s32 $0x200, s5;
	(pc) =	sbr.rel @p0 .LBB2_4-.Ltmp1, $2  }
0x88: {  	_ =	sdelay $0x2  }
0x89: {  	s23 =	sadd.s32 $0x88, s23;
	s24 =	sadd.s32 s8, s7  }
0x8a: {  	[hbm4b:s24+s2] =	stream.linear.scatter [tilespmem:s4], [sflag:$0x5], $0x80, $0x38;
	[tilespmem:$0x15D00] =	vst v63  }
0x8b: {  	s23 =	simm.s32 $0x1900;
	s5 =	simm.s32 $0x200  }
0x8c: {  	[tilespmem:s23], [sflag:$0x1] =	stream.indirect.gather [hbm4b:s3+s21], $0x80, s5, s21, $0xb8;
	[tilespmem:$0x15D00] =	vst v63  }
0x8d: {  	s24 =	simm.s32 $0x0;
	_ =	swait.ge [sflag:s22], $0x4000  }
0x8e: {  	v4 =	vmov s24;
	[sflag:s22] =	ssyncset.done $0x0  }
0x8f: {  	s23 =	simm.s32 $0x5A00;
	v4 =	vand.u32 $0x7C, v4;
	[sflag:s22] =	ssyncadd.s32 $0xFFFFC000  }
0x90: {  	v6 =	vadd.s32 v0, v4;
	v5 =	vld [tilespmem:s23+$0xFFFFFF00]  }
0x91: {  	v8 =	vadd.s32 v1, v4;
	v7 =	vld [tilespmem:s23+$0xFFFFFF10]  }
0x92: {  	v10 =	vadd.s32 v2, v4;
	v9 =	vld [tilespmem:s23+$0xFFFFFF20]  }
0x93: {  	v4 =	vadd.s32 v3, v4;
	v11 =	vld [tilespmem:s23+$0xFFFFFF30];
	_ =	sdelay $0x1  }
0x94: {  	[tilespmem:v6+s26+$0x0] =	vst.idx.msk $0xffff, v5  }
0x95: {  	s25 =	simm.s32 $0x1;
	[tilespmem:v8+s26+$0x0] =	vst.idx.msk $0xffff, v7  }
0x96: {  	v5 =	vmov s25;
	[tilespmem:v10+s26+$0x0] =	vst.idx.msk $0xffff, v9  }
0x97: {  	[tilespmem:v4+s26+$0x0] =	vst.idx.msk $0xffff, v11;
	v4 =	vand.u32 $0x7D, v5  }
0x98: {  	v5 =	vld [tilespmem:s23+$0xFFFFFF80];
	v6 =	vadd.s32 v0, v4  }
0x99: {  	v7 =	vld [tilespmem:s23+$0xFFFFFF90];
	v8 =	vadd.s32 v1, v4  }
0x9a: {  	v9 =	vld [tilespmem:s23+$0xFFFFFFA0];
	v60 =	vadd.s32 v2, v4  }
0x9b: {  	v11 =	vld [tilespmem:s23+$0xFFFFFFB0];
	v4 =	vadd.s32 v3, v4;
	_ =	sdelay $0x1  }
0x9c: {  	[tilespmem:v6+s26+$0x0] =	vst.idx.msk $0xffff, v5  }
0x9d: {  	s28 =	simm.s32 $0x2;
	[tilespmem:v8+s26+$0x0] =	vst.idx.msk $0xffff, v7  }
0x9e: {  	v5 =	vmov s28;
	[tilespmem:v60+s26+$0x0] =	vst.idx.msk $0xffff, v9  }
0x9f: {  	[tilespmem:v4+s26+$0x0] =	vst.idx.msk $0xffff, v11;
	v4 =	vand.u32 $0x7E, v5  }
0xa0: {  	v5 =	vld [tilespmem:s23+$0x0];
	v6 =	vadd.s32 v0, v4  }
0xa1: {  	v7 =	vld [tilespmem:s23+$0x10];
	v8 =	vadd.s32 v1, v4  }
0xa2: {  	v9 =	vld [tilespmem:s23+$0x20];
	v61 =	vadd.s32 v2, v4  }
0xa3: {  	v11 =	vld [tilespmem:s23+$0x30];
	v4 =	vadd.s32 v3, v4;
	_ =	sdelay $0x1  }
0xa4: {  	[tilespmem:v6+s26+$0x0] =	vst.idx.msk $0xffff, v5  }
0xa5: {  	s30 =	simm.s32 $0x3;
	[tilespmem:v8+s26+$0x0] =	vst.idx.msk $0xffff, v7  }
0xa6: {  	v5 =	vmov s30;
	[tilespmem:v61+s26+$0x0] =	vst.idx.msk $0xffff, v9  }
0xa7: {  	v5 =	vand.u32 $0x7F, v5;
	[tilespmem:v4+s26+$0x0] =	vst.idx.msk $0xffff, v11  }
0xa8: {  	v7 =	vadd.s32 v0, v5;
	v6 =	vld [tilespmem:s23+$0x80]  }
0xa9: {  	v62 =	vadd.s32 v1, v5;
	v8 =	vld [tilespmem:s23+$0x90]  }
0xaa: {  	v63 =	vadd.s32 v2, v5;
	v10 =	vld [tilespmem:s23+$0xA0];
	_ =	sdelay $0x1  }
0xab: {  	v5 =	vadd.s32 v3, v5;
	v4 =	vld [tilespmem:s23+$0xB0]  }
0xac: {  	[tilespmem:v7+s26+$0x0] =	vst.idx.msk $0xffff, v6  }
0xad: {  	s24 =	simm.s32 $0x4;
	[tilespmem:v62+s26+$0x0] =	vst.idx.msk $0xffff, v8  }
0xae: {  	s25 =	simm.s32 $0x8;
	v6 =	vmov s24;
	[tilespmem:v63+s26+$0x0] =	vst.idx.msk $0xffff, v10  }
.LBB2_6:
0xaf: {  	p0 =	sne.s32 s25, $0x7C  }
0xb0: {  	v6 =	vand.u32 $0x7C, v6;
	[tilespmem:v5+s26+$0x0] =	vst.idx.msk $0xffff, v4;
	s23 =	sadd.s32 $0x200, s23;
	s4 =	smov.u32 s25;
	s25 =	sadd.s32 $0x4, s25  }
0xb1: {  	v4 =	vld [tilespmem:s23+$0xFFFFFF00];
	v5 =	vadd.s32 v0, v6  }
0xb2: {  	v8 =	vadd.s32 v1, v6;
	v7 =	vld [tilespmem:s23+$0xFFFFFF10]  }
0xb3: {  	v10 =	vadd.s32 v2, v6;
	v9 =	vld [tilespmem:s23+$0xFFFFFF20]  }
0xb4: {  	v6 =	vadd.s32 v3, v6;
	v11 =	vld [tilespmem:s23+$0xFFFFFF30];
	_ =	sdelay $0x1  }
0xb5: {  	[tilespmem:v5+s26+$0x0] =	vst.idx.msk $0xffff, v4  }
0xb6: {  	s5 =	sadd.s32 $0x1, s24;
	[tilespmem:v8+s26+$0x0] =	vst.idx.msk $0xffff, v7  }
0xb7: {  	v4 =	vmov s5;
	[tilespmem:v10+s26+$0x0] =	vst.idx.msk $0xffff, v9  }
0xb8: {  	v4 =	vand.u32 $0x7D, v4;
	[tilespmem:v6+s26+$0x0] =	vst.idx.msk $0xffff, v11  }
0xb9: {  	v6 =	vadd.s32 v0, v4;
	v5 =	vld [tilespmem:s23+$0xFFFFFF80]  }
0xba: {  	v8 =	vadd.s32 v1, v4;
	v7 =	vld [tilespmem:s23+$0xFFFFFF90]  }
0xbb: {  	v10 =	vadd.s32 v2, v4;
	v9 =	vld [tilespmem:s23+$0xFFFFFFA0]  }
0xbc: {  	v4 =	vadd.s32 v3, v4;
	v11 =	vld [tilespmem:s23+$0xFFFFFFB0];
	_ =	sdelay $0x1  }
0xbd: {  	[tilespmem:v6+s26+$0x0] =	vst.idx.msk $0xffff, v5  }
0xbe: {  	s5 =	sadd.s32 $0x2, s24;
	[tilespmem:v8+s26+$0x0] =	vst.idx.msk $0xffff, v7  }
0xbf: {  	v5 =	vmov s5;
	[tilespmem:v10+s26+$0x0] =	vst.idx.msk $0xffff, v9  }
0xc0: {  	[tilespmem:v4+s26+$0x0] =	vst.idx.msk $0xffff, v11;
	v4 =	vand.u32 $0x7E, v5  }
0xc1: {  	v5 =	vld [tilespmem:s23+$0x0];
	v6 =	vadd.s32 v0, v4  }
0xc2: {  	v8 =	vadd.s32 v1, v4;
	v7 =	vld [tilespmem:s23+$0x10]  }
0xc3: {  	v10 =	vadd.s32 v2, v4;
	v9 =	vld [tilespmem:s23+$0x20]  }
0xc4: {  	v4 =	vadd.s32 v3, v4;
	v11 =	vld [tilespmem:s23+$0x30];
	_ =	sdelay $0x1  }
0xc5: {  	[tilespmem:v6+s26+$0x0] =	vst.idx.msk $0xffff, v5  }
0xc6: {  	s5 =	sadd.s32 $0x3, s24;
	s24 =	smov.u32 s4;
	[tilespmem:v8+s26+$0x0] =	vst.idx.msk $0xffff, v7  }
0xc7: {  	v5 =	vmov s5;
	[tilespmem:v10+s26+$0x0] =	vst.idx.msk $0xffff, v9  }
0xc8: {  	v5 =	vand.u32 $0x7F, v5;
	[tilespmem:v4+s26+$0x0] =	vst.idx.msk $0xffff, v11  }
0xc9: {  	v7 =	vadd.s32 v0, v5;
	v6 =	vld [tilespmem:s23+$0x80]  }
0xca: {  	v9 =	vadd.s32 v1, v5;
	v8 =	vld [tilespmem:s23+$0x90]  }
0xcb: {  	v11 =	vadd.s32 v2, v5;
	v10 =	vld [tilespmem:s23+$0xA0]  }
.Ltmp2:
0xcc: {  	v5 =	vadd.s32 v3, v5;
	v4 =	vld [tilespmem:s23+$0xB0];
	(pc) =	sbr.rel @p0 .LBB2_6-.Ltmp2, $4  }
0xcd: {  	_ = 	snop  }
0xce: {  	[tilespmem:v7+s26+$0x0] =	vst.idx.msk $0xffff, v6  }
0xcf: {  	[tilespmem:v9+s26+$0x0] =	vst.idx.msk $0xffff, v8  }
0xd0: {  	v6 =	vmov s24;
	[tilespmem:v11+s26+$0x0] =	vst.idx.msk $0xffff, v10  }
0xd1: {  	_ =	sdelay $0x3  }
0xd2: {  	v6 =	vand.u32 $0x7C, v6;
	[tilespmem:v5+s26+$0x0] =	vst.idx.msk $0xffff, v4;
	s4 =	sadd.s32 $0x200, s23  }
0xd3: {  	v4 =	vld [tilespmem:s4+$0xFFFFFF00];
	v5 =	vadd.s32 v0, v6  }
0xd4: {  	v7 =	vld [tilespmem:s4+$0xFFFFFF10];
	v8 =	vadd.s32 v1, v6  }
0xd5: {  	v9 =	vld [tilespmem:s4+$0xFFFFFF20];
	v10 =	vadd.s32 v2, v6  }
0xd6: {  	v11 =	vld [tilespmem:s4+$0xFFFFFF30];
	v6 =	vadd.s32 v3, v6;
	_ =	sdelay $0x1  }
0xd7: {  	[tilespmem:v5+s26+$0x0] =	vst.idx.msk $0xffff, v4  }
0xd8: {  	s5 =	sadd.s32 $0x1, s24;
	[tilespmem:v8+s26+$0x0] =	vst.idx.msk $0xffff, v7  }
0xd9: {  	v4 =	vmov s5;
	[tilespmem:v10+s26+$0x0] =	vst.idx.msk $0xffff, v9  }
0xda: {  	v4 =	vand.u32 $0x7D, v4;
	[tilespmem:v6+s26+$0x0] =	vst.idx.msk $0xffff, v11  }
0xdb: {  	v55 =	vadd.s32 v0, v4;
	v5 =	vld [tilespmem:s4+$0xFFFFFF80]  }
0xdc: {  	v56 =	vadd.s32 v1, v4;
	v7 =	vld [tilespmem:s4+$0xFFFFFF90]  }
0xdd: {  	v57 =	vadd.s32 v2, v4;
	v9 =	vld [tilespmem:s4+$0xFFFFFFA0]  }
0xde: {  	v4 =	vadd.s32 v3, v4;
	v11 =	vld [tilespmem:s4+$0xFFFFFFB0];
	_ =	sdelay $0x1  }
0xdf: {  	[tilespmem:v55+s26+$0x0] =	vst.idx.msk $0xffff, v5  }
0xe0: {  	s28 =	sadd.s32 $0x2, s24;
	[tilespmem:v56+s26+$0x0] =	vst.idx.msk $0xffff, v7  }
0xe1: {  	v5 =	vmov s28;
	[tilespmem:v57+s26+$0x0] =	vst.idx.msk $0xffff, v9  }
0xe2: {  	[tilespmem:v4+s26+$0x0] =	vst.idx.msk $0xffff, v11;
	v4 =	vand.u32 $0x7E, v5  }
0xe3: {  	v5 =	vld [tilespmem:s4+$0x0];
	v58 =	vadd.s32 v0, v4  }
0xe4: {  	v7 =	vld [tilespmem:s4+$0x10];
	v59 =	vadd.s32 v1, v4  }
0xe5: {  	v9 =	vld [tilespmem:s4+$0x20];
	v60 =	vadd.s32 v2, v4  }
0xe6: {  	v11 =	vld [tilespmem:s4+$0x30];
	v4 =	vadd.s32 v3, v4;
	_ =	sdelay $0x1  }
0xe7: {  	[tilespmem:v58+s26+$0x0] =	vst.idx.msk $0xffff, v5  }
0xe8: {  	s30 =	sadd.s32 $0x3, s24;
	[tilespmem:v59+s26+$0x0] =	vst.idx.msk $0xffff, v7  }
0xe9: {  	v5 =	vmov s30;
	[tilespmem:v60+s26+$0x0] =	vst.idx.msk $0xffff, v9  }
0xea: {  	[tilespmem:v4+s26+$0x0] =	vst.idx.msk $0xffff, v11;
	v4 =	vand.u32 $0x7F, v5  }
0xeb: {  	v5 =	vld [tilespmem:s4+$0x80];
	v61 =	vadd.s32 v0, v4  }
0xec: {  	v7 =	vld [tilespmem:s4+$0x90];
	v62 =	vadd.s32 v1, v4  }
0xed: {  	v9 =	vld [tilespmem:s4+$0xA0];
	v63 =	vadd.s32 v2, v4  }
0xee: {  	v11 =	vld [tilespmem:s4+$0xB0];
	v4 =	vadd.s32 v3, v4;
	_ =	sdelay $0x1  }
0xef: {  	[tilespmem:v61+s26+$0x0] =	vst.idx.msk $0xffff, v5  }
0xf0: {  	[tilespmem:v62+s26+$0x0] =	vst.idx.msk $0xffff, v7  }
0xf1: {  	s24 =	sadd.s32 $0x0, s9;
	[tilespmem:v63+s26+$0x0] =	vst.idx.msk $0xffff, v9  }
0xf2: {  	s23 =	simm.s32 $0x13B88;
	s5 =	simm.s32 $0x200;
	s4 =	simm.s32 $0x13B00;
	[tilespmem:v4+s26+$0x0] =	vst.idx.msk $0xffff, v11  }
.LBB2_8:
0xf3: {  	[hbm4b:s24+s2] =	stream.linear.scatter [tilespmem:s4], [sflag:$0x6], $0x80, $0x38;
	[tilespmem:$0x15D00] =	vst v63  }
0xf4: {  	s8 =	smov.u32 s5;
	s4 =	smov.u32 s23;
	p0 =	sne.s32 s5, $0x7E00  }
.Ltmp3:
0xf5: {  	s5 =	sadd.s32 $0x200, s5;
	(pc) =	sbr.rel @p0 .LBB2_8-.Ltmp3, $2  }
0xf6: {  	_ =	sdelay $0x2  }
0xf7: {  	s23 =	sadd.s32 $0x88, s23;
	s24 =	sadd.s32 s8, s9  }
0xf8: {  	[hbm4b:s24+s2] =	stream.linear.scatter [tilespmem:s4], [sflag:$0x6], $0x80, $0x38;
	[tilespmem:$0x15D00] =	vst v63  }
0xf9: {  	s23 =	simm.s32 $0x5900;
	s5 =	simm.s32 $0x280  }
0xfa: {  	[tilespmem:s23], [sflag:$0x2] =	stream.indirect.gather [hbm4b:s3+s21], $0x80, s5, s21, $0xb8;
	[tilespmem:$0x15D00] =	vst v63  }
0xfb: {  	_ =	swait.ge [sflag:s1], $0x4000  }
0xfc: {  	[sflag:s1] =	ssyncset.done $0x0  }
0xfd: {  	[sflag:s1] =	ssyncadd.s32 $0xFFFFC000  }
0xfe: {  	s24 =	simm.s32 $0x0;
	_ =	swait.ge [sflag:s29], $0x2000  }
0xff: {  	v4 =	vmov s24;
	[sflag:s29] =	ssyncset.done $0x0  }
0x100: {  	s23 =	simm.s32 $0x9A00;
	v4 =	vand.u32 $0x7C, v4;
	[sflag:s29] =	ssyncadd.s32 $0xFFFFE000  }
0x101: {  	v6 =	vadd.s32 v0, v4;
	v5 =	vld [tilespmem:s23+$0xFFFFFF00]  }
0x102: {  	v8 =	vadd.s32 v1, v4;
	v7 =	vld [tilespmem:s23+$0xFFFFFF10]  }
0x103: {  	v10 =	vadd.s32 v2, v4;
	v9 =	vld [tilespmem:s23+$0xFFFFFF20]  }
0x104: {  	v4 =	vadd.s32 v3, v4;
	v11 =	vld [tilespmem:s23+$0xFFFFFF30];
	_ =	sdelay $0x1  }
0x105: {  	[tilespmem:v6+s0+$0x0] =	vst.idx.msk $0xffff, v5  }
0x106: {  	s25 =	simm.s32 $0x1;
	[tilespmem:v8+s0+$0x0] =	vst.idx.msk $0xffff, v7  }
0x107: {  	v5 =	vmov s25;
	[tilespmem:v10+s0+$0x0] =	vst.idx.msk $0xffff, v9  }
0x108: {  	[tilespmem:v4+s0+$0x0] =	vst.idx.msk $0xffff, v11;
	v4 =	vand.u32 $0x7D, v5  }
0x109: {  	v5 =	vld [tilespmem:s23+$0xFFFFFF80];
	v6 =	vadd.s32 v0, v4  }
0x10a: {  	v7 =	vld [tilespmem:s23+$0xFFFFFF90];
	v8 =	vadd.s32 v1, v4  }
0x10b: {  	v9 =	vld [tilespmem:s23+$0xFFFFFFA0];
	v60 =	vadd.s32 v2, v4  }
0x10c: {  	v11 =	vld [tilespmem:s23+$0xFFFFFFB0];
	v4 =	vadd.s32 v3, v4;
	_ =	sdelay $0x1  }
0x10d: {  	[tilespmem:v6+s0+$0x0] =	vst.idx.msk $0xffff, v5  }
0x10e: {  	s28 =	simm.s32 $0x2;
	[tilespmem:v8+s0+$0x0] =	vst.idx.msk $0xffff, v7  }
0x10f: {  	v5 =	vmov s28;
	[tilespmem:v60+s0+$0x0] =	vst.idx.msk $0xffff, v9  }
0x110: {  	[tilespmem:v4+s0+$0x0] =	vst.idx.msk $0xffff, v11;
	v4 =	vand.u32 $0x7E, v5  }
0x111: {  	v5 =	vld [tilespmem:s23+$0x0];
	v6 =	vadd.s32 v0, v4  }
0x112: {  	v7 =	vld [tilespmem:s23+$0x10];
	v8 =	vadd.s32 v1, v4  }
0x113: {  	v9 =	vld [tilespmem:s23+$0x20];
	v61 =	vadd.s32 v2, v4  }
0x114: {  	v11 =	vld [tilespmem:s23+$0x30];
	v4 =	vadd.s32 v3, v4;
	_ =	sdelay $0x1  }
0x115: {  	[tilespmem:v6+s0+$0x0] =	vst.idx.msk $0xffff, v5  }
0x116: {  	s30 =	simm.s32 $0x3;
	[tilespmem:v8+s0+$0x0] =	vst.idx.msk $0xffff, v7  }
0x117: {  	v5 =	vmov s30;
	[tilespmem:v61+s0+$0x0] =	vst.idx.msk $0xffff, v9  }
0x118: {  	v5 =	vand.u32 $0x7F, v5;
	[tilespmem:v4+s0+$0x0] =	vst.idx.msk $0xffff, v11  }
0x119: {  	v7 =	vadd.s32 v0, v5;
	v6 =	vld [tilespmem:s23+$0x80]  }
0x11a: {  	v62 =	vadd.s32 v1, v5;
	v8 =	vld [tilespmem:s23+$0x90]  }
0x11b: {  	v63 =	vadd.s32 v2, v5;
	v10 =	vld [tilespmem:s23+$0xA0];
	_ =	sdelay $0x1  }
0x11c: {  	v5 =	vadd.s32 v3, v5;
	v4 =	vld [tilespmem:s23+$0xB0]  }
0x11d: {  	[tilespmem:v7+s0+$0x0] =	vst.idx.msk $0xffff, v6  }
0x11e: {  	s24 =	simm.s32 $0x4;
	[tilespmem:v62+s0+$0x0] =	vst.idx.msk $0xffff, v8  }
0x11f: {  	s25 =	simm.s32 $0x8;
	v6 =	vmov s24;
	[tilespmem:v63+s0+$0x0] =	vst.idx.msk $0xffff, v10  }
.LBB2_10:
0x120: {  	p0 =	sne.s32 s25, $0x7C  }
0x121: {  	v6 =	vand.u32 $0x7C, v6;
	[tilespmem:v5+s0+$0x0] =	vst.idx.msk $0xffff, v4;
	s23 =	sadd.s32 $0x200, s23;
	s4 =	smov.u32 s25;
	s25 =	sadd.s32 $0x4, s25  }
0x122: {  	v4 =	vld [tilespmem:s23+$0xFFFFFF00];
	v5 =	vadd.s32 v0, v6  }
0x123: {  	v8 =	vadd.s32 v1, v6;
	v7 =	vld [tilespmem:s23+$0xFFFFFF10]  }
0x124: {  	v10 =	vadd.s32 v2, v6;
	v9 =	vld [tilespmem:s23+$0xFFFFFF20]  }
0x125: {  	v6 =	vadd.s32 v3, v6;
	v11 =	vld [tilespmem:s23+$0xFFFFFF30];
	_ =	sdelay $0x1  }
0x126: {  	[tilespmem:v5+s0+$0x0] =	vst.idx.msk $0xffff, v4  }
0x127: {  	s5 =	sadd.s32 $0x1, s24;
	[tilespmem:v8+s0+$0x0] =	vst.idx.msk $0xffff, v7  }
0x128: {  	v4 =	vmov s5;
	[tilespmem:v10+s0+$0x0] =	vst.idx.msk $0xffff, v9  }
0x129: {  	v4 =	vand.u32 $0x7D, v4;
	[tilespmem:v6+s0+$0x0] =	vst.idx.msk $0xffff, v11  }
0x12a: {  	v6 =	vadd.s32 v0, v4;
	v5 =	vld [tilespmem:s23+$0xFFFFFF80]  }
0x12b: {  	v8 =	vadd.s32 v1, v4;
	v7 =	vld [tilespmem:s23+$0xFFFFFF90]  }
0x12c: {  	v10 =	vadd.s32 v2, v4;
	v9 =	vld [tilespmem:s23+$0xFFFFFFA0]  }
0x12d: {  	v4 =	vadd.s32 v3, v4;
	v11 =	vld [tilespmem:s23+$0xFFFFFFB0];
	_ =	sdelay $0x1  }
0x12e: {  	[tilespmem:v6+s0+$0x0] =	vst.idx.msk $0xffff, v5  }
0x12f: {  	s5 =	sadd.s32 $0x2, s24;
	[tilespmem:v8+s0+$0x0] =	vst.idx.msk $0xffff, v7  }
0x130: {  	v5 =	vmov s5;
	[tilespmem:v10+s0+$0x0] =	vst.idx.msk $0xffff, v9  }
0x131: {  	[tilespmem:v4+s0+$0x0] =	vst.idx.msk $0xffff, v11;
	v4 =	vand.u32 $0x7E, v5  }
0x132: {  	v5 =	vld [tilespmem:s23+$0x0];
	v6 =	vadd.s32 v0, v4  }
0x133: {  	v8 =	vadd.s32 v1, v4;
	v7 =	vld [tilespmem:s23+$0x10]  }
0x134: {  	v10 =	vadd.s32 v2, v4;
	v9 =	vld [tilespmem:s23+$0x20]  }
0x135: {  	v4 =	vadd.s32 v3, v4;
	v11 =	vld [tilespmem:s23+$0x30];
	_ =	sdelay $0x1  }
0x136: {  	[tilespmem:v6+s0+$0x0] =	vst.idx.msk $0xffff, v5  }
0x137: {  	s5 =	sadd.s32 $0x3, s24;
	s24 =	smov.u32 s4;
	[tilespmem:v8+s0+$0x0] =	vst.idx.msk $0xffff, v7  }
0x138: {  	v5 =	vmov s5;
	[tilespmem:v10+s0+$0x0] =	vst.idx.msk $0xffff, v9  }
0x139: {  	v5 =	vand.u32 $0x7F, v5;
	[tilespmem:v4+s0+$0x0] =	vst.idx.msk $0xffff, v11  }
0x13a: {  	v7 =	vadd.s32 v0, v5;
	v6 =	vld [tilespmem:s23+$0x80]  }
0x13b: {  	v9 =	vadd.s32 v1, v5;
	v8 =	vld [tilespmem:s23+$0x90]  }
0x13c: {  	v11 =	vadd.s32 v2, v5;
	v10 =	vld [tilespmem:s23+$0xA0]  }
.Ltmp4:
0x13d: {  	v5 =	vadd.s32 v3, v5;
	v4 =	vld [tilespmem:s23+$0xB0];
	(pc) =	sbr.rel @p0 .LBB2_10-.Ltmp4, $4  }
0x13e: {  	_ = 	snop  }
0x13f: {  	[tilespmem:v7+s0+$0x0] =	vst.idx.msk $0xffff, v6  }
0x140: {  	[tilespmem:v9+s0+$0x0] =	vst.idx.msk $0xffff, v8  }
0x141: {  	v6 =	vmov s24;
	[tilespmem:v11+s0+$0x0] =	vst.idx.msk $0xffff, v10  }
0x142: {  	_ =	sdelay $0x3  }
0x143: {  	v6 =	vand.u32 $0x7C, v6;
	[tilespmem:v5+s0+$0x0] =	vst.idx.msk $0xffff, v4;
	s4 =	sadd.s32 $0x200, s23  }
0x144: {  	v4 =	vld [tilespmem:s4+$0xFFFFFF00];
	v5 =	vadd.s32 v0, v6  }
0x145: {  	v7 =	vld [tilespmem:s4+$0xFFFFFF10];
	v8 =	vadd.s32 v1, v6  }
0x146: {  	v9 =	vld [tilespmem:s4+$0xFFFFFF20];
	v10 =	vadd.s32 v2, v6  }
0x147: {  	v11 =	vld [tilespmem:s4+$0xFFFFFF30];
	v6 =	vadd.s32 v3, v6;
	_ =	sdelay $0x1  }
0x148: {  	[tilespmem:v5+s0+$0x0] =	vst.idx.msk $0xffff, v4  }
0x149: {  	s5 =	sadd.s32 $0x1, s24;
	[tilespmem:v8+s0+$0x0] =	vst.idx.msk $0xffff, v7  }
0x14a: {  	v4 =	vmov s5;
	[tilespmem:v10+s0+$0x0] =	vst.idx.msk $0xffff, v9  }
0x14b: {  	v4 =	vand.u32 $0x7D, v4;
	[tilespmem:v6+s0+$0x0] =	vst.idx.msk $0xffff, v11  }
0x14c: {  	v55 =	vadd.s32 v0, v4;
	v5 =	vld [tilespmem:s4+$0xFFFFFF80]  }
0x14d: {  	v56 =	vadd.s32 v1, v4;
	v7 =	vld [tilespmem:s4+$0xFFFFFF90]  }
0x14e: {  	v57 =	vadd.s32 v2, v4;
	v9 =	vld [tilespmem:s4+$0xFFFFFFA0]  }
0x14f: {  	v4 =	vadd.s32 v3, v4;
	v11 =	vld [tilespmem:s4+$0xFFFFFFB0];
	_ =	sdelay $0x1  }
0x150: {  	[tilespmem:v55+s0+$0x0] =	vst.idx.msk $0xffff, v5  }
0x151: {  	s28 =	sadd.s32 $0x2, s24;
	[tilespmem:v56+s0+$0x0] =	vst.idx.msk $0xffff, v7  }
0x152: {  	v5 =	vmov s28;
	[tilespmem:v57+s0+$0x0] =	vst.idx.msk $0xffff, v9  }
0x153: {  	[tilespmem:v4+s0+$0x0] =	vst.idx.msk $0xffff, v11;
	v4 =	vand.u32 $0x7E, v5  }
0x154: {  	v5 =	vld [tilespmem:s4+$0x0];
	v58 =	vadd.s32 v0, v4  }
0x155: {  	v7 =	vld [tilespmem:s4+$0x10];
	v59 =	vadd.s32 v1, v4  }
0x156: {  	v9 =	vld [tilespmem:s4+$0x20];
	v60 =	vadd.s32 v2, v4  }
0x157: {  	v11 =	vld [tilespmem:s4+$0x30];
	v4 =	vadd.s32 v3, v4;
	_ =	sdelay $0x1  }
0x158: {  	[tilespmem:v58+s0+$0x0] =	vst.idx.msk $0xffff, v5  }
0x159: {  	s30 =	sadd.s32 $0x3, s24;
	[tilespmem:v59+s0+$0x0] =	vst.idx.msk $0xffff, v7  }
0x15a: {  	v5 =	vmov s30;
	[tilespmem:v60+s0+$0x0] =	vst.idx.msk $0xffff, v9  }
0x15b: {  	[tilespmem:v4+s0+$0x0] =	vst.idx.msk $0xffff, v11;
	v4 =	vand.u32 $0x7F, v5  }
0x15c: {  	v5 =	vld [tilespmem:s4+$0x80];
	v61 =	vadd.s32 v0, v4  }
0x15d: {  	v7 =	vld [tilespmem:s4+$0x90];
	v62 =	vadd.s32 v1, v4  }
0x15e: {  	v9 =	vld [tilespmem:s4+$0xA0];
	v63 =	vadd.s32 v2, v4  }
0x15f: {  	v11 =	vld [tilespmem:s4+$0xB0];
	v4 =	vadd.s32 v3, v4;
	_ =	sdelay $0x1  }
0x160: {  	[tilespmem:v61+s0+$0x0] =	vst.idx.msk $0xffff, v5  }
0x161: {  	[tilespmem:v62+s0+$0x0] =	vst.idx.msk $0xffff, v7  }
0x162: {  	s24 =	sadd.s32 $0x0, s12;
	[tilespmem:v63+s0+$0x0] =	vst.idx.msk $0xffff, v9  }
0x163: {  	s23 =	simm.s32 $0x11988;
	s5 =	simm.s32 $0x200;
	s4 =	simm.s32 $0x11900;
	[tilespmem:v4+s0+$0x0] =	vst.idx.msk $0xffff, v11  }
.LBB2_12:
0x164: {  	[hbm4b:s24+s2] =	stream.linear.scatter [tilespmem:s4], [sflag:$0x5], $0x80, $0x38;
	[tilespmem:$0x15D00] =	vst v63  }
0x165: {  	s8 =	smov.u32 s5;
	s4 =	smov.u32 s23;
	p0 =	sne.s32 s5, $0x7E00  }
.Ltmp5:
0x166: {  	s5 =	sadd.s32 $0x200, s5;
	(pc) =	sbr.rel @p0 .LBB2_12-.Ltmp5, $2  }
0x167: {  	_ =	sdelay $0x2  }
0x168: {  	s23 =	sadd.s32 $0x88, s23;
	s24 =	sadd.s32 s8, s12  }
0x169: {  	[hbm4b:s24+s2] =	stream.linear.scatter [tilespmem:s4], [sflag:$0x5], $0x80, $0x38;
	[tilespmem:$0x15D00] =	vst v63  }
0x16a: {  	s23 =	simm.s32 $0x9900;
	s5 =	simm.s32 $0x300  }
0x16b: {  	[tilespmem:s23], [sflag:$0x3] =	stream.indirect.gather [hbm4b:s3+s21], $0x80, s5, s21, $0xb8;
	[tilespmem:$0x15D00] =	vst v63  }
0x16c: {  	_ =	swait.ge [sflag:s6], $0x4000  }
0x16d: {  	[sflag:s6] =	ssyncset.done $0x0  }
0x16e: {  	[sflag:s6] =	ssyncadd.s32 $0xFFFFC000  }
0x16f: {  	s24 =	simm.s32 $0x0;
	_ =	swait.ge [sflag:s20], $0x2000  }
0x170: {  	v4 =	vmov s24;
	[sflag:s20] =	ssyncset.done $0x0  }
0x171: {  	s23 =	simm.s32 $0xDA00;
	v4 =	vand.u32 $0x7C, v4;
	[sflag:s20] =	ssyncadd.s32 $0xFFFFE000  }
0x172: {  	v6 =	vadd.s32 v0, v4;
	v5 =	vld [tilespmem:s23+$0xFFFFFF00]  }
0x173: {  	v8 =	vadd.s32 v1, v4;
	v7 =	vld [tilespmem:s23+$0xFFFFFF10]  }
0x174: {  	v10 =	vadd.s32 v2, v4;
	v9 =	vld [tilespmem:s23+$0xFFFFFF20]  }
0x175: {  	v4 =	vadd.s32 v3, v4;
	v11 =	vld [tilespmem:s23+$0xFFFFFF30];
	_ =	sdelay $0x1  }
0x176: {  	[tilespmem:v6+s26+$0x0] =	vst.idx.msk $0xffff, v5  }
0x177: {  	s25 =	simm.s32 $0x1;
	[tilespmem:v8+s26+$0x0] =	vst.idx.msk $0xffff, v7  }
0x178: {  	v5 =	vmov s25;
	[tilespmem:v10+s26+$0x0] =	vst.idx.msk $0xffff, v9  }
0x179: {  	[tilespmem:v4+s26+$0x0] =	vst.idx.msk $0xffff, v11;
	v4 =	vand.u32 $0x7D, v5  }
0x17a: {  	v5 =	vld [tilespmem:s23+$0xFFFFFF80];
	v6 =	vadd.s32 v0, v4  }
0x17b: {  	v7 =	vld [tilespmem:s23+$0xFFFFFF90];
	v8 =	vadd.s32 v1, v4  }
0x17c: {  	v9 =	vld [tilespmem:s23+$0xFFFFFFA0];
	v60 =	vadd.s32 v2, v4  }
0x17d: {  	v11 =	vld [tilespmem:s23+$0xFFFFFFB0];
	v4 =	vadd.s32 v3, v4;
	_ =	sdelay $0x1  }
0x17e: {  	[tilespmem:v6+s26+$0x0] =	vst.idx.msk $0xffff, v5  }
0x17f: {  	s28 =	simm.s32 $0x2;
	[tilespmem:v8+s26+$0x0] =	vst.idx.msk $0xffff, v7  }
0x180: {  	v5 =	vmov s28;
	[tilespmem:v60+s26+$0x0] =	vst.idx.msk $0xffff, v9  }
0x181: {  	[tilespmem:v4+s26+$0x0] =	vst.idx.msk $0xffff, v11;
	v4 =	vand.u32 $0x7E, v5  }
0x182: {  	v5 =	vld [tilespmem:s23+$0x0];
	v6 =	vadd.s32 v0, v4  }
0x183: {  	v7 =	vld [tilespmem:s23+$0x10];
	v8 =	vadd.s32 v1, v4  }
0x184: {  	v9 =	vld [tilespmem:s23+$0x20];
	v61 =	vadd.s32 v2, v4  }
0x185: {  	v11 =	vld [tilespmem:s23+$0x30];
	v4 =	vadd.s32 v3, v4;
	_ =	sdelay $0x1  }
0x186: {  	[tilespmem:v6+s26+$0x0] =	vst.idx.msk $0xffff, v5  }
0x187: {  	s30 =	simm.s32 $0x3;
	[tilespmem:v8+s26+$0x0] =	vst.idx.msk $0xffff, v7  }
0x188: {  	v5 =	vmov s30;
	[tilespmem:v61+s26+$0x0] =	vst.idx.msk $0xffff, v9  }
0x189: {  	v5 =	vand.u32 $0x7F, v5;
	[tilespmem:v4+s26+$0x0] =	vst.idx.msk $0xffff, v11  }
0x18a: {  	v7 =	vadd.s32 v0, v5;
	v6 =	vld [tilespmem:s23+$0x80]  }
0x18b: {  	v62 =	vadd.s32 v1, v5;
	v8 =	vld [tilespmem:s23+$0x90]  }
0x18c: {  	v63 =	vadd.s32 v2, v5;
	v10 =	vld [tilespmem:s23+$0xA0];
	_ =	sdelay $0x1  }
0x18d: {  	v5 =	vadd.s32 v3, v5;
	v4 =	vld [tilespmem:s23+$0xB0]  }
0x18e: {  	[tilespmem:v7+s26+$0x0] =	vst.idx.msk $0xffff, v6  }
0x18f: {  	s24 =	simm.s32 $0x4;
	[tilespmem:v62+s26+$0x0] =	vst.idx.msk $0xffff, v8  }
0x190: {  	s25 =	simm.s32 $0x8;
	v6 =	vmov s24;
	[tilespmem:v63+s26+$0x0] =	vst.idx.msk $0xffff, v10  }
.LBB2_14:
0x191: {  	p0 =	sne.s32 s25, $0x7C  }
0x192: {  	v6 =	vand.u32 $0x7C, v6;
	[tilespmem:v5+s26+$0x0] =	vst.idx.msk $0xffff, v4;
	s23 =	sadd.s32 $0x200, s23;
	s4 =	smov.u32 s25;
	s25 =	sadd.s32 $0x4, s25  }
0x193: {  	v4 =	vld [tilespmem:s23+$0xFFFFFF00];
	v5 =	vadd.s32 v0, v6  }
0x194: {  	v8 =	vadd.s32 v1, v6;
	v7 =	vld [tilespmem:s23+$0xFFFFFF10]  }
0x195: {  	v10 =	vadd.s32 v2, v6;
	v9 =	vld [tilespmem:s23+$0xFFFFFF20]  }
0x196: {  	v6 =	vadd.s32 v3, v6;
	v11 =	vld [tilespmem:s23+$0xFFFFFF30];
	_ =	sdelay $0x1  }
0x197: {  	[tilespmem:v5+s26+$0x0] =	vst.idx.msk $0xffff, v4  }
0x198: {  	s5 =	sadd.s32 $0x1, s24;
	[tilespmem:v8+s26+$0x0] =	vst.idx.msk $0xffff, v7  }
0x199: {  	v4 =	vmov s5;
	[tilespmem:v10+s26+$0x0] =	vst.idx.msk $0xffff, v9  }
0x19a: {  	v4 =	vand.u32 $0x7D, v4;
	[tilespmem:v6+s26+$0x0] =	vst.idx.msk $0xffff, v11  }
0x19b: {  	v6 =	vadd.s32 v0, v4;
	v5 =	vld [tilespmem:s23+$0xFFFFFF80]  }
0x19c: {  	v8 =	vadd.s32 v1, v4;
	v7 =	vld [tilespmem:s23+$0xFFFFFF90]  }
0x19d: {  	v10 =	vadd.s32 v2, v4;
	v9 =	vld [tilespmem:s23+$0xFFFFFFA0]  }
0x19e: {  	v4 =	vadd.s32 v3, v4;
	v11 =	vld [tilespmem:s23+$0xFFFFFFB0];
	_ =	sdelay $0x1  }
0x19f: {  	[tilespmem:v6+s26+$0x0] =	vst.idx.msk $0xffff, v5  }
0x1a0: {  	s5 =	sadd.s32 $0x2, s24;
	[tilespmem:v8+s26+$0x0] =	vst.idx.msk $0xffff, v7  }
0x1a1: {  	v5 =	vmov s5;
	[tilespmem:v10+s26+$0x0] =	vst.idx.msk $0xffff, v9  }
0x1a2: {  	[tilespmem:v4+s26+$0x0] =	vst.idx.msk $0xffff, v11;
	v4 =	vand.u32 $0x7E, v5  }
0x1a3: {  	v5 =	vld [tilespmem:s23+$0x0];
	v6 =	vadd.s32 v0, v4  }
0x1a4: {  	v8 =	vadd.s32 v1, v4;
	v7 =	vld [tilespmem:s23+$0x10]  }
0x1a5: {  	v10 =	vadd.s32 v2, v4;
	v9 =	vld [tilespmem:s23+$0x20]  }
0x1a6: {  	v4 =	vadd.s32 v3, v4;
	v11 =	vld [tilespmem:s23+$0x30];
	_ =	sdelay $0x1  }
0x1a7: {  	[tilespmem:v6+s26+$0x0] =	vst.idx.msk $0xffff, v5  }
0x1a8: {  	s5 =	sadd.s32 $0x3, s24;
	s24 =	smov.u32 s4;
	[tilespmem:v8+s26+$0x0] =	vst.idx.msk $0xffff, v7  }
0x1a9: {  	v5 =	vmov s5;
	[tilespmem:v10+s26+$0x0] =	vst.idx.msk $0xffff, v9  }
0x1aa: {  	v5 =	vand.u32 $0x7F, v5;
	[tilespmem:v4+s26+$0x0] =	vst.idx.msk $0xffff, v11  }
0x1ab: {  	v7 =	vadd.s32 v0, v5;
	v6 =	vld [tilespmem:s23+$0x80]  }
0x1ac: {  	v9 =	vadd.s32 v1, v5;
	v8 =	vld [tilespmem:s23+$0x90]  }
0x1ad: {  	v11 =	vadd.s32 v2, v5;
	v10 =	vld [tilespmem:s23+$0xA0]  }
.Ltmp6:
0x1ae: {  	v5 =	vadd.s32 v3, v5;
	v4 =	vld [tilespmem:s23+$0xB0];
	(pc) =	sbr.rel @p0 .LBB2_14-.Ltmp6, $4  }
0x1af: {  	_ = 	snop  }
0x1b0: {  	[tilespmem:v7+s26+$0x0] =	vst.idx.msk $0xffff, v6  }
0x1b1: {  	[tilespmem:v9+s26+$0x0] =	vst.idx.msk $0xffff, v8  }
0x1b2: {  	v6 =	vmov s24;
	[tilespmem:v11+s26+$0x0] =	vst.idx.msk $0xffff, v10  }
0x1b3: {  	_ =	sdelay $0x3  }
0x1b4: {  	v6 =	vand.u32 $0x7C, v6;
	[tilespmem:v5+s26+$0x0] =	vst.idx.msk $0xffff, v4;
	s4 =	sadd.s32 $0x200, s23  }
0x1b5: {  	v4 =	vld [tilespmem:s4+$0xFFFFFF00];
	v5 =	vadd.s32 v0, v6  }
0x1b6: {  	v7 =	vld [tilespmem:s4+$0xFFFFFF10];
	v8 =	vadd.s32 v1, v6  }
0x1b7: {  	v9 =	vld [tilespmem:s4+$0xFFFFFF20];
	v10 =	vadd.s32 v2, v6  }
0x1b8: {  	v11 =	vld [tilespmem:s4+$0xFFFFFF30];
	v6 =	vadd.s32 v3, v6;
	_ =	sdelay $0x1  }
0x1b9: {  	[tilespmem:v5+s26+$0x0] =	vst.idx.msk $0xffff, v4  }
0x1ba: {  	s5 =	sadd.s32 $0x1, s24;
	[tilespmem:v8+s26+$0x0] =	vst.idx.msk $0xffff, v7  }
0x1bb: {  	v4 =	vmov s5;
	[tilespmem:v10+s26+$0x0] =	vst.idx.msk $0xffff, v9  }
0x1bc: {  	v4 =	vand.u32 $0x7D, v4;
	[tilespmem:v6+s26+$0x0] =	vst.idx.msk $0xffff, v11  }
0x1bd: {  	v55 =	vadd.s32 v0, v4;
	v5 =	vld [tilespmem:s4+$0xFFFFFF80]  }
0x1be: {  	v56 =	vadd.s32 v1, v4;
	v7 =	vld [tilespmem:s4+$0xFFFFFF90]  }
0x1bf: {  	v57 =	vadd.s32 v2, v4;
	v9 =	vld [tilespmem:s4+$0xFFFFFFA0]  }
0x1c0: {  	v4 =	vadd.s32 v3, v4;
	v11 =	vld [tilespmem:s4+$0xFFFFFFB0];
	_ =	sdelay $0x1  }
0x1c1: {  	[tilespmem:v55+s26+$0x0] =	vst.idx.msk $0xffff, v5  }
0x1c2: {  	s28 =	sadd.s32 $0x2, s24;
	[tilespmem:v56+s26+$0x0] =	vst.idx.msk $0xffff, v7  }
0x1c3: {  	v5 =	vmov s28;
	[tilespmem:v57+s26+$0x0] =	vst.idx.msk $0xffff, v9  }
0x1c4: {  	[tilespmem:v4+s26+$0x0] =	vst.idx.msk $0xffff, v11;
	v4 =	vand.u32 $0x7E, v5  }
0x1c5: {  	v5 =	vld [tilespmem:s4+$0x0];
	v58 =	vadd.s32 v0, v4  }
0x1c6: {  	v7 =	vld [tilespmem:s4+$0x10];
	v59 =	vadd.s32 v1, v4  }
0x1c7: {  	v9 =	vld [tilespmem:s4+$0x20];
	v60 =	vadd.s32 v2, v4  }
0x1c8: {  	v11 =	vld [tilespmem:s4+$0x30];
	v4 =	vadd.s32 v3, v4;
	_ =	sdelay $0x1  }
0x1c9: {  	[tilespmem:v58+s26+$0x0] =	vst.idx.msk $0xffff, v5  }
0x1ca: {  	s30 =	sadd.s32 $0x3, s24;
	[tilespmem:v59+s26+$0x0] =	vst.idx.msk $0xffff, v7  }
0x1cb: {  	v5 =	vmov s30;
	[tilespmem:v60+s26+$0x0] =	vst.idx.msk $0xffff, v9  }
0x1cc: {  	[tilespmem:v4+s26+$0x0] =	vst.idx.msk $0xffff, v11;
	v4 =	vand.u32 $0x7F, v5  }
0x1cd: {  	v5 =	vld [tilespmem:s4+$0x80];
	v61 =	vadd.s32 v0, v4  }
0x1ce: {  	v7 =	vld [tilespmem:s4+$0x90];
	v62 =	vadd.s32 v1, v4  }
0x1cf: {  	v9 =	vld [tilespmem:s4+$0xA0];
	v63 =	vadd.s32 v2, v4  }
0x1d0: {  	v11 =	vld [tilespmem:s4+$0xB0];
	v4 =	vadd.s32 v3, v4;
	_ =	sdelay $0x1  }
0x1d1: {  	[tilespmem:v61+s26+$0x0] =	vst.idx.msk $0xffff, v5  }
0x1d2: {  	[tilespmem:v62+s26+$0x0] =	vst.idx.msk $0xffff, v7  }
0x1d3: {  	s24 =	sadd.s32 $0x0, s13;
	[tilespmem:v63+s26+$0x0] =	vst.idx.msk $0xffff, v9  }
0x1d4: {  	s23 =	simm.s32 $0x13B88;
	s5 =	simm.s32 $0x200;
	s4 =	simm.s32 $0x13B00;
	[tilespmem:v4+s26+$0x0] =	vst.idx.msk $0xffff, v11  }
.LBB2_16:
0x1d5: {  	[hbm4b:s24+s2] =	stream.linear.scatter [tilespmem:s4], [sflag:$0x6], $0x80, $0x38;
	[tilespmem:$0x15D00] =	vst v63  }
0x1d6: {  	s8 =	smov.u32 s5;
	s4 =	smov.u32 s23;
	p0 =	sne.s32 s5, $0x7E00  }
.Ltmp7:
0x1d7: {  	s5 =	sadd.s32 $0x200, s5;
	(pc) =	sbr.rel @p0 .LBB2_16-.Ltmp7, $2  }
0x1d8: {  	_ =	sdelay $0x2  }
0x1d9: {  	s23 =	sadd.s32 $0x88, s23;
	s24 =	sadd.s32 s8, s13  }
0x1da: {  	[hbm4b:s24+s2] =	stream.linear.scatter [tilespmem:s4], [sflag:$0x6], $0x80, $0x38;
	[tilespmem:$0x15D00] =	vst v63  }
0x1db: {  	s30 =	simm.s32 $0xD900;
	s5 =	simm.s32 $0x380;
	s23 =	simm.s32 $0x1  }
0x1dc: {  	[tilespmem:s30], [sflag:$0x4] =	stream.indirect.gather [hbm4b:s3+s21], $0x80, s5, s21, $0xb8;
	[tilespmem:$0x15D00] =	vst v63  }
.LBB2_18:
0x1dd: {  	_ =	swait.ge [sflag:s31], $0x4000  }
0x1de: {  	[sflag:s31] =	ssyncset.done $0x0  }
0x1df: {  	[sflag:s31] =	ssyncadd.s32 $0xFFFFC000  }
0x1e0: {  	s4 =	simm.s32 $0x0;
	_ =	swait.ge [sflag:s29], $0x2000  }
0x1e1: {  	v4 =	vmov s4;
	[sflag:s29] =	ssyncset.done $0x0  }
0x1e2: {  	s28 =	simm.s32 $0x1A00;
	v4 =	vand.u32 $0x7C, v4;
	[sflag:s29] =	ssyncadd.s32 $0xFFFFE000  }
0x1e3: {  	v6 =	vadd.s32 v0, v4;
	v5 =	vld [tilespmem:s28+$0xFFFFFF00]  }
0x1e4: {  	v8 =	vadd.s32 v1, v4;
	v7 =	vld [tilespmem:s28+$0xFFFFFF10]  }
0x1e5: {  	v10 =	vadd.s32 v2, v4;
	v9 =	vld [tilespmem:s28+$0xFFFFFF20]  }
0x1e6: {  	v4 =	vadd.s32 v3, v4;
	v11 =	vld [tilespmem:s28+$0xFFFFFF30];
	_ =	sdelay $0x1  }
0x1e7: {  	[tilespmem:v6+s0+$0x0] =	vst.idx.msk $0xffff, v5  }
0x1e8: {  	s24 =	simm.s32 $0x1;
	[tilespmem:v8+s0+$0x0] =	vst.idx.msk $0xffff, v7  }
0x1e9: {  	v5 =	vmov s24;
	[tilespmem:v10+s0+$0x0] =	vst.idx.msk $0xffff, v9  }
0x1ea: {  	[tilespmem:v4+s0+$0x0] =	vst.idx.msk $0xffff, v11;
	v4 =	vand.u32 $0x7D, v5  }
0x1eb: {  	v5 =	vld [tilespmem:s28+$0xFFFFFF80];
	v6 =	vadd.s32 v0, v4  }
0x1ec: {  	v7 =	vld [tilespmem:s28+$0xFFFFFF90];
	v8 =	vadd.s32 v1, v4  }
0x1ed: {  	v9 =	vld [tilespmem:s28+$0xFFFFFFA0];
	v60 =	vadd.s32 v2, v4  }
0x1ee: {  	v11 =	vld [tilespmem:s28+$0xFFFFFFB0];
	v4 =	vadd.s32 v3, v4;
	_ =	sdelay $0x1  }
0x1ef: {  	[tilespmem:v6+s0+$0x0] =	vst.idx.msk $0xffff, v5  }
0x1f0: {  	s25 =	simm.s32 $0x2;
	[tilespmem:v8+s0+$0x0] =	vst.idx.msk $0xffff, v7  }
0x1f1: {  	v5 =	vmov s25;
	[tilespmem:v60+s0+$0x0] =	vst.idx.msk $0xffff, v9  }
0x1f2: {  	[tilespmem:v4+s0+$0x0] =	vst.idx.msk $0xffff, v11;
	v4 =	vand.u32 $0x7E, v5  }
0x1f3: {  	v5 =	vld [tilespmem:s28+$0x0];
	v6 =	vadd.s32 v0, v4  }
0x1f4: {  	v7 =	vld [tilespmem:s28+$0x10];
	v8 =	vadd.s32 v1, v4  }
0x1f5: {  	v9 =	vld [tilespmem:s28+$0x20];
	v61 =	vadd.s32 v2, v4  }
0x1f6: {  	v11 =	vld [tilespmem:s28+$0x30];
	v4 =	vadd.s32 v3, v4;
	_ =	sdelay $0x1  }
0x1f7: {  	[tilespmem:v6+s0+$0x0] =	vst.idx.msk $0xffff, v5  }
0x1f8: {  	s30 =	simm.s32 $0x3;
	[tilespmem:v8+s0+$0x0] =	vst.idx.msk $0xffff, v7  }
0x1f9: {  	v5 =	vmov s30;
	[tilespmem:v61+s0+$0x0] =	vst.idx.msk $0xffff, v9  }
0x1fa: {  	v5 =	vand.u32 $0x7F, v5;
	[tilespmem:v4+s0+$0x0] =	vst.idx.msk $0xffff, v11  }
0x1fb: {  	v7 =	vadd.s32 v0, v5;
	v6 =	vld [tilespmem:s28+$0x80]  }
0x1fc: {  	v62 =	vadd.s32 v1, v5;
	v8 =	vld [tilespmem:s28+$0x90]  }
0x1fd: {  	v63 =	vadd.s32 v2, v5;
	v10 =	vld [tilespmem:s28+$0xA0];
	_ =	sdelay $0x1  }
0x1fe: {  	v5 =	vadd.s32 v3, v5;
	v4 =	vld [tilespmem:s28+$0xB0]  }
0x1ff: {  	[tilespmem:v7+s0+$0x0] =	vst.idx.msk $0xffff, v6  }
0x200: {  	s24 =	simm.s32 $0x4;
	[tilespmem:v62+s0+$0x0] =	vst.idx.msk $0xffff, v8  }
0x201: {  	s25 =	simm.s32 $0x8;
	v6 =	vmov s24;
	[tilespmem:v63+s0+$0x0] =	vst.idx.msk $0xffff, v10  }
.LBB2_19:
0x202: {  	p0 =	sne.s32 s25, $0x7C  }
0x203: {  	v6 =	vand.u32 $0x7C, v6;
	[tilespmem:v5+s0+$0x0] =	vst.idx.msk $0xffff, v4;
	s28 =	sadd.s32 $0x200, s28;
	s4 =	smov.u32 s25;
	s25 =	sadd.s32 $0x4, s25  }
0x204: {  	v4 =	vld [tilespmem:s28+$0xFFFFFF00];
	v5 =	vadd.s32 v0, v6  }
0x205: {  	v8 =	vadd.s32 v1, v6;
	v7 =	vld [tilespmem:s28+$0xFFFFFF10]  }
0x206: {  	v10 =	vadd.s32 v2, v6;
	v9 =	vld [tilespmem:s28+$0xFFFFFF20]  }
0x207: {  	v6 =	vadd.s32 v3, v6;
	v11 =	vld [tilespmem:s28+$0xFFFFFF30];
	_ =	sdelay $0x1  }
0x208: {  	[tilespmem:v5+s0+$0x0] =	vst.idx.msk $0xffff, v4  }
0x209: {  	s5 =	sadd.s32 $0x1, s24;
	[tilespmem:v8+s0+$0x0] =	vst.idx.msk $0xffff, v7  }
0x20a: {  	v4 =	vmov s5;
	[tilespmem:v10+s0+$0x0] =	vst.idx.msk $0xffff, v9  }
0x20b: {  	v4 =	vand.u32 $0x7D, v4;
	[tilespmem:v6+s0+$0x0] =	vst.idx.msk $0xffff, v11  }
0x20c: {  	v6 =	vadd.s32 v0, v4;
	v5 =	vld [tilespmem:s28+$0xFFFFFF80]  }
0x20d: {  	v8 =	vadd.s32 v1, v4;
	v7 =	vld [tilespmem:s28+$0xFFFFFF90]  }
0x20e: {  	v10 =	vadd.s32 v2, v4;
	v9 =	vld [tilespmem:s28+$0xFFFFFFA0]  }
0x20f: {  	v4 =	vadd.s32 v3, v4;
	v11 =	vld [tilespmem:s28+$0xFFFFFFB0];
	_ =	sdelay $0x1  }
0x210: {  	[tilespmem:v6+s0+$0x0] =	vst.idx.msk $0xffff, v5  }
0x211: {  	s5 =	sadd.s32 $0x2, s24;
	[tilespmem:v8+s0+$0x0] =	vst.idx.msk $0xffff, v7  }
0x212: {  	v5 =	vmov s5;
	[tilespmem:v10+s0+$0x0] =	vst.idx.msk $0xffff, v9  }
0x213: {  	[tilespmem:v4+s0+$0x0] =	vst.idx.msk $0xffff, v11;
	v4 =	vand.u32 $0x7E, v5  }
0x214: {  	v5 =	vld [tilespmem:s28+$0x0];
	v6 =	vadd.s32 v0, v4  }
0x215: {  	v8 =	vadd.s32 v1, v4;
	v7 =	vld [tilespmem:s28+$0x10]  }
0x216: {  	v10 =	vadd.s32 v2, v4;
	v9 =	vld [tilespmem:s28+$0x20]  }
0x217: {  	v4 =	vadd.s32 v3, v4;
	v11 =	vld [tilespmem:s28+$0x30];
	_ =	sdelay $0x1  }
0x218: {  	[tilespmem:v6+s0+$0x0] =	vst.idx.msk $0xffff, v5  }
0x219: {  	s5 =	sadd.s32 $0x3, s24;
	s24 =	smov.u32 s4;
	[tilespmem:v8+s0+$0x0] =	vst.idx.msk $0xffff, v7  }
0x21a: {  	v5 =	vmov s5;
	[tilespmem:v10+s0+$0x0] =	vst.idx.msk $0xffff, v9  }
0x21b: {  	v5 =	vand.u32 $0x7F, v5;
	[tilespmem:v4+s0+$0x0] =	vst.idx.msk $0xffff, v11  }
0x21c: {  	v7 =	vadd.s32 v0, v5;
	v6 =	vld [tilespmem:s28+$0x80]  }
0x21d: {  	v9 =	vadd.s32 v1, v5;
	v8 =	vld [tilespmem:s28+$0x90]  }
0x21e: {  	v11 =	vadd.s32 v2, v5;
	v10 =	vld [tilespmem:s28+$0xA0]  }
.Ltmp8:
0x21f: {  	v5 =	vadd.s32 v3, v5;
	v4 =	vld [tilespmem:s28+$0xB0];
	(pc) =	sbr.rel @p0 .LBB2_19-.Ltmp8, $4  }
0x220: {  	_ = 	snop  }
0x221: {  	[tilespmem:v7+s0+$0x0] =	vst.idx.msk $0xffff, v6  }
0x222: {  	[tilespmem:v9+s0+$0x0] =	vst.idx.msk $0xffff, v8  }
0x223: {  	v6 =	vmov s24;
	[tilespmem:v11+s0+$0x0] =	vst.idx.msk $0xffff, v10  }
0x224: {  	_ =	sdelay $0x3  }
0x225: {  	v6 =	vand.u32 $0x7C, v6;
	[tilespmem:v5+s0+$0x0] =	vst.idx.msk $0xffff, v4;
	s4 =	sadd.s32 $0x200, s28  }
0x226: {  	v4 =	vld [tilespmem:s4+$0xFFFFFF00];
	v5 =	vadd.s32 v0, v6  }
0x227: {  	v7 =	vld [tilespmem:s4+$0xFFFFFF10];
	v8 =	vadd.s32 v1, v6  }
0x228: {  	v9 =	vld [tilespmem:s4+$0xFFFFFF20];
	v10 =	vadd.s32 v2, v6  }
0x229: {  	v11 =	vld [tilespmem:s4+$0xFFFFFF30];
	v6 =	vadd.s32 v3, v6;
	_ =	sdelay $0x1  }
0x22a: {  	[tilespmem:v5+s0+$0x0] =	vst.idx.msk $0xffff, v4  }
0x22b: {  	s5 =	sadd.s32 $0x1, s24;
	[tilespmem:v8+s0+$0x0] =	vst.idx.msk $0xffff, v7  }
0x22c: {  	v4 =	vmov s5;
	[tilespmem:v10+s0+$0x0] =	vst.idx.msk $0xffff, v9  }
0x22d: {  	v4 =	vand.u32 $0x7D, v4;
	[tilespmem:v6+s0+$0x0] =	vst.idx.msk $0xffff, v11  }
0x22e: {  	v55 =	vadd.s32 v0, v4;
	v5 =	vld [tilespmem:s4+$0xFFFFFF80]  }
0x22f: {  	v56 =	vadd.s32 v1, v4;
	v7 =	vld [tilespmem:s4+$0xFFFFFF90]  }
0x230: {  	v57 =	vadd.s32 v2, v4;
	v9 =	vld [tilespmem:s4+$0xFFFFFFA0]  }
0x231: {  	v4 =	vadd.s32 v3, v4;
	v11 =	vld [tilespmem:s4+$0xFFFFFFB0];
	_ =	sdelay $0x1  }
0x232: {  	[tilespmem:v55+s0+$0x0] =	vst.idx.msk $0xffff, v5  }
0x233: {  	s8 =	sadd.s32 $0x2, s24;
	[tilespmem:v56+s0+$0x0] =	vst.idx.msk $0xffff, v7  }
0x234: {  	v5 =	vmov s8;
	[tilespmem:v57+s0+$0x0] =	vst.idx.msk $0xffff, v9  }
0x235: {  	[tilespmem:v4+s0+$0x0] =	vst.idx.msk $0xffff, v11;
	v4 =	vand.u32 $0x7E, v5  }
0x236: {  	v5 =	vld [tilespmem:s4+$0x0];
	v58 =	vadd.s32 v0, v4  }
0x237: {  	v7 =	vld [tilespmem:s4+$0x10];
	v59 =	vadd.s32 v1, v4  }
0x238: {  	v9 =	vld [tilespmem:s4+$0x20];
	v60 =	vadd.s32 v2, v4  }
0x239: {  	v11 =	vld [tilespmem:s4+$0x30];
	v4 =	vadd.s32 v3, v4;
	_ =	sdelay $0x1  }
0x23a: {  	[tilespmem:v58+s0+$0x0] =	vst.idx.msk $0xffff, v5  }
0x23b: {  	s25 =	sadd.s32 $0x3, s24;
	[tilespmem:v59+s0+$0x0] =	vst.idx.msk $0xffff, v7  }
0x23c: {  	v5 =	vmov s25;
	[tilespmem:v60+s0+$0x0] =	vst.idx.msk $0xffff, v9  }
0x23d: {  	[tilespmem:v4+s0+$0x0] =	vst.idx.msk $0xffff, v11;
	v4 =	vand.u32 $0x7F, v5  }
0x23e: {  	v5 =	vld [tilespmem:s4+$0x80];
	v61 =	vadd.s32 v0, v4  }
0x23f: {  	v7 =	vld [tilespmem:s4+$0x90];
	v62 =	vadd.s32 v1, v4  }
0x240: {  	v9 =	vld [tilespmem:s4+$0xA0];
	v63 =	vadd.s32 v2, v4  }
0x241: {  	v11 =	vld [tilespmem:s4+$0xB0];
	v4 =	vadd.s32 v3, v4  }
0x242: {  	s24 =	rddreg [dreg:$0x4];
	s8 =	sshll.u32 s23, $0x14  }
0x243: {  	s4 =	sor.u32 s24, s8;
	[tilespmem:v61+s0+$0x0] =	vst.idx.msk $0xffff, v5  }
0x244: {  	s25 =	rddreg [dreg:$0x5];
	s28 =	sshrl.u32 s4, $0x3;
	[tilespmem:v62+s0+$0x0] =	vst.idx.msk $0xffff, v7  }
0x245: {  	s5 =	simm.s32 $0x11900;
	s4 =	sadd.s32 s25, s28;
	[tilespmem:v63+s0+$0x0] =	vst.idx.msk $0xffff, v9  }
0x246: {  	s24 =	simm.s32 $0x200;
	s25 =	simm.s32 $0x11988;
	s30 =	sadd.s32 $0x0, s4;
	[tilespmem:v4+s0+$0x0] =	vst.idx.msk $0xffff, v11  }
.LBB2_21:
0x247: {  	[hbm4b:s30+s2] =	stream.linear.scatter [tilespmem:s5], [sflag:$0x5], $0x80, $0x38;
	[tilespmem:$0x15D00] =	vst v63  }
0x248: {  	s8 =	smov.u32 s24;
	s5 =	smov.u32 s25;
	p0 =	sne.s32 s24, $0x7E00  }
.Ltmp9:
0x249: {  	s24 =	sadd.s32 $0x200, s24;
	(pc) =	sbr.rel @p0 .LBB2_21-.Ltmp9, $2  }
0x24a: {  	_ =	sdelay $0x2  }
0x24b: {  	s25 =	sadd.s32 $0x88, s25;
	s30 =	sadd.s32 s8, s4  }
0x24c: {  	[hbm4b:s30+s2] =	stream.linear.scatter [tilespmem:s5], [sflag:$0x5], $0x80, $0x38;
	[tilespmem:$0x15D00] =	vst v63  }
0x24d: {  	s4 =	sshll.u32 s23, $0x9  }
0x24e: {  	s30 =	sand.u32 $0x3FFFFE00, s4  }
0x24f: {  	s24 =	simm.s32 $0x1900;
	s4 =	sadd.s32 $0x200, s30  }
0x250: {  	[tilespmem:s24], [sflag:$0x1] =	stream.indirect.gather [hbm4b:s3+s21], $0x80, s4, s21, $0xb8;
	[tilespmem:$0x15D00] =	vst v63  }
0x251: {  	_ =	swait.ge [sflag:s22], $0x4000  }
0x252: {  	[sflag:s22] =	ssyncset.done $0x0  }
0x253: {  	[sflag:s22] =	ssyncadd.s32 $0xFFFFC000  }
0x254: {  	s25 =	simm.s32 $0x0;
	_ =	swait.ge [sflag:s20], $0x2000  }
0x255: {  	v4 =	vmov s25;
	[sflag:s20] =	ssyncset.done $0x0  }
0x256: {  	v4 =	vand.u32 $0x7C, v4;
	s24 =	simm.s32 $0x5A00;
	[sflag:s20] =	ssyncadd.s32 $0xFFFFE000  }
0x257: {  	v6 =	vadd.s32 v0, v4;
	v5 =	vld [tilespmem:s24+$0xFFFFFF00]  }
0x258: {  	v8 =	vadd.s32 v1, v4;
	v7 =	vld [tilespmem:s24+$0xFFFFFF10]  }
0x259: {  	v10 =	vadd.s32 v2, v4;
	v9 =	vld [tilespmem:s24+$0xFFFFFF20]  }
0x25a: {  	v4 =	vadd.s32 v3, v4;
	v11 =	vld [tilespmem:s24+$0xFFFFFF30];
	_ =	sdelay $0x1  }
0x25b: {  	[tilespmem:v6+s26+$0x0] =	vst.idx.msk $0xffff, v5  }
0x25c: {  	s5 =	simm.s32 $0x1;
	[tilespmem:v8+s26+$0x0] =	vst.idx.msk $0xffff, v7  }
0x25d: {  	v5 =	vmov s5;
	[tilespmem:v10+s26+$0x0] =	vst.idx.msk $0xffff, v9  }
0x25e: {  	[tilespmem:v4+s26+$0x0] =	vst.idx.msk $0xffff, v11;
	v4 =	vand.u32 $0x7D, v5  }
0x25f: {  	v5 =	vld [tilespmem:s24+$0xFFFFFF80];
	v6 =	vadd.s32 v0, v4  }
0x260: {  	v7 =	vld [tilespmem:s24+$0xFFFFFF90];
	v8 =	vadd.s32 v1, v4  }
0x261: {  	v9 =	vld [tilespmem:s24+$0xFFFFFFA0];
	v60 =	vadd.s32 v2, v4  }
0x262: {  	v11 =	vld [tilespmem:s24+$0xFFFFFFB0];
	v4 =	vadd.s32 v3, v4;
	_ =	sdelay $0x1  }
0x263: {  	[tilespmem:v6+s26+$0x0] =	vst.idx.msk $0xffff, v5  }
0x264: {  	s8 =	simm.s32 $0x2;
	[tilespmem:v8+s26+$0x0] =	vst.idx.msk $0xffff, v7  }
0x265: {  	v5 =	vmov s8;
	[tilespmem:v60+s26+$0x0] =	vst.idx.msk $0xffff, v9  }
0x266: {  	[tilespmem:v4+s26+$0x0] =	vst.idx.msk $0xffff, v11;
	v4 =	vand.u32 $0x7E, v5  }
0x267: {  	v5 =	vld [tilespmem:s24+$0x0];
	v6 =	vadd.s32 v0, v4  }
0x268: {  	v7 =	vld [tilespmem:s24+$0x10];
	v8 =	vadd.s32 v1, v4  }
0x269: {  	v9 =	vld [tilespmem:s24+$0x20];
	v61 =	vadd.s32 v2, v4  }
0x26a: {  	v11 =	vld [tilespmem:s24+$0x30];
	v4 =	vadd.s32 v3, v4;
	_ =	sdelay $0x1  }
0x26b: {  	[tilespmem:v6+s26+$0x0] =	vst.idx.msk $0xffff, v5  }
0x26c: {  	s25 =	simm.s32 $0x3;
	[tilespmem:v8+s26+$0x0] =	vst.idx.msk $0xffff, v7  }
0x26d: {  	v5 =	vmov s25;
	[tilespmem:v61+s26+$0x0] =	vst.idx.msk $0xffff, v9  }
0x26e: {  	v5 =	vand.u32 $0x7F, v5;
	[tilespmem:v4+s26+$0x0] =	vst.idx.msk $0xffff, v11  }
0x26f: {  	v7 =	vadd.s32 v0, v5;
	v6 =	vld [tilespmem:s24+$0x80]  }
0x270: {  	v62 =	vadd.s32 v1, v5;
	v8 =	vld [tilespmem:s24+$0x90]  }
0x271: {  	v63 =	vadd.s32 v2, v5;
	v10 =	vld [tilespmem:s24+$0xA0];
	_ =	sdelay $0x1  }
0x272: {  	v5 =	vadd.s32 v3, v5;
	v4 =	vld [tilespmem:s24+$0xB0]  }
0x273: {  	[tilespmem:v7+s26+$0x0] =	vst.idx.msk $0xffff, v6  }
0x274: {  	s25 =	simm.s32 $0x4;
	[tilespmem:v62+s26+$0x0] =	vst.idx.msk $0xffff, v8  }
0x275: {  	s4 =	simm.s32 $0x8;
	v6 =	vmov s25;
	[tilespmem:v63+s26+$0x0] =	vst.idx.msk $0xffff, v10  }
.LBB2_23:
0x276: {  	p0 =	sne.s32 s4, $0x7C  }
0x277: {  	v6 =	vand.u32 $0x7C, v6;
	[tilespmem:v5+s26+$0x0] =	vst.idx.msk $0xffff, v4;
	s24 =	sadd.s32 $0x200, s24;
	s5 =	smov.u32 s4;
	s4 =	sadd.s32 $0x4, s4  }
0x278: {  	v4 =	vld [tilespmem:s24+$0xFFFFFF00];
	v5 =	vadd.s32 v0, v6  }
0x279: {  	v8 =	vadd.s32 v1, v6;
	v7 =	vld [tilespmem:s24+$0xFFFFFF10]  }
0x27a: {  	v10 =	vadd.s32 v2, v6;
	v9 =	vld [tilespmem:s24+$0xFFFFFF20]  }
0x27b: {  	v6 =	vadd.s32 v3, v6;
	v11 =	vld [tilespmem:s24+$0xFFFFFF30];
	_ =	sdelay $0x1  }
0x27c: {  	[tilespmem:v5+s26+$0x0] =	vst.idx.msk $0xffff, v4  }
0x27d: {  	s8 =	sadd.s32 $0x1, s25;
	[tilespmem:v8+s26+$0x0] =	vst.idx.msk $0xffff, v7  }
0x27e: {  	v4 =	vmov s8;
	[tilespmem:v10+s26+$0x0] =	vst.idx.msk $0xffff, v9  }
0x27f: {  	v4 =	vand.u32 $0x7D, v4;
	[tilespmem:v6+s26+$0x0] =	vst.idx.msk $0xffff, v11  }
0x280: {  	v6 =	vadd.s32 v0, v4;
	v5 =	vld [tilespmem:s24+$0xFFFFFF80]  }
0x281: {  	v8 =	vadd.s32 v1, v4;
	v7 =	vld [tilespmem:s24+$0xFFFFFF90]  }
0x282: {  	v10 =	vadd.s32 v2, v4;
	v9 =	vld [tilespmem:s24+$0xFFFFFFA0]  }
0x283: {  	v4 =	vadd.s32 v3, v4;
	v11 =	vld [tilespmem:s24+$0xFFFFFFB0];
	_ =	sdelay $0x1  }
0x284: {  	[tilespmem:v6+s26+$0x0] =	vst.idx.msk $0xffff, v5  }
0x285: {  	s8 =	sadd.s32 $0x2, s25;
	[tilespmem:v8+s26+$0x0] =	vst.idx.msk $0xffff, v7  }
0x286: {  	v5 =	vmov s8;
	[tilespmem:v10+s26+$0x0] =	vst.idx.msk $0xffff, v9  }
0x287: {  	[tilespmem:v4+s26+$0x0] =	vst.idx.msk $0xffff, v11;
	v4 =	vand.u32 $0x7E, v5  }
0x288: {  	v5 =	vld [tilespmem:s24+$0x0];
	v6 =	vadd.s32 v0, v4  }
0x289: {  	v8 =	vadd.s32 v1, v4;
	v7 =	vld [tilespmem:s24+$0x10]  }
0x28a: {  	v10 =	vadd.s32 v2, v4;
	v9 =	vld [tilespmem:s24+$0x20]  }
0x28b: {  	v4 =	vadd.s32 v3, v4;
	v11 =	vld [tilespmem:s24+$0x30];
	_ =	sdelay $0x1  }
0x28c: {  	[tilespmem:v6+s26+$0x0] =	vst.idx.msk $0xffff, v5  }
0x28d: {  	s8 =	sadd.s32 $0x3, s25;
	s25 =	smov.u32 s5;
	[tilespmem:v8+s26+$0x0] =	vst.idx.msk $0xffff, v7  }
0x28e: {  	v5 =	vmov s8;
	[tilespmem:v10+s26+$0x0] =	vst.idx.msk $0xffff, v9  }
0x28f: {  	v5 =	vand.u32 $0x7F, v5;
	[tilespmem:v4+s26+$0x0] =	vst.idx.msk $0xffff, v11  }
0x290: {  	v7 =	vadd.s32 v0, v5;
	v6 =	vld [tilespmem:s24+$0x80]  }
0x291: {  	v9 =	vadd.s32 v1, v5;
	v8 =	vld [tilespmem:s24+$0x90]  }
0x292: {  	v11 =	vadd.s32 v2, v5;
	v10 =	vld [tilespmem:s24+$0xA0]  }
.Ltmp10:
0x293: {  	v5 =	vadd.s32 v3, v5;
	v4 =	vld [tilespmem:s24+$0xB0];
	(pc) =	sbr.rel @p0 .LBB2_23-.Ltmp10, $4  }
0x294: {  	_ = 	snop  }
0x295: {  	[tilespmem:v7+s26+$0x0] =	vst.idx.msk $0xffff, v6  }
0x296: {  	[tilespmem:v9+s26+$0x0] =	vst.idx.msk $0xffff, v8  }
0x297: {  	v6 =	vmov s25;
	[tilespmem:v11+s26+$0x0] =	vst.idx.msk $0xffff, v10  }
0x298: {  	_ =	sdelay $0x3  }
0x299: {  	v6 =	vand.u32 $0x7C, v6;
	[tilespmem:v5+s26+$0x0] =	vst.idx.msk $0xffff, v4;
	s4 =	sadd.s32 $0x200, s24  }
0x29a: {  	v4 =	vld [tilespmem:s4+$0xFFFFFF00];
	v5 =	vadd.s32 v0, v6  }
0x29b: {  	v7 =	vld [tilespmem:s4+$0xFFFFFF10];
	v8 =	vadd.s32 v1, v6  }
0x29c: {  	v9 =	vld [tilespmem:s4+$0xFFFFFF20];
	v10 =	vadd.s32 v2, v6  }
0x29d: {  	v11 =	vld [tilespmem:s4+$0xFFFFFF30];
	v6 =	vadd.s32 v3, v6;
	_ =	sdelay $0x1  }
0x29e: {  	[tilespmem:v5+s26+$0x0] =	vst.idx.msk $0xffff, v4  }
0x29f: {  	s5 =	sadd.s32 $0x1, s25;
	[tilespmem:v8+s26+$0x0] =	vst.idx.msk $0xffff, v7  }
0x2a0: {  	v4 =	vmov s5;
	[tilespmem:v10+s26+$0x0] =	vst.idx.msk $0xffff, v9  }
0x2a1: {  	v4 =	vand.u32 $0x7D, v4;
	[tilespmem:v6+s26+$0x0] =	vst.idx.msk $0xffff, v11  }
0x2a2: {  	v55 =	vadd.s32 v0, v4;
	v5 =	vld [tilespmem:s4+$0xFFFFFF80]  }
0x2a3: {  	v56 =	vadd.s32 v1, v4;
	v7 =	vld [tilespmem:s4+$0xFFFFFF90]  }
0x2a4: {  	v57 =	vadd.s32 v2, v4;
	v9 =	vld [tilespmem:s4+$0xFFFFFFA0]  }
0x2a5: {  	v4 =	vadd.s32 v3, v4;
	v11 =	vld [tilespmem:s4+$0xFFFFFFB0];
	_ =	sdelay $0x1  }
0x2a6: {  	[tilespmem:v55+s26+$0x0] =	vst.idx.msk $0xffff, v5  }
0x2a7: {  	s8 =	sadd.s32 $0x2, s25;
	[tilespmem:v56+s26+$0x0] =	vst.idx.msk $0xffff, v7  }
0x2a8: {  	v5 =	vmov s8;
	[tilespmem:v57+s26+$0x0] =	vst.idx.msk $0xffff, v9  }
0x2a9: {  	[tilespmem:v4+s26+$0x0] =	vst.idx.msk $0xffff, v11;
	v4 =	vand.u32 $0x7E, v5  }
0x2aa: {  	v5 =	vld [tilespmem:s4+$0x0];
	v58 =	vadd.s32 v0, v4  }
0x2ab: {  	v7 =	vld [tilespmem:s4+$0x10];
	v59 =	vadd.s32 v1, v4  }
0x2ac: {  	v9 =	vld [tilespmem:s4+$0x20];
	v60 =	vadd.s32 v2, v4  }
0x2ad: {  	v11 =	vld [tilespmem:s4+$0x30];
	v4 =	vadd.s32 v3, v4;
	_ =	sdelay $0x1  }
0x2ae: {  	[tilespmem:v58+s26+$0x0] =	vst.idx.msk $0xffff, v5  }
0x2af: {  	s24 =	sadd.s32 $0x3, s25;
	[tilespmem:v59+s26+$0x0] =	vst.idx.msk $0xffff, v7  }
0x2b0: {  	v5 =	vmov s24;
	[tilespmem:v60+s26+$0x0] =	vst.idx.msk $0xffff, v9  }
0x2b1: {  	[tilespmem:v4+s26+$0x0] =	vst.idx.msk $0xffff, v11;
	v4 =	vand.u32 $0x7F, v5  }
0x2b2: {  	v5 =	vld [tilespmem:s4+$0x80];
	v61 =	vadd.s32 v0, v4  }
0x2b3: {  	v7 =	vld [tilespmem:s4+$0x90];
	v62 =	vadd.s32 v1, v4  }
0x2b4: {  	v9 =	vld [tilespmem:s4+$0xA0];
	v63 =	vadd.s32 v2, v4  }
0x2b5: {  	v11 =	vld [tilespmem:s4+$0xB0];
	v4 =	vadd.s32 v3, v4;
	_ =	sdelay $0x1  }
0x2b6: {  	[tilespmem:v61+s26+$0x0] =	vst.idx.msk $0xffff, v5  }
0x2b7: {  	s25 =	rddreg [dreg:$0x6];
	[tilespmem:v62+s26+$0x0] =	vst.idx.msk $0xffff, v7  }
0x2b8: {  	s5 =	simm.s32 $0x13B00;
	s4 =	sadd.s32 s28, s25;
	[tilespmem:v63+s26+$0x0] =	vst.idx.msk $0xffff, v9  }
0x2b9: {  	s24 =	simm.s32 $0x200;
	s25 =	simm.s32 $0x13B88;
	s8 =	sadd.s32 $0x0, s4;
	[tilespmem:v4+s26+$0x0] =	vst.idx.msk $0xffff, v11  }
.LBB2_25:
0x2ba: {  	[hbm4b:s8+s2] =	stream.linear.scatter [tilespmem:s5], [sflag:$0x6], $0x80, $0x38;
	[tilespmem:$0x15D00] =	vst v63  }
0x2bb: {  	s8 =	smov.u32 s24;
	s5 =	smov.u32 s25;
	p0 =	sne.s32 s24, $0x7E00  }
.Ltmp11:
0x2bc: {  	s24 =	sadd.s32 $0x200, s24;
	(pc) =	sbr.rel @p0 .LBB2_25-.Ltmp11, $2  }
0x2bd: {  	_ =	sdelay $0x2  }
0x2be: {  	s25 =	sadd.s32 $0x88, s25;
	s8 =	sadd.s32 s8, s4  }
0x2bf: {  	[hbm4b:s8+s2] =	stream.linear.scatter [tilespmem:s5], [sflag:$0x6], $0x80, $0x38;
	[tilespmem:$0x15D00] =	vst v63  }
0x2c0: {  	s4 =	sadd.s32 $0x280, s30;
	s24 =	simm.s32 $0x5900  }
0x2c1: {  	[tilespmem:s24], [sflag:$0x2] =	stream.indirect.gather [hbm4b:s3+s21], $0x80, s4, s21, $0xb8;
	[tilespmem:$0x15D00] =	vst v63  }
0x2c2: {  	_ =	swait.ge [sflag:s1], $0x4000  }
0x2c3: {  	[sflag:s1] =	ssyncset.done $0x0  }
0x2c4: {  	[sflag:s1] =	ssyncadd.s32 $0xFFFFC000  }
0x2c5: {  	s25 =	simm.s32 $0x0;
	_ =	swait.ge [sflag:s29], $0x2000  }
0x2c6: {  	v4 =	vmov s25;
	[sflag:s29] =	ssyncset.done $0x0  }
0x2c7: {  	s24 =	simm.s32 $0x9A00;
	v4 =	vand.u32 $0x7C, v4;
	[sflag:s29] =	ssyncadd.s32 $0xFFFFE000  }
0x2c8: {  	v6 =	vadd.s32 v0, v4;
	v5 =	vld [tilespmem:s24+$0xFFFFFF00]  }
0x2c9: {  	v8 =	vadd.s32 v1, v4;
	v7 =	vld [tilespmem:s24+$0xFFFFFF10]  }
0x2ca: {  	v10 =	vadd.s32 v2, v4;
	v9 =	vld [tilespmem:s24+$0xFFFFFF20]  }
0x2cb: {  	v4 =	vadd.s32 v3, v4;
	v11 =	vld [tilespmem:s24+$0xFFFFFF30];
	_ =	sdelay $0x1  }
0x2cc: {  	[tilespmem:v6+s0+$0x0] =	vst.idx.msk $0xffff, v5  }
0x2cd: {  	s5 =	simm.s32 $0x1;
	[tilespmem:v8+s0+$0x0] =	vst.idx.msk $0xffff, v7  }
0x2ce: {  	v5 =	vmov s5;
	[tilespmem:v10+s0+$0x0] =	vst.idx.msk $0xffff, v9  }
0x2cf: {  	[tilespmem:v4+s0+$0x0] =	vst.idx.msk $0xffff, v11;
	v4 =	vand.u32 $0x7D, v5  }
0x2d0: {  	v5 =	vld [tilespmem:s24+$0xFFFFFF80];
	v6 =	vadd.s32 v0, v4  }
0x2d1: {  	v7 =	vld [tilespmem:s24+$0xFFFFFF90];
	v8 =	vadd.s32 v1, v4  }
0x2d2: {  	v9 =	vld [tilespmem:s24+$0xFFFFFFA0];
	v60 =	vadd.s32 v2, v4  }
0x2d3: {  	v11 =	vld [tilespmem:s24+$0xFFFFFFB0];
	v4 =	vadd.s32 v3, v4;
	_ =	sdelay $0x1  }
0x2d4: {  	[tilespmem:v6+s0+$0x0] =	vst.idx.msk $0xffff, v5  }
0x2d5: {  	s8 =	simm.s32 $0x2;
	[tilespmem:v8+s0+$0x0] =	vst.idx.msk $0xffff, v7  }
0x2d6: {  	v5 =	vmov s8;
	[tilespmem:v60+s0+$0x0] =	vst.idx.msk $0xffff, v9  }
0x2d7: {  	[tilespmem:v4+s0+$0x0] =	vst.idx.msk $0xffff, v11;
	v4 =	vand.u32 $0x7E, v5  }
0x2d8: {  	v5 =	vld [tilespmem:s24+$0x0];
	v6 =	vadd.s32 v0, v4  }
0x2d9: {  	v7 =	vld [tilespmem:s24+$0x10];
	v8 =	vadd.s32 v1, v4  }
0x2da: {  	v9 =	vld [tilespmem:s24+$0x20];
	v61 =	vadd.s32 v2, v4  }
0x2db: {  	v11 =	vld [tilespmem:s24+$0x30];
	v4 =	vadd.s32 v3, v4;
	_ =	sdelay $0x1  }
0x2dc: {  	[tilespmem:v6+s0+$0x0] =	vst.idx.msk $0xffff, v5  }
0x2dd: {  	s25 =	simm.s32 $0x3;
	[tilespmem:v8+s0+$0x0] =	vst.idx.msk $0xffff, v7  }
0x2de: {  	v5 =	vmov s25;
	[tilespmem:v61+s0+$0x0] =	vst.idx.msk $0xffff, v9  }
0x2df: {  	v5 =	vand.u32 $0x7F, v5;
	[tilespmem:v4+s0+$0x0] =	vst.idx.msk $0xffff, v11  }
0x2e0: {  	v7 =	vadd.s32 v0, v5;
	v6 =	vld [tilespmem:s24+$0x80]  }
0x2e1: {  	v62 =	vadd.s32 v1, v5;
	v8 =	vld [tilespmem:s24+$0x90]  }
0x2e2: {  	v63 =	vadd.s32 v2, v5;
	v10 =	vld [tilespmem:s24+$0xA0];
	_ =	sdelay $0x1  }
0x2e3: {  	v5 =	vadd.s32 v3, v5;
	v4 =	vld [tilespmem:s24+$0xB0]  }
0x2e4: {  	[tilespmem:v7+s0+$0x0] =	vst.idx.msk $0xffff, v6  }
0x2e5: {  	s25 =	simm.s32 $0x4;
	[tilespmem:v62+s0+$0x0] =	vst.idx.msk $0xffff, v8  }
0x2e6: {  	s4 =	simm.s32 $0x8;
	v6 =	vmov s25;
	[tilespmem:v63+s0+$0x0] =	vst.idx.msk $0xffff, v10  }
.LBB2_27:
0x2e7: {  	p0 =	sne.s32 s4, $0x7C  }
0x2e8: {  	v6 =	vand.u32 $0x7C, v6;
	[tilespmem:v5+s0+$0x0] =	vst.idx.msk $0xffff, v4;
	s24 =	sadd.s32 $0x200, s24;
	s5 =	smov.u32 s4;
	s4 =	sadd.s32 $0x4, s4  }
0x2e9: {  	v4 =	vld [tilespmem:s24+$0xFFFFFF00];
	v5 =	vadd.s32 v0, v6  }
0x2ea: {  	v8 =	vadd.s32 v1, v6;
	v7 =	vld [tilespmem:s24+$0xFFFFFF10]  }
0x2eb: {  	v10 =	vadd.s32 v2, v6;
	v9 =	vld [tilespmem:s24+$0xFFFFFF20]  }
0x2ec: {  	v6 =	vadd.s32 v3, v6;
	v11 =	vld [tilespmem:s24+$0xFFFFFF30];
	_ =	sdelay $0x1  }
0x2ed: {  	[tilespmem:v5+s0+$0x0] =	vst.idx.msk $0xffff, v4  }
0x2ee: {  	s8 =	sadd.s32 $0x1, s25;
	[tilespmem:v8+s0+$0x0] =	vst.idx.msk $0xffff, v7  }
0x2ef: {  	v4 =	vmov s8;
	[tilespmem:v10+s0+$0x0] =	vst.idx.msk $0xffff, v9  }
0x2f0: {  	v4 =	vand.u32 $0x7D, v4;
	[tilespmem:v6+s0+$0x0] =	vst.idx.msk $0xffff, v11  }
0x2f1: {  	v6 =	vadd.s32 v0, v4;
	v5 =	vld [tilespmem:s24+$0xFFFFFF80]  }
0x2f2: {  	v8 =	vadd.s32 v1, v4;
	v7 =	vld [tilespmem:s24+$0xFFFFFF90]  }
0x2f3: {  	v10 =	vadd.s32 v2, v4;
	v9 =	vld [tilespmem:s24+$0xFFFFFFA0]  }
0x2f4: {  	v4 =	vadd.s32 v3, v4;
	v11 =	vld [tilespmem:s24+$0xFFFFFFB0];
	_ =	sdelay $0x1  }
0x2f5: {  	[tilespmem:v6+s0+$0x0] =	vst.idx.msk $0xffff, v5  }
0x2f6: {  	s8 =	sadd.s32 $0x2, s25;
	[tilespmem:v8+s0+$0x0] =	vst.idx.msk $0xffff, v7  }
0x2f7: {  	v5 =	vmov s8;
	[tilespmem:v10+s0+$0x0] =	vst.idx.msk $0xffff, v9  }
0x2f8: {  	[tilespmem:v4+s0+$0x0] =	vst.idx.msk $0xffff, v11;
	v4 =	vand.u32 $0x7E, v5  }
0x2f9: {  	v5 =	vld [tilespmem:s24+$0x0];
	v6 =	vadd.s32 v0, v4  }
0x2fa: {  	v8 =	vadd.s32 v1, v4;
	v7 =	vld [tilespmem:s24+$0x10]  }
0x2fb: {  	v10 =	vadd.s32 v2, v4;
	v9 =	vld [tilespmem:s24+$0x20]  }
0x2fc: {  	v4 =	vadd.s32 v3, v4;
	v11 =	vld [tilespmem:s24+$0x30];
	_ =	sdelay $0x1  }
0x2fd: {  	[tilespmem:v6+s0+$0x0] =	vst.idx.msk $0xffff, v5  }
0x2fe: {  	s8 =	sadd.s32 $0x3, s25;
	s25 =	smov.u32 s5;
	[tilespmem:v8+s0+$0x0] =	vst.idx.msk $0xffff, v7  }
0x2ff: {  	v5 =	vmov s8;
	[tilespmem:v10+s0+$0x0] =	vst.idx.msk $0xffff, v9  }
0x300: {  	v5 =	vand.u32 $0x7F, v5;
	[tilespmem:v4+s0+$0x0] =	vst.idx.msk $0xffff, v11  }
0x301: {  	v7 =	vadd.s32 v0, v5;
	v6 =	vld [tilespmem:s24+$0x80]  }
0x302: {  	v9 =	vadd.s32 v1, v5;
	v8 =	vld [tilespmem:s24+$0x90]  }
0x303: {  	v11 =	vadd.s32 v2, v5;
	v10 =	vld [tilespmem:s24+$0xA0]  }
.Ltmp12:
0x304: {  	v5 =	vadd.s32 v3, v5;
	v4 =	vld [tilespmem:s24+$0xB0];
	(pc) =	sbr.rel @p0 .LBB2_27-.Ltmp12, $4  }
0x305: {  	_ = 	snop  }
0x306: {  	[tilespmem:v7+s0+$0x0] =	vst.idx.msk $0xffff, v6  }
0x307: {  	[tilespmem:v9+s0+$0x0] =	vst.idx.msk $0xffff, v8  }
0x308: {  	v6 =	vmov s25;
	[tilespmem:v11+s0+$0x0] =	vst.idx.msk $0xffff, v10  }
0x309: {  	_ =	sdelay $0x3  }
0x30a: {  	v6 =	vand.u32 $0x7C, v6;
	[tilespmem:v5+s0+$0x0] =	vst.idx.msk $0xffff, v4;
	s4 =	sadd.s32 $0x200, s24  }
0x30b: {  	v4 =	vld [tilespmem:s4+$0xFFFFFF00];
	v5 =	vadd.s32 v0, v6  }
0x30c: {  	v7 =	vld [tilespmem:s4+$0xFFFFFF10];
	v8 =	vadd.s32 v1, v6  }
0x30d: {  	v9 =	vld [tilespmem:s4+$0xFFFFFF20];
	v10 =	vadd.s32 v2, v6  }
0x30e: {  	v11 =	vld [tilespmem:s4+$0xFFFFFF30];
	v6 =	vadd.s32 v3, v6;
	_ =	sdelay $0x1  }
0x30f: {  	[tilespmem:v5+s0+$0x0] =	vst.idx.msk $0xffff, v4  }
0x310: {  	s5 =	sadd.s32 $0x1, s25;
	[tilespmem:v8+s0+$0x0] =	vst.idx.msk $0xffff, v7  }
0x311: {  	v4 =	vmov s5;
	[tilespmem:v10+s0+$0x0] =	vst.idx.msk $0xffff, v9  }
0x312: {  	v4 =	vand.u32 $0x7D, v4;
	[tilespmem:v6+s0+$0x0] =	vst.idx.msk $0xffff, v11  }
0x313: {  	v55 =	vadd.s32 v0, v4;
	v5 =	vld [tilespmem:s4+$0xFFFFFF80]  }
0x314: {  	v56 =	vadd.s32 v1, v4;
	v7 =	vld [tilespmem:s4+$0xFFFFFF90]  }
0x315: {  	v57 =	vadd.s32 v2, v4;
	v9 =	vld [tilespmem:s4+$0xFFFFFFA0]  }
0x316: {  	v4 =	vadd.s32 v3, v4;
	v11 =	vld [tilespmem:s4+$0xFFFFFFB0];
	_ =	sdelay $0x1  }
0x317: {  	[tilespmem:v55+s0+$0x0] =	vst.idx.msk $0xffff, v5  }
0x318: {  	s24 =	sadd.s32 $0x2, s25;
	[tilespmem:v56+s0+$0x0] =	vst.idx.msk $0xffff, v7  }
0x319: {  	v5 =	vmov s24;
	[tilespmem:v57+s0+$0x0] =	vst.idx.msk $0xffff, v9  }
0x31a: {  	[tilespmem:v4+s0+$0x0] =	vst.idx.msk $0xffff, v11;
	v4 =	vand.u32 $0x7E, v5  }
0x31b: {  	v5 =	vld [tilespmem:s4+$0x0];
	v58 =	vadd.s32 v0, v4  }
0x31c: {  	v7 =	vld [tilespmem:s4+$0x10];
	v59 =	vadd.s32 v1, v4  }
0x31d: {  	v9 =	vld [tilespmem:s4+$0x20];
	v60 =	vadd.s32 v2, v4  }
0x31e: {  	v11 =	vld [tilespmem:s4+$0x30];
	v4 =	vadd.s32 v3, v4;
	_ =	sdelay $0x1  }
0x31f: {  	[tilespmem:v58+s0+$0x0] =	vst.idx.msk $0xffff, v5  }
0x320: {  	s25 =	sadd.s32 $0x3, s25;
	[tilespmem:v59+s0+$0x0] =	vst.idx.msk $0xffff, v7  }
0x321: {  	v5 =	vmov s25;
	[tilespmem:v60+s0+$0x0] =	vst.idx.msk $0xffff, v9  }
0x322: {  	[tilespmem:v4+s0+$0x0] =	vst.idx.msk $0xffff, v11;
	v4 =	vand.u32 $0x7F, v5  }
0x323: {  	v5 =	vld [tilespmem:s4+$0x80];
	v61 =	vadd.s32 v0, v4  }
0x324: {  	v7 =	vld [tilespmem:s4+$0x90];
	v62 =	vadd.s32 v1, v4  }
0x325: {  	v9 =	vld [tilespmem:s4+$0xA0];
	v63 =	vadd.s32 v2, v4  }
0x326: {  	v11 =	vld [tilespmem:s4+$0xB0];
	v4 =	vadd.s32 v3, v4;
	_ =	sdelay $0x1  }
0x327: {  	[tilespmem:v61+s0+$0x0] =	vst.idx.msk $0xffff, v5  }
0x328: {  	[tilespmem:v62+s0+$0x0] =	vst.idx.msk $0xffff, v7  }
0x329: {  	s5 =	simm.s32 $0x11900;
	s4 =	sadd.s32 s28, s11;
	[tilespmem:v63+s0+$0x0] =	vst.idx.msk $0xffff, v9  }
0x32a: {  	s24 =	simm.s32 $0x200;
	s25 =	simm.s32 $0x11988;
	s8 =	sadd.s32 $0x0, s4;
	[tilespmem:v4+s0+$0x0] =	vst.idx.msk $0xffff, v11  }
.LBB2_29:
0x32b: {  	[hbm4b:s8+s2] =	stream.linear.scatter [tilespmem:s5], [sflag:$0x5], $0x80, $0x38;
	[tilespmem:$0x15D00] =	vst v63  }
0x32c: {  	s8 =	smov.u32 s24;
	s5 =	smov.u32 s25;
	p0 =	sne.s32 s24, $0x7E00  }
.Ltmp13:
0x32d: {  	s24 =	sadd.s32 $0x200, s24;
	(pc) =	sbr.rel @p0 .LBB2_29-.Ltmp13, $2  }
0x32e: {  	_ =	sdelay $0x2  }
0x32f: {  	s25 =	sadd.s32 $0x88, s25;
	s8 =	sadd.s32 s8, s4  }
0x330: {  	[hbm4b:s8+s2] =	stream.linear.scatter [tilespmem:s5], [sflag:$0x5], $0x80, $0x38;
	[tilespmem:$0x15D00] =	vst v63  }
0x331: {  	s4 =	sadd.s32 $0x300, s30;
	s24 =	simm.s32 $0x9900  }
0x332: {  	[tilespmem:s24], [sflag:$0x3] =	stream.indirect.gather [hbm4b:s3+s21], $0x80, s4, s21, $0xb8;
	[tilespmem:$0x15D00] =	vst v63  }
0x333: {  	_ =	swait.ge [sflag:s6], $0x4000  }
0x334: {  	[sflag:s6] =	ssyncset.done $0x0  }
0x335: {  	[sflag:s6] =	ssyncadd.s32 $0xFFFFC000  }
0x336: {  	s25 =	simm.s32 $0x0;
	_ =	swait.ge [sflag:s20], $0x2000  }
0x337: {  	v4 =	vmov s25;
	[sflag:s20] =	ssyncset.done $0x0  }
0x338: {  	s24 =	simm.s32 $0xDA00;
	v4 =	vand.u32 $0x7C, v4;
	[sflag:s20] =	ssyncadd.s32 $0xFFFFE000  }
0x339: {  	v6 =	vadd.s32 v0, v4;
	v5 =	vld [tilespmem:s24+$0xFFFFFF00]  }
0x33a: {  	v8 =	vadd.s32 v1, v4;
	v7 =	vld [tilespmem:s24+$0xFFFFFF10]  }
0x33b: {  	v10 =	vadd.s32 v2, v4;
	v9 =	vld [tilespmem:s24+$0xFFFFFF20]  }
0x33c: {  	v4 =	vadd.s32 v3, v4;
	v11 =	vld [tilespmem:s24+$0xFFFFFF30];
	_ =	sdelay $0x1  }
0x33d: {  	[tilespmem:v6+s26+$0x0] =	vst.idx.msk $0xffff, v5  }
0x33e: {  	s5 =	simm.s32 $0x1;
	[tilespmem:v8+s26+$0x0] =	vst.idx.msk $0xffff, v7  }
0x33f: {  	v5 =	vmov s5;
	[tilespmem:v10+s26+$0x0] =	vst.idx.msk $0xffff, v9  }
0x340: {  	[tilespmem:v4+s26+$0x0] =	vst.idx.msk $0xffff, v11;
	v4 =	vand.u32 $0x7D, v5  }
0x341: {  	v5 =	vld [tilespmem:s24+$0xFFFFFF80];
	v6 =	vadd.s32 v0, v4  }
0x342: {  	v7 =	vld [tilespmem:s24+$0xFFFFFF90];
	v8 =	vadd.s32 v1, v4  }
0x343: {  	v9 =	vld [tilespmem:s24+$0xFFFFFFA0];
	v60 =	vadd.s32 v2, v4  }
0x344: {  	v11 =	vld [tilespmem:s24+$0xFFFFFFB0];
	v4 =	vadd.s32 v3, v4;
	_ =	sdelay $0x1  }
0x345: {  	[tilespmem:v6+s26+$0x0] =	vst.idx.msk $0xffff, v5  }
0x346: {  	s8 =	simm.s32 $0x2;
	[tilespmem:v8+s26+$0x0] =	vst.idx.msk $0xffff, v7  }
0x347: {  	v5 =	vmov s8;
	[tilespmem:v60+s26+$0x0] =	vst.idx.msk $0xffff, v9  }
0x348: {  	[tilespmem:v4+s26+$0x0] =	vst.idx.msk $0xffff, v11;
	v4 =	vand.u32 $0x7E, v5  }
0x349: {  	v5 =	vld [tilespmem:s24+$0x0];
	v6 =	vadd.s32 v0, v4  }
0x34a: {  	v7 =	vld [tilespmem:s24+$0x10];
	v8 =	vadd.s32 v1, v4  }
0x34b: {  	v9 =	vld [tilespmem:s24+$0x20];
	v61 =	vadd.s32 v2, v4  }
0x34c: {  	v11 =	vld [tilespmem:s24+$0x30];
	v4 =	vadd.s32 v3, v4;
	_ =	sdelay $0x1  }
0x34d: {  	[tilespmem:v6+s26+$0x0] =	vst.idx.msk $0xffff, v5  }
0x34e: {  	s25 =	simm.s32 $0x3;
	[tilespmem:v8+s26+$0x0] =	vst.idx.msk $0xffff, v7  }
0x34f: {  	v5 =	vmov s25;
	[tilespmem:v61+s26+$0x0] =	vst.idx.msk $0xffff, v9  }
0x350: {  	v5 =	vand.u32 $0x7F, v5;
	[tilespmem:v4+s26+$0x0] =	vst.idx.msk $0xffff, v11  }
0x351: {  	v7 =	vadd.s32 v0, v5;
	v6 =	vld [tilespmem:s24+$0x80]  }
0x352: {  	v62 =	vadd.s32 v1, v5;
	v8 =	vld [tilespmem:s24+$0x90]  }
0x353: {  	v63 =	vadd.s32 v2, v5;
	v10 =	vld [tilespmem:s24+$0xA0];
	_ =	sdelay $0x1  }
0x354: {  	v5 =	vadd.s32 v3, v5;
	v4 =	vld [tilespmem:s24+$0xB0]  }
0x355: {  	[tilespmem:v7+s26+$0x0] =	vst.idx.msk $0xffff, v6  }
0x356: {  	s25 =	simm.s32 $0x4;
	[tilespmem:v62+s26+$0x0] =	vst.idx.msk $0xffff, v8  }
0x357: {  	s4 =	simm.s32 $0x8;
	v6 =	vmov s25;
	[tilespmem:v63+s26+$0x0] =	vst.idx.msk $0xffff, v10  }
.LBB2_31:
0x358: {  	p0 =	sne.s32 s4, $0x7C  }
0x359: {  	v6 =	vand.u32 $0x7C, v6;
	[tilespmem:v5+s26+$0x0] =	vst.idx.msk $0xffff, v4;
	s24 =	sadd.s32 $0x200, s24;
	s5 =	smov.u32 s4;
	s4 =	sadd.s32 $0x4, s4  }
0x35a: {  	v4 =	vld [tilespmem:s24+$0xFFFFFF00];
	v5 =	vadd.s32 v0, v6  }
0x35b: {  	v8 =	vadd.s32 v1, v6;
	v7 =	vld [tilespmem:s24+$0xFFFFFF10]  }
0x35c: {  	v10 =	vadd.s32 v2, v6;
	v9 =	vld [tilespmem:s24+$0xFFFFFF20]  }
0x35d: {  	v6 =	vadd.s32 v3, v6;
	v11 =	vld [tilespmem:s24+$0xFFFFFF30];
	_ =	sdelay $0x1  }
0x35e: {  	[tilespmem:v5+s26+$0x0] =	vst.idx.msk $0xffff, v4  }
0x35f: {  	s8 =	sadd.s32 $0x1, s25;
	[tilespmem:v8+s26+$0x0] =	vst.idx.msk $0xffff, v7  }
0x360: {  	v4 =	vmov s8;
	[tilespmem:v10+s26+$0x0] =	vst.idx.msk $0xffff, v9  }
0x361: {  	v4 =	vand.u32 $0x7D, v4;
	[tilespmem:v6+s26+$0x0] =	vst.idx.msk $0xffff, v11  }
0x362: {  	v6 =	vadd.s32 v0, v4;
	v5 =	vld [tilespmem:s24+$0xFFFFFF80]  }
0x363: {  	v8 =	vadd.s32 v1, v4;
	v7 =	vld [tilespmem:s24+$0xFFFFFF90]  }
0x364: {  	v10 =	vadd.s32 v2, v4;
	v9 =	vld [tilespmem:s24+$0xFFFFFFA0]  }
0x365: {  	v4 =	vadd.s32 v3, v4;
	v11 =	vld [tilespmem:s24+$0xFFFFFFB0];
	_ =	sdelay $0x1  }
0x366: {  	[tilespmem:v6+s26+$0x0] =	vst.idx.msk $0xffff, v5  }
0x367: {  	s8 =	sadd.s32 $0x2, s25;
	[tilespmem:v8+s26+$0x0] =	vst.idx.msk $0xffff, v7  }
0x368: {  	v5 =	vmov s8;
	[tilespmem:v10+s26+$0x0] =	vst.idx.msk $0xffff, v9  }
0x369: {  	[tilespmem:v4+s26+$0x0] =	vst.idx.msk $0xffff, v11;
	v4 =	vand.u32 $0x7E, v5  }
0x36a: {  	v5 =	vld [tilespmem:s24+$0x0];
	v6 =	vadd.s32 v0, v4  }
0x36b: {  	v8 =	vadd.s32 v1, v4;
	v7 =	vld [tilespmem:s24+$0x10]  }
0x36c: {  	v10 =	vadd.s32 v2, v4;
	v9 =	vld [tilespmem:s24+$0x20]  }
0x36d: {  	v4 =	vadd.s32 v3, v4;
	v11 =	vld [tilespmem:s24+$0x30];
	_ =	sdelay $0x1  }
0x36e: {  	[tilespmem:v6+s26+$0x0] =	vst.idx.msk $0xffff, v5  }
0x36f: {  	s8 =	sadd.s32 $0x3, s25;
	s25 =	smov.u32 s5;
	[tilespmem:v8+s26+$0x0] =	vst.idx.msk $0xffff, v7  }
0x370: {  	v5 =	vmov s8;
	[tilespmem:v10+s26+$0x0] =	vst.idx.msk $0xffff, v9  }
0x371: {  	v5 =	vand.u32 $0x7F, v5;
	[tilespmem:v4+s26+$0x0] =	vst.idx.msk $0xffff, v11  }
0x372: {  	v7 =	vadd.s32 v0, v5;
	v6 =	vld [tilespmem:s24+$0x80]  }
0x373: {  	v9 =	vadd.s32 v1, v5;
	v8 =	vld [tilespmem:s24+$0x90]  }
0x374: {  	v11 =	vadd.s32 v2, v5;
	v10 =	vld [tilespmem:s24+$0xA0]  }
.Ltmp14:
0x375: {  	v5 =	vadd.s32 v3, v5;
	v4 =	vld [tilespmem:s24+$0xB0];
	(pc) =	sbr.rel @p0 .LBB2_31-.Ltmp14, $4  }
0x376: {  	_ = 	snop  }
0x377: {  	[tilespmem:v7+s26+$0x0] =	vst.idx.msk $0xffff, v6  }
0x378: {  	[tilespmem:v9+s26+$0x0] =	vst.idx.msk $0xffff, v8  }
0x379: {  	v6 =	vmov s25;
	[tilespmem:v11+s26+$0x0] =	vst.idx.msk $0xffff, v10  }
0x37a: {  	_ =	sdelay $0x3  }
0x37b: {  	v6 =	vand.u32 $0x7C, v6;
	[tilespmem:v5+s26+$0x0] =	vst.idx.msk $0xffff, v4;
	s4 =	sadd.s32 $0x200, s24  }
0x37c: {  	v4 =	vld [tilespmem:s4+$0xFFFFFF00];
	v5 =	vadd.s32 v0, v6  }
0x37d: {  	v7 =	vld [tilespmem:s4+$0xFFFFFF10];
	v8 =	vadd.s32 v1, v6  }
0x37e: {  	v9 =	vld [tilespmem:s4+$0xFFFFFF20];
	v10 =	vadd.s32 v2, v6  }
0x37f: {  	v11 =	vld [tilespmem:s4+$0xFFFFFF30];
	v6 =	vadd.s32 v3, v6;
	_ =	sdelay $0x1  }
0x380: {  	[tilespmem:v5+s26+$0x0] =	vst.idx.msk $0xffff, v4  }
0x381: {  	s5 =	sadd.s32 $0x1, s25;
	[tilespmem:v8+s26+$0x0] =	vst.idx.msk $0xffff, v7  }
0x382: {  	v4 =	vmov s5;
	[tilespmem:v10+s26+$0x0] =	vst.idx.msk $0xffff, v9  }
0x383: {  	v4 =	vand.u32 $0x7D, v4;
	[tilespmem:v6+s26+$0x0] =	vst.idx.msk $0xffff, v11  }
0x384: {  	v55 =	vadd.s32 v0, v4;
	v5 =	vld [tilespmem:s4+$0xFFFFFF80]  }
0x385: {  	v56 =	vadd.s32 v1, v4;
	v7 =	vld [tilespmem:s4+$0xFFFFFF90]  }
0x386: {  	v57 =	vadd.s32 v2, v4;
	v9 =	vld [tilespmem:s4+$0xFFFFFFA0]  }
0x387: {  	v4 =	vadd.s32 v3, v4;
	v11 =	vld [tilespmem:s4+$0xFFFFFFB0];
	_ =	sdelay $0x1  }
0x388: {  	[tilespmem:v55+s26+$0x0] =	vst.idx.msk $0xffff, v5  }
0x389: {  	s24 =	sadd.s32 $0x2, s25;
	[tilespmem:v56+s26+$0x0] =	vst.idx.msk $0xffff, v7  }
0x38a: {  	v5 =	vmov s24;
	[tilespmem:v57+s26+$0x0] =	vst.idx.msk $0xffff, v9  }
0x38b: {  	[tilespmem:v4+s26+$0x0] =	vst.idx.msk $0xffff, v11;
	v4 =	vand.u32 $0x7E, v5  }
0x38c: {  	v5 =	vld [tilespmem:s4+$0x0];
	v58 =	vadd.s32 v0, v4  }
0x38d: {  	v7 =	vld [tilespmem:s4+$0x10];
	v59 =	vadd.s32 v1, v4  }
0x38e: {  	v9 =	vld [tilespmem:s4+$0x20];
	v60 =	vadd.s32 v2, v4  }
0x38f: {  	v11 =	vld [tilespmem:s4+$0x30];
	v4 =	vadd.s32 v3, v4;
	_ =	sdelay $0x1  }
0x390: {  	[tilespmem:v58+s26+$0x0] =	vst.idx.msk $0xffff, v5  }
0x391: {  	s25 =	sadd.s32 $0x3, s25;
	[tilespmem:v59+s26+$0x0] =	vst.idx.msk $0xffff, v7  }
0x392: {  	v5 =	vmov s25;
	[tilespmem:v60+s26+$0x0] =	vst.idx.msk $0xffff, v9  }
0x393: {  	[tilespmem:v4+s26+$0x0] =	vst.idx.msk $0xffff, v11;
	v4 =	vand.u32 $0x7F, v5  }
0x394: {  	v5 =	vld [tilespmem:s4+$0x80];
	v61 =	vadd.s32 v0, v4  }
0x395: {  	v7 =	vld [tilespmem:s4+$0x90];
	v62 =	vadd.s32 v1, v4  }
0x396: {  	v9 =	vld [tilespmem:s4+$0xA0];
	v63 =	vadd.s32 v2, v4  }
0x397: {  	v11 =	vld [tilespmem:s4+$0xB0];
	v4 =	vadd.s32 v3, v4;
	_ =	sdelay $0x1  }
0x398: {  	[tilespmem:v61+s26+$0x0] =	vst.idx.msk $0xffff, v5  }
0x399: {  	[tilespmem:v62+s26+$0x0] =	vst.idx.msk $0xffff, v7  }
0x39a: {  	s5 =	simm.s32 $0x13B00;
	s4 =	sadd.s32 s28, s10;
	[tilespmem:v63+s26+$0x0] =	vst.idx.msk $0xffff, v9  }
0x39b: {  	s24 =	simm.s32 $0x200;
	s25 =	simm.s32 $0x13B88;
	s8 =	sadd.s32 $0x0, s4;
	[tilespmem:v4+s26+$0x0] =	vst.idx.msk $0xffff, v11  }
.LBB2_33:
0x39c: {  	[hbm4b:s8+s2] =	stream.linear.scatter [tilespmem:s5], [sflag:$0x6], $0x80, $0x38;
	[tilespmem:$0x15D00] =	vst v63  }
0x39d: {  	s8 =	smov.u32 s24;
	s5 =	smov.u32 s25;
	p0 =	sne.s32 s24, $0x7E00  }
.Ltmp15:
0x39e: {  	s24 =	sadd.s32 $0x200, s24;
	(pc) =	sbr.rel @p0 .LBB2_33-.Ltmp15, $2  }
0x39f: {  	_ =	sdelay $0x2  }
0x3a0: {  	s25 =	sadd.s32 $0x88, s25;
	s8 =	sadd.s32 s8, s4  }
0x3a1: {  	s23 =	sadd.s32 $0x1, s23  }
0x3a2: {  	p0 =	sne.s32 s23, $0xB  }
.Ltmp16:
0x3a3: {  	_ = 	snop;
	(pc) =	sbr.rel @p0 .LBB2_18-.Ltmp16, $4  }
0x3a4: {  	_ = 	snop  }
0x3a5: {  	[hbm4b:s8+s2] =	stream.linear.scatter [tilespmem:s5], [sflag:$0x6], $0x80, $0x38;
	[tilespmem:$0x15D00] =	vst v63  }
0x3a6: {  	s4 =	sadd.s32 $0x380, s30;
	s30 =	simm.s32 $0xD900  }
0x3a7: {  	[tilespmem:s30], [sflag:$0x4] =	stream.indirect.gather [hbm4b:s3+s21], $0x80, s4, s21, $0xb8;
	[tilespmem:$0x15D00] =	vst v63  }
0x3a8: {  	_ =	swait.ge [sflag:s31], $0x4000  }
0x3a9: {  	[sflag:s31] =	ssyncset.done $0x0  }
0x3aa: {  	[sflag:s31] =	ssyncadd.s32 $0xFFFFC000  }
0x3ab: {  	s4 =	simm.s32 $0x0;
	_ =	swait.ge [sflag:s29], $0x2000  }
0x3ac: {  	v4 =	vmov s4;
	[sflag:s29] =	ssyncset.done $0x0  }
0x3ad: {  	s23 =	simm.s32 $0x1A00;
	v4 =	vand.u32 $0x7C, v4;
	[sflag:s29] =	ssyncadd.s32 $0xFFFFE000  }
0x3ae: {  	v6 =	vadd.s32 v0, v4;
	v5 =	vld [tilespmem:s23+$0xFFFFFF00]  }
0x3af: {  	v8 =	vadd.s32 v1, v4;
	v7 =	vld [tilespmem:s23+$0xFFFFFF10]  }
0x3b0: {  	v10 =	vadd.s32 v2, v4;
	v9 =	vld [tilespmem:s23+$0xFFFFFF20]  }
0x3b1: {  	v4 =	vadd.s32 v3, v4;
	v11 =	vld [tilespmem:s23+$0xFFFFFF30];
	_ =	sdelay $0x1  }
0x3b2: {  	[tilespmem:v6+s0+$0x0] =	vst.idx.msk $0xffff, v5  }
0x3b3: {  	s25 =	simm.s32 $0x1;
	[tilespmem:v8+s0+$0x0] =	vst.idx.msk $0xffff, v7  }
0x3b4: {  	v5 =	vmov s25;
	[tilespmem:v10+s0+$0x0] =	vst.idx.msk $0xffff, v9  }
0x3b5: {  	[tilespmem:v4+s0+$0x0] =	vst.idx.msk $0xffff, v11;
	v4 =	vand.u32 $0x7D, v5  }
0x3b6: {  	v5 =	vld [tilespmem:s23+$0xFFFFFF80];
	v6 =	vadd.s32 v0, v4  }
0x3b7: {  	v7 =	vld [tilespmem:s23+$0xFFFFFF90];
	v8 =	vadd.s32 v1, v4  }
0x3b8: {  	v9 =	vld [tilespmem:s23+$0xFFFFFFA0];
	v60 =	vadd.s32 v2, v4  }
0x3b9: {  	v11 =	vld [tilespmem:s23+$0xFFFFFFB0];
	v4 =	vadd.s32 v3, v4;
	_ =	sdelay $0x1  }
0x3ba: {  	[tilespmem:v6+s0+$0x0] =	vst.idx.msk $0xffff, v5  }
0x3bb: {  	s28 =	simm.s32 $0x2;
	[tilespmem:v8+s0+$0x0] =	vst.idx.msk $0xffff, v7  }
0x3bc: {  	v5 =	vmov s28;
	[tilespmem:v60+s0+$0x0] =	vst.idx.msk $0xffff, v9  }
0x3bd: {  	[tilespmem:v4+s0+$0x0] =	vst.idx.msk $0xffff, v11;
	v4 =	vand.u32 $0x7E, v5  }
0x3be: {  	v5 =	vld [tilespmem:s23+$0x0];
	v6 =	vadd.s32 v0, v4  }
0x3bf: {  	v7 =	vld [tilespmem:s23+$0x10];
	v8 =	vadd.s32 v1, v4  }
0x3c0: {  	v9 =	vld [tilespmem:s23+$0x20];
	v61 =	vadd.s32 v2, v4  }
0x3c1: {  	v11 =	vld [tilespmem:s23+$0x30];
	v4 =	vadd.s32 v3, v4;
	_ =	sdelay $0x1  }
0x3c2: {  	[tilespmem:v6+s0+$0x0] =	vst.idx.msk $0xffff, v5  }
0x3c3: {  	s30 =	simm.s32 $0x3;
	[tilespmem:v8+s0+$0x0] =	vst.idx.msk $0xffff, v7  }
0x3c4: {  	v5 =	vmov s30;
	[tilespmem:v61+s0+$0x0] =	vst.idx.msk $0xffff, v9  }
0x3c5: {  	v5 =	vand.u32 $0x7F, v5;
	[tilespmem:v4+s0+$0x0] =	vst.idx.msk $0xffff, v11  }
0x3c6: {  	v7 =	vadd.s32 v0, v5;
	v6 =	vld [tilespmem:s23+$0x80]  }
0x3c7: {  	v62 =	vadd.s32 v1, v5;
	v8 =	vld [tilespmem:s23+$0x90]  }
0x3c8: {  	v63 =	vadd.s32 v2, v5;
	v10 =	vld [tilespmem:s23+$0xA0];
	_ =	sdelay $0x1  }
0x3c9: {  	v5 =	vadd.s32 v3, v5;
	v4 =	vld [tilespmem:s23+$0xB0]  }
0x3ca: {  	[tilespmem:v7+s0+$0x0] =	vst.idx.msk $0xffff, v6  }
0x3cb: {  	s24 =	simm.s32 $0x4;
	[tilespmem:v62+s0+$0x0] =	vst.idx.msk $0xffff, v8  }
0x3cc: {  	s4 =	simm.s32 $0x8;
	v6 =	vmov s24;
	[tilespmem:v63+s0+$0x0] =	vst.idx.msk $0xffff, v10  }
.LBB2_36:
0x3cd: {  	p0 =	sne.s32 s4, $0x7C  }
0x3ce: {  	v6 =	vand.u32 $0x7C, v6;
	[tilespmem:v5+s0+$0x0] =	vst.idx.msk $0xffff, v4;
	s23 =	sadd.s32 $0x200, s23;
	s5 =	smov.u32 s4;
	s4 =	sadd.s32 $0x4, s4  }
0x3cf: {  	v4 =	vld [tilespmem:s23+$0xFFFFFF00];
	v5 =	vadd.s32 v0, v6  }
0x3d0: {  	v8 =	vadd.s32 v1, v6;
	v7 =	vld [tilespmem:s23+$0xFFFFFF10]  }
0x3d1: {  	v10 =	vadd.s32 v2, v6;
	v9 =	vld [tilespmem:s23+$0xFFFFFF20]  }
0x3d2: {  	v6 =	vadd.s32 v3, v6;
	v11 =	vld [tilespmem:s23+$0xFFFFFF30];
	_ =	sdelay $0x1  }
0x3d3: {  	[tilespmem:v5+s0+$0x0] =	vst.idx.msk $0xffff, v4  }
0x3d4: {  	s8 =	sadd.s32 $0x1, s24;
	[tilespmem:v8+s0+$0x0] =	vst.idx.msk $0xffff, v7  }
0x3d5: {  	v4 =	vmov s8;
	[tilespmem:v10+s0+$0x0] =	vst.idx.msk $0xffff, v9  }
0x3d6: {  	v4 =	vand.u32 $0x7D, v4;
	[tilespmem:v6+s0+$0x0] =	vst.idx.msk $0xffff, v11  }
0x3d7: {  	v6 =	vadd.s32 v0, v4;
	v5 =	vld [tilespmem:s23+$0xFFFFFF80]  }
0x3d8: {  	v8 =	vadd.s32 v1, v4;
	v7 =	vld [tilespmem:s23+$0xFFFFFF90]  }
0x3d9: {  	v10 =	vadd.s32 v2, v4;
	v9 =	vld [tilespmem:s23+$0xFFFFFFA0]  }
0x3da: {  	v4 =	vadd.s32 v3, v4;
	v11 =	vld [tilespmem:s23+$0xFFFFFFB0];
	_ =	sdelay $0x1  }
0x3db: {  	[tilespmem:v6+s0+$0x0] =	vst.idx.msk $0xffff, v5  }
0x3dc: {  	s8 =	sadd.s32 $0x2, s24;
	[tilespmem:v8+s0+$0x0] =	vst.idx.msk $0xffff, v7  }
0x3dd: {  	v5 =	vmov s8;
	[tilespmem:v10+s0+$0x0] =	vst.idx.msk $0xffff, v9  }
0x3de: {  	[tilespmem:v4+s0+$0x0] =	vst.idx.msk $0xffff, v11;
	v4 =	vand.u32 $0x7E, v5  }
0x3df: {  	v5 =	vld [tilespmem:s23+$0x0];
	v6 =	vadd.s32 v0, v4  }
0x3e0: {  	v8 =	vadd.s32 v1, v4;
	v7 =	vld [tilespmem:s23+$0x10]  }
0x3e1: {  	v10 =	vadd.s32 v2, v4;
	v9 =	vld [tilespmem:s23+$0x20]  }
0x3e2: {  	v4 =	vadd.s32 v3, v4;
	v11 =	vld [tilespmem:s23+$0x30];
	_ =	sdelay $0x1  }
0x3e3: {  	[tilespmem:v6+s0+$0x0] =	vst.idx.msk $0xffff, v5  }
0x3e4: {  	s8 =	sadd.s32 $0x3, s24;
	s24 =	smov.u32 s5;
	[tilespmem:v8+s0+$0x0] =	vst.idx.msk $0xffff, v7  }
0x3e5: {  	v5 =	vmov s8;
	[tilespmem:v10+s0+$0x0] =	vst.idx.msk $0xffff, v9  }
0x3e6: {  	v5 =	vand.u32 $0x7F, v5;
	[tilespmem:v4+s0+$0x0] =	vst.idx.msk $0xffff, v11  }
0x3e7: {  	v7 =	vadd.s32 v0, v5;
	v6 =	vld [tilespmem:s23+$0x80]  }
0x3e8: {  	v9 =	vadd.s32 v1, v5;
	v8 =	vld [tilespmem:s23+$0x90]  }
0x3e9: {  	v11 =	vadd.s32 v2, v5;
	v10 =	vld [tilespmem:s23+$0xA0]  }
.Ltmp17:
0x3ea: {  	v5 =	vadd.s32 v3, v5;
	v4 =	vld [tilespmem:s23+$0xB0];
	(pc) =	sbr.rel @p0 .LBB2_36-.Ltmp17, $4  }
0x3eb: {  	_ = 	snop  }
0x3ec: {  	[tilespmem:v7+s0+$0x0] =	vst.idx.msk $0xffff, v6  }
0x3ed: {  	[tilespmem:v9+s0+$0x0] =	vst.idx.msk $0xffff, v8  }
0x3ee: {  	v6 =	vmov s24;
	[tilespmem:v11+s0+$0x0] =	vst.idx.msk $0xffff, v10  }
0x3ef: {  	_ =	sdelay $0x3  }
0x3f0: {  	v6 =	vand.u32 $0x7C, v6;
	[tilespmem:v5+s0+$0x0] =	vst.idx.msk $0xffff, v4;
	s4 =	sadd.s32 $0x200, s23  }
0x3f1: {  	v4 =	vld [tilespmem:s4+$0xFFFFFF00];
	v5 =	vadd.s32 v0, v6  }
0x3f2: {  	v7 =	vld [tilespmem:s4+$0xFFFFFF10];
	v8 =	vadd.s32 v1, v6  }
0x3f3: {  	v9 =	vld [tilespmem:s4+$0xFFFFFF20];
	v10 =	vadd.s32 v2, v6  }
0x3f4: {  	v11 =	vld [tilespmem:s4+$0xFFFFFF30];
	v6 =	vadd.s32 v3, v6;
	_ =	sdelay $0x1  }
0x3f5: {  	[tilespmem:v5+s0+$0x0] =	vst.idx.msk $0xffff, v4  }
0x3f6: {  	s5 =	sadd.s32 $0x1, s24;
	[tilespmem:v8+s0+$0x0] =	vst.idx.msk $0xffff, v7  }
0x3f7: {  	v4 =	vmov s5;
	[tilespmem:v10+s0+$0x0] =	vst.idx.msk $0xffff, v9  }
0x3f8: {  	v4 =	vand.u32 $0x7D, v4;
	[tilespmem:v6+s0+$0x0] =	vst.idx.msk $0xffff, v11  }
0x3f9: {  	v55 =	vadd.s32 v0, v4;
	v5 =	vld [tilespmem:s4+$0xFFFFFF80]  }
0x3fa: {  	v56 =	vadd.s32 v1, v4;
	v7 =	vld [tilespmem:s4+$0xFFFFFF90]  }
0x3fb: {  	v57 =	vadd.s32 v2, v4;
	v9 =	vld [tilespmem:s4+$0xFFFFFFA0]  }
0x3fc: {  	v4 =	vadd.s32 v3, v4;
	v11 =	vld [tilespmem:s4+$0xFFFFFFB0];
	_ =	sdelay $0x1  }
0x3fd: {  	[tilespmem:v55+s0+$0x0] =	vst.idx.msk $0xffff, v5  }
0x3fe: {  	s28 =	sadd.s32 $0x2, s24;
	[tilespmem:v56+s0+$0x0] =	vst.idx.msk $0xffff, v7  }
0x3ff: {  	v5 =	vmov s28;
	[tilespmem:v57+s0+$0x0] =	vst.idx.msk $0xffff, v9  }
0x400: {  	[tilespmem:v4+s0+$0x0] =	vst.idx.msk $0xffff, v11;
	v4 =	vand.u32 $0x7E, v5  }
0x401: {  	v5 =	vld [tilespmem:s4+$0x0];
	v58 =	vadd.s32 v0, v4  }
0x402: {  	v7 =	vld [tilespmem:s4+$0x10];
	v59 =	vadd.s32 v1, v4  }
0x403: {  	v9 =	vld [tilespmem:s4+$0x20];
	v60 =	vadd.s32 v2, v4  }
0x404: {  	v11 =	vld [tilespmem:s4+$0x30];
	v4 =	vadd.s32 v3, v4;
	_ =	sdelay $0x1  }
0x405: {  	[tilespmem:v58+s0+$0x0] =	vst.idx.msk $0xffff, v5  }
0x406: {  	s30 =	sadd.s32 $0x3, s24;
	[tilespmem:v59+s0+$0x0] =	vst.idx.msk $0xffff, v7  }
0x407: {  	v5 =	vmov s30;
	[tilespmem:v60+s0+$0x0] =	vst.idx.msk $0xffff, v9  }
0x408: {  	[tilespmem:v4+s0+$0x0] =	vst.idx.msk $0xffff, v11;
	v4 =	vand.u32 $0x7F, v5  }
0x409: {  	v5 =	vld [tilespmem:s4+$0x80];
	v61 =	vadd.s32 v0, v4  }
0x40a: {  	v7 =	vld [tilespmem:s4+$0x90];
	v62 =	vadd.s32 v1, v4  }
0x40b: {  	v9 =	vld [tilespmem:s4+$0xA0];
	v63 =	vadd.s32 v2, v4  }
0x40c: {  	v11 =	vld [tilespmem:s4+$0xB0];
	v4 =	vadd.s32 v3, v4;
	_ =	sdelay $0x1  }
0x40d: {  	[tilespmem:v61+s0+$0x0] =	vst.idx.msk $0xffff, v5  }
0x40e: {  	[tilespmem:v62+s0+$0x0] =	vst.idx.msk $0xffff, v7  }
0x40f: {  	s8 =	sadd.s32 $0x0, s14;
	[tilespmem:v63+s0+$0x0] =	vst.idx.msk $0xffff, v9  }
0x410: {  	s23 =	simm.s32 $0x11988;
	s5 =	simm.s32 $0x200;
	s4 =	simm.s32 $0x11900;
	[tilespmem:v4+s0+$0x0] =	vst.idx.msk $0xffff, v11  }
.LBB2_38:
0x411: {  	[hbm4b:s8+s2] =	stream.linear.scatter [tilespmem:s4], [sflag:$0x5], $0x80, $0x38;
	[tilespmem:$0x15D00] =	vst v63  }
0x412: {  	s8 =	smov.u32 s5;
	s4 =	smov.u32 s23;
	p0 =	sne.s32 s5, $0x7E00  }
.Ltmp18:
0x413: {  	s5 =	sadd.s32 $0x200, s5;
	(pc) =	sbr.rel @p0 .LBB2_38-.Ltmp18, $2  }
0x414: {  	_ =	sdelay $0x2  }
0x415: {  	s23 =	sadd.s32 $0x88, s23;
	s8 =	sadd.s32 s8, s14  }
0x416: {  	[hbm4b:s8+s2] =	stream.linear.scatter [tilespmem:s4], [sflag:$0x5], $0x80, $0x38;
	[tilespmem:$0x15D00] =	vst v63  }
0x417: {  	s23 =	simm.s32 $0x1900;
	s5 =	simm.s32 $0x1800  }
0x418: {  	[tilespmem:s23], [sflag:$0x1] =	stream.indirect.gather [hbm4b:s3+s21], $0x80, s5, s21, $0xb8;
	[tilespmem:$0x15D00] =	vst v63  }
0x419: {  	_ =	swait.ge [sflag:s22], $0x4000  }
0x41a: {  	[sflag:s22] =	ssyncset.done $0x0  }
0x41b: {  	[sflag:s22] =	ssyncadd.s32 $0xFFFFC000  }
0x41c: {  	s24 =	simm.s32 $0x0;
	_ =	swait.ge [sflag:s20], $0x2000  }
0x41d: {  	v4 =	vmov s24;
	[sflag:s20] =	ssyncset.done $0x0  }
0x41e: {  	s23 =	simm.s32 $0x5A00;
	v4 =	vand.u32 $0x7C, v4;
	[sflag:s20] =	ssyncadd.s32 $0xFFFFE000  }
0x41f: {  	v6 =	vadd.s32 v0, v4;
	v5 =	vld [tilespmem:s23+$0xFFFFFF00]  }
0x420: {  	v8 =	vadd.s32 v1, v4;
	v7 =	vld [tilespmem:s23+$0xFFFFFF10]  }
0x421: {  	v10 =	vadd.s32 v2, v4;
	v9 =	vld [tilespmem:s23+$0xFFFFFF20]  }
0x422: {  	v4 =	vadd.s32 v3, v4;
	v11 =	vld [tilespmem:s23+$0xFFFFFF30];
	_ =	sdelay $0x1  }
0x423: {  	[tilespmem:v6+s26+$0x0] =	vst.idx.msk $0xffff, v5  }
0x424: {  	s25 =	simm.s32 $0x1;
	[tilespmem:v8+s26+$0x0] =	vst.idx.msk $0xffff, v7  }
0x425: {  	v5 =	vmov s25;
	[tilespmem:v10+s26+$0x0] =	vst.idx.msk $0xffff, v9  }
0x426: {  	[tilespmem:v4+s26+$0x0] =	vst.idx.msk $0xffff, v11;
	v4 =	vand.u32 $0x7D, v5  }
0x427: {  	v5 =	vld [tilespmem:s23+$0xFFFFFF80];
	v6 =	vadd.s32 v0, v4  }
0x428: {  	v7 =	vld [tilespmem:s23+$0xFFFFFF90];
	v8 =	vadd.s32 v1, v4  }
0x429: {  	v9 =	vld [tilespmem:s23+$0xFFFFFFA0];
	v60 =	vadd.s32 v2, v4  }
0x42a: {  	v11 =	vld [tilespmem:s23+$0xFFFFFFB0];
	v4 =	vadd.s32 v3, v4;
	_ =	sdelay $0x1  }
0x42b: {  	[tilespmem:v6+s26+$0x0] =	vst.idx.msk $0xffff, v5  }
0x42c: {  	s28 =	simm.s32 $0x2;
	[tilespmem:v8+s26+$0x0] =	vst.idx.msk $0xffff, v7  }
0x42d: {  	v5 =	vmov s28;
	[tilespmem:v60+s26+$0x0] =	vst.idx.msk $0xffff, v9  }
0x42e: {  	[tilespmem:v4+s26+$0x0] =	vst.idx.msk $0xffff, v11;
	v4 =	vand.u32 $0x7E, v5  }
0x42f: {  	v5 =	vld [tilespmem:s23+$0x0];
	v6 =	vadd.s32 v0, v4  }
0x430: {  	v7 =	vld [tilespmem:s23+$0x10];
	v8 =	vadd.s32 v1, v4  }
0x431: {  	v9 =	vld [tilespmem:s23+$0x20];
	v61 =	vadd.s32 v2, v4  }
0x432: {  	v11 =	vld [tilespmem:s23+$0x30];
	v4 =	vadd.s32 v3, v4;
	_ =	sdelay $0x1  }
0x433: {  	[tilespmem:v6+s26+$0x0] =	vst.idx.msk $0xffff, v5  }
0x434: {  	s30 =	simm.s32 $0x3;
	[tilespmem:v8+s26+$0x0] =	vst.idx.msk $0xffff, v7  }
0x435: {  	v5 =	vmov s30;
	[tilespmem:v61+s26+$0x0] =	vst.idx.msk $0xffff, v9  }
0x436: {  	v5 =	vand.u32 $0x7F, v5;
	[tilespmem:v4+s26+$0x0] =	vst.idx.msk $0xffff, v11  }
0x437: {  	v7 =	vadd.s32 v0, v5;
	v6 =	vld [tilespmem:s23+$0x80]  }
0x438: {  	v62 =	vadd.s32 v1, v5;
	v8 =	vld [tilespmem:s23+$0x90]  }
0x439: {  	v63 =	vadd.s32 v2, v5;
	v10 =	vld [tilespmem:s23+$0xA0];
	_ =	sdelay $0x1  }
0x43a: {  	v5 =	vadd.s32 v3, v5;
	v4 =	vld [tilespmem:s23+$0xB0]  }
0x43b: {  	[tilespmem:v7+s26+$0x0] =	vst.idx.msk $0xffff, v6  }
0x43c: {  	s24 =	simm.s32 $0x4;
	[tilespmem:v62+s26+$0x0] =	vst.idx.msk $0xffff, v8  }
0x43d: {  	s4 =	simm.s32 $0x8;
	v6 =	vmov s24;
	[tilespmem:v63+s26+$0x0] =	vst.idx.msk $0xffff, v10  }
.LBB2_40:
0x43e: {  	p0 =	sne.s32 s4, $0x7C  }
0x43f: {  	v6 =	vand.u32 $0x7C, v6;
	[tilespmem:v5+s26+$0x0] =	vst.idx.msk $0xffff, v4;
	s23 =	sadd.s32 $0x200, s23;
	s5 =	smov.u32 s4;
	s4 =	sadd.s32 $0x4, s4  }
0x440: {  	v4 =	vld [tilespmem:s23+$0xFFFFFF00];
	v5 =	vadd.s32 v0, v6  }
0x441: {  	v8 =	vadd.s32 v1, v6;
	v7 =	vld [tilespmem:s23+$0xFFFFFF10]  }
0x442: {  	v10 =	vadd.s32 v2, v6;
	v9 =	vld [tilespmem:s23+$0xFFFFFF20]  }
0x443: {  	v6 =	vadd.s32 v3, v6;
	v11 =	vld [tilespmem:s23+$0xFFFFFF30];
	_ =	sdelay $0x1  }
0x444: {  	[tilespmem:v5+s26+$0x0] =	vst.idx.msk $0xffff, v4  }
0x445: {  	s8 =	sadd.s32 $0x1, s24;
	[tilespmem:v8+s26+$0x0] =	vst.idx.msk $0xffff, v7  }
0x446: {  	v4 =	vmov s8;
	[tilespmem:v10+s26+$0x0] =	vst.idx.msk $0xffff, v9  }
0x447: {  	v4 =	vand.u32 $0x7D, v4;
	[tilespmem:v6+s26+$0x0] =	vst.idx.msk $0xffff, v11  }
0x448: {  	v6 =	vadd.s32 v0, v4;
	v5 =	vld [tilespmem:s23+$0xFFFFFF80]  }
0x449: {  	v8 =	vadd.s32 v1, v4;
	v7 =	vld [tilespmem:s23+$0xFFFFFF90]  }
0x44a: {  	v10 =	vadd.s32 v2, v4;
	v9 =	vld [tilespmem:s23+$0xFFFFFFA0]  }
0x44b: {  	v4 =	vadd.s32 v3, v4;
	v11 =	vld [tilespmem:s23+$0xFFFFFFB0];
	_ =	sdelay $0x1  }
0x44c: {  	[tilespmem:v6+s26+$0x0] =	vst.idx.msk $0xffff, v5  }
0x44d: {  	s8 =	sadd.s32 $0x2, s24;
	[tilespmem:v8+s26+$0x0] =	vst.idx.msk $0xffff, v7  }
0x44e: {  	v5 =	vmov s8;
	[tilespmem:v10+s26+$0x0] =	vst.idx.msk $0xffff, v9  }
0x44f: {  	[tilespmem:v4+s26+$0x0] =	vst.idx.msk $0xffff, v11;
	v4 =	vand.u32 $0x7E, v5  }
0x450: {  	v5 =	vld [tilespmem:s23+$0x0];
	v6 =	vadd.s32 v0, v4  }
0x451: {  	v8 =	vadd.s32 v1, v4;
	v7 =	vld [tilespmem:s23+$0x10]  }
0x452: {  	v10 =	vadd.s32 v2, v4;
	v9 =	vld [tilespmem:s23+$0x20]  }
0x453: {  	v4 =	vadd.s32 v3, v4;
	v11 =	vld [tilespmem:s23+$0x30];
	_ =	sdelay $0x1  }
0x454: {  	[tilespmem:v6+s26+$0x0] =	vst.idx.msk $0xffff, v5  }
0x455: {  	s8 =	sadd.s32 $0x3, s24;
	s24 =	smov.u32 s5;
	[tilespmem:v8+s26+$0x0] =	vst.idx.msk $0xffff, v7  }
0x456: {  	v5 =	vmov s8;
	[tilespmem:v10+s26+$0x0] =	vst.idx.msk $0xffff, v9  }
0x457: {  	v5 =	vand.u32 $0x7F, v5;
	[tilespmem:v4+s26+$0x0] =	vst.idx.msk $0xffff, v11  }
0x458: {  	v7 =	vadd.s32 v0, v5;
	v6 =	vld [tilespmem:s23+$0x80]  }
0x459: {  	v9 =	vadd.s32 v1, v5;
	v8 =	vld [tilespmem:s23+$0x90]  }
0x45a: {  	v11 =	vadd.s32 v2, v5;
	v10 =	vld [tilespmem:s23+$0xA0]  }
.Ltmp19:
0x45b: {  	v5 =	vadd.s32 v3, v5;
	v4 =	vld [tilespmem:s23+$0xB0];
	(pc) =	sbr.rel @p0 .LBB2_40-.Ltmp19, $4  }
0x45c: {  	_ = 	snop  }
0x45d: {  	[tilespmem:v7+s26+$0x0] =	vst.idx.msk $0xffff, v6  }
0x45e: {  	[tilespmem:v9+s26+$0x0] =	vst.idx.msk $0xffff, v8  }
0x45f: {  	v6 =	vmov s24;
	[tilespmem:v11+s26+$0x0] =	vst.idx.msk $0xffff, v10  }
0x460: {  	_ =	sdelay $0x3  }
0x461: {  	v6 =	vand.u32 $0x7C, v6;
	[tilespmem:v5+s26+$0x0] =	vst.idx.msk $0xffff, v4;
	s4 =	sadd.s32 $0x200, s23  }
0x462: {  	v4 =	vld [tilespmem:s4+$0xFFFFFF00];
	v5 =	vadd.s32 v0, v6  }
0x463: {  	v7 =	vld [tilespmem:s4+$0xFFFFFF10];
	v8 =	vadd.s32 v1, v6  }
0x464: {  	v9 =	vld [tilespmem:s4+$0xFFFFFF20];
	v10 =	vadd.s32 v2, v6  }
0x465: {  	v11 =	vld [tilespmem:s4+$0xFFFFFF30];
	v6 =	vadd.s32 v3, v6;
	_ =	sdelay $0x1  }
0x466: {  	[tilespmem:v5+s26+$0x0] =	vst.idx.msk $0xffff, v4  }
0x467: {  	s5 =	sadd.s32 $0x1, s24;
	[tilespmem:v8+s26+$0x0] =	vst.idx.msk $0xffff, v7  }
0x468: {  	v4 =	vmov s5;
	[tilespmem:v10+s26+$0x0] =	vst.idx.msk $0xffff, v9  }
0x469: {  	v4 =	vand.u32 $0x7D, v4;
	[tilespmem:v6+s26+$0x0] =	vst.idx.msk $0xffff, v11  }
0x46a: {  	v55 =	vadd.s32 v0, v4;
	v5 =	vld [tilespmem:s4+$0xFFFFFF80]  }
0x46b: {  	v56 =	vadd.s32 v1, v4;
	v7 =	vld [tilespmem:s4+$0xFFFFFF90]  }
0x46c: {  	v57 =	vadd.s32 v2, v4;
	v9 =	vld [tilespmem:s4+$0xFFFFFFA0]  }
0x46d: {  	v4 =	vadd.s32 v3, v4;
	v11 =	vld [tilespmem:s4+$0xFFFFFFB0];
	_ =	sdelay $0x1  }
0x46e: {  	[tilespmem:v55+s26+$0x0] =	vst.idx.msk $0xffff, v5  }
0x46f: {  	s28 =	sadd.s32 $0x2, s24;
	[tilespmem:v56+s26+$0x0] =	vst.idx.msk $0xffff, v7  }
0x470: {  	v5 =	vmov s28;
	[tilespmem:v57+s26+$0x0] =	vst.idx.msk $0xffff, v9  }
0x471: {  	[tilespmem:v4+s26+$0x0] =	vst.idx.msk $0xffff, v11;
	v4 =	vand.u32 $0x7E, v5  }
0x472: {  	v5 =	vld [tilespmem:s4+$0x0];
	v58 =	vadd.s32 v0, v4  }
0x473: {  	v7 =	vld [tilespmem:s4+$0x10];
	v59 =	vadd.s32 v1, v4  }
0x474: {  	v9 =	vld [tilespmem:s4+$0x20];
	v60 =	vadd.s32 v2, v4  }
0x475: {  	v11 =	vld [tilespmem:s4+$0x30];
	v4 =	vadd.s32 v3, v4;
	_ =	sdelay $0x1  }
0x476: {  	[tilespmem:v58+s26+$0x0] =	vst.idx.msk $0xffff, v5  }
0x477: {  	s30 =	sadd.s32 $0x3, s24;
	[tilespmem:v59+s26+$0x0] =	vst.idx.msk $0xffff, v7  }
0x478: {  	v5 =	vmov s30;
	[tilespmem:v60+s26+$0x0] =	vst.idx.msk $0xffff, v9  }
0x479: {  	[tilespmem:v4+s26+$0x0] =	vst.idx.msk $0xffff, v11;
	v4 =	vand.u32 $0x7F, v5  }
0x47a: {  	v5 =	vld [tilespmem:s4+$0x80];
	v61 =	vadd.s32 v0, v4  }
0x47b: {  	v7 =	vld [tilespmem:s4+$0x90];
	v62 =	vadd.s32 v1, v4  }
0x47c: {  	v9 =	vld [tilespmem:s4+$0xA0];
	v63 =	vadd.s32 v2, v4  }
0x47d: {  	v11 =	vld [tilespmem:s4+$0xB0];
	v4 =	vadd.s32 v3, v4;
	_ =	sdelay $0x1  }
0x47e: {  	[tilespmem:v61+s26+$0x0] =	vst.idx.msk $0xffff, v5  }
0x47f: {  	[tilespmem:v62+s26+$0x0] =	vst.idx.msk $0xffff, v7  }
0x480: {  	s8 =	sadd.s32 $0x0, s15;
	[tilespmem:v63+s26+$0x0] =	vst.idx.msk $0xffff, v9  }
0x481: {  	s23 =	simm.s32 $0x13B88;
	s5 =	simm.s32 $0x200;
	s4 =	simm.s32 $0x13B00;
	[tilespmem:v4+s26+$0x0] =	vst.idx.msk $0xffff, v11  }
.LBB2_42:
0x482: {  	[hbm4b:s8+s2] =	stream.linear.scatter [tilespmem:s4], [sflag:$0x6], $0x80, $0x38;
	[tilespmem:$0x15D00] =	vst v63  }
0x483: {  	s8 =	smov.u32 s5;
	s4 =	smov.u32 s23;
	p0 =	sne.s32 s5, $0x7E00  }
.Ltmp20:
0x484: {  	s5 =	sadd.s32 $0x200, s5;
	(pc) =	sbr.rel @p0 .LBB2_42-.Ltmp20, $2  }
0x485: {  	_ =	sdelay $0x2  }
0x486: {  	s23 =	sadd.s32 $0x88, s23;
	s8 =	sadd.s32 s8, s15  }
0x487: {  	[hbm4b:s8+s2] =	stream.linear.scatter [tilespmem:s4], [sflag:$0x6], $0x80, $0x38;
	[tilespmem:$0x15D00] =	vst v63  }
0x488: {  	s23 =	simm.s32 $0x5900;
	s5 =	simm.s32 $0x1880  }
0x489: {  	[tilespmem:s23], [sflag:$0x2] =	stream.indirect.gather [hbm4b:s3+s21], $0x80, s5, s21, $0xb8;
	[tilespmem:$0x15D00] =	vst v63  }
0x48a: {  	_ =	swait.ge [sflag:s1], $0x4000  }
0x48b: {  	[sflag:s1] =	ssyncset.done $0x0  }
0x48c: {  	[sflag:s1] =	ssyncadd.s32 $0xFFFFC000  }
0x48d: {  	s24 =	simm.s32 $0x0;
	_ =	swait.ge [sflag:s29], $0x2000  }
0x48e: {  	v4 =	vmov s24;
	[sflag:s29] =	ssyncset.done $0x0  }
0x48f: {  	s23 =	simm.s32 $0x9A00;
	v4 =	vand.u32 $0x7C, v4;
	[sflag:s29] =	ssyncadd.s32 $0xFFFFE000  }
0x490: {  	v6 =	vadd.s32 v0, v4;
	v5 =	vld [tilespmem:s23+$0xFFFFFF00]  }
0x491: {  	v8 =	vadd.s32 v1, v4;
	v7 =	vld [tilespmem:s23+$0xFFFFFF10]  }
0x492: {  	v10 =	vadd.s32 v2, v4;
	v9 =	vld [tilespmem:s23+$0xFFFFFF20]  }
0x493: {  	v4 =	vadd.s32 v3, v4;
	v11 =	vld [tilespmem:s23+$0xFFFFFF30];
	_ =	sdelay $0x1  }
0x494: {  	[tilespmem:v6+s0+$0x0] =	vst.idx.msk $0xffff, v5  }
0x495: {  	s25 =	simm.s32 $0x1;
	[tilespmem:v8+s0+$0x0] =	vst.idx.msk $0xffff, v7  }
0x496: {  	v5 =	vmov s25;
	[tilespmem:v10+s0+$0x0] =	vst.idx.msk $0xffff, v9  }
0x497: {  	[tilespmem:v4+s0+$0x0] =	vst.idx.msk $0xffff, v11;
	v4 =	vand.u32 $0x7D, v5  }
0x498: {  	v5 =	vld [tilespmem:s23+$0xFFFFFF80];
	v6 =	vadd.s32 v0, v4  }
0x499: {  	v7 =	vld [tilespmem:s23+$0xFFFFFF90];
	v8 =	vadd.s32 v1, v4  }
0x49a: {  	v9 =	vld [tilespmem:s23+$0xFFFFFFA0];
	v60 =	vadd.s32 v2, v4  }
0x49b: {  	v11 =	vld [tilespmem:s23+$0xFFFFFFB0];
	v4 =	vadd.s32 v3, v4;
	_ =	sdelay $0x1  }
0x49c: {  	[tilespmem:v6+s0+$0x0] =	vst.idx.msk $0xffff, v5  }
0x49d: {  	s28 =	simm.s32 $0x2;
	[tilespmem:v8+s0+$0x0] =	vst.idx.msk $0xffff, v7  }
0x49e: {  	v5 =	vmov s28;
	[tilespmem:v60+s0+$0x0] =	vst.idx.msk $0xffff, v9  }
0x49f: {  	[tilespmem:v4+s0+$0x0] =	vst.idx.msk $0xffff, v11;
	v4 =	vand.u32 $0x7E, v5  }
0x4a0: {  	v5 =	vld [tilespmem:s23+$0x0];
	v6 =	vadd.s32 v0, v4  }
0x4a1: {  	v7 =	vld [tilespmem:s23+$0x10];
	v8 =	vadd.s32 v1, v4  }
0x4a2: {  	v9 =	vld [tilespmem:s23+$0x20];
	v61 =	vadd.s32 v2, v4  }
0x4a3: {  	v11 =	vld [tilespmem:s23+$0x30];
	v4 =	vadd.s32 v3, v4;
	_ =	sdelay $0x1  }
0x4a4: {  	[tilespmem:v6+s0+$0x0] =	vst.idx.msk $0xffff, v5  }
0x4a5: {  	s30 =	simm.s32 $0x3;
	[tilespmem:v8+s0+$0x0] =	vst.idx.msk $0xffff, v7  }
0x4a6: {  	v5 =	vmov s30;
	[tilespmem:v61+s0+$0x0] =	vst.idx.msk $0xffff, v9  }
0x4a7: {  	v5 =	vand.u32 $0x7F, v5;
	[tilespmem:v4+s0+$0x0] =	vst.idx.msk $0xffff, v11  }
0x4a8: {  	v7 =	vadd.s32 v0, v5;
	v6 =	vld [tilespmem:s23+$0x80]  }
0x4a9: {  	v62 =	vadd.s32 v1, v5;
	v8 =	vld [tilespmem:s23+$0x90]  }
0x4aa: {  	v63 =	vadd.s32 v2, v5;
	v10 =	vld [tilespmem:s23+$0xA0];
	_ =	sdelay $0x1  }
0x4ab: {  	v5 =	vadd.s32 v3, v5;
	v4 =	vld [tilespmem:s23+$0xB0]  }
0x4ac: {  	[tilespmem:v7+s0+$0x0] =	vst.idx.msk $0xffff, v6  }
0x4ad: {  	s24 =	simm.s32 $0x4;
	[tilespmem:v62+s0+$0x0] =	vst.idx.msk $0xffff, v8  }
0x4ae: {  	s4 =	simm.s32 $0x8;
	v6 =	vmov s24;
	[tilespmem:v63+s0+$0x0] =	vst.idx.msk $0xffff, v10  }
.LBB2_44:
0x4af: {  	p0 =	sne.s32 s4, $0x7C  }
0x4b0: {  	v6 =	vand.u32 $0x7C, v6;
	[tilespmem:v5+s0+$0x0] =	vst.idx.msk $0xffff, v4;
	s23 =	sadd.s32 $0x200, s23;
	s5 =	smov.u32 s4;
	s4 =	sadd.s32 $0x4, s4  }
0x4b1: {  	v4 =	vld [tilespmem:s23+$0xFFFFFF00];
	v5 =	vadd.s32 v0, v6  }
0x4b2: {  	v8 =	vadd.s32 v1, v6;
	v7 =	vld [tilespmem:s23+$0xFFFFFF10]  }
0x4b3: {  	v10 =	vadd.s32 v2, v6;
	v9 =	vld [tilespmem:s23+$0xFFFFFF20]  }
0x4b4: {  	v6 =	vadd.s32 v3, v6;
	v11 =	vld [tilespmem:s23+$0xFFFFFF30];
	_ =	sdelay $0x1  }
0x4b5: {  	[tilespmem:v5+s0+$0x0] =	vst.idx.msk $0xffff, v4  }
0x4b6: {  	s8 =	sadd.s32 $0x1, s24;
	[tilespmem:v8+s0+$0x0] =	vst.idx.msk $0xffff, v7  }
0x4b7: {  	v4 =	vmov s8;
	[tilespmem:v10+s0+$0x0] =	vst.idx.msk $0xffff, v9  }
0x4b8: {  	v4 =	vand.u32 $0x7D, v4;
	[tilespmem:v6+s0+$0x0] =	vst.idx.msk $0xffff, v11  }
0x4b9: {  	v6 =	vadd.s32 v0, v4;
	v5 =	vld [tilespmem:s23+$0xFFFFFF80]  }
0x4ba: {  	v8 =	vadd.s32 v1, v4;
	v7 =	vld [tilespmem:s23+$0xFFFFFF90]  }
0x4bb: {  	v10 =	vadd.s32 v2, v4;
	v9 =	vld [tilespmem:s23+$0xFFFFFFA0]  }
0x4bc: {  	v4 =	vadd.s32 v3, v4;
	v11 =	vld [tilespmem:s23+$0xFFFFFFB0];
	_ =	sdelay $0x1  }
0x4bd: {  	[tilespmem:v6+s0+$0x0] =	vst.idx.msk $0xffff, v5  }
0x4be: {  	s8 =	sadd.s32 $0x2, s24;
	[tilespmem:v8+s0+$0x0] =	vst.idx.msk $0xffff, v7  }
0x4bf: {  	v5 =	vmov s8;
	[tilespmem:v10+s0+$0x0] =	vst.idx.msk $0xffff, v9  }
0x4c0: {  	[tilespmem:v4+s0+$0x0] =	vst.idx.msk $0xffff, v11;
	v4 =	vand.u32 $0x7E, v5  }
0x4c1: {  	v5 =	vld [tilespmem:s23+$0x0];
	v6 =	vadd.s32 v0, v4  }
0x4c2: {  	v8 =	vadd.s32 v1, v4;
	v7 =	vld [tilespmem:s23+$0x10]  }
0x4c3: {  	v10 =	vadd.s32 v2, v4;
	v9 =	vld [tilespmem:s23+$0x20]  }
0x4c4: {  	v4 =	vadd.s32 v3, v4;
	v11 =	vld [tilespmem:s23+$0x30];
	_ =	sdelay $0x1  }
0x4c5: {  	[tilespmem:v6+s0+$0x0] =	vst.idx.msk $0xffff, v5  }
0x4c6: {  	s8 =	sadd.s32 $0x3, s24;
	s24 =	smov.u32 s5;
	[tilespmem:v8+s0+$0x0] =	vst.idx.msk $0xffff, v7  }
0x4c7: {  	v5 =	vmov s8;
	[tilespmem:v10+s0+$0x0] =	vst.idx.msk $0xffff, v9  }
0x4c8: {  	v5 =	vand.u32 $0x7F, v5;
	[tilespmem:v4+s0+$0x0] =	vst.idx.msk $0xffff, v11  }
0x4c9: {  	v7 =	vadd.s32 v0, v5;
	v6 =	vld [tilespmem:s23+$0x80]  }
0x4ca: {  	v9 =	vadd.s32 v1, v5;
	v8 =	vld [tilespmem:s23+$0x90]  }
0x4cb: {  	v11 =	vadd.s32 v2, v5;
	v10 =	vld [tilespmem:s23+$0xA0]  }
.Ltmp21:
0x4cc: {  	v5 =	vadd.s32 v3, v5;
	v4 =	vld [tilespmem:s23+$0xB0];
	(pc) =	sbr.rel @p0 .LBB2_44-.Ltmp21, $4  }
0x4cd: {  	_ = 	snop  }
0x4ce: {  	[tilespmem:v7+s0+$0x0] =	vst.idx.msk $0xffff, v6  }
0x4cf: {  	[tilespmem:v9+s0+$0x0] =	vst.idx.msk $0xffff, v8  }
0x4d0: {  	v6 =	vmov s24;
	[tilespmem:v11+s0+$0x0] =	vst.idx.msk $0xffff, v10  }
0x4d1: {  	_ =	sdelay $0x3  }
0x4d2: {  	v6 =	vand.u32 $0x7C, v6;
	[tilespmem:v5+s0+$0x0] =	vst.idx.msk $0xffff, v4;
	s4 =	sadd.s32 $0x200, s23  }
0x4d3: {  	v4 =	vld [tilespmem:s4+$0xFFFFFF00];
	v5 =	vadd.s32 v0, v6  }
0x4d4: {  	v7 =	vld [tilespmem:s4+$0xFFFFFF10];
	v8 =	vadd.s32 v1, v6  }
0x4d5: {  	v9 =	vld [tilespmem:s4+$0xFFFFFF20];
	v10 =	vadd.s32 v2, v6  }
0x4d6: {  	v11 =	vld [tilespmem:s4+$0xFFFFFF30];
	v6 =	vadd.s32 v3, v6;
	_ =	sdelay $0x1  }
0x4d7: {  	[tilespmem:v5+s0+$0x0] =	vst.idx.msk $0xffff, v4  }
0x4d8: {  	s5 =	sadd.s32 $0x1, s24;
	[tilespmem:v8+s0+$0x0] =	vst.idx.msk $0xffff, v7  }
0x4d9: {  	v4 =	vmov s5;
	[tilespmem:v10+s0+$0x0] =	vst.idx.msk $0xffff, v9  }
0x4da: {  	v4 =	vand.u32 $0x7D, v4;
	[tilespmem:v6+s0+$0x0] =	vst.idx.msk $0xffff, v11  }
0x4db: {  	v55 =	vadd.s32 v0, v4;
	v5 =	vld [tilespmem:s4+$0xFFFFFF80]  }
0x4dc: {  	v56 =	vadd.s32 v1, v4;
	v7 =	vld [tilespmem:s4+$0xFFFFFF90]  }
0x4dd: {  	v57 =	vadd.s32 v2, v4;
	v9 =	vld [tilespmem:s4+$0xFFFFFFA0]  }
0x4de: {  	v4 =	vadd.s32 v3, v4;
	v11 =	vld [tilespmem:s4+$0xFFFFFFB0];
	_ =	sdelay $0x1  }
0x4df: {  	[tilespmem:v55+s0+$0x0] =	vst.idx.msk $0xffff, v5  }
0x4e0: {  	s28 =	sadd.s32 $0x2, s24;
	[tilespmem:v56+s0+$0x0] =	vst.idx.msk $0xffff, v7  }
0x4e1: {  	v5 =	vmov s28;
	[tilespmem:v57+s0+$0x0] =	vst.idx.msk $0xffff, v9  }
0x4e2: {  	[tilespmem:v4+s0+$0x0] =	vst.idx.msk $0xffff, v11;
	v4 =	vand.u32 $0x7E, v5  }
0x4e3: {  	v5 =	vld [tilespmem:s4+$0x0];
	v58 =	vadd.s32 v0, v4  }
0x4e4: {  	v7 =	vld [tilespmem:s4+$0x10];
	v59 =	vadd.s32 v1, v4  }
0x4e5: {  	v9 =	vld [tilespmem:s4+$0x20];
	v60 =	vadd.s32 v2, v4  }
0x4e6: {  	v11 =	vld [tilespmem:s4+$0x30];
	v4 =	vadd.s32 v3, v4;
	_ =	sdelay $0x1  }
0x4e7: {  	[tilespmem:v58+s0+$0x0] =	vst.idx.msk $0xffff, v5  }
0x4e8: {  	s30 =	sadd.s32 $0x3, s24;
	[tilespmem:v59+s0+$0x0] =	vst.idx.msk $0xffff, v7  }
0x4e9: {  	v5 =	vmov s30;
	[tilespmem:v60+s0+$0x0] =	vst.idx.msk $0xffff, v9  }
0x4ea: {  	[tilespmem:v4+s0+$0x0] =	vst.idx.msk $0xffff, v11;
	v4 =	vand.u32 $0x7F, v5  }
0x4eb: {  	v5 =	vld [tilespmem:s4+$0x80];
	v61 =	vadd.s32 v0, v4  }
0x4ec: {  	v7 =	vld [tilespmem:s4+$0x90];
	v62 =	vadd.s32 v1, v4  }
0x4ed: {  	v9 =	vld [tilespmem:s4+$0xA0];
	v63 =	vadd.s32 v2, v4  }
0x4ee: {  	v11 =	vld [tilespmem:s4+$0xB0];
	v4 =	vadd.s32 v3, v4;
	_ =	sdelay $0x1  }
0x4ef: {  	[tilespmem:v61+s0+$0x0] =	vst.idx.msk $0xffff, v5  }
0x4f0: {  	[tilespmem:v62+s0+$0x0] =	vst.idx.msk $0xffff, v7  }
0x4f1: {  	s8 =	sadd.s32 $0x0, s16;
	[tilespmem:v63+s0+$0x0] =	vst.idx.msk $0xffff, v9  }
0x4f2: {  	s23 =	simm.s32 $0x11988;
	s5 =	simm.s32 $0x200;
	s4 =	simm.s32 $0x11900;
	[tilespmem:v4+s0+$0x0] =	vst.idx.msk $0xffff, v11  }
.LBB2_46:
0x4f3: {  	[hbm4b:s8+s2] =	stream.linear.scatter [tilespmem:s4], [sflag:$0x5], $0x80, $0x38;
	[tilespmem:$0x15D00] =	vst v63  }
0x4f4: {  	s8 =	smov.u32 s5;
	s4 =	smov.u32 s23;
	p0 =	sne.s32 s5, $0x7E00  }
.Ltmp22:
0x4f5: {  	s5 =	sadd.s32 $0x200, s5;
	(pc) =	sbr.rel @p0 .LBB2_46-.Ltmp22, $2  }
0x4f6: {  	_ =	sdelay $0x2  }
0x4f7: {  	s23 =	sadd.s32 $0x88, s23;
	s8 =	sadd.s32 s8, s16  }
0x4f8: {  	[hbm4b:s8+s2] =	stream.linear.scatter [tilespmem:s4], [sflag:$0x5], $0x80, $0x38;
	[tilespmem:$0x15D00] =	vst v63  }
0x4f9: {  	_ =	swait.ge [sflag:s6], $0x4000  }
0x4fa: {  	[sflag:s6] =	ssyncset.done $0x0  }
0x4fb: {  	[sflag:s6] =	ssyncadd.s32 $0xFFFFC000  }
0x4fc: {  	s24 =	simm.s32 $0x0;
	_ =	swait.ge [sflag:s20], $0x2000  }
0x4fd: {  	v4 =	vmov s24;
	[sflag:s20] =	ssyncset.done $0x0  }
0x4fe: {  	s23 =	simm.s32 $0xDA00;
	v4 =	vand.u32 $0x7C, v4;
	[sflag:s20] =	ssyncadd.s32 $0xFFFFE000  }
0x4ff: {  	v6 =	vadd.s32 v0, v4;
	v5 =	vld [tilespmem:s23+$0xFFFFFF00]  }
0x500: {  	v8 =	vadd.s32 v1, v4;
	v7 =	vld [tilespmem:s23+$0xFFFFFF10]  }
0x501: {  	v10 =	vadd.s32 v2, v4;
	v9 =	vld [tilespmem:s23+$0xFFFFFF20]  }
0x502: {  	v4 =	vadd.s32 v3, v4;
	v11 =	vld [tilespmem:s23+$0xFFFFFF30];
	_ =	sdelay $0x1  }
0x503: {  	[tilespmem:v6+s26+$0x0] =	vst.idx.msk $0xffff, v5  }
0x504: {  	s25 =	simm.s32 $0x1;
	[tilespmem:v8+s26+$0x0] =	vst.idx.msk $0xffff, v7  }
0x505: {  	v5 =	vmov s25;
	[tilespmem:v10+s26+$0x0] =	vst.idx.msk $0xffff, v9  }
0x506: {  	[tilespmem:v4+s26+$0x0] =	vst.idx.msk $0xffff, v11;
	v4 =	vand.u32 $0x7D, v5  }
0x507: {  	v5 =	vld [tilespmem:s23+$0xFFFFFF80];
	v6 =	vadd.s32 v0, v4  }
0x508: {  	v7 =	vld [tilespmem:s23+$0xFFFFFF90];
	v8 =	vadd.s32 v1, v4  }
0x509: {  	v9 =	vld [tilespmem:s23+$0xFFFFFFA0];
	v60 =	vadd.s32 v2, v4  }
0x50a: {  	v11 =	vld [tilespmem:s23+$0xFFFFFFB0];
	v4 =	vadd.s32 v3, v4;
	_ =	sdelay $0x1  }
0x50b: {  	[tilespmem:v6+s26+$0x0] =	vst.idx.msk $0xffff, v5  }
0x50c: {  	s28 =	simm.s32 $0x2;
	[tilespmem:v8+s26+$0x0] =	vst.idx.msk $0xffff, v7  }
0x50d: {  	v5 =	vmov s28;
	[tilespmem:v60+s26+$0x0] =	vst.idx.msk $0xffff, v9  }
0x50e: {  	[tilespmem:v4+s26+$0x0] =	vst.idx.msk $0xffff, v11;
	v4 =	vand.u32 $0x7E, v5  }
0x50f: {  	v5 =	vld [tilespmem:s23+$0x0];
	v6 =	vadd.s32 v0, v4  }
0x510: {  	v7 =	vld [tilespmem:s23+$0x10];
	v8 =	vadd.s32 v1, v4  }
0x511: {  	v9 =	vld [tilespmem:s23+$0x20];
	v61 =	vadd.s32 v2, v4  }
0x512: {  	v11 =	vld [tilespmem:s23+$0x30];
	v4 =	vadd.s32 v3, v4;
	_ =	sdelay $0x1  }
0x513: {  	[tilespmem:v6+s26+$0x0] =	vst.idx.msk $0xffff, v5  }
0x514: {  	s30 =	simm.s32 $0x3;
	[tilespmem:v8+s26+$0x0] =	vst.idx.msk $0xffff, v7  }
0x515: {  	v5 =	vmov s30;
	[tilespmem:v61+s26+$0x0] =	vst.idx.msk $0xffff, v9  }
0x516: {  	v5 =	vand.u32 $0x7F, v5;
	[tilespmem:v4+s26+$0x0] =	vst.idx.msk $0xffff, v11  }
0x517: {  	v7 =	vadd.s32 v0, v5;
	v6 =	vld [tilespmem:s23+$0x80]  }
0x518: {  	v62 =	vadd.s32 v1, v5;
	v8 =	vld [tilespmem:s23+$0x90]  }
0x519: {  	v63 =	vadd.s32 v2, v5;
	v10 =	vld [tilespmem:s23+$0xA0];
	_ =	sdelay $0x1  }
0x51a: {  	v5 =	vadd.s32 v3, v5;
	v4 =	vld [tilespmem:s23+$0xB0]  }
0x51b: {  	[tilespmem:v7+s26+$0x0] =	vst.idx.msk $0xffff, v6  }
0x51c: {  	s24 =	simm.s32 $0x4;
	[tilespmem:v62+s26+$0x0] =	vst.idx.msk $0xffff, v8  }
0x51d: {  	s4 =	simm.s32 $0x8;
	v6 =	vmov s24;
	[tilespmem:v63+s26+$0x0] =	vst.idx.msk $0xffff, v10  }
.LBB2_48:
0x51e: {  	p0 =	sne.s32 s4, $0x7C  }
0x51f: {  	v6 =	vand.u32 $0x7C, v6;
	[tilespmem:v5+s26+$0x0] =	vst.idx.msk $0xffff, v4;
	s23 =	sadd.s32 $0x200, s23;
	s5 =	smov.u32 s4;
	s4 =	sadd.s32 $0x4, s4  }
0x520: {  	v4 =	vld [tilespmem:s23+$0xFFFFFF00];
	v5 =	vadd.s32 v0, v6  }
0x521: {  	v8 =	vadd.s32 v1, v6;
	v7 =	vld [tilespmem:s23+$0xFFFFFF10]  }
0x522: {  	v10 =	vadd.s32 v2, v6;
	v9 =	vld [tilespmem:s23+$0xFFFFFF20]  }
0x523: {  	v6 =	vadd.s32 v3, v6;
	v11 =	vld [tilespmem:s23+$0xFFFFFF30];
	_ =	sdelay $0x1  }
0x524: {  	[tilespmem:v5+s26+$0x0] =	vst.idx.msk $0xffff, v4  }
0x525: {  	s8 =	sadd.s32 $0x1, s24;
	[tilespmem:v8+s26+$0x0] =	vst.idx.msk $0xffff, v7  }
0x526: {  	v4 =	vmov s8;
	[tilespmem:v10+s26+$0x0] =	vst.idx.msk $0xffff, v9  }
0x527: {  	v4 =	vand.u32 $0x7D, v4;
	[tilespmem:v6+s26+$0x0] =	vst.idx.msk $0xffff, v11  }
0x528: {  	v6 =	vadd.s32 v0, v4;
	v5 =	vld [tilespmem:s23+$0xFFFFFF80]  }
0x529: {  	v8 =	vadd.s32 v1, v4;
	v7 =	vld [tilespmem:s23+$0xFFFFFF90]  }
0x52a: {  	v10 =	vadd.s32 v2, v4;
	v9 =	vld [tilespmem:s23+$0xFFFFFFA0]  }
0x52b: {  	v4 =	vadd.s32 v3, v4;
	v11 =	vld [tilespmem:s23+$0xFFFFFFB0];
	_ =	sdelay $0x1  }
0x52c: {  	[tilespmem:v6+s26+$0x0] =	vst.idx.msk $0xffff, v5  }
0x52d: {  	s8 =	sadd.s32 $0x2, s24;
	[tilespmem:v8+s26+$0x0] =	vst.idx.msk $0xffff, v7  }
0x52e: {  	v5 =	vmov s8;
	[tilespmem:v10+s26+$0x0] =	vst.idx.msk $0xffff, v9  }
0x52f: {  	[tilespmem:v4+s26+$0x0] =	vst.idx.msk $0xffff, v11;
	v4 =	vand.u32 $0x7E, v5  }
0x530: {  	v5 =	vld [tilespmem:s23+$0x0];
	v6 =	vadd.s32 v0, v4  }
0x531: {  	v8 =	vadd.s32 v1, v4;
	v7 =	vld [tilespmem:s23+$0x10]  }
0x532: {  	v10 =	vadd.s32 v2, v4;
	v9 =	vld [tilespmem:s23+$0x20]  }
0x533: {  	v4 =	vadd.s32 v3, v4;
	v11 =	vld [tilespmem:s23+$0x30];
	_ =	sdelay $0x1  }
0x534: {  	[tilespmem:v6+s26+$0x0] =	vst.idx.msk $0xffff, v5  }
0x535: {  	s8 =	sadd.s32 $0x3, s24;
	s24 =	smov.u32 s5;
	[tilespmem:v8+s26+$0x0] =	vst.idx.msk $0xffff, v7  }
0x536: {  	v5 =	vmov s8;
	[tilespmem:v10+s26+$0x0] =	vst.idx.msk $0xffff, v9  }
0x537: {  	v5 =	vand.u32 $0x7F, v5;
	[tilespmem:v4+s26+$0x0] =	vst.idx.msk $0xffff, v11  }
0x538: {  	v7 =	vadd.s32 v0, v5;
	v6 =	vld [tilespmem:s23+$0x80]  }
0x539: {  	v9 =	vadd.s32 v1, v5;
	v8 =	vld [tilespmem:s23+$0x90]  }
0x53a: {  	v11 =	vadd.s32 v2, v5;
	v10 =	vld [tilespmem:s23+$0xA0]  }
.Ltmp23:
0x53b: {  	v5 =	vadd.s32 v3, v5;
	v4 =	vld [tilespmem:s23+$0xB0];
	(pc) =	sbr.rel @p0 .LBB2_48-.Ltmp23, $4  }
0x53c: {  	_ = 	snop  }
0x53d: {  	[tilespmem:v7+s26+$0x0] =	vst.idx.msk $0xffff, v6  }
0x53e: {  	[tilespmem:v9+s26+$0x0] =	vst.idx.msk $0xffff, v8  }
0x53f: {  	v6 =	vmov s24;
	[tilespmem:v11+s26+$0x0] =	vst.idx.msk $0xffff, v10  }
0x540: {  	_ =	sdelay $0x3  }
0x541: {  	v6 =	vand.u32 $0x7C, v6;
	[tilespmem:v5+s26+$0x0] =	vst.idx.msk $0xffff, v4;
	s4 =	sadd.s32 $0x200, s23  }
0x542: {  	v4 =	vld [tilespmem:s4+$0xFFFFFF00];
	v5 =	vadd.s32 v0, v6  }
0x543: {  	v7 =	vld [tilespmem:s4+$0xFFFFFF10];
	v8 =	vadd.s32 v1, v6  }
0x544: {  	v9 =	vld [tilespmem:s4+$0xFFFFFF20];
	v10 =	vadd.s32 v2, v6  }
0x545: {  	v11 =	vld [tilespmem:s4+$0xFFFFFF30];
	v6 =	vadd.s32 v3, v6;
	_ =	sdelay $0x1  }
0x546: {  	[tilespmem:v5+s26+$0x0] =	vst.idx.msk $0xffff, v4  }
0x547: {  	s5 =	sadd.s32 $0x1, s24;
	[tilespmem:v8+s26+$0x0] =	vst.idx.msk $0xffff, v7  }
0x548: {  	v4 =	vmov s5;
	[tilespmem:v10+s26+$0x0] =	vst.idx.msk $0xffff, v9  }
0x549: {  	v4 =	vand.u32 $0x7D, v4;
	[tilespmem:v6+s26+$0x0] =	vst.idx.msk $0xffff, v11  }
0x54a: {  	v55 =	vadd.s32 v0, v4;
	v5 =	vld [tilespmem:s4+$0xFFFFFF80]  }
0x54b: {  	v56 =	vadd.s32 v1, v4;
	v7 =	vld [tilespmem:s4+$0xFFFFFF90]  }
0x54c: {  	v57 =	vadd.s32 v2, v4;
	v9 =	vld [tilespmem:s4+$0xFFFFFFA0]  }
0x54d: {  	v4 =	vadd.s32 v3, v4;
	v11 =	vld [tilespmem:s4+$0xFFFFFFB0];
	_ =	sdelay $0x1  }
0x54e: {  	[tilespmem:v55+s26+$0x0] =	vst.idx.msk $0xffff, v5  }
0x54f: {  	s28 =	sadd.s32 $0x2, s24;
	[tilespmem:v56+s26+$0x0] =	vst.idx.msk $0xffff, v7  }
0x550: {  	v5 =	vmov s28;
	[tilespmem:v57+s26+$0x0] =	vst.idx.msk $0xffff, v9  }
0x551: {  	[tilespmem:v4+s26+$0x0] =	vst.idx.msk $0xffff, v11;
	v4 =	vand.u32 $0x7E, v5  }
0x552: {  	v5 =	vld [tilespmem:s4+$0x0];
	v58 =	vadd.s32 v0, v4  }
0x553: {  	v7 =	vld [tilespmem:s4+$0x10];
	v59 =	vadd.s32 v1, v4  }
0x554: {  	v9 =	vld [tilespmem:s4+$0x20];
	v60 =	vadd.s32 v2, v4  }
0x555: {  	v11 =	vld [tilespmem:s4+$0x30];
	v4 =	vadd.s32 v3, v4;
	_ =	sdelay $0x1  }
0x556: {  	[tilespmem:v58+s26+$0x0] =	vst.idx.msk $0xffff, v5  }
0x557: {  	s30 =	sadd.s32 $0x3, s24;
	[tilespmem:v59+s26+$0x0] =	vst.idx.msk $0xffff, v7  }
0x558: {  	v5 =	vmov s30;
	[tilespmem:v60+s26+$0x0] =	vst.idx.msk $0xffff, v9  }
0x559: {  	[tilespmem:v4+s26+$0x0] =	vst.idx.msk $0xffff, v11;
	v4 =	vand.u32 $0x7F, v5  }
0x55a: {  	v5 =	vld [tilespmem:s4+$0x80];
	v61 =	vadd.s32 v0, v4  }
0x55b: {  	v7 =	vld [tilespmem:s4+$0x90];
	v62 =	vadd.s32 v1, v4  }
0x55c: {  	v9 =	vld [tilespmem:s4+$0xA0];
	v63 =	vadd.s32 v2, v4  }
0x55d: {  	v11 =	vld [tilespmem:s4+$0xB0];
	v4 =	vadd.s32 v3, v4;
	_ =	sdelay $0x1  }
0x55e: {  	[tilespmem:v61+s26+$0x0] =	vst.idx.msk $0xffff, v5  }
0x55f: {  	[tilespmem:v62+s26+$0x0] =	vst.idx.msk $0xffff, v7  }
0x560: {  	s8 =	sadd.s32 $0x0, s17;
	[tilespmem:v63+s26+$0x0] =	vst.idx.msk $0xffff, v9  }
0x561: {  	s23 =	simm.s32 $0x13B88;
	s5 =	simm.s32 $0x200;
	s4 =	simm.s32 $0x13B00;
	[tilespmem:v4+s26+$0x0] =	vst.idx.msk $0xffff, v11  }
.LBB2_50:
0x562: {  	[hbm4b:s8+s2] =	stream.linear.scatter [tilespmem:s4], [sflag:$0x6], $0x80, $0x38;
	[tilespmem:$0x15D00] =	vst v63  }
0x563: {  	s8 =	smov.u32 s5;
	s4 =	smov.u32 s23;
	p0 =	sne.s32 s5, $0x7E00  }
.Ltmp24:
0x564: {  	s5 =	sadd.s32 $0x200, s5;
	(pc) =	sbr.rel @p0 .LBB2_50-.Ltmp24, $2  }
0x565: {  	_ =	sdelay $0x2  }
0x566: {  	s23 =	sadd.s32 $0x88, s23;
	s8 =	sadd.s32 s8, s17  }
0x567: {  	[hbm4b:s8+s2] =	stream.linear.scatter [tilespmem:s4], [sflag:$0x6], $0x80, $0x38;
	[tilespmem:$0x15D00] =	vst v63  }
0x568: {  	_ =	swait.ge [sflag:s31], $0x4000  }
0x569: {  	[sflag:s31] =	ssyncset.done $0x0  }
0x56a: {  	[sflag:s31] =	ssyncadd.s32 $0xFFFFC000  }
0x56b: {  	s24 =	simm.s32 $0x0;
	_ =	swait.ge [sflag:s29], $0x2000  }
0x56c: {  	v4 =	vmov s24;
	[sflag:s29] =	ssyncset.done $0x0  }
0x56d: {  	s23 =	simm.s32 $0x1A00;
	v4 =	vand.u32 $0x7C, v4;
	[sflag:s29] =	ssyncadd.s32 $0xFFFFE000  }
0x56e: {  	v6 =	vadd.s32 v0, v4;
	v5 =	vld [tilespmem:s23+$0xFFFFFF00]  }
0x56f: {  	v8 =	vadd.s32 v1, v4;
	v7 =	vld [tilespmem:s23+$0xFFFFFF10]  }
0x570: {  	v10 =	vadd.s32 v2, v4;
	v9 =	vld [tilespmem:s23+$0xFFFFFF20]  }
0x571: {  	v4 =	vadd.s32 v3, v4;
	v11 =	vld [tilespmem:s23+$0xFFFFFF30];
	_ =	sdelay $0x1  }
0x572: {  	[tilespmem:v6+s0+$0x0] =	vst.idx.msk $0xffff, v5  }
0x573: {  	s25 =	simm.s32 $0x1;
	[tilespmem:v8+s0+$0x0] =	vst.idx.msk $0xffff, v7  }
0x574: {  	v5 =	vmov s25;
	[tilespmem:v10+s0+$0x0] =	vst.idx.msk $0xffff, v9  }
0x575: {  	[tilespmem:v4+s0+$0x0] =	vst.idx.msk $0xffff, v11;
	v4 =	vand.u32 $0x7D, v5  }
0x576: {  	v5 =	vld [tilespmem:s23+$0xFFFFFF80];
	v6 =	vadd.s32 v0, v4  }
0x577: {  	v7 =	vld [tilespmem:s23+$0xFFFFFF90];
	v8 =	vadd.s32 v1, v4  }
0x578: {  	v9 =	vld [tilespmem:s23+$0xFFFFFFA0];
	v60 =	vadd.s32 v2, v4  }
0x579: {  	v11 =	vld [tilespmem:s23+$0xFFFFFFB0];
	v4 =	vadd.s32 v3, v4;
	_ =	sdelay $0x1  }
0x57a: {  	[tilespmem:v6+s0+$0x0] =	vst.idx.msk $0xffff, v5  }
0x57b: {  	s28 =	simm.s32 $0x2;
	[tilespmem:v8+s0+$0x0] =	vst.idx.msk $0xffff, v7  }
0x57c: {  	v5 =	vmov s28;
	[tilespmem:v60+s0+$0x0] =	vst.idx.msk $0xffff, v9  }
0x57d: {  	[tilespmem:v4+s0+$0x0] =	vst.idx.msk $0xffff, v11;
	v4 =	vand.u32 $0x7E, v5  }
0x57e: {  	v5 =	vld [tilespmem:s23+$0x0];
	v6 =	vadd.s32 v0, v4  }
0x57f: {  	v7 =	vld [tilespmem:s23+$0x10];
	v8 =	vadd.s32 v1, v4  }
0x580: {  	v9 =	vld [tilespmem:s23+$0x20];
	v61 =	vadd.s32 v2, v4  }
0x581: {  	v11 =	vld [tilespmem:s23+$0x30];
	v4 =	vadd.s32 v3, v4;
	_ =	sdelay $0x1  }
0x582: {  	[tilespmem:v6+s0+$0x0] =	vst.idx.msk $0xffff, v5  }
0x583: {  	s30 =	simm.s32 $0x3;
	[tilespmem:v8+s0+$0x0] =	vst.idx.msk $0xffff, v7  }
0x584: {  	v5 =	vmov s30;
	[tilespmem:v61+s0+$0x0] =	vst.idx.msk $0xffff, v9  }
0x585: {  	v5 =	vand.u32 $0x7F, v5;
	[tilespmem:v4+s0+$0x0] =	vst.idx.msk $0xffff, v11  }
0x586: {  	v7 =	vadd.s32 v0, v5;
	v6 =	vld [tilespmem:s23+$0x80]  }
0x587: {  	v62 =	vadd.s32 v1, v5;
	v8 =	vld [tilespmem:s23+$0x90]  }
0x588: {  	v63 =	vadd.s32 v2, v5;
	v10 =	vld [tilespmem:s23+$0xA0];
	_ =	sdelay $0x1  }
0x589: {  	v5 =	vadd.s32 v3, v5;
	v4 =	vld [tilespmem:s23+$0xB0]  }
0x58a: {  	[tilespmem:v7+s0+$0x0] =	vst.idx.msk $0xffff, v6  }
0x58b: {  	s24 =	simm.s32 $0x4;
	[tilespmem:v62+s0+$0x0] =	vst.idx.msk $0xffff, v8  }
0x58c: {  	s4 =	simm.s32 $0x8;
	v6 =	vmov s24;
	[tilespmem:v63+s0+$0x0] =	vst.idx.msk $0xffff, v10  }
.LBB2_52:
0x58d: {  	p0 =	sne.s32 s4, $0x7C  }
0x58e: {  	v6 =	vand.u32 $0x7C, v6;
	[tilespmem:v5+s0+$0x0] =	vst.idx.msk $0xffff, v4;
	s23 =	sadd.s32 $0x200, s23;
	s5 =	smov.u32 s4;
	s4 =	sadd.s32 $0x4, s4  }
0x58f: {  	v4 =	vld [tilespmem:s23+$0xFFFFFF00];
	v5 =	vadd.s32 v0, v6  }
0x590: {  	v8 =	vadd.s32 v1, v6;
	v7 =	vld [tilespmem:s23+$0xFFFFFF10]  }
0x591: {  	v10 =	vadd.s32 v2, v6;
	v9 =	vld [tilespmem:s23+$0xFFFFFF20]  }
0x592: {  	v6 =	vadd.s32 v3, v6;
	v11 =	vld [tilespmem:s23+$0xFFFFFF30];
	_ =	sdelay $0x1  }
0x593: {  	[tilespmem:v5+s0+$0x0] =	vst.idx.msk $0xffff, v4  }
0x594: {  	s8 =	sadd.s32 $0x1, s24;
	[tilespmem:v8+s0+$0x0] =	vst.idx.msk $0xffff, v7  }
0x595: {  	v4 =	vmov s8;
	[tilespmem:v10+s0+$0x0] =	vst.idx.msk $0xffff, v9  }
0x596: {  	v4 =	vand.u32 $0x7D, v4;
	[tilespmem:v6+s0+$0x0] =	vst.idx.msk $0xffff, v11  }
0x597: {  	v6 =	vadd.s32 v0, v4;
	v5 =	vld [tilespmem:s23+$0xFFFFFF80]  }
0x598: {  	v8 =	vadd.s32 v1, v4;
	v7 =	vld [tilespmem:s23+$0xFFFFFF90]  }
0x599: {  	v10 =	vadd.s32 v2, v4;
	v9 =	vld [tilespmem:s23+$0xFFFFFFA0]  }
0x59a: {  	v4 =	vadd.s32 v3, v4;
	v11 =	vld [tilespmem:s23+$0xFFFFFFB0];
	_ =	sdelay $0x1  }
0x59b: {  	[tilespmem:v6+s0+$0x0] =	vst.idx.msk $0xffff, v5  }
0x59c: {  	s8 =	sadd.s32 $0x2, s24;
	[tilespmem:v8+s0+$0x0] =	vst.idx.msk $0xffff, v7  }
0x59d: {  	v5 =	vmov s8;
	[tilespmem:v10+s0+$0x0] =	vst.idx.msk $0xffff, v9  }
0x59e: {  	[tilespmem:v4+s0+$0x0] =	vst.idx.msk $0xffff, v11;
	v4 =	vand.u32 $0x7E, v5  }
0x59f: {  	v5 =	vld [tilespmem:s23+$0x0];
	v6 =	vadd.s32 v0, v4  }
0x5a0: {  	v8 =	vadd.s32 v1, v4;
	v7 =	vld [tilespmem:s23+$0x10]  }
0x5a1: {  	v10 =	vadd.s32 v2, v4;
	v9 =	vld [tilespmem:s23+$0x20]  }
0x5a2: {  	v4 =	vadd.s32 v3, v4;
	v11 =	vld [tilespmem:s23+$0x30];
	_ =	sdelay $0x1  }
0x5a3: {  	[tilespmem:v6+s0+$0x0] =	vst.idx.msk $0xffff, v5  }
0x5a4: {  	s8 =	sadd.s32 $0x3, s24;
	s24 =	smov.u32 s5;
	[tilespmem:v8+s0+$0x0] =	vst.idx.msk $0xffff, v7  }
0x5a5: {  	v5 =	vmov s8;
	[tilespmem:v10+s0+$0x0] =	vst.idx.msk $0xffff, v9  }
0x5a6: {  	v5 =	vand.u32 $0x7F, v5;
	[tilespmem:v4+s0+$0x0] =	vst.idx.msk $0xffff, v11  }
0x5a7: {  	v7 =	vadd.s32 v0, v5;
	v6 =	vld [tilespmem:s23+$0x80]  }
0x5a8: {  	v9 =	vadd.s32 v1, v5;
	v8 =	vld [tilespmem:s23+$0x90]  }
0x5a9: {  	v11 =	vadd.s32 v2, v5;
	v10 =	vld [tilespmem:s23+$0xA0]  }
.Ltmp25:
0x5aa: {  	v5 =	vadd.s32 v3, v5;
	v4 =	vld [tilespmem:s23+$0xB0];
	(pc) =	sbr.rel @p0 .LBB2_52-.Ltmp25, $4  }
0x5ab: {  	_ = 	snop  }
0x5ac: {  	[tilespmem:v7+s0+$0x0] =	vst.idx.msk $0xffff, v6  }
0x5ad: {  	[tilespmem:v9+s0+$0x0] =	vst.idx.msk $0xffff, v8  }
0x5ae: {  	v6 =	vmov s24;
	[tilespmem:v11+s0+$0x0] =	vst.idx.msk $0xffff, v10  }
0x5af: {  	_ =	sdelay $0x3  }
0x5b0: {  	v6 =	vand.u32 $0x7C, v6;
	[tilespmem:v5+s0+$0x0] =	vst.idx.msk $0xffff, v4;
	s4 =	sadd.s32 $0x200, s23  }
0x5b1: {  	v4 =	vld [tilespmem:s4+$0xFFFFFF00];
	v5 =	vadd.s32 v0, v6  }
0x5b2: {  	v7 =	vld [tilespmem:s4+$0xFFFFFF10];
	v8 =	vadd.s32 v1, v6  }
0x5b3: {  	v9 =	vld [tilespmem:s4+$0xFFFFFF20];
	v10 =	vadd.s32 v2, v6  }
0x5b4: {  	v11 =	vld [tilespmem:s4+$0xFFFFFF30];
	v6 =	vadd.s32 v3, v6;
	_ =	sdelay $0x1  }
0x5b5: {  	[tilespmem:v5+s0+$0x0] =	vst.idx.msk $0xffff, v4  }
0x5b6: {  	s5 =	sadd.s32 $0x1, s24;
	[tilespmem:v8+s0+$0x0] =	vst.idx.msk $0xffff, v7  }
0x5b7: {  	v4 =	vmov s5;
	[tilespmem:v10+s0+$0x0] =	vst.idx.msk $0xffff, v9  }
0x5b8: {  	v4 =	vand.u32 $0x7D, v4;
	[tilespmem:v6+s0+$0x0] =	vst.idx.msk $0xffff, v11  }
0x5b9: {  	v55 =	vadd.s32 v0, v4;
	v5 =	vld [tilespmem:s4+$0xFFFFFF80]  }
0x5ba: {  	v56 =	vadd.s32 v1, v4;
	v7 =	vld [tilespmem:s4+$0xFFFFFF90]  }
0x5bb: {  	v57 =	vadd.s32 v2, v4;
	v9 =	vld [tilespmem:s4+$0xFFFFFFA0]  }
0x5bc: {  	v4 =	vadd.s32 v3, v4;
	v11 =	vld [tilespmem:s4+$0xFFFFFFB0];
	_ =	sdelay $0x1  }
0x5bd: {  	[tilespmem:v55+s0+$0x0] =	vst.idx.msk $0xffff, v5  }
0x5be: {  	s28 =	sadd.s32 $0x2, s24;
	[tilespmem:v56+s0+$0x0] =	vst.idx.msk $0xffff, v7  }
0x5bf: {  	v5 =	vmov s28;
	[tilespmem:v57+s0+$0x0] =	vst.idx.msk $0xffff, v9  }
0x5c0: {  	[tilespmem:v4+s0+$0x0] =	vst.idx.msk $0xffff, v11;
	v4 =	vand.u32 $0x7E, v5  }
0x5c1: {  	v5 =	vld [tilespmem:s4+$0x0];
	v58 =	vadd.s32 v0, v4  }
0x5c2: {  	v7 =	vld [tilespmem:s4+$0x10];
	v59 =	vadd.s32 v1, v4  }
0x5c3: {  	v9 =	vld [tilespmem:s4+$0x20];
	v60 =	vadd.s32 v2, v4  }
0x5c4: {  	v11 =	vld [tilespmem:s4+$0x30];
	v4 =	vadd.s32 v3, v4;
	_ =	sdelay $0x1  }
0x5c5: {  	[tilespmem:v58+s0+$0x0] =	vst.idx.msk $0xffff, v5  }
0x5c6: {  	s30 =	sadd.s32 $0x3, s24;
	[tilespmem:v59+s0+$0x0] =	vst.idx.msk $0xffff, v7  }
0x5c7: {  	v5 =	vmov s30;
	[tilespmem:v60+s0+$0x0] =	vst.idx.msk $0xffff, v9  }
0x5c8: {  	[tilespmem:v4+s0+$0x0] =	vst.idx.msk $0xffff, v11;
	v4 =	vand.u32 $0x7F, v5  }
0x5c9: {  	v5 =	vld [tilespmem:s4+$0x80];
	v61 =	vadd.s32 v0, v4  }
0x5ca: {  	v7 =	vld [tilespmem:s4+$0x90];
	v62 =	vadd.s32 v1, v4  }
0x5cb: {  	v9 =	vld [tilespmem:s4+$0xA0];
	v63 =	vadd.s32 v2, v4  }
0x5cc: {  	v11 =	vld [tilespmem:s4+$0xB0];
	v4 =	vadd.s32 v3, v4;
	_ =	sdelay $0x1  }
0x5cd: {  	[tilespmem:v61+s0+$0x0] =	vst.idx.msk $0xffff, v5  }
0x5ce: {  	[tilespmem:v62+s0+$0x0] =	vst.idx.msk $0xffff, v7  }
0x5cf: {  	s8 =	sadd.s32 $0x0, s18;
	[tilespmem:v63+s0+$0x0] =	vst.idx.msk $0xffff, v9  }
0x5d0: {  	s23 =	simm.s32 $0x11988;
	s5 =	simm.s32 $0x200;
	s4 =	simm.s32 $0x11900;
	[tilespmem:v4+s0+$0x0] =	vst.idx.msk $0xffff, v11  }
.LBB2_54:
0x5d1: {  	[hbm4b:s8+s2] =	stream.linear.scatter [tilespmem:s4], [sflag:$0x5], $0x80, $0x38;
	[tilespmem:$0x15D00] =	vst v63  }
0x5d2: {  	s8 =	smov.u32 s5;
	s4 =	smov.u32 s23;
	p0 =	sne.s32 s5, $0x7E00  }
.Ltmp26:
0x5d3: {  	s5 =	sadd.s32 $0x200, s5;
	(pc) =	sbr.rel @p0 .LBB2_54-.Ltmp26, $2  }
0x5d4: {  	_ =	sdelay $0x2  }
0x5d5: {  	s23 =	sadd.s32 $0x88, s23;
	s8 =	sadd.s32 s8, s18  }
0x5d6: {  	[hbm4b:s8+s2] =	stream.linear.scatter [tilespmem:s4], [sflag:$0x5], $0x80, $0x38;
	[tilespmem:$0x15D00] =	vst v63  }
0x5d7: {  	_ =	swait.ge [sflag:s22], $0x4000  }
0x5d8: {  	[sflag:s22] =	ssyncset.done $0x0  }
0x5d9: {  	[sflag:s22] =	ssyncadd.s32 $0xFFFFC000  }
0x5da: {  	s24 =	simm.s32 $0x0;
	_ =	swait.ge [sflag:s20], $0x2000  }
0x5db: {  	v4 =	vmov s24;
	[sflag:s20] =	ssyncset.done $0x0  }
0x5dc: {  	s23 =	simm.s32 $0x5A00;
	v4 =	vand.u32 $0x7C, v4;
	[sflag:s20] =	ssyncadd.s32 $0xFFFFE000  }
0x5dd: {  	v6 =	vadd.s32 v0, v4;
	v5 =	vld [tilespmem:s23+$0xFFFFFF00]  }
0x5de: {  	v8 =	vadd.s32 v1, v4;
	v7 =	vld [tilespmem:s23+$0xFFFFFF10]  }
0x5df: {  	v10 =	vadd.s32 v2, v4;
	v9 =	vld [tilespmem:s23+$0xFFFFFF20]  }
0x5e0: {  	v4 =	vadd.s32 v3, v4;
	v11 =	vld [tilespmem:s23+$0xFFFFFF30];
	_ =	sdelay $0x1  }
0x5e1: {  	[tilespmem:v6+s26+$0x0] =	vst.idx.msk $0xffff, v5  }
0x5e2: {  	s25 =	simm.s32 $0x1;
	[tilespmem:v8+s26+$0x0] =	vst.idx.msk $0xffff, v7  }
0x5e3: {  	v5 =	vmov s25;
	[tilespmem:v10+s26+$0x0] =	vst.idx.msk $0xffff, v9  }
0x5e4: {  	[tilespmem:v4+s26+$0x0] =	vst.idx.msk $0xffff, v11;
	v4 =	vand.u32 $0x7D, v5  }
0x5e5: {  	v5 =	vld [tilespmem:s23+$0xFFFFFF80];
	v6 =	vadd.s32 v0, v4  }
0x5e6: {  	v7 =	vld [tilespmem:s23+$0xFFFFFF90];
	v8 =	vadd.s32 v1, v4  }
0x5e7: {  	v9 =	vld [tilespmem:s23+$0xFFFFFFA0];
	v60 =	vadd.s32 v2, v4  }
0x5e8: {  	v11 =	vld [tilespmem:s23+$0xFFFFFFB0];
	v4 =	vadd.s32 v3, v4;
	_ =	sdelay $0x1  }
0x5e9: {  	[tilespmem:v6+s26+$0x0] =	vst.idx.msk $0xffff, v5  }
0x5ea: {  	s28 =	simm.s32 $0x2;
	[tilespmem:v8+s26+$0x0] =	vst.idx.msk $0xffff, v7  }
0x5eb: {  	v5 =	vmov s28;
	[tilespmem:v60+s26+$0x0] =	vst.idx.msk $0xffff, v9  }
0x5ec: {  	[tilespmem:v4+s26+$0x0] =	vst.idx.msk $0xffff, v11;
	v4 =	vand.u32 $0x7E, v5  }
0x5ed: {  	v5 =	vld [tilespmem:s23+$0x0];
	v6 =	vadd.s32 v0, v4  }
0x5ee: {  	v7 =	vld [tilespmem:s23+$0x10];
	v8 =	vadd.s32 v1, v4  }
0x5ef: {  	v9 =	vld [tilespmem:s23+$0x20];
	v61 =	vadd.s32 v2, v4  }
0x5f0: {  	v11 =	vld [tilespmem:s23+$0x30];
	v4 =	vadd.s32 v3, v4;
	_ =	sdelay $0x1  }
0x5f1: {  	[tilespmem:v6+s26+$0x0] =	vst.idx.msk $0xffff, v5  }
0x5f2: {  	s30 =	simm.s32 $0x3;
	[tilespmem:v8+s26+$0x0] =	vst.idx.msk $0xffff, v7  }
0x5f3: {  	v5 =	vmov s30;
	[tilespmem:v61+s26+$0x0] =	vst.idx.msk $0xffff, v9  }
0x5f4: {  	v5 =	vand.u32 $0x7F, v5;
	[tilespmem:v4+s26+$0x0] =	vst.idx.msk $0xffff, v11  }
0x5f5: {  	v7 =	vadd.s32 v0, v5;
	v6 =	vld [tilespmem:s23+$0x80]  }
0x5f6: {  	v62 =	vadd.s32 v1, v5;
	v8 =	vld [tilespmem:s23+$0x90]  }
0x5f7: {  	v63 =	vadd.s32 v2, v5;
	v10 =	vld [tilespmem:s23+$0xA0];
	_ =	sdelay $0x1  }
0x5f8: {  	v5 =	vadd.s32 v3, v5;
	v4 =	vld [tilespmem:s23+$0xB0]  }
0x5f9: {  	[tilespmem:v7+s26+$0x0] =	vst.idx.msk $0xffff, v6  }
0x5fa: {  	s24 =	simm.s32 $0x4;
	[tilespmem:v62+s26+$0x0] =	vst.idx.msk $0xffff, v8  }
0x5fb: {  	s4 =	simm.s32 $0x8;
	v6 =	vmov s24;
	[tilespmem:v63+s26+$0x0] =	vst.idx.msk $0xffff, v10  }
.LBB2_56:
0x5fc: {  	p0 =	sne.s32 s4, $0x7C  }
0x5fd: {  	v6 =	vand.u32 $0x7C, v6;
	[tilespmem:v5+s26+$0x0] =	vst.idx.msk $0xffff, v4;
	s23 =	sadd.s32 $0x200, s23;
	s5 =	smov.u32 s4;
	s4 =	sadd.s32 $0x4, s4  }
0x5fe: {  	v4 =	vld [tilespmem:s23+$0xFFFFFF00];
	v5 =	vadd.s32 v0, v6  }
0x5ff: {  	v8 =	vadd.s32 v1, v6;
	v7 =	vld [tilespmem:s23+$0xFFFFFF10]  }
0x600: {  	v10 =	vadd.s32 v2, v6;
	v9 =	vld [tilespmem:s23+$0xFFFFFF20]  }
0x601: {  	v6 =	vadd.s32 v3, v6;
	v11 =	vld [tilespmem:s23+$0xFFFFFF30];
	_ =	sdelay $0x1  }
0x602: {  	[tilespmem:v5+s26+$0x0] =	vst.idx.msk $0xffff, v4  }
0x603: {  	s8 =	sadd.s32 $0x1, s24;
	[tilespmem:v8+s26+$0x0] =	vst.idx.msk $0xffff, v7  }
0x604: {  	v4 =	vmov s8;
	[tilespmem:v10+s26+$0x0] =	vst.idx.msk $0xffff, v9  }
0x605: {  	v4 =	vand.u32 $0x7D, v4;
	[tilespmem:v6+s26+$0x0] =	vst.idx.msk $0xffff, v11  }
0x606: {  	v6 =	vadd.s32 v0, v4;
	v5 =	vld [tilespmem:s23+$0xFFFFFF80]  }
0x607: {  	v8 =	vadd.s32 v1, v4;
	v7 =	vld [tilespmem:s23+$0xFFFFFF90]  }
0x608: {  	v10 =	vadd.s32 v2, v4;
	v9 =	vld [tilespmem:s23+$0xFFFFFFA0]  }
0x609: {  	v4 =	vadd.s32 v3, v4;
	v11 =	vld [tilespmem:s23+$0xFFFFFFB0];
	_ =	sdelay $0x1  }
0x60a: {  	[tilespmem:v6+s26+$0x0] =	vst.idx.msk $0xffff, v5  }
0x60b: {  	s8 =	sadd.s32 $0x2, s24;
	[tilespmem:v8+s26+$0x0] =	vst.idx.msk $0xffff, v7  }
0x60c: {  	v5 =	vmov s8;
	[tilespmem:v10+s26+$0x0] =	vst.idx.msk $0xffff, v9  }
0x60d: {  	[tilespmem:v4+s26+$0x0] =	vst.idx.msk $0xffff, v11;
	v4 =	vand.u32 $0x7E, v5  }
0x60e: {  	v5 =	vld [tilespmem:s23+$0x0];
	v6 =	vadd.s32 v0, v4  }
0x60f: {  	v8 =	vadd.s32 v1, v4;
	v7 =	vld [tilespmem:s23+$0x10]  }
0x610: {  	v10 =	vadd.s32 v2, v4;
	v9 =	vld [tilespmem:s23+$0x20]  }
0x611: {  	v4 =	vadd.s32 v3, v4;
	v11 =	vld [tilespmem:s23+$0x30];
	_ =	sdelay $0x1  }
0x612: {  	[tilespmem:v6+s26+$0x0] =	vst.idx.msk $0xffff, v5  }
0x613: {  	s8 =	sadd.s32 $0x3, s24;
	s24 =	smov.u32 s5;
	[tilespmem:v8+s26+$0x0] =	vst.idx.msk $0xffff, v7  }
0x614: {  	v5 =	vmov s8;
	[tilespmem:v10+s26+$0x0] =	vst.idx.msk $0xffff, v9  }
0x615: {  	v5 =	vand.u32 $0x7F, v5;
	[tilespmem:v4+s26+$0x0] =	vst.idx.msk $0xffff, v11  }
0x616: {  	v7 =	vadd.s32 v0, v5;
	v6 =	vld [tilespmem:s23+$0x80]  }
0x617: {  	v9 =	vadd.s32 v1, v5;
	v8 =	vld [tilespmem:s23+$0x90]  }
0x618: {  	v11 =	vadd.s32 v2, v5;
	v10 =	vld [tilespmem:s23+$0xA0]  }
.Ltmp27:
0x619: {  	v5 =	vadd.s32 v3, v5;
	v4 =	vld [tilespmem:s23+$0xB0];
	(pc) =	sbr.rel @p0 .LBB2_56-.Ltmp27, $4  }
0x61a: {  	_ = 	snop  }
0x61b: {  	[tilespmem:v7+s26+$0x0] =	vst.idx.msk $0xffff, v6  }
0x61c: {  	[tilespmem:v9+s26+$0x0] =	vst.idx.msk $0xffff, v8  }
0x61d: {  	v6 =	vmov s24;
	[tilespmem:v11+s26+$0x0] =	vst.idx.msk $0xffff, v10  }
0x61e: {  	_ =	sdelay $0x3  }
0x61f: {  	v6 =	vand.u32 $0x7C, v6;
	[tilespmem:v5+s26+$0x0] =	vst.idx.msk $0xffff, v4;
	s4 =	sadd.s32 $0x200, s23  }
0x620: {  	v4 =	vld [tilespmem:s4+$0xFFFFFF00];
	v5 =	vadd.s32 v0, v6  }
0x621: {  	v7 =	vld [tilespmem:s4+$0xFFFFFF10];
	v8 =	vadd.s32 v1, v6  }
0x622: {  	v9 =	vld [tilespmem:s4+$0xFFFFFF20];
	v10 =	vadd.s32 v2, v6  }
0x623: {  	v11 =	vld [tilespmem:s4+$0xFFFFFF30];
	v6 =	vadd.s32 v3, v6;
	_ =	sdelay $0x1  }
0x624: {  	[tilespmem:v5+s26+$0x0] =	vst.idx.msk $0xffff, v4  }
0x625: {  	s5 =	sadd.s32 $0x1, s24;
	[tilespmem:v8+s26+$0x0] =	vst.idx.msk $0xffff, v7  }
0x626: {  	v4 =	vmov s5;
	[tilespmem:v10+s26+$0x0] =	vst.idx.msk $0xffff, v9  }
0x627: {  	v4 =	vand.u32 $0x7D, v4;
	[tilespmem:v6+s26+$0x0] =	vst.idx.msk $0xffff, v11  }
0x628: {  	v55 =	vadd.s32 v0, v4;
	v5 =	vld [tilespmem:s4+$0xFFFFFF80]  }
0x629: {  	v56 =	vadd.s32 v1, v4;
	v7 =	vld [tilespmem:s4+$0xFFFFFF90]  }
0x62a: {  	v57 =	vadd.s32 v2, v4;
	v9 =	vld [tilespmem:s4+$0xFFFFFFA0]  }
0x62b: {  	v4 =	vadd.s32 v3, v4;
	v11 =	vld [tilespmem:s4+$0xFFFFFFB0];
	_ =	sdelay $0x1  }
0x62c: {  	[tilespmem:v55+s26+$0x0] =	vst.idx.msk $0xffff, v5  }
0x62d: {  	s28 =	sadd.s32 $0x2, s24;
	[tilespmem:v56+s26+$0x0] =	vst.idx.msk $0xffff, v7  }
0x62e: {  	v5 =	vmov s28;
	[tilespmem:v57+s26+$0x0] =	vst.idx.msk $0xffff, v9  }
0x62f: {  	[tilespmem:v4+s26+$0x0] =	vst.idx.msk $0xffff, v11;
	v4 =	vand.u32 $0x7E, v5  }
0x630: {  	v5 =	vld [tilespmem:s4+$0x0];
	v58 =	vadd.s32 v0, v4  }
0x631: {  	v7 =	vld [tilespmem:s4+$0x10];
	v59 =	vadd.s32 v1, v4  }
0x632: {  	v9 =	vld [tilespmem:s4+$0x20];
	v60 =	vadd.s32 v2, v4  }
0x633: {  	v11 =	vld [tilespmem:s4+$0x30];
	v4 =	vadd.s32 v3, v4;
	_ =	sdelay $0x1  }
0x634: {  	[tilespmem:v58+s26+$0x0] =	vst.idx.msk $0xffff, v5  }
0x635: {  	s30 =	sadd.s32 $0x3, s24;
	[tilespmem:v59+s26+$0x0] =	vst.idx.msk $0xffff, v7  }
0x636: {  	v5 =	vmov s30;
	[tilespmem:v60+s26+$0x0] =	vst.idx.msk $0xffff, v9  }
0x637: {  	[tilespmem:v4+s26+$0x0] =	vst.idx.msk $0xffff, v11;
	v4 =	vand.u32 $0x7F, v5  }
0x638: {  	v5 =	vld [tilespmem:s4+$0x80];
	v61 =	vadd.s32 v0, v4  }
0x639: {  	v7 =	vld [tilespmem:s4+$0x90];
	v62 =	vadd.s32 v1, v4  }
0x63a: {  	v9 =	vld [tilespmem:s4+$0xA0];
	v63 =	vadd.s32 v2, v4  }
0x63b: {  	v11 =	vld [tilespmem:s4+$0xB0];
	v4 =	vadd.s32 v3, v4;
	_ =	sdelay $0x1  }
0x63c: {  	[tilespmem:v61+s26+$0x0] =	vst.idx.msk $0xffff, v5  }
0x63d: {  	[tilespmem:v62+s26+$0x0] =	vst.idx.msk $0xffff, v7  }
0x63e: {  	s8 =	sadd.s32 $0x0, s19;
	[tilespmem:v63+s26+$0x0] =	vst.idx.msk $0xffff, v9  }
0x63f: {  	s23 =	simm.s32 $0x13B88;
	s5 =	simm.s32 $0x200;
	s4 =	simm.s32 $0x13B00;
	[tilespmem:v4+s26+$0x0] =	vst.idx.msk $0xffff, v11  }
.LBB2_58:
0x640: {  	[hbm4b:s8+s2] =	stream.linear.scatter [tilespmem:s4], [sflag:$0x6], $0x80, $0x38;
	[tilespmem:$0x15D00] =	vst v63  }
0x641: {  	s8 =	smov.u32 s5;
	s4 =	smov.u32 s23;
	p0 =	sne.s32 s5, $0x7E00  }
.Ltmp28:
0x642: {  	s5 =	sadd.s32 $0x200, s5;
	(pc) =	sbr.rel @p0 .LBB2_58-.Ltmp28, $2  }
0x643: {  	_ =	sdelay $0x2  }
0x644: {  	s23 =	sadd.s32 $0x88, s23;
	s8 =	sadd.s32 s8, s19  }
0x645: {  	[hbm4b:s8+s2] =	stream.linear.scatter [tilespmem:s4], [sflag:$0x6], $0x80, $0x38;
	[tilespmem:$0x15D00] =	vst v63  }
0x646: {  	_ =	swait.ge [sflag:s29], $0x2000  }
0x647: {  	[sflag:s29] =	ssyncset.done $0x0  }
0x648: {  	[sflag:s29] =	ssyncadd.s32 $0xFFFFE000  }
0x649: {  	_ =	swait.ge [sflag:s20], $0x2000  }
0x64a: {  	s5 =	rddreg [dreg:$0x8]  }
0x64b: {  	s30 =	rddreg [dreg:$0x7];
	s5 =	sadd.s32 $0x1, s5  }
0x64c: {  	p0 =	sne.s32 s5, s30  }
.Ltmp29:
0x64d: {  	_ = 	snop;
	(pc) =	sbr.rel @p0 .LBB2_1-.Ltmp29, $3  }
0x64e: {  	_ =	sdelay $0x1  }
0x64f: {  	[sflag:s20] =	ssyncset.done $0x0  }
0x650: {  	[sflag:s20] =	ssyncadd.s32 $0xFFFFE000  }
0x651: {  	_ =	sfence.sel $0x180000  }
0x652: {  	[bflag:$0x0] =	sbarrier.arrive $0xFFFF  }
0x653: {  	_ =	strace $0x90000047  }
0x654: {  	s0 =	stileid.u32;
	[bflag:$0x2] =	sbarrier.arrive $0xFFFF  }
0x655: {  	p0 =	sne.s32 s0, $0x0;
	s0 =	rddreg [dreg:$0x2]  }
0x656: {  	s0 =	sadd.s32 @!p0 $0x100000, s0  }
0x657: {  	[sflag:s0] =	ssyncadd.tile.s32 @!p0 $0x1;
	_ =	shalt  }
.Lfunc_end2:
_tile_overlayer_lowered:
.L_overlay_start_2:
0x658: {  	(tag) =	ssettag $0x2  }
0x659: {  	s0 =	rddreg [dreg:$0x0];
	s2 =	stileid.u32  }
0x65a: {  	s1 =	rddreg [dreg:$0x1];
	p0 =	sne.s32 s2, $0x0  }
0x65b: {  	s3 =	rddreg [dreg:$0x2];
	[bflag:$0x3] =	sbarrier.arrive $0xFFFF;
	s2 =	simm.s32 @!p0 $0x1C07  }
0x65c: {  	[timem:s3], [sflag:s2] =	dma.local @!p0 [hbm:s0], s1  }
0x65d: {  	s0 =	simm.s32 @!p0 $0x7  }
0x65e: {  	_ =	swait.ge @!p0 [sflag:s0], s1  }
0x65f: {  	s1 =	ssub.s32 @!p0 $0x0, s1;
	[sflag:s0] =	ssyncset.done @!p0 $0x0  }
0x660: {  	[sflag:s0] =	ssyncadd.s32 @!p0 s1  }
0x661: {  	[bflag:$0x3] =	sbarrier.arrive $0xFFFF  }
0x662: {  	_ =	shalt  }

</sc_bundles>
